<compile_context>
chip_gen: v7x
topology: tpu7x:2x2x1
jax: 0.10.2.dev20260603
libtpu: 0.0.44.dev20260713+nightly
codegen_flags: <defaults>
</compile_context>

<pallas_src>
import functools

import numpy as np
import jax
import jax.numpy as jnp
from jax import lax
from jax.experimental import pallas as pl
from jax.experimental.pallas import tpu as pltpu
from jax.experimental.pallas import tpu_sc as plsc

N_ANCHORS = 20000
BATCH = 8
NUM_FG = 128
RPN_BS = 256
STREAM_WORDS = 1 << 20
CHUNK = 16384


def _mt_stream_host(n_words: int) -> np.ndarray:
    key = np.empty(624, dtype=np.uint64)
    s = 0
    for i in range(624):
        key[i] = s
        s = (1812433253 * (s ^ (s >> 30)) + i + 1) & 0xFFFFFFFF
    st = key.astype(np.uint32)
    mat = np.uint32(0x9908B0DF)
    up = np.uint32(0x80000000)
    lo = np.uint32(0x7FFFFFFF)
    blocks = (n_words + 623) // 624
    out = np.empty((blocks, 624), dtype=np.uint32)
    for b in range(blocks):
        old = st
        nxt = np.roll(old, -1)
        y = (old & up) | (nxt & lo)
        t = (y >> np.uint32(1)) ^ np.where((y & np.uint32(1)) != 0, mat, np.uint32(0))
        p1 = old[397:624] ^ t[0:227]
        p2 = p1 ^ t[227:454]
        p3 = p2[0:169] ^ t[454:623]
        y_last = (old[623] & up) | (p1[0] & lo)
        t_last = (y_last >> np.uint32(1)) ^ (mat if (y_last & np.uint32(1)) != 0 else np.uint32(0))
        st = np.concatenate([p1, p2, p3, (p2[169] ^ t_last)[None]])
        y = st.copy()
        y ^= y >> np.uint32(11)
        y ^= (y << np.uint32(7)) & np.uint32(0x9D2C5680)
        y ^= (y << np.uint32(15)) & np.uint32(0xEFC60000)
        y ^= y >> np.uint32(18)
        out[b] = y
    return out.reshape(-1)[:n_words].view(np.int32)


_STREAM = _mt_stream_host(STREAM_WORDS)



def _k1_body(a0_ref, a1_ref, g0_ref, g1_ref, gc_ref, act_ref,
             lab_ref, cls_ref, cnt_ref, rkf_ref, dx_ref, dw_ref):
    a0 = a0_ref[...]
    a1 = a1_ref[...]
    la = a1 - a0
    nb, ng = g0_ref.shape
    best = jnp.full((nb, a0.shape[1]), -1.0, jnp.float32)
    bcls = jnp.zeros((nb, a0.shape[1]), jnp.float32)
    bg0 = jnp.zeros((nb, a0.shape[1]), jnp.float32)
    bg1 = jnp.zeros((nb, a0.shape[1]), jnp.float32)
    for g in range(ng):
        g0 = g0_ref[:, g:g + 1]
        g1 = g1_ref[:, g:g + 1]
        gc = gc_ref[:, g:g + 1]
        inter = jnp.maximum(jnp.minimum(a1, g1) - jnp.maximum(a0, g0), 0.0)
        iou = inter / (la + (g1 - g0) - inter + 1e-8)
        upd = iou > best
        best = jnp.where(upd, iou, best)
        bcls = jnp.where(upd, gc, bcls)
        bg0 = jnp.where(upd, g0, bg0)
        bg1 = jnp.where(upd, g1, bg1)
    lab = jnp.where(best >= 0.7, 1.0, -1.0)
    lab = jnp.where(best < 0.3, 0.0, lab)
    lab = jnp.where(a1 > act_ref[:, 0:1], -1.0, lab)
    lab_ref[...] = lab
    cls_ref[...] = bcls
    aw = la
    ac = a0 + 0.5 * aw
    gw = bg1 - bg0
    gcen = bg0 + 0.5 * gw
    dx_ref[...] = (gcen - ac) / aw
    dw_ref[...] = jnp.log(jnp.maximum(gw, 1e-6) / aw)
    fg = lab == 1.0
    bgm = lab == 0.0
    fgi = fg.astype(jnp.int32)
    bgi = bgm.astype(jnp.int32)
    def prefix(x):
        sh = 1
        while sh < x.shape[1]:
            x = x + jnp.pad(x, ((0, 0), (sh, 0)))[:, :-sh]
            sh *= 2
        return x

    rkf_ref[...] = jnp.where(fg, prefix(fgi), prefix(bgi)).astype(jnp.float32)
    nfg = jnp.sum(fgi, axis=1, keepdims=True)
    nbg = jnp.sum(bgi, axis=1, keepdims=True)
    nfg1 = jnp.sum(jnp.where(fg & (bcls == 1.0), 1, 0), axis=1, keepdims=True)
    cnt_ref[...] = jnp.concatenate(
        [nfg, nbg, nfg1, jnp.zeros((nb, 13), jnp.int32)], axis=1)



def _k3_body(lab_ref, ins_ref, outs_ref):
    lab = lab_ref[...]
    pos = lab > 0.0
    npos = jnp.maximum(jnp.sum(pos.astype(jnp.int32)), 1)
    pw = 1.0 / npos.astype(jnp.float32)
    ins_ref[...] = jnp.where(pos, 1.0, 0.0)
    outs_ref[...] = jnp.where(pos | (lab == 0.0), pw, 0.0)



def _k2_make(n):
    nch = n // 16
    mesh = plsc.VectorSubcoreMesh(core_axis_name="c", subcore_axis_name="s")

    @functools.partial(
        pl.kernel, mesh=mesh,
        compiler_params=pltpu.CompilerParams(needs_layout_passes=False),
        out_type=jax.ShapeDtypeStruct((BATCH, n), jnp.float32),
        scratch_types=[
            pltpu.VMEM((n,), jnp.float32),
            pltpu.VMEM((n,), jnp.float32),
            pltpu.VMEM((n,), jnp.int32),
            pltpu.VMEM((n,), jnp.int32),
            pltpu.VMEM((n,), jnp.int32),
            pltpu.VMEM((CHUNK,), jnp.int32),
            pltpu.VMEM((BATCH * 16,), jnp.int32),
            pltpu.VMEM((128,), jnp.int32),
            pltpu.VMEM((256,), jnp.int32),
            pltpu.VMEM((256,), jnp.int32),
        ])
    def k2(stream_hbm, lab_hbm, cls_hbm, rkf_hbm, cnt_hbm, out_hbm,
           row_v, cls_v, arr_v, fgi_v, bgi_v, chunk_v, cnt_v, kfg_v, kbg_v,
           tch_v):
        cid = lax.axis_index("c")
        sid = lax.axis_index("s")
        lane = lax.broadcasted_iota(jnp.int32, (16,), 0)
        lane0 = lane == 0

        def bcast(x):
            return jnp.full((16,), x, dtype=jnp.int32)

        def ld1(ref, idx):
            return plsc.load_gather(ref, [bcast(idx)])[0]

        def st1(ref, idx, val, dtype):
            plsc.store_scatter(ref, [bcast(idx)],
                               jnp.full((16,), val, dtype=dtype), mask=lane0)

        def smear(x):
            for sh in (1, 2, 4, 8, 16):
                x = x | (x >> sh)
            return x

        def draw(i, m, p, base):
            def cond(st):
                return st[0] > i

            def body(st):
                _, p_, base_ = st

                def refill(op):
                    pp, _ = op
                    start = pl.multiple_of(pp & jnp.int32(-8), 8)
                    pltpu.sync_copy(stream_hbm.at[pl.ds(start, CHUNK)], chunk_v)
                    return pp, start

                p_, base_ = lax.cond(p_ - base_ >= CHUNK, refill,
                                     lambda op: op, (p_, base_))
                w = ld1(chunk_v, p_ - base_) & m
                return w, p_ + 1, base_

            return lax.while_loop(cond, body, (i + 1, p, base))

        def run_perm(nn, keep, p, base, kept_ref):
            m0 = smear(nn - 1)

            def ph1(k, st):
                p_, base_, m_ = st
                i = nn - 1 - k
                w, p_, base_ = draw(i, m_, p_, base_)
                pair = plsc.load_gather(
                    arr_v, [jnp.where(lane0, w, bcast(i))])
                vj = pair[0]
                vi = pair[1]
                st1(arr_v, w, vi, jnp.int32)
                st1(tch_v, k, w, jnp.int32)
                st1(kept_ref, k, vj, jnp.int32)
                i2 = i - 1
                m_ = jnp.where(i2 == (m_ >> 1), m_ >> 1, m_)
                return p_, base_, m_

            p, base, m = lax.fori_loop(0, keep, ph1, (p, base, m0))

            def restore(k, _):
                j = ld1(tch_v, k)
                st1(arr_v, j, j, jnp.int32)
                return 0

            lax.fori_loop(0, keep, restore, 0)

            def vsmear(x):
                for sh in (1, 2, 4, 8, 16):
                    x = x | (x >> sh)
                return x

            def ph2_cond(st):
                return st[0] >= 1

            NR = 8

            def ph2(st):
                i, p_, base_ = st

                def refill(op):
                    pp, _ = op
                    start = pl.multiple_of(pp & jnp.int32(-8), 8)
                    pltpu.sync_copy(stream_hbm.at[pl.ds(start, CHUNK)], chunk_v)
                    return pp, start

                p_, base_ = lax.cond(p_ + 16 * NR - base_ > CHUNK, refill,
                                     lambda op: op, (p_, base_))
                lane16 = lax.broadcasted_iota(jnp.int32, (16,), 0)
                w = [plsc.load_gather(
                    chunk_v, [bcast(p_ - base_ + 16 * j) + lane16])
                    for j in range(NR)]
                iv = bcast(i)
                ones = lane16 >= 0

                mhi = smear(i)
                uniform = mhi == smear(jnp.maximum(i - (16 * NR - 1), 1))

                def make_body(masked):
                    def body(st2):
                        acc = st2[:NR]
                        a = [jnp.where(x, 1, 0) for x in acc]
                        c = [plsc.cumsum(x) for x in a]
                        ts = [jnp.int32(0)]
                        for j in range(NR - 1):
                            ts.append(ts[j] + c[j][15])
                        tot = ts[NR - 1] + c[NR - 1][15]
                        nacc = []
                        for j in range(NR):
                            il = iv - (c[j] - a[j] + bcast(ts[j]))
                            if masked:
                                okw = (w[j] & vsmear(il)) <= il
                            else:
                                okw = (w[j] & bcast(mhi)) <= il
                            nacc.append((il >= 1) & okw)
                        d = nacc[0] != acc[0]
                        for j in range(1, NR):
                            d = d | (nacc[j] != acc[j])
                        ch = plsc.all_reduce_population_count(d)[0]
                        return (*nacc, ch, tot)
                    return body

                def fp_cond(st2):
                    return st2[NR] != 0

                def run_fp(masked):
                    def go(_):
                        return lax.while_loop(
                            fp_cond, make_body(masked),
                            (*([ones] * NR), jnp.int32(1), jnp.int32(0)))
                    return go

                st2 = lax.cond(uniform, run_fp(False), run_fp(True), 0)
                acc = st2[:NR]
                n_done = st2[NR + 1]
                i2 = i - n_done

                def full_adv(_):
                    return p_ + 16 * NR

                def tail_adv(_):
                    a = [jnp.where(x, 1, 0) for x in acc]
                    c = [plsc.cumsum(x) for x in a]
                    ts = [jnp.int32(0)]
                    for j in range(NR - 1):
                        ts.append(ts[j] + c[j][15])
                    pos = jnp.int32(0)
                    found = jnp.int32(0)
                    for j in range(NR):
                        eq = acc[j] & ((c[j] + bcast(ts[j])) == iv)
                        has = plsc.all_reduce_population_count(eq)[0]
                        tj = plsc.all_reduce_ffs(eq)[0]
                        cand = 16 * j + tj + 1
                        pos = jnp.where((found == 0) & (has > 0), cand, pos)
                        found = jnp.where(has > 0, 1, found)
                    return p_ + pos

                p2 = lax.cond(i2 >= 1, full_adv, tail_adv, 0)
                return i2, p2, base_

            i_f, p, base = lax.while_loop(
                ph2_cond, ph2, (nn - 1 - keep, p, base))
            return p, base

        @pl.when((cid == 0) & (sid == 0))
        def _work():
            pltpu.sync_copy(cnt_hbm, cnt_v)

            def init_c(c, _):
                arr_v[pl.ds(pl.multiple_of(c * 16, 16), 16)] = (
                    lax.broadcasted_iota(jnp.int32, (16,), 0) + c * 16)
                return 0

            lax.fori_loop(0, nch, init_c, 0)

            def row_body(r, st):
                p, base = st
                pltpu.sync_copy(lab_hbm.at[r], row_v)
                pltpu.sync_copy(rkf_hbm.at[r], cls_v)
                cnt16 = cnt_v[pl.ds(pl.multiple_of(r * 16, 16), 16)]
                n_fg = cnt16[0]
                n_bg = cnt16[1]
                nfg1_all = cnt16[2]

                def comp(c, _):
                    for u in range(4):
                        off = c * 64 + u * 16
                        sl = pl.ds(pl.multiple_of(off, 16), 16)
                        lab16 = row_v[sl]
                        rk16 = cls_v[sl].astype(jnp.int32) - 1
                        idx16 = lane + off
                        plsc.store_scatter(fgi_v, [rk16], idx16,
                                           mask=lab16 == 1.0)
                        plsc.store_scatter(bgi_v, [rk16], idx16,
                                           mask=lab16 == 0.0)
                    return 0

                lax.fori_loop(0, nch // 4, comp, 0)
                for cc in range(nch - nch % 4, nch):
                    sl = pl.ds(cc * 16, 16)
                    lab16 = row_v[sl]
                    rk16 = cls_v[sl].astype(jnp.int32) - 1
                    idx16 = lane + cc * 16
                    plsc.store_scatter(fgi_v, [rk16], idx16,
                                       mask=lab16 == 1.0)
                    plsc.store_scatter(bgi_v, [rk16], idx16,
                                       mask=lab16 == 0.0)
                pltpu.sync_copy(cls_hbm.at[r], cls_v)
                fgsub = n_fg > NUM_FG

                def do_fg(op):
                    return run_perm(n_fg, NUM_FG, op[0], op[1], kfg_v)

                p, base = lax.cond(fgsub, do_fg, lambda op: op, (p, base))

                def cls1_acc(k, acc):
                    v = ld1(kfg_v, k)
                    a = ld1(fgi_v, v)
                    c = plsc.load_gather(cls_v, [bcast(a)])[0]
                    return acc + jnp.where(c == 1.0, 1, 0)

                nfg1_kept = lax.cond(
                    fgsub,
                    lambda _: lax.fori_loop(0, NUM_FG, cls1_acc, jnp.int32(0)),
                    lambda _: nfg1_all, 0)
                num_bg = RPN_BS - nfg1_kept
                bgsub = n_bg > num_bg

                def do_bg(op):
                    return run_perm(n_bg, num_bg, op[0], op[1], kbg_v)

                p, base = lax.cond(bgsub, do_bg, lambda op: op, (p, base))

                kaf = bcast(jnp.where(fgsub, 0, 1)) != 0
                kab = bcast(jnp.where(bgsub, 0, 1)) != 0

                def asm(c, _):
                    for u in range(4):
                        sl = pl.ds(pl.multiple_of(c * 64 + u * 16, 16), 16)
                        lab16 = row_v[sl]
                        cls16 = cls_v[sl]
                        fgm = (lab16 == 1.0) & kaf
                        bgm = (lab16 == 0.0) & kab
                        row_v[sl] = jnp.where(fgm, cls16,
                                              jnp.where(bgm, 0.0, -1.0))
                    return 0

                lax.fori_loop(0, nch // 4, asm, 0)
                for cc in range(nch - nch % 4, nch):
                    sl = pl.ds(cc * 16, 16)
                    lab16 = row_v[sl]
                    cls16 = cls_v[sl]
                    fgm = (lab16 == 1.0) & kaf
                    bgm = (lab16 == 0.0) & kab
                    row_v[sl] = jnp.where(fgm, cls16,
                                          jnp.where(bgm, 0.0, -1.0))

                @pl.when(fgsub)
                def _sfg():
                    def s1(k, _):
                        v = ld1(kfg_v, k)
                        a = ld1(fgi_v, v)
                        c = plsc.load_gather(cls_v, [bcast(a)])[0]
                        st1(row_v, a, c, jnp.float32)
                        return 0
                    lax.fori_loop(0, NUM_FG, s1, 0)

                @pl.when(bgsub)
                def _sbg():
                    def s2(k, _):
                        v = ld1(kbg_v, k)
                        a = ld1(bgi_v, v)
                        st1(row_v, a, 0.0, jnp.float32)
                        return 0
                    lax.fori_loop(0, num_bg, s2, 0)

                pltpu.sync_copy(row_v, out_hbm.at[r])
                return p, base

            lax.fori_loop(0, BATCH, row_body,
                          (jnp.int32(0), jnp.int32(-4 * CHUNK)))

    return k2


_K2 = _k2_make(N_ANCHORS)


def kernel(anchors, gt_boxes, act_lens):
    b = gt_boxes.shape[0]
    n = anchors.shape[0]
    a0 = anchors[:, 0][None, :]
    a1 = anchors[:, 1][None, :]
    gcls = gt_boxes[:, :, 0]
    g0 = gt_boxes[:, :, 1]
    g1 = gt_boxes[:, :, 2]
    actb = jnp.broadcast_to(act_lens[:, None], (b, 128))
    lab0, cls, cnts, rkf, dx, dw = pl.pallas_call(
        _k1_body,
        out_shape=[
            jax.ShapeDtypeStruct((b, n), jnp.float32),
            jax.ShapeDtypeStruct((b, n), jnp.float32),
            jax.ShapeDtypeStruct((b, 16), jnp.int32),
            jax.ShapeDtypeStruct((b, n), jnp.float32),
            jax.ShapeDtypeStruct((b, n), jnp.float32),
            jax.ShapeDtypeStruct((b, n), jnp.float32),
        ],
    )(a0, a1, g0, g1, gcls, actb)
    labels = _K2(jnp.asarray(_STREAM), lab0, cls, rkf, cnts.reshape(-1))
    ins, outs = pl.pallas_call(
        _k3_body,
        out_shape=[
            jax.ShapeDtypeStruct((b, n), jnp.float32),
            jax.ShapeDtypeStruct((b, n), jnp.float32),
        ],
    )(labels)
    targets = jnp.stack([dx, dw], axis=-1)
    inside = jnp.broadcast_to(ins[:, :, None], (b, n, 2))
    outside = jnp.broadcast_to(outs[:, :, None], (b, n, 2))
    return labels, targets, inside, outside

# --- scband reference (transcript-rebuilt; emitter-appended) ---
"""Pipeline reference for scband-anchor-target-layer-90056874263036 (READ-ONLY COPY).

The authoritative reference and input builder live on the scoring server;
editing this copy changes nothing except your own understanding.
"""

import jax, jax.numpy as jnp
import numpy as np
from jax import lax

RPN_POSITIVE_OVERLAP = 0.7
RPN_NEGATIVE_OVERLAP = 0.3
RPN_FG_FRACTION = 0.5
RPN_BATCHSIZE = 256
RPN_BBOX_INSIDE_WEIGHTS = 1.0


def bbox_overlaps(anchors, gt):
    # anchors: [N,2] (start,end); gt: [B,G,2] -> IoU [B,N,G]
    a = anchors[None, :, None, :]
    g = gt[:, None, :, :]
    inter = jnp.clip(jnp.minimum(a[..., 1], g[..., 1]) - jnp.maximum(a[..., 0], g[..., 0]), 0.0)
    la = a[..., 1] - a[..., 0]
    lg = g[..., 1] - g[..., 0]
    return inter / (la + lg - inter + 1e-8)


def bbox_transform_batch(anchors, gt):
    # anchors: [N,2]; gt: [B,N,2] -> [B,N,2] (dx, dw)
    aw = anchors[:, 1] - anchors[:, 0]
    ac = anchors[:, 0] + 0.5 * aw
    gw = gt[..., 1] - gt[..., 0]
    gc = gt[..., 0] + 0.5 * gw
    dx = (gc - ac[None, :]) / aw[None, :]
    dw = jnp.log(jnp.maximum(gw, 1e-6) / aw[None, :])
    return jnp.stack([dx, dw], axis=-1)


# MT19937 stream identical to numpy's legacy RandomState (scalar seed path).
_MT_MATRIX = jnp.uint32(0x9908B0DF)
_MT_UPPER = jnp.uint32(0x80000000)
_MT_LOWER = jnp.uint32(0x7FFFFFFF)


def _mt_init(seed):
    key = np.empty(624, dtype=np.uint32)
    s = seed & 0xFFFFFFFF
    for i in range(624):
        key[i] = s
        s = (1812433253 * (s ^ (s >> 30)) + i + 1) & 0xFFFFFFFF
    return key


def _mt_gen(key):
    old = key
    nxt = jnp.roll(old, -1)
    y = (old & _MT_UPPER) | (nxt & _MT_LOWER)
    t = (y >> 1) ^ jnp.where((y & jnp.uint32(1)) != 0, _MT_MATRIX, jnp.uint32(0))
    p1 = old[397:624] ^ t[0:227]
    p2 = p1 ^ t[227:454]
    p3 = p2[0:169] ^ t[454:623]
    y_last = (old[623] & _MT_UPPER) | (p1[0] & _MT_LOWER)
    t_last = (y_last >> 1) ^ jnp.where((y_last & jnp.uint32(1)) != 0, _MT_MATRIX, jnp.uint32(0))
    last = p2[169] ^ t_last
    return jnp.concatenate([p1, p2, p3, last[None]])


def _temper(y):
    y = y ^ (y >> 11)
    y = y ^ ((y << 7) & jnp.uint32(0x9D2C5680))
    y = y ^ ((y << 15) & jnp.uint32(0xEFC60000))
    y = y ^ (y >> 18)
    return y


def _next_u32(key, pos):
    key = lax.cond(pos >= 624, _mt_gen, lambda k: k, key)
    pos = jnp.where(pos >= 624, jnp.int32(0), pos)
    y = _temper(key[pos])
    return y, key, pos + 1


def _mt_interval(mx, key, pos):
    # value in [0, mx], mx: uint32 scalar (mx >= 1), rejection sampling with bitmask
    m = mx
    m = m | (m >> 1)
    m = m | (m >> 2)
    m = m | (m >> 4)
    m = m | (m >> 8)
    m = m | (m >> 16)
    v, key, pos = _next_u32(key, pos)
    v = v & m

    def cond_fn(st):
        return st[0] > mx

    def body_fn(st):
        _, k_, p_ = st
        v2, k_, p_ = _next_u32(k_, p_)
        return v2 & m, k_, p_

    v, key, pos = lax.while_loop(cond_fn, body_fn, (v, key, pos))
    return v, key, pos


def _mt_permutation(n, size, key, pos):
    # Fisher-Yates over the first n entries of arange(size); matches np permutation(n)
    arr = jnp.arange(size, dtype=jnp.int32)

    def body(k, st):
        arr_, key_, pos_ = st
        i = n - 1 - k
        j, key_, pos_ = _mt_interval(i.astype(jnp.uint32), key_, pos_)
        j = j.astype(jnp.int32)
        ai = arr_[i]
        aj = arr_[j]
        arr_ = arr_.at[i].set(aj)
        arr_ = arr_.at[j].set(ai)
        return arr_, key_, pos_

    return lax.fori_loop(0, n - 1, body, (arr, key, pos))


def setup_inputs(seed: int = 0):
    key = jax.random.key(seed)
    k1, k2, k3, k4, k5, k6 = jax.random.split(key, 6)
    N, B, G = 20000, 8, 16
    ac = jax.random.uniform(k1, (N,), minval=0.0, maxval=2000.0)
    aw = jax.random.uniform(k2, (N,), minval=8.0, maxval=128.0)
    anchors = jnp.stack([ac - 0.5 * aw, ac + 0.5 * aw], axis=1).astype(jnp.float32)
    gc = jax.random.uniform(k3, (B, G), minval=0.0, maxval=1500.0)
    gw = jax.random.uniform(k4, (B, G), minval=16.0, maxval=256.0)
    lab = jax.random.randint(k5, (B, G), 1, 5).astype(jnp.float32)
    gt_boxes = jnp.stack([lab, gc - 0.5 * gw, gc + 0.5 * gw], axis=2).astype(jnp.float32)
    act_lens = jax.random.uniform(k6, (B,), minval=1500.0, maxval=2000.0).astype(jnp.float32)
    return {"anchors": anchors, "gt_boxes": gt_boxes, "act_lens": act_lens}


def reference(anchors, gt_boxes, act_lens):
    batch_size = gt_boxes.shape[0]
    N = anchors.shape[0]
    G = gt_boxes.shape[1]
    overlaps = bbox_overlaps(anchors, gt_boxes[:, :, 1:])
    max_overlaps = jnp.max(overlaps, axis=2)
    argmax_overlaps = jnp.argmax(overlaps, axis=2)
    labels = jnp.full((batch_size, N), -1.0, dtype=jnp.float32)
    labels = jnp.where(max_overlaps >= RPN_POSITIVE_OVERLAP, 1.0, labels)
    labels = jnp.where(max_overlaps < RPN_NEGATIVE_OVERLAP, 0.0, labels)
    # disable anchors extending past the active utterance length
    out_mask = anchors[:, 1][None, :] > act_lens[:, None]
    labels = jnp.where(out_mask, -1.0, labels)
    num_fg = int(RPN_FG_FRACTION * RPN_BATCHSIZE)
    sum_fg = (labels == 1).sum(axis=1).astype(jnp.int32)
    sum_bg = (labels == 0).sum(axis=1).astype(jnp.int32)
    mt_key = jnp.asarray(_mt_init(0))
    mt_pos = jnp.int32(624)
    idx = jnp.arange(N, dtype=jnp.int32)
    rows = []
    for i in range(batch_size):
        row = labels[i]
        fg_mask = row == 1
        bg_mask = row == 0
        n_fg = sum_fg[i]
        n_bg = sum_bg[i]
        fg_inds = jnp.sort(jnp.where(fg_mask, idx, N))
        bg_inds = jnp.sort(jnp.where(bg_mask, idx, N))
        row = jnp.where(fg_mask, gt_boxes[i, argmax_overlaps[i], 0], row)

        def fg_sub(op):
            row_, key_, pos_ = op
            perm, key_, pos_ = _mt_permutation(n_fg, N, key_, pos_)
            cnt = n_fg - num_fg
            tgt = fg_inds[perm]
            tgt = jnp.where(jnp.arange(N, dtype=jnp.int32) < cnt, tgt, N)
            row_ = row_.at[tgt].set(-1.0, mode="drop")
            return row_, key_, pos_

        row, mt_key, mt_pos = lax.cond(n_fg > num_fg, fg_sub, lambda op: op, (row, mt_key, mt_pos))
        num_bg = RPN_BATCHSIZE - (row == 1).sum().astype(jnp.int32)

        def bg_sub(op):
            row_, key_, pos_ = op
            perm, key_, pos_ = _mt_permutation(n_bg, N, key_, pos_)
            cnt = n_bg - num_bg
            tgt = bg_inds[perm]
            tgt = jnp.where(jnp.arange(N, dtype=jnp.int32) < cnt, tgt, N)
            row_ = row_.at[tgt].set(-1.0, mode="drop")
            return row_, key_, pos_

        row, mt_key, mt_pos = lax.cond(n_bg > num_bg, bg_sub, lambda op: op, (row, mt_key, mt_pos))
        rows.append(row)
    rpn_labels = jnp.stack(rows)
    bbox_inside = jnp.where(rpn_labels > 0, RPN_BBOX_INSIDE_WEIGHTS, 0.0)
    num_positive = jnp.maximum(jnp.sum(rpn_labels > 0), 1)
    pw = (1.0 / num_positive).astype(jnp.float32)
    bbox_outside = jnp.where(rpn_labels > 0, pw, 0.0)
    bbox_outside = jnp.where(rpn_labels == 0, pw, bbox_outside)
    bbox_inside = jnp.broadcast_to(bbox_inside[:, :, None], (batch_size, N, 2))
    bbox_outside = jnp.broadcast_to(bbox_outside[:, :, None], (batch_size, N, 2))
    offset = jnp.arange(batch_size) * G
    am2 = argmax_overlaps + offset[:, None]
    gt_flat = gt_boxes[:, :, 1:].reshape(-1, 2)
    matched = jnp.take(gt_flat, am2.reshape(-1), axis=0).reshape(batch_size, -1, 2)
    rpn_targets = bbox_transform_batch(anchors, matched)
    return (rpn_labels, rpn_targets, bbox_inside, bbox_outside)

if __name__ == "__main__":
    import jax
    _d = setup_inputs()
    print(jax.jit(kernel)(*tuple(_d.values())))

</pallas_src>

<mosaic_0001>
#map = affine_map<(d0, d1) -> (0)>
#map1 = affine_map<(d0, d1) -> (0, 0)>
module attributes {stable_mosaic.version = 14 : i64} {
  func.func @k2(%arg0: i32, %arg1: i32, %arg2: memref<1048576xi32, #tpu.memory_space<hbm>>, %arg3: memref<8x20000xf32, #tpu.memory_space<hbm>>, %arg4: memref<8x20000xf32, #tpu.memory_space<hbm>>, %arg5: memref<8x20000xf32, #tpu.memory_space<hbm>>, %arg6: memref<128xi32, #tpu.memory_space<hbm>>, %arg7: memref<8x20000xf32, #tpu.memory_space<hbm>>, %arg8: memref<20000xf32, #tpu.memory_space<vmem>>, %arg9: memref<20000xf32, #tpu.memory_space<vmem>>, %arg10: memref<20000xi32, #tpu.memory_space<vmem>>, %arg11: memref<20000xi32, #tpu.memory_space<vmem>>, %arg12: memref<20000xi32, #tpu.memory_space<vmem>>, %arg13: memref<16384xi32, #tpu.memory_space<vmem>>, %arg14: memref<128xi32, #tpu.memory_space<vmem>>, %arg15: memref<128xi32, #tpu.memory_space<vmem>>, %arg16: memref<256xi32, #tpu.memory_space<vmem>>, %arg17: memref<256xi32, #tpu.memory_space<vmem>>) attributes {dimension_semantics = [#tpu.dimension_semantics<core_parallel>, #tpu.dimension_semantics<subcore_parallel>], iteration_bounds = array<i64: 2, 16>, scalar_prefetch = 0 : i64, scratch_operands = 10 : i64, tpu.core_type = #tpu.core_type<sc_vector_subcore>, window_params = [{transform_indices = #map}, {transform_indices = #map1}, {transform_indices = #map1}, {transform_indices = #map1}, {transform_indices = #map}, {transform_indices = #map1}]} {
    %iota3A = tpu.iota {dimensions = array<i32: 0>} : vector<16xi32>
    %eq3A = arith.constant 0 : i32
    %eq3A_0 = vector.broadcast %eq3A : i32 to vector<16xi32>
    %eq3A_1 = arith.cmpi eq, %iota3A, %eq3A_0 : vector<16xi32>
    %eq3A_2 = arith.constant 0 : i32
    %eq3A_3 = arith.cmpi eq, %arg0, %eq3A_2 : i32
    %eq3A_4 = arith.constant 0 : i32
    %eq3A_5 = arith.cmpi eq, %arg1, %eq3A_4 : i32
    %and3A = arith.andi %eq3A_3, %eq3A_5 : i1
    %convert_element_type3A = arith.extui %and3A : i1 to i32
    %cond3A = arith.constant 0 : i32
    %cond3A_6 = arith.cmpi ne, %convert_element_type3A, %cond3A : i32
    scf.if %cond3A_6 {
      "tpu.region"() ({
        %run_scoped3A = tpu.sem_alloc : memref<!tpu.dma_semaphore, #tpu.memory_space<semaphore_mem>>
        tpu.enqueue_dma source(%arg6 : memref<128xi32, #tpu.memory_space<hbm>>) target(%arg14 : memref<128xi32, #tpu.memory_space<vmem>>) target_semaphore(%run_scoped3A : memref<!tpu.dma_semaphore, #tpu.memory_space<semaphore_mem>>)
        tpu.wait_dma2 semaphore(%run_scoped3A : memref<!tpu.dma_semaphore, #tpu.memory_space<semaphore_mem>>) src(%arg6 : memref<128xi32, #tpu.memory_space<hbm>>) dst(%arg14 : memref<128xi32, #tpu.memory_space<vmem>>)
        tpu.yield
      }) : () -> ()
      %scan3A = arith.constant 0 : i32
      %scan3A_7 = arith.constant 0 : i32
      %scan3A_8 = arith.constant 1250 : i32
      %scan3A_9 = arith.addi %scan3A_7, %scan3A_8 : i32
      %scan3A_10 = arith.constant 1 : i32
      %scan3A_11 = scf.for %scan3A_21 = %scan3A_7 to %scan3A_9 step %scan3A_10 iter_args(%scan3A_22 = %scan3A) -> (i32)  : i32 {
        %iota3A_23 = tpu.iota {dimensions = array<i32: 0>} : vector<16xi32>
        %mul3A = arith.constant 16 : i32
        %mul3A_24 = arith.muli %scan3A_21, %mul3A : i32
        %add3A = vector.broadcast %mul3A_24 : i32 to vector<16xi32>
        %add3A_25 = arith.addi %iota3A_23, %add3A : vector<16xi32>
        %mul3A_26 = arith.constant 16 : i32
        %mul3A_27 = arith.muli %scan3A_21, %mul3A_26 : i32
        %multiple_of3A = tpu.assume_multiple %mul3A_27, 16 : i32
        %swap3A = arith.index_cast %multiple_of3A : i32 to index
        %swap3A_28 = tpu.vector_load %arg10[%swap3A] {strides = array<i32>} : memref<20000xi32, #tpu.memory_space<vmem>>, vector<16xi32>,
        tpu.vector_store %arg10[%swap3A], %add3A_25 {strides = array<i32>} : memref<20000xi32, #tpu.memory_space<vmem>>, vector<16xi32>,
        %scan3A_29 = arith.constant 0 : i32
        scf.yield %scan3A_29 : i32
      }
      %scan3A_12 = arith.constant 1250 : i32
      %scan3A_13 = arith.constant 0 : i32
      %scan3A_14 = arith.constant -65536 : i32
      %scan3A_15 = arith.constant 0 : i32
      %scan3A_16 = arith.constant 8 : i32
      %scan3A_17 = arith.addi %scan3A_15, %scan3A_16 : i32
      %scan3A_18 = arith.constant 1 : i32
      %scan3A_19:2 = scf.for %scan3A_21 = %scan3A_15 to %scan3A_17 step %scan3A_18 iter_args(%scan3A_22 = %scan3A_13, %scan3A_23 = %scan3A_14) -> (i32, i32)  : i32 {
        "tpu.region"() ({
          %run_scoped3A = tpu.sem_alloc : memref<!tpu.dma_semaphore, #tpu.memory_space<semaphore_mem>>
          %dma_start3A = arith.constant 0 : i32
          %dma_start3A_148 = tpu.memref_slice %arg3[%scan3A_21, %dma_start3A] : memref<8x20000xf32, #tpu.memory_space<hbm>> -> memref<1x20000xf32, #tpu.memory_space<hbm>>
          %dma_start3A_149 = tpu.memref_squeeze %dma_start3A_148 : memref<1x20000xf32, #tpu.memory_space<hbm>> -> memref<20000xf32, #tpu.memory_space<hbm>>
          %dma_start3A_150 = arith.constant 0 : i32
          %dma_start3A_151 = tpu.memref_slice %arg3[%scan3A_21, %dma_start3A_150] : memref<8x20000xf32, #tpu.memory_space<hbm>> -> memref<1x20000xf32, #tpu.memory_space<hbm>>
          %dma_start3A_152 = tpu.memref_squeeze %dma_start3A_151 : memref<1x20000xf32, #tpu.memory_space<hbm>> -> memref<20000xf32, #tpu.memory_space<hbm>>
          tpu.enqueue_dma source(%dma_start3A_152 : memref<20000xf32, #tpu.memory_space<hbm>>) target(%arg8 : memref<20000xf32, #tpu.memory_space<vmem>>) target_semaphore(%run_scoped3A : memref<!tpu.dma_semaphore, #tpu.memory_space<semaphore_mem>>)
          %dma_wait3A = arith.constant 0 : i32
          %dma_wait3A_153 = tpu.memref_slice %arg3[%scan3A_21, %dma_wait3A] : memref<8x20000xf32, #tpu.memory_space<hbm>> -> memref<1x20000xf32, #tpu.memory_space<hbm>>
          %dma_wait3A_154 = tpu.memref_squeeze %dma_wait3A_153 : memref<1x20000xf32, #tpu.memory_space<hbm>> -> memref<20000xf32, #tpu.memory_space<hbm>>
          %dma_wait3A_155 = arith.constant 0 : i32
          %dma_wait3A_156 = tpu.memref_slice %arg3[%scan3A_21, %dma_wait3A_155] : memref<8x20000xf32, #tpu.memory_space<hbm>> -> memref<1x20000xf32, #tpu.memory_space<hbm>>
          %dma_wait3A_157 = tpu.memref_squeeze %dma_wait3A_156 : memref<1x20000xf32, #tpu.memory_space<hbm>> -> memref<20000xf32, #tpu.memory_space<hbm>>
          tpu.wait_dma2 semaphore(%run_scoped3A : memref<!tpu.dma_semaphore, #tpu.memory_space<semaphore_mem>>) src(%dma_wait3A_157 : memref<20000xf32, #tpu.memory_space<hbm>>) dst(%arg8 : memref<20000xf32, #tpu.memory_space<vmem>>)
          tpu.yield
        }) : () -> ()
        "tpu.region"() ({
          %run_scoped3A = tpu.sem_alloc : memref<!tpu.dma_semaphore, #tpu.memory_space<semaphore_mem>>
          %dma_start3A = arith.constant 0 : i32
          %dma_start3A_148 = tpu.memref_slice %arg5[%scan3A_21, %dma_start3A] : memref<8x20000xf32, #tpu.memory_space<hbm>> -> memref<1x20000xf32, #tpu.memory_space<hbm>>
          %dma_start3A_149 = tpu.memref_squeeze %dma_start3A_148 : memref<1x20000xf32, #tpu.memory_space<hbm>> -> memref<20000xf32, #tpu.memory_space<hbm>>
          %dma_start3A_150 = arith.constant 0 : i32
          %dma_start3A_151 = tpu.memref_slice %arg5[%scan3A_21, %dma_start3A_150] : memref<8x20000xf32, #tpu.memory_space<hbm>> -> memref<1x20000xf32, #tpu.memory_space<hbm>>
          %dma_start3A_152 = tpu.memref_squeeze %dma_start3A_151 : memref<1x20000xf32, #tpu.memory_space<hbm>> -> memref<20000xf32, #tpu.memory_space<hbm>>
          tpu.enqueue_dma source(%dma_start3A_152 : memref<20000xf32, #tpu.memory_space<hbm>>) target(%arg9 : memref<20000xf32, #tpu.memory_space<vmem>>) target_semaphore(%run_scoped3A : memref<!tpu.dma_semaphore, #tpu.memory_space<semaphore_mem>>)
          %dma_wait3A = arith.constant 0 : i32
          %dma_wait3A_153 = tpu.memref_slice %arg5[%scan3A_21, %dma_wait3A] : memref<8x20000xf32, #tpu.memory_space<hbm>> -> memref<1x20000xf32, #tpu.memory_space<hbm>>
          %dma_wait3A_154 = tpu.memref_squeeze %dma_wait3A_153 : memref<1x20000xf32, #tpu.memory_space<hbm>> -> memref<20000xf32, #tpu.memory_space<hbm>>
          %dma_wait3A_155 = arith.constant 0 : i32
          %dma_wait3A_156 = tpu.memref_slice %arg5[%scan3A_21, %dma_wait3A_155] : memref<8x20000xf32, #tpu.memory_space<hbm>> -> memref<1x20000xf32, #tpu.memory_space<hbm>>
          %dma_wait3A_157 = tpu.memref_squeeze %dma_wait3A_156 : memref<1x20000xf32, #tpu.memory_space<hbm>> -> memref<20000xf32, #tpu.memory_space<hbm>>
          tpu.wait_dma2 semaphore(%run_scoped3A : memref<!tpu.dma_semaphore, #tpu.memory_space<semaphore_mem>>) src(%dma_wait3A_157 : memref<20000xf32, #tpu.memory_space<hbm>>) dst(%arg9 : memref<20000xf32, #tpu.memory_space<vmem>>)
          tpu.yield
        }) : () -> ()
        %mul3A = arith.constant 16 : i32
        %mul3A_24 = arith.muli %scan3A_21, %mul3A : i32
        %multiple_of3A = tpu.assume_multiple %mul3A_24, 16 : i32
        %get3A = arith.index_cast %multiple_of3A : i32 to index
        %get3A_25 = tpu.vector_load %arg14[%get3A] {strides = array<i32>} : memref<128xi32, #tpu.memory_space<vmem>>, vector<16xi32>,
        %slice3A = vector.extract_strided_slice %get3A_25 {offsets = [0], sizes = [1], strides = [1]} : vector<16xi32> to vector<1xi32>
        %squeeze3A = vector.extract %slice3A[0] : i32 from vector<1xi32>
        %slice3A_26 = vector.extract_strided_slice %get3A_25 {offsets = [1], sizes = [1], strides = [1]} : vector<16xi32> to vector<1xi32>
        %squeeze3A_27 = vector.extract %slice3A_26[0] : i32 from vector<1xi32>
        %slice3A_28 = vector.extract_strided_slice %get3A_25 {offsets = [2], sizes = [1], strides = [1]} : vector<16xi32> to vector<1xi32>
        %squeeze3A_29 = vector.extract %slice3A_28[0] : i32 from vector<1xi32>
        %scan3A_30 = arith.constant 0 : i32
        %scan3A_31 = arith.constant 0 : i32
        %scan3A_32 = arith.constant 312 : i32
        %scan3A_33 = arith.addi %scan3A_31, %scan3A_32 : i32
        %scan3A_34 = arith.constant 1 : i32
        %scan3A_35 = scf.for %scan3A_148 = %scan3A_31 to %scan3A_33 step %scan3A_34 iter_args(%scan3A_149 = %scan3A_30) -> (i32)  : i32 {
          %mul3A_150 = arith.constant 64 : i32
          %mul3A_151 = arith.muli %scan3A_148, %mul3A_150 : i32
          %add3A_152 = arith.constant 0 : i32
          %add3A_153 = arith.addi %mul3A_151, %add3A_152 : i32
          %multiple_of3A_154 = tpu.assume_multiple %add3A_153, 16 : i32
          %get3A_155 = arith.index_cast %multiple_of3A_154 : i32 to index
          %get3A_156 = tpu.vector_load %arg8[%get3A_155] {strides = array<i32>} : memref<20000xf32, #tpu.memory_space<vmem>>, vector<16xf32>,
          %get3A_157 = arith.index_cast %multiple_of3A_154 : i32 to index
          %get3A_158 = tpu.vector_load %arg9[%get3A_157] {strides = array<i32>} : memref<20000xf32, #tpu.memory_space<vmem>>, vector<16xf32>,
          %convert_element_type3A_159 = arith.fptosi %get3A_158 : vector<16xf32> to vector<16xi32>
          %sub3A_160 = arith.constant 1 : i32
          %sub3A_161 = vector.broadcast %sub3A_160 : i32 to vector<16xi32>
          %sub3A_162 = arith.subi %convert_element_type3A_159, %sub3A_161 : vector<16xi32>
          %add3A_163 = vector.broadcast %add3A_153 : i32 to vector<16xi32>
          %add3A_164 = arith.addi %iota3A, %add3A_163 : vector<16xi32>
          %eq3A_165 = arith.constant 1.000000e+00 : f32
          %eq3A_166 = vector.broadcast %eq3A_165 : f32 to vector<16xf32>
          %eq3A_167 = arith.cmpf oeq, %get3A_156, %eq3A_166 : vector<16xf32>
          tpu.vector_store_idx %arg11[%sub3A_162], %add3A_164 masked %eq3A_167 : memref<20000xi32, #tpu.memory_space<vmem>>[vector<16xi32>], vector<16xi32>, vector<16xi1>
          %eq3A_168 = arith.constant 0.000000e+00 : f32
          %eq3A_169 = vector.broadcast %eq3A_168 : f32 to vector<16xf32>
          %eq3A_170 = arith.cmpf oeq, %get3A_156, %eq3A_169 : vector<16xf32>
          tpu.vector_store_idx %arg12[%sub3A_162], %add3A_164 masked %eq3A_170 : memref<20000xi32, #tpu.memory_space<vmem>>[vector<16xi32>], vector<16xi32>, vector<16xi1>
          %mul3A_171 = arith.constant 64 : i32
          %mul3A_172 = arith.muli %scan3A_148, %mul3A_171 : i32
          %add3A_173 = arith.constant 16 : i32
          %add3A_174 = arith.addi %mul3A_172, %add3A_173 : i32
          %multiple_of3A_175 = tpu.assume_multiple %add3A_174, 16 : i32
          %get3A_176 = arith.index_cast %multiple_of3A_175 : i32 to index
          %get3A_177 = tpu.vector_load %arg8[%get3A_176] {strides = array<i32>} : memref<20000xf32, #tpu.memory_space<vmem>>, vector<16xf32>,
          %get3A_178 = arith.index_cast %multiple_of3A_175 : i32 to index
          %get3A_179 = tpu.vector_load %arg9[%get3A_178] {strides = array<i32>} : memref<20000xf32, #tpu.memory_space<vmem>>, vector<16xf32>,
          %convert_element_type3A_180 = arith.fptosi %get3A_179 : vector<16xf32> to vector<16xi32>
          %sub3A_181 = arith.constant 1 : i32
          %sub3A_182 = vector.broadcast %sub3A_181 : i32 to vector<16xi32>
          %sub3A_183 = arith.subi %convert_element_type3A_180, %sub3A_182 : vector<16xi32>
          %add3A_184 = vector.broadcast %add3A_174 : i32 to vector<16xi32>
          %add3A_185 = arith.addi %iota3A, %add3A_184 : vector<16xi32>
          %eq3A_186 = arith.constant 1.000000e+00 : f32
          %eq3A_187 = vector.broadcast %eq3A_186 : f32 to vector<16xf32>
          %eq3A_188 = arith.cmpf oeq, %get3A_177, %eq3A_187 : vector<16xf32>
          tpu.vector_store_idx %arg11[%sub3A_183], %add3A_185 masked %eq3A_188 : memref<20000xi32, #tpu.memory_space<vmem>>[vector<16xi32>], vector<16xi32>, vector<16xi1>
          %eq3A_189 = arith.constant 0.000000e+00 : f32
          %eq3A_190 = vector.broadcast %eq3A_189 : f32 to vector<16xf32>
          %eq3A_191 = arith.cmpf oeq, %get3A_177, %eq3A_190 : vector<16xf32>
          tpu.vector_store_idx %arg12[%sub3A_183], %add3A_185 masked %eq3A_191 : memref<20000xi32, #tpu.memory_space<vmem>>[vector<16xi32>], vector<16xi32>, vector<16xi1>
          %mul3A_192 = arith.constant 64 : i32
          %mul3A_193 = arith.muli %scan3A_148, %mul3A_192 : i32
          %add3A_194 = arith.constant 32 : i32
          %add3A_195 = arith.addi %mul3A_193, %add3A_194 : i32
          %multiple_of3A_196 = tpu.assume_multiple %add3A_195, 16 : i32
          %get3A_197 = arith.index_cast %multiple_of3A_196 : i32 to index
          %get3A_198 = tpu.vector_load %arg8[%get3A_197] {strides = array<i32>} : memref<20000xf32, #tpu.memory_space<vmem>>, vector<16xf32>,
          %get3A_199 = arith.index_cast %multiple_of3A_196 : i32 to index
          %get3A_200 = tpu.vector_load %arg9[%get3A_199] {strides = array<i32>} : memref<20000xf32, #tpu.memory_space<vmem>>, vector<16xf32>,
          %convert_element_type3A_201 = arith.fptosi %get3A_200 : vector<16xf32> to vector<16xi32>
          %sub3A_202 = arith.constant 1 : i32
          %sub3A_203 = vector.broadcast %sub3A_202 : i32 to vector<16xi32>
          %sub3A_204 = arith.subi %convert_element_type3A_201, %sub3A_203 : vector<16xi32>
          %add3A_205 = vector.broadcast %add3A_195 : i32 to vector<16xi32>
          %add3A_206 = arith.addi %iota3A, %add3A_205 : vector<16xi32>
          %eq3A_207 = arith.constant 1.000000e+00 : f32
          %eq3A_208 = vector.broadcast %eq3A_207 : f32 to vector<16xf32>
          %eq3A_209 = arith.cmpf oeq, %get3A_198, %eq3A_208 : vector<16xf32>
          tpu.vector_store_idx %arg11[%sub3A_204], %add3A_206 masked %eq3A_209 : memref<20000xi32, #tpu.memory_space<vmem>>[vector<16xi32>], vector<16xi32>, vector<16xi1>
          %eq3A_210 = arith.constant 0.000000e+00 : f32
          %eq3A_211 = vector.broadcast %eq3A_210 : f32 to vector<16xf32>
          %eq3A_212 = arith.cmpf oeq, %get3A_198, %eq3A_211 : vector<16xf32>
          tpu.vector_store_idx %arg12[%sub3A_204], %add3A_206 masked %eq3A_212 : memref<20000xi32, #tpu.memory_space<vmem>>[vector<16xi32>], vector<16xi32>, vector<16xi1>
          %mul3A_213 = arith.constant 64 : i32
          %mul3A_214 = arith.muli %scan3A_148, %mul3A_213 : i32
          %add3A_215 = arith.constant 48 : i32
          %add3A_216 = arith.addi %mul3A_214, %add3A_215 : i32
          %multiple_of3A_217 = tpu.assume_multiple %add3A_216, 16 : i32
          %get3A_218 = arith.index_cast %multiple_of3A_217 : i32 to index
          %get3A_219 = tpu.vector_load %arg8[%get3A_218] {strides = array<i32>} : memref<20000xf32, #tpu.memory_space<vmem>>, vector<16xf32>,
          %get3A_220 = arith.index_cast %multiple_of3A_217 : i32 to index
          %get3A_221 = tpu.vector_load %arg9[%get3A_220] {strides = array<i32>} : memref<20000xf32, #tpu.memory_space<vmem>>, vector<16xf32>,
          %convert_element_type3A_222 = arith.fptosi %get3A_221 : vector<16xf32> to vector<16xi32>
          %sub3A_223 = arith.constant 1 : i32
          %sub3A_224 = vector.broadcast %sub3A_223 : i32 to vector<16xi32>
          %sub3A_225 = arith.subi %convert_element_type3A_222, %sub3A_224 : vector<16xi32>
          %add3A_226 = vector.broadcast %add3A_216 : i32 to vector<16xi32>
          %add3A_227 = arith.addi %iota3A, %add3A_226 : vector<16xi32>
          %eq3A_228 = arith.constant 1.000000e+00 : f32
          %eq3A_229 = vector.broadcast %eq3A_228 : f32 to vector<16xf32>
          %eq3A_230 = arith.cmpf oeq, %get3A_219, %eq3A_229 : vector<16xf32>
          tpu.vector_store_idx %arg11[%sub3A_225], %add3A_227 masked %eq3A_230 : memref<20000xi32, #tpu.memory_space<vmem>>[vector<16xi32>], vector<16xi32>, vector<16xi1>
          %eq3A_231 = arith.constant 0.000000e+00 : f32
          %eq3A_232 = vector.broadcast %eq3A_231 : f32 to vector<16xf32>
          %eq3A_233 = arith.cmpf oeq, %get3A_219, %eq3A_232 : vector<16xf32>
          tpu.vector_store_idx %arg12[%sub3A_225], %add3A_227 masked %eq3A_233 : memref<20000xi32, #tpu.memory_space<vmem>>[vector<16xi32>], vector<16xi32>, vector<16xi1>
          %scan3A_234 = arith.constant 0 : i32
          scf.yield %scan3A_234 : i32
        }
        %scan3A_36 = arith.constant 312 : i32
        %get3A_37 = arith.constant 19968 : index
        %get3A_38 = tpu.vector_load %arg8[%get3A_37] {strides = array<i32>} : memref<20000xf32, #tpu.memory_space<vmem>>, vector<16xf32>,
        %get3A_39 = arith.constant 19968 : index
        %get3A_40 = tpu.vector_load %arg9[%get3A_39] {strides = array<i32>} : memref<20000xf32, #tpu.memory_space<vmem>>, vector<16xf32>,
        %convert_element_type3A_41 = arith.fptosi %get3A_40 : vector<16xf32> to vector<16xi32>
        %sub3A = arith.constant 1 : i32
        %sub3A_42 = vector.broadcast %sub3A : i32 to vector<16xi32>
        %sub3A_43 = arith.subi %convert_element_type3A_41, %sub3A_42 : vector<16xi32>
        %add3A = arith.constant 19968 : i32
        %add3A_44 = vector.broadcast %add3A : i32 to vector<16xi32>
        %add3A_45 = arith.addi %iota3A, %add3A_44 : vector<16xi32>
        %eq3A_46 = arith.constant 1.000000e+00 : f32
        %eq3A_47 = vector.broadcast %eq3A_46 : f32 to vector<16xf32>
        %eq3A_48 = arith.cmpf oeq, %get3A_38, %eq3A_47 : vector<16xf32>
        tpu.vector_store_idx %arg11[%sub3A_43], %add3A_45 masked %eq3A_48 : memref<20000xi32, #tpu.memory_space<vmem>>[vector<16xi32>], vector<16xi32>, vector<16xi1>
        %eq3A_49 = arith.constant 0.000000e+00 : f32
        %eq3A_50 = vector.broadcast %eq3A_49 : f32 to vector<16xf32>
        %eq3A_51 = arith.cmpf oeq, %get3A_38, %eq3A_50 : vector<16xf32>
        tpu.vector_store_idx %arg12[%sub3A_43], %add3A_45 masked %eq3A_51 : memref<20000xi32, #tpu.memory_space<vmem>>[vector<16xi32>], vector<16xi32>, vector<16xi1>
        %get3A_52 = arith.constant 19984 : index
        %get3A_53 = tpu.vector_load %arg8[%get3A_52] {strides = array<i32>} : memref<20000xf32, #tpu.memory_space<vmem>>, vector<16xf32>,
        %get3A_54 = arith.constant 19984 : index
        %get3A_55 = tpu.vector_load %arg9[%get3A_54] {strides = array<i32>} : memref<20000xf32, #tpu.memory_space<vmem>>, vector<16xf32>,
        %convert_element_type3A_56 = arith.fptosi %get3A_55 : vector<16xf32> to vector<16xi32>
        %sub3A_57 = arith.constant 1 : i32
        %sub3A_58 = vector.broadcast %sub3A_57 : i32 to vector<16xi32>
        %sub3A_59 = arith.subi %convert_element_type3A_56, %sub3A_58 : vector<16xi32>
        %add3A_60 = arith.constant 19984 : i32
        %add3A_61 = vector.broadcast %add3A_60 : i32 to vector<16xi32>
        %add3A_62 = arith.addi %iota3A, %add3A_61 : vector<16xi32>
        %eq3A_63 = arith.constant 1.000000e+00 : f32
        %eq3A_64 = vector.broadcast %eq3A_63 : f32 to vector<16xf32>
        %eq3A_65 = arith.cmpf oeq, %get3A_53, %eq3A_64 : vector<16xf32>
        tpu.vector_store_idx %arg11[%sub3A_59], %add3A_62 masked %eq3A_65 : memref<20000xi32, #tpu.memory_space<vmem>>[vector<16xi32>], vector<16xi32>, vector<16xi1>
        %eq3A_66 = arith.constant 0.000000e+00 : f32
        %eq3A_67 = vector.broadcast %eq3A_66 : f32 to vector<16xf32>
        %eq3A_68 = arith.cmpf oeq, %get3A_53, %eq3A_67 : vector<16xf32>
        tpu.vector_store_idx %arg12[%sub3A_59], %add3A_62 masked %eq3A_68 : memref<20000xi32, #tpu.memory_space<vmem>>[vector<16xi32>], vector<16xi32>, vector<16xi1>
        "tpu.region"() ({
          %run_scoped3A = tpu.sem_alloc : memref<!tpu.dma_semaphore, #tpu.memory_space<semaphore_mem>>
          %dma_start3A = arith.constant 0 : i32
          %dma_start3A_148 = tpu.memref_slice %arg4[%scan3A_21, %dma_start3A] : memref<8x20000xf32, #tpu.memory_space<hbm>> -> memref<1x20000xf32, #tpu.memory_space<hbm>>
          %dma_start3A_149 = tpu.memref_squeeze %dma_start3A_148 : memref<1x20000xf32, #tpu.memory_space<hbm>> -> memref<20000xf32, #tpu.memory_space<hbm>>
          %dma_start3A_150 = arith.constant 0 : i32
          %dma_start3A_151 = tpu.memref_slice %arg4[%scan3A_21, %dma_start3A_150] : memref<8x20000xf32, #tpu.memory_space<hbm>> -> memref<1x20000xf32, #tpu.memory_space<hbm>>
          %dma_start3A_152 = tpu.memref_squeeze %dma_start3A_151 : memref<1x20000xf32, #tpu.memory_space<hbm>> -> memref<20000xf32, #tpu.memory_space<hbm>>
          tpu.enqueue_dma source(%dma_start3A_152 : memref<20000xf32, #tpu.memory_space<hbm>>) target(%arg9 : memref<20000xf32, #tpu.memory_space<vmem>>) target_semaphore(%run_scoped3A : memref<!tpu.dma_semaphore, #tpu.memory_space<semaphore_mem>>)
          %dma_wait3A = arith.constant 0 : i32
          %dma_wait3A_153 = tpu.memref_slice %arg4[%scan3A_21, %dma_wait3A] : memref<8x20000xf32, #tpu.memory_space<hbm>> -> memref<1x20000xf32, #tpu.memory_space<hbm>>
          %dma_wait3A_154 = tpu.memref_squeeze %dma_wait3A_153 : memref<1x20000xf32, #tpu.memory_space<hbm>> -> memref<20000xf32, #tpu.memory_space<hbm>>
          %dma_wait3A_155 = arith.constant 0 : i32
          %dma_wait3A_156 = tpu.memref_slice %arg4[%scan3A_21, %dma_wait3A_155] : memref<8x20000xf32, #tpu.memory_space<hbm>> -> memref<1x20000xf32, #tpu.memory_space<hbm>>
          %dma_wait3A_157 = tpu.memref_squeeze %dma_wait3A_156 : memref<1x20000xf32, #tpu.memory_space<hbm>> -> memref<20000xf32, #tpu.memory_space<hbm>>
          tpu.wait_dma2 semaphore(%run_scoped3A : memref<!tpu.dma_semaphore, #tpu.memory_space<semaphore_mem>>) src(%dma_wait3A_157 : memref<20000xf32, #tpu.memory_space<hbm>>) dst(%arg9 : memref<20000xf32, #tpu.memory_space<vmem>>)
          tpu.yield
        }) : () -> ()
        %gt3A = arith.constant 128 : i32
        %gt3A_69 = arith.cmpi sgt, %squeeze3A, %gt3A : i32
        %convert_element_type3A_70 = arith.extui %gt3A_69 : i1 to i32
        %cond3A_71 = arith.constant 0 : i32
        %cond3A_72 = arith.cmpi ne, %convert_element_type3A_70, %cond3A_71 : i32
        %cond3A_73:2 = scf.if %cond3A_72 -> (i32, i32) {
          %sub3A_148 = arith.constant 1 : i32
          %sub3A_149 = arith.subi %squeeze3A, %sub3A_148 : i32
          %shift_right_arithmetic3A = arith.constant 1 : i32
          %shift_right_arithmetic3A_150 = arith.shrsi %sub3A_149, %shift_right_arithmetic3A : i32
          %or3A = arith.ori %sub3A_149, %shift_right_arithmetic3A_150 : i32
          %shift_right_arithmetic3A_151 = arith.constant 2 : i32
          %shift_right_arithmetic3A_152 = arith.shrsi %or3A, %shift_right_arithmetic3A_151 : i32
          %or3A_153 = arith.ori %or3A, %shift_right_arithmetic3A_152 : i32
          %shift_right_arithmetic3A_154 = arith.constant 4 : i32
          %shift_right_arithmetic3A_155 = arith.shrsi %or3A_153, %shift_right_arithmetic3A_154 : i32
          %or3A_156 = arith.ori %or3A_153, %shift_right_arithmetic3A_155 : i32
          %shift_right_arithmetic3A_157 = arith.constant 8 : i32
          %shift_right_arithmetic3A_158 = arith.shrsi %or3A_156, %shift_right_arithmetic3A_157 : i32
          %or3A_159 = arith.ori %or3A_156, %shift_right_arithmetic3A_158 : i32
          %shift_right_arithmetic3A_160 = arith.constant 16 : i32
          %shift_right_arithmetic3A_161 = arith.shrsi %or3A_159, %shift_right_arithmetic3A_160 : i32
          %or3A_162 = arith.ori %or3A_159, %shift_right_arithmetic3A_161 : i32
          %scan3A_163 = arith.constant 0 : i32
          %scan3A_164 = arith.constant 128 : i32
          %scan3A_165 = arith.addi %scan3A_163, %scan3A_164 : i32
          %scan3A_166 = arith.constant 1 : i32
          %scan3A_167:3 = scf.for %scan3A_180 = %scan3A_163 to %scan3A_165 step %scan3A_166 iter_args(%scan3A_181 = %scan3A_22, %scan3A_182 = %scan3A_23, %scan3A_183 = %or3A_162) -> (i32, i32, i32)  : i32 {
            %sub3A_184 = arith.constant 1 : i32
            %sub3A_185 = arith.subi %squeeze3A, %sub3A_184 : i32
            %sub3A_186 = arith.subi %sub3A_185, %scan3A_180 : i32
            %add3A_187 = arith.constant 1 : i32
            %add3A_188 = arith.addi %sub3A_186, %add3A_187 : i32
            %while3A_189:3 = scf.while (%while3A_211 = %add3A_188, %while3A_212 = %scan3A_181, %while3A_213 = %scan3A_182) : (i32, i32, i32) -> (i32, i32, i32) {
              %gt3A_214 = arith.cmpi sgt, %while3A_211, %sub3A_186 : i32
              scf.condition(%gt3A_214) %while3A_211, %while3A_212, %while3A_213 : i32, i32, i32
            } do {
            ^bb0(%while3A_211: i32, %while3A_212: i32, %while3A_213: i32):
              %sub3A_214 = arith.subi %while3A_212, %while3A_213 : i32
              %ge3A = arith.constant 16384 : i32
              %ge3A_215 = arith.cmpi sge, %sub3A_214, %ge3A : i32
              %convert_element_type3A_216 = arith.extui %ge3A_215 : i1 to i32
              %cond3A_217 = arith.constant 0 : i32
              %cond3A_218 = arith.cmpi ne, %convert_element_type3A_216, %cond3A_217 : i32
              %cond3A_219 = scf.if %cond3A_218 -> (i32) {
                %and3A_228 = arith.constant -8 : i32
                %and3A_229 = arith.andi %while3A_212, %and3A_228 : i32
                %multiple_of3A_230 = tpu.assume_multiple %and3A_229, 8 : i32
                "tpu.region"() ({
                  %run_scoped3A = tpu.sem_alloc : memref<!tpu.dma_semaphore, #tpu.memory_space<semaphore_mem>>
                  %dma_start3A = tpu.memref_slice %arg2[%multiple_of3A_230] : memref<1048576xi32, #tpu.memory_space<hbm>> -> memref<16384xi32, #tpu.memory_space<hbm>>
                  %dma_start3A_231 = tpu.memref_slice %arg2[%multiple_of3A_230] : memref<1048576xi32, #tpu.memory_space<hbm>> -> memref<16384xi32, #tpu.memory_space<hbm>>
                  tpu.enqueue_dma source(%dma_start3A_231 : memref<16384xi32, #tpu.memory_space<hbm>>) target(%arg13 : memref<16384xi32, #tpu.memory_space<vmem>>) target_semaphore(%run_scoped3A : memref<!tpu.dma_semaphore, #tpu.memory_space<semaphore_mem>>)
                  %dma_wait3A = tpu.memref_slice %arg2[%multiple_of3A_230] : memref<1048576xi32, #tpu.memory_space<hbm>> -> memref<16384xi32, #tpu.memory_space<hbm>>
                  %dma_wait3A_232 = tpu.memref_slice %arg2[%multiple_of3A_230] : memref<1048576xi32, #tpu.memory_space<hbm>> -> memref<16384xi32, #tpu.memory_space<hbm>>
                  tpu.wait_dma2 semaphore(%run_scoped3A : memref<!tpu.dma_semaphore, #tpu.memory_space<semaphore_mem>>) src(%dma_wait3A_232 : memref<16384xi32, #tpu.memory_space<hbm>>) dst(%arg13 : memref<16384xi32, #tpu.memory_space<vmem>>)
                  tpu.yield
                }) : () -> ()
                scf.yield %multiple_of3A_230 : i32
              } else {
                scf.yield %while3A_213 : i32
              }
              %sub3A_220 = arith.subi %while3A_212, %cond3A_219 : i32
              %broadcast_in_dim3A_221 = vector.broadcast %sub3A_220 : i32 to vector<16xi32>
              %gather3A_222 = tpu.vector_load_idx %arg13[%broadcast_in_dim3A_221] : memref<16384xi32, #tpu.memory_space<vmem>>[vector<16xi32>], vector<16xi32>,
              %slice3A_223 = vector.extract_strided_slice %gather3A_222 {offsets = [0], sizes = [1], strides = [1]} : vector<16xi32> to vector<1xi32>
              %squeeze3A_224 = vector.extract %slice3A_223[0] : i32 from vector<1xi32>
              %and3A_225 = arith.andi %squeeze3A_224, %scan3A_183 : i32
              %add3A_226 = arith.constant 1 : i32
              %add3A_227 = arith.addi %while3A_212, %add3A_226 : i32
              scf.yield %and3A_225, %add3A_227, %cond3A_219 : i32, i32, i32
            }
            %broadcast_in_dim3A_190 = vector.broadcast %sub3A_186 : i32 to vector<16xi32>
            %broadcast_in_dim3A_191 = vector.broadcast %while3A_189#0 : i32 to vector<16xi32>
            %select_n3A_192 = arith.select %eq3A_1, %broadcast_in_dim3A_191, %broadcast_in_dim3A_190 : vector<16xi1>, vector<16xi32>
            %gather3A = tpu.vector_load_idx %arg10[%select_n3A_192] : memref<20000xi32, #tpu.memory_space<vmem>>[vector<16xi32>], vector<16xi32>,
            %slice3A_193 = vector.extract_strided_slice %gather3A {offsets = [0], sizes = [1], strides = [1]} : vector<16xi32> to vector<1xi32>
            %squeeze3A_194 = vector.extract %slice3A_193[0] : i32 from vector<1xi32>
            %slice3A_195 = vector.extract_strided_slice %gather3A {offsets = [1], sizes = [1], strides = [1]} : vector<16xi32> to vector<1xi32>
            %squeeze3A_196 = vector.extract %slice3A_195[0] : i32 from vector<1xi32>
            %broadcast_in_dim3A_197 = vector.broadcast %while3A_189#0 : i32 to vector<16xi32>
            %broadcast_in_dim3A_198 = vector.broadcast %squeeze3A_196 : i32 to vector<16xi32>
            tpu.vector_store_idx %arg10[%broadcast_in_dim3A_197], %broadcast_in_dim3A_198 masked %eq3A_1 : memref<20000xi32, #tpu.memory_space<vmem>>[vector<16xi32>], vector<16xi32>, vector<16xi1>
            %broadcast_in_dim3A_199 = vector.broadcast %scan3A_180 : i32 to vector<16xi32>
            %broadcast_in_dim3A_200 = vector.broadcast %while3A_189#0 : i32 to vector<16xi32>
            tpu.vector_store_idx %arg17[%broadcast_in_dim3A_199], %broadcast_in_dim3A_200 masked %eq3A_1 : memref<256xi32, #tpu.memory_space<vmem>>[vector<16xi32>], vector<16xi32>, vector<16xi1>
            %broadcast_in_dim3A_201 = vector.broadcast %scan3A_180 : i32 to vector<16xi32>
            %broadcast_in_dim3A_202 = vector.broadcast %squeeze3A_194 : i32 to vector<16xi32>
            tpu.vector_store_idx %arg15[%broadcast_in_dim3A_201], %broadcast_in_dim3A_202 masked %eq3A_1 : memref<128xi32, #tpu.memory_space<vmem>>[vector<16xi32>], vector<16xi32>, vector<16xi1>
            %sub3A_203 = arith.constant 1 : i32
            %sub3A_204 = arith.subi %sub3A_186, %sub3A_203 : i32
            %shift_right_arithmetic3A_205 = arith.constant 1 : i32
            %shift_right_arithmetic3A_206 = arith.shrsi %scan3A_183, %shift_right_arithmetic3A_205 : i32
            %eq3A_207 = arith.cmpi eq, %sub3A_204, %shift_right_arithmetic3A_206 : i32
            %shift_right_arithmetic3A_208 = arith.constant 1 : i32
            %shift_right_arithmetic3A_209 = arith.shrsi %scan3A_183, %shift_right_arithmetic3A_208 : i32
            %select_n3A_210 = arith.select %eq3A_207, %shift_right_arithmetic3A_209, %scan3A_183 : i32
            scf.yield %while3A_189#1, %while3A_189#2, %select_n3A_210 : i32, i32, i32
          }
          %scan3A_168 = arith.constant 128 : i32
          %scan3A_169 = arith.constant 0 : i32
          %scan3A_170 = arith.constant 0 : i32
          %scan3A_171 = arith.constant 128 : i32
          %scan3A_172 = arith.addi %scan3A_170, %scan3A_171 : i32
          %scan3A_173 = arith.constant 1 : i32
          %scan3A_174 = scf.for %scan3A_180 = %scan3A_170 to %scan3A_172 step %scan3A_173 iter_args(%scan3A_181 = %scan3A_169) -> (i32)  : i32 {
            %broadcast_in_dim3A_182 = vector.broadcast %scan3A_180 : i32 to vector<16xi32>
            %gather3A = tpu.vector_load_idx %arg17[%broadcast_in_dim3A_182] : memref<256xi32, #tpu.memory_space<vmem>>[vector<16xi32>], vector<16xi32>,
            %slice3A_183 = vector.extract_strided_slice %gather3A {offsets = [0], sizes = [1], strides = [1]} : vector<16xi32> to vector<1xi32>
            %squeeze3A_184 = vector.extract %slice3A_183[0] : i32 from vector<1xi32>
            %broadcast_in_dim3A_185 = vector.broadcast %squeeze3A_184 : i32 to vector<16xi32>
            %broadcast_in_dim3A_186 = vector.broadcast %squeeze3A_184 : i32 to vector<16xi32>
            tpu.vector_store_idx %arg10[%broadcast_in_dim3A_185], %broadcast_in_dim3A_186 masked %eq3A_1 : memref<20000xi32, #tpu.memory_space<vmem>>[vector<16xi32>], vector<16xi32>, vector<16xi1>
            %scan3A_187 = arith.constant 0 : i32
            scf.yield %scan3A_187 : i32
          }
          %scan3A_175 = arith.constant 128 : i32
          %sub3A_176 = arith.constant 1 : i32
          %sub3A_177 = arith.subi %squeeze3A, %sub3A_176 : i32
          %sub3A_178 = arith.constant 128 : i32
          %sub3A_179 = arith.subi %sub3A_177, %sub3A_178 : i32
          %while3A:3 = scf.while (%while3A_180 = %sub3A_179, %while3A_181 = %scan3A_167#0, %while3A_182 = %scan3A_167#1) : (i32, i32, i32) -> (i32, i32, i32) {
            %ge3A = arith.constant 1 : i32
            %ge3A_183 = arith.cmpi sge, %while3A_180, %ge3A : i32
            scf.condition(%ge3A_183) %while3A_180, %while3A_181, %while3A_182 : i32, i32, i32
          } do {
          ^bb0(%while3A_180: i32, %while3A_181: i32, %while3A_182: i32):
            %add3A_183 = arith.constant 128 : i32
            %add3A_184 = arith.addi %while3A_181, %add3A_183 : i32
            %sub3A_185 = arith.subi %add3A_184, %while3A_182 : i32
            %gt3A_186 = arith.constant 16384 : i32
            %gt3A_187 = arith.cmpi sgt, %sub3A_185, %gt3A_186 : i32
            %convert_element_type3A_188 = arith.extui %gt3A_187 : i1 to i32
            %cond3A_189 = arith.constant 0 : i32
            %cond3A_190 = arith.cmpi ne, %convert_element_type3A_188, %cond3A_189 : i32
            %cond3A_191 = scf.if %cond3A_190 -> (i32) {
              %and3A_290 = arith.constant -8 : i32
              %and3A_291 = arith.andi %while3A_181, %and3A_290 : i32
              %multiple_of3A_292 = tpu.assume_multiple %and3A_291, 8 : i32
              "tpu.region"() ({
                %run_scoped3A = tpu.sem_alloc : memref<!tpu.dma_semaphore, #tpu.memory_space<semaphore_mem>>
                %dma_start3A = tpu.memref_slice %arg2[%multiple_of3A_292] : memref<1048576xi32, #tpu.memory_space<hbm>> -> memref<16384xi32, #tpu.memory_space<hbm>>
                %dma_start3A_293 = tpu.memref_slice %arg2[%multiple_of3A_292] : memref<1048576xi32, #tpu.memory_space<hbm>> -> memref<16384xi32, #tpu.memory_space<hbm>>
                tpu.enqueue_dma source(%dma_start3A_293 : memref<16384xi32, #tpu.memory_space<hbm>>) target(%arg13 : memref<16384xi32, #tpu.memory_space<vmem>>) target_semaphore(%run_scoped3A : memref<!tpu.dma_semaphore, #tpu.memory_space<semaphore_mem>>)
                %dma_wait3A = tpu.memref_slice %arg2[%multiple_of3A_292] : memref<1048576xi32, #tpu.memory_space<hbm>> -> memref<16384xi32, #tpu.memory_space<hbm>>
                %dma_wait3A_294 = tpu.memref_slice %arg2[%multiple_of3A_292] : memref<1048576xi32, #tpu.memory_space<hbm>> -> memref<16384xi32, #tpu.memory_space<hbm>>
                tpu.wait_dma2 semaphore(%run_scoped3A : memref<!tpu.dma_semaphore, #tpu.memory_space<semaphore_mem>>) src(%dma_wait3A_294 : memref<16384xi32, #tpu.memory_space<hbm>>) dst(%arg13 : memref<16384xi32, #tpu.memory_space<vmem>>)
                tpu.yield
              }) : () -> ()
              scf.yield %multiple_of3A_292 : i32
            } else {
              scf.yield %while3A_182 : i32
            }
            %iota3A_192 = tpu.iota {dimensions = array<i32: 0>} : vector<16xi32>
            %sub3A_193 = arith.subi %while3A_181, %cond3A_191 : i32
            %add3A_194 = arith.constant 0 : i32
            %add3A_195 = arith.addi %sub3A_193, %add3A_194 : i32
            %broadcast_in_dim3A_196 = vector.broadcast %add3A_195 : i32 to vector<16xi32>
            %add3A_197 = arith.addi %broadcast_in_dim3A_196, %iota3A_192 : vector<16xi32>
            %gather3A = tpu.vector_load_idx %arg13[%add3A_197] : memref<16384xi32, #tpu.memory_space<vmem>>[vector<16xi32>], vector<16xi32>,
            %sub3A_198 = arith.subi %while3A_181, %cond3A_191 : i32
            %add3A_199 = arith.constant 16 : i32
            %add3A_200 = arith.addi %sub3A_198, %add3A_199 : i32
            %broadcast_in_dim3A_201 = vector.broadcast %add3A_200 : i32 to vector<16xi32>
            %add3A_202 = arith.addi %broadcast_in_dim3A_201, %iota3A_192 : vector<16xi32>
            %gather3A_203 = tpu.vector_load_idx %arg13[%add3A_202] : memref<16384xi32, #tpu.memory_space<vmem>>[vector<16xi32>], vector<16xi32>,
            %sub3A_204 = arith.subi %while3A_181, %cond3A_191 : i32
            %add3A_205 = arith.constant 32 : i32
            %add3A_206 = arith.addi %sub3A_204, %add3A_205 : i32
            %broadcast_in_dim3A_207 = vector.broadcast %add3A_206 : i32 to vector<16xi32>
            %add3A_208 = arith.addi %broadcast_in_dim3A_207, %iota3A_192 : vector<16xi32>
            %gather3A_209 = tpu.vector_load_idx %arg13[%add3A_208] : memref<16384xi32, #tpu.memory_space<vmem>>[vector<16xi32>], vector<16xi32>,
            %sub3A_210 = arith.subi %while3A_181, %cond3A_191 : i32
            %add3A_211 = arith.constant 48 : i32
            %add3A_212 = arith.addi %sub3A_210, %add3A_211 : i32
            %broadcast_in_dim3A_213 = vector.broadcast %add3A_212 : i32 to vector<16xi32>
            %add3A_214 = arith.addi %broadcast_in_dim3A_213, %iota3A_192 : vector<16xi32>
            %gather3A_215 = tpu.vector_load_idx %arg13[%add3A_214] : memref<16384xi32, #tpu.memory_space<vmem>>[vector<16xi32>], vector<16xi32>,
            %sub3A_216 = arith.subi %while3A_181, %cond3A_191 : i32
            %add3A_217 = arith.constant 64 : i32
            %add3A_218 = arith.addi %sub3A_216, %add3A_217 : i32
            %broadcast_in_dim3A_219 = vector.broadcast %add3A_218 : i32 to vector<16xi32>
            %add3A_220 = arith.addi %broadcast_in_dim3A_219, %iota3A_192 : vector<16xi32>
            %gather3A_221 = tpu.vector_load_idx %arg13[%add3A_220] : memref<16384xi32, #tpu.memory_space<vmem>>[vector<16xi32>], vector<16xi32>,
            %sub3A_222 = arith.subi %while3A_181, %cond3A_191 : i32
            %add3A_223 = arith.constant 80 : i32
            %add3A_224 = arith.addi %sub3A_222, %add3A_223 : i32
            %broadcast_in_dim3A_225 = vector.broadcast %add3A_224 : i32 to vector<16xi32>
            %add3A_226 = arith.addi %broadcast_in_dim3A_225, %iota3A_192 : vector<16xi32>
            %gather3A_227 = tpu.vector_load_idx %arg13[%add3A_226] : memref<16384xi32, #tpu.memory_space<vmem>>[vector<16xi32>], vector<16xi32>,
            %sub3A_228 = arith.subi %while3A_181, %cond3A_191 : i32
            %add3A_229 = arith.constant 96 : i32
            %add3A_230 = arith.addi %sub3A_228, %add3A_229 : i32
            %broadcast_in_dim3A_231 = vector.broadcast %add3A_230 : i32 to vector<16xi32>
            %add3A_232 = arith.addi %broadcast_in_dim3A_231, %iota3A_192 : vector<16xi32>
            %gather3A_233 = tpu.vector_load_idx %arg13[%add3A_232] : memref<16384xi32, #tpu.memory_space<vmem>>[vector<16xi32>], vector<16xi32>,
            %sub3A_234 = arith.subi %while3A_181, %cond3A_191 : i32
            %add3A_235 = arith.constant 112 : i32
            %add3A_236 = arith.addi %sub3A_234, %add3A_235 : i32
            %broadcast_in_dim3A_237 = vector.broadcast %add3A_236 : i32 to vector<16xi32>
            %add3A_238 = arith.addi %broadcast_in_dim3A_237, %iota3A_192 : vector<16xi32>
            %gather3A_239 = tpu.vector_load_idx %arg13[%add3A_238] : memref<16384xi32, #tpu.memory_space<vmem>>[vector<16xi32>], vector<16xi32>,
            %broadcast_in_dim3A_240 = vector.broadcast %while3A_180 : i32 to vector<16xi32>
            %ge3A = arith.constant 0 : i32
            %ge3A_241 = vector.broadcast %ge3A : i32 to vector<16xi32>
            %ge3A_242 = arith.cmpi sge, %iota3A_192, %ge3A_241 : vector<16xi32>
            %shift_right_arithmetic3A_243 = arith.constant 1 : i32
            %shift_right_arithmetic3A_244 = arith.shrsi %while3A_180, %shift_right_arithmetic3A_243 : i32
            %or3A_245 = arith.ori %while3A_180, %shift_right_arithmetic3A_244 : i32
            %shift_right_arithmetic3A_246 = arith.constant 2 : i32
            %shift_right_arithmetic3A_247 = arith.shrsi %or3A_245, %shift_right_arithmetic3A_246 : i32
            %or3A_248 = arith.ori %or3A_245, %shift_right_arithmetic3A_247 : i32
            %shift_right_arithmetic3A_249 = arith.constant 4 : i32
            %shift_right_arithmetic3A_250 = arith.shrsi %or3A_248, %shift_right_arithmetic3A_249 : i32
            %or3A_251 = arith.ori %or3A_248, %shift_right_arithmetic3A_250 : i32
            %shift_right_arithmetic3A_252 = arith.constant 8 : i32
            %shift_right_arithmetic3A_253 = arith.shrsi %or3A_251, %shift_right_arithmetic3A_252 : i32
            %or3A_254 = arith.ori %or3A_251, %shift_right_arithmetic3A_253 : i32
            %shift_right_arithmetic3A_255 = arith.constant 16 : i32
            %shift_right_arithmetic3A_256 = arith.shrsi %or3A_254, %shift_right_arithmetic3A_255 : i32
            %or3A_257 = arith.ori %or3A_254, %shift_right_arithmetic3A_256 : i32
            %sub3A_258 = arith.constant 127 : i32
            %sub3A_259 = arith.subi %while3A_180, %sub3A_258 : i32
            %max3A = arith.constant 1 : i32
            %max3A_260 = arith.maxsi %sub3A_259, %max3A : i32
            %shift_right_arithmetic3A_261 = arith.constant 1 : i32
            %shift_right_arithmetic3A_262 = arith.shrsi %max3A_260, %shift_right_arithmetic3A_261 : i32
            %or3A_263 = arith.ori %max3A_260, %shift_right_arithmetic3A_262 : i32
            %shift_right_arithmetic3A_264 = arith.constant 2 : i32
            %shift_right_arithmetic3A_265 = arith.shrsi %or3A_263, %shift_right_arithmetic3A_264 : i32
            %or3A_266 = arith.ori %or3A_263, %shift_right_arithmetic3A_265 : i32
            %shift_right_arithmetic3A_267 = arith.constant 4 : i32
            %shift_right_arithmetic3A_268 = arith.shrsi %or3A_266, %shift_right_arithmetic3A_267 : i32
            %or3A_269 = arith.ori %or3A_266, %shift_right_arithmetic3A_268 : i32
            %shift_right_arithmetic3A_270 = arith.constant 8 : i32
            %shift_right_arithmetic3A_271 = arith.shrsi %or3A_269, %shift_right_arithmetic3A_270 : i32
            %or3A_272 = arith.ori %or3A_269, %shift_right_arithmetic3A_271 : i32
            %shift_right_arithmetic3A_273 = arith.constant 16 : i32
            %shift_right_arithmetic3A_274 = arith.shrsi %or3A_272, %shift_right_arithmetic3A_273 : i32
            %or3A_275 = arith.ori %or3A_272, %shift_right_arithmetic3A_274 : i32
            %eq3A_276 = arith.cmpi eq, %or3A_257, %or3A_275 : i32
            %convert_element_type3A_277 = arith.extui %eq3A_276 : i1 to i32
            %cond3A_278 = arith.constant 0 : i32
            %cond3A_279 = arith.constant 0 : i32
            %cond3A_280 = arith.cmpi ne, %convert_element_type3A_277, %cond3A_279 : i32
            %cond3A_281:10 = scf.if %cond3A_280 -> (vector<16xi1>, vector<16xi1>, vector<16xi1>, vector<16xi1>, vector<16xi1>, vector<16xi1>, vector<16xi1>, vector<16xi1>, i32, i32) {
              %while3A_290 = arith.constant 1 : i32
              %while3A_291 = arith.constant 0 : i32
              %while3A_292:10 = scf.while (%while3A_293 = %ge3A_242, %while3A_294 = %ge3A_242, %while3A_295 = %ge3A_242, %while3A_296 = %ge3A_242, %while3A_297 = %ge3A_242, %while3A_298 = %ge3A_242, %while3A_299 = %ge3A_242, %while3A_300 = %ge3A_242, %while3A_301 = %while3A_290, %while3A_302 = %while3A_291) : (vector<16xi1>, vector<16xi1>, vector<16xi1>, vector<16xi1>, vector<16xi1>, vector<16xi1>, vector<16xi1>, vector<16xi1>, i32, i32) -> (vector<16xi1>, vector<16xi1>, vector<16xi1>, vector<16xi1>, vector<16xi1>, vector<16xi1>, vector<16xi1>, vector<16xi1>, i32, i32) {
                %ne3A_303 = arith.constant 0 : i32
                %ne3A_304 = arith.cmpi ne, %while3A_301, %ne3A_303 : i32
                scf.condition(%ne3A_304) %while3A_293, %while3A_294, %while3A_295, %while3A_296, %while3A_297, %while3A_298, %while3A_299, %while3A_300, %while3A_301, %while3A_302 : vector<16xi1>, vector<16xi1>, vector<16xi1>, vector<16xi1>, vector<16xi1>, vector<16xi1>, vector<16xi1>, vector<16xi1>, i32, i32
              } do {
              ^bb0(%while3A_293: vector<16xi1>, %while3A_294: vector<16xi1>, %while3A_295: vector<16xi1>, %while3A_296: vector<16xi1>, %while3A_297: vector<16xi1>, %while3A_298: vector<16xi1>, %while3A_299: vector<16xi1>, %while3A_300: vector<16xi1>, %while3A_301: i32, %while3A_302: i32):
                %jit3A_303 = arith.constant 1 : i32
                %jit3A_304 = arith.constant 0 : i32
                %broadcast_in_dim3A_305 = vector.broadcast %jit3A_303 : i32 to vector<16xi32>
                %broadcast_in_dim3A_306 = vector.broadcast %jit3A_304 : i32 to vector<16xi32>
                %select_n3A_307 = arith.select %while3A_293, %broadcast_in_dim3A_305, %broadcast_in_dim3A_306 : vector<16xi1>, vector<16xi32>
                %jit3A_308 = arith.constant 1 : i32
                %jit3A_309 = arith.constant 0 : i32
                %broadcast_in_dim3A_310 = vector.broadcast %jit3A_308 : i32 to vector<16xi32>
                %broadcast_in_dim3A_311 = vector.broadcast %jit3A_309 : i32 to vector<16xi32>
                %select_n3A_312 = arith.select %while3A_294, %broadcast_in_dim3A_310, %broadcast_in_dim3A_311 : vector<16xi1>, vector<16xi32>
                %jit3A_313 = arith.constant 1 : i32
                %jit3A_314 = arith.constant 0 : i32
                %broadcast_in_dim3A_315 = vector.broadcast %jit3A_313 : i32 to vector<16xi32>
                %broadcast_in_dim3A_316 = vector.broadcast %jit3A_314 : i32 to vector<16xi32>
                %select_n3A_317 = arith.select %while3A_295, %broadcast_in_dim3A_315, %broadcast_in_dim3A_316 : vector<16xi1>, vector<16xi32>
                %jit3A_318 = arith.constant 1 : i32
                %jit3A_319 = arith.constant 0 : i32
                %broadcast_in_dim3A_320 = vector.broadcast %jit3A_318 : i32 to vector<16xi32>
                %broadcast_in_dim3A_321 = vector.broadcast %jit3A_319 : i32 to vector<16xi32>
                %select_n3A_322 = arith.select %while3A_296, %broadcast_in_dim3A_320, %broadcast_in_dim3A_321 : vector<16xi1>, vector<16xi32>
                %jit3A_323 = arith.constant 1 : i32
                %jit3A_324 = arith.constant 0 : i32
                %broadcast_in_dim3A_325 = vector.broadcast %jit3A_323 : i32 to vector<16xi32>
                %broadcast_in_dim3A_326 = vector.broadcast %jit3A_324 : i32 to vector<16xi32>
                %select_n3A_327 = arith.select %while3A_297, %broadcast_in_dim3A_325, %broadcast_in_dim3A_326 : vector<16xi1>, vector<16xi32>
                %jit3A_328 = arith.constant 1 : i32
                %jit3A_329 = arith.constant 0 : i32
                %broadcast_in_dim3A_330 = vector.broadcast %jit3A_328 : i32 to vector<16xi32>
                %broadcast_in_dim3A_331 = vector.broadcast %jit3A_329 : i32 to vector<16xi32>
                %select_n3A_332 = arith.select %while3A_298, %broadcast_in_dim3A_330, %broadcast_in_dim3A_331 : vector<16xi1>, vector<16xi32>
                %jit3A_333 = arith.constant 1 : i32
                %jit3A_334 = arith.constant 0 : i32
                %broadcast_in_dim3A_335 = vector.broadcast %jit3A_333 : i32 to vector<16xi32>
                %broadcast_in_dim3A_336 = vector.broadcast %jit3A_334 : i32 to vector<16xi32>
                %select_n3A_337 = arith.select %while3A_299, %broadcast_in_dim3A_335, %broadcast_in_dim3A_336 : vector<16xi1>, vector<16xi32>
                %jit3A_338 = arith.constant 1 : i32
                %jit3A_339 = arith.constant 0 : i32
                %broadcast_in_dim3A_340 = vector.broadcast %jit3A_338 : i32 to vector<16xi32>
                %broadcast_in_dim3A_341 = vector.broadcast %jit3A_339 : i32 to vector<16xi32>
                %select_n3A_342 = arith.select %while3A_300, %broadcast_in_dim3A_340, %broadcast_in_dim3A_341 : vector<16xi1>, vector<16xi32>
                %broadcast_in_dim3A_343 = arith.constant true
                %broadcast_in_dim3A_344 = vector.broadcast %broadcast_in_dim3A_343 : i1 to vector<16xi1>
                %masked_cumsum3A = tpu.scan <sum>, %select_n3A_307 masked %broadcast_in_dim3A_344 : vector<16xi32>, vector<16xi1> -> vector<16xi32>
                %broadcast_in_dim3A_345 = arith.constant true
                %broadcast_in_dim3A_346 = vector.broadcast %broadcast_in_dim3A_345 : i1 to vector<16xi1>
                %masked_cumsum3A_347 = tpu.scan <sum>, %select_n3A_312 masked %broadcast_in_dim3A_346 : vector<16xi32>, vector<16xi1> -> vector<16xi32>
                %broadcast_in_dim3A_348 = arith.constant true
                %broadcast_in_dim3A_349 = vector.broadcast %broadcast_in_dim3A_348 : i1 to vector<16xi1>
                %masked_cumsum3A_350 = tpu.scan <sum>, %select_n3A_317 masked %broadcast_in_dim3A_349 : vector<16xi32>, vector<16xi1> -> vector<16xi32>
                %broadcast_in_dim3A_351 = arith.constant true
                %broadcast_in_dim3A_352 = vector.broadcast %broadcast_in_dim3A_351 : i1 to vector<16xi1>
                %masked_cumsum3A_353 = tpu.scan <sum>, %select_n3A_322 masked %broadcast_in_dim3A_352 : vector<16xi32>, vector<16xi1> -> vector<16xi32>
                %broadcast_in_dim3A_354 = arith.constant true
                %broadcast_in_dim3A_355 = vector.broadcast %broadcast_in_dim3A_354 : i1 to vector<16xi1>
                %masked_cumsum3A_356 = tpu.scan <sum>, %select_n3A_327 masked %broadcast_in_dim3A_355 : vector<16xi32>, vector<16xi1> -> vector<16xi32>
                %broadcast_in_dim3A_357 = arith.constant true
                %broadcast_in_dim3A_358 = vector.broadcast %broadcast_in_dim3A_357 : i1 to vector<16xi1>
                %masked_cumsum3A_359 = tpu.scan <sum>, %select_n3A_332 masked %broadcast_in_dim3A_358 : vector<16xi32>, vector<16xi1> -> vector<16xi32>
                %broadcast_in_dim3A_360 = arith.constant true
                %broadcast_in_dim3A_361 = vector.broadcast %broadcast_in_dim3A_360 : i1 to vector<16xi1>
                %masked_cumsum3A_362 = tpu.scan <sum>, %select_n3A_337 masked %broadcast_in_dim3A_361 : vector<16xi32>, vector<16xi1> -> vector<16xi32>
                %broadcast_in_dim3A_363 = arith.constant true
                %broadcast_in_dim3A_364 = vector.broadcast %broadcast_in_dim3A_363 : i1 to vector<16xi1>
                %masked_cumsum3A_365 = tpu.scan <sum>, %select_n3A_342 masked %broadcast_in_dim3A_364 : vector<16xi32>, vector<16xi1> -> vector<16xi32>
                %slice3A_366 = vector.extract_strided_slice %masked_cumsum3A {offsets = [15], sizes = [1], strides = [1]} : vector<16xi32> to vector<1xi32>
                %squeeze3A_367 = vector.extract %slice3A_366[0] : i32 from vector<1xi32>
                %add3A_368 = arith.constant 0 : i32
                %add3A_369 = arith.addi %add3A_368, %squeeze3A_367 : i32
                %slice3A_370 = vector.extract_strided_slice %masked_cumsum3A_347 {offsets = [15], sizes = [1], strides = [1]} : vector<16xi32> to vector<1xi32>
                %squeeze3A_371 = vector.extract %slice3A_370[0] : i32 from vector<1xi32>
                %add3A_372 = arith.addi %add3A_369, %squeeze3A_371 : i32
                %slice3A_373 = vector.extract_strided_slice %masked_cumsum3A_350 {offsets = [15], sizes = [1], strides = [1]} : vector<16xi32> to vector<1xi32>
                %squeeze3A_374 = vector.extract %slice3A_373[0] : i32 from vector<1xi32>
                %add3A_375 = arith.addi %add3A_372, %squeeze3A_374 : i32
                %slice3A_376 = vector.extract_strided_slice %masked_cumsum3A_353 {offsets = [15], sizes = [1], strides = [1]} : vector<16xi32> to vector<1xi32>
                %squeeze3A_377 = vector.extract %slice3A_376[0] : i32 from vector<1xi32>
                %add3A_378 = arith.addi %add3A_375, %squeeze3A_377 : i32
                %slice3A_379 = vector.extract_strided_slice %masked_cumsum3A_356 {offsets = [15], sizes = [1], strides = [1]} : vector<16xi32> to vector<1xi32>
                %squeeze3A_380 = vector.extract %slice3A_379[0] : i32 from vector<1xi32>
                %add3A_381 = arith.addi %add3A_378, %squeeze3A_380 : i32
                %slice3A_382 = vector.extract_strided_slice %masked_cumsum3A_359 {offsets = [15], sizes = [1], strides = [1]} : vector<16xi32> to vector<1xi32>
                %squeeze3A_383 = vector.extract %slice3A_382[0] : i32 from vector<1xi32>
                %add3A_384 = arith.addi %add3A_381, %squeeze3A_383 : i32
                %slice3A_385 = vector.extract_strided_slice %masked_cumsum3A_362 {offsets = [15], sizes = [1], strides = [1]} : vector<16xi32> to vector<1xi32>
                %squeeze3A_386 = vector.extract %slice3A_385[0] : i32 from vector<1xi32>
                %add3A_387 = arith.addi %add3A_384, %squeeze3A_386 : i32
                %slice3A_388 = vector.extract_strided_slice %masked_cumsum3A_365 {offsets = [15], sizes = [1], strides = [1]} : vector<16xi32> to vector<1xi32>
                %squeeze3A_389 = vector.extract %slice3A_388[0] : i32 from vector<1xi32>
                %add3A_390 = arith.addi %add3A_387, %squeeze3A_389 : i32
                %sub3A_391 = arith.subi %masked_cumsum3A, %select_n3A_307 : vector<16xi32>
                %broadcast_in_dim3A_392 = arith.constant 0 : i32
                %broadcast_in_dim3A_393 = vector.broadcast %broadcast_in_dim3A_392 : i32 to vector<16xi32>
                %add3A_394 = arith.addi %sub3A_391, %broadcast_in_dim3A_393 : vector<16xi32>
                %sub3A_395 = arith.subi %broadcast_in_dim3A_240, %add3A_394 : vector<16xi32>
                %broadcast_in_dim3A_396 = vector.broadcast %or3A_257 : i32 to vector<16xi32>
                %and3A_397 = arith.andi %gather3A, %broadcast_in_dim3A_396 : vector<16xi32>
                %le3A = arith.cmpi sle, %and3A_397, %sub3A_395 : vector<16xi32>
                %ge3A_398 = arith.constant 1 : i32
                %ge3A_399 = vector.broadcast %ge3A_398 : i32 to vector<16xi32>
                %ge3A_400 = arith.cmpi sge, %sub3A_395, %ge3A_399 : vector<16xi32>
                %and3A_401 = arith.andi %ge3A_400, %le3A : vector<16xi1>
                %sub3A_402 = arith.subi %masked_cumsum3A_347, %select_n3A_312 : vector<16xi32>
                %broadcast_in_dim3A_403 = vector.broadcast %add3A_369 : i32 to vector<16xi32>
                %add3A_404 = arith.addi %sub3A_402, %broadcast_in_dim3A_403 : vector<16xi32>
                %sub3A_405 = arith.subi %broadcast_in_dim3A_240, %add3A_404 : vector<16xi32>
                %broadcast_in_dim3A_406 = vector.broadcast %or3A_257 : i32 to vector<16xi32>
                %and3A_407 = arith.andi %gather3A_203, %broadcast_in_dim3A_406 : vector<16xi32>
                %le3A_408 = arith.cmpi sle, %and3A_407, %sub3A_405 : vector<16xi32>
                %ge3A_409 = arith.constant 1 : i32
                %ge3A_410 = vector.broadcast %ge3A_409 : i32 to vector<16xi32>
                %ge3A_411 = arith.cmpi sge, %sub3A_405, %ge3A_410 : vector<16xi32>
                %and3A_412 = arith.andi %ge3A_411, %le3A_408 : vector<16xi1>
                %sub3A_413 = arith.subi %masked_cumsum3A_350, %select_n3A_317 : vector<16xi32>
                %broadcast_in_dim3A_414 = vector.broadcast %add3A_372 : i32 to vector<16xi32>
                %add3A_415 = arith.addi %sub3A_413, %broadcast_in_dim3A_414 : vector<16xi32>
                %sub3A_416 = arith.subi %broadcast_in_dim3A_240, %add3A_415 : vector<16xi32>
                %broadcast_in_dim3A_417 = vector.broadcast %or3A_257 : i32 to vector<16xi32>
                %and3A_418 = arith.andi %gather3A_209, %broadcast_in_dim3A_417 : vector<16xi32>
                %le3A_419 = arith.cmpi sle, %and3A_418, %sub3A_416 : vector<16xi32>
                %ge3A_420 = arith.constant 1 : i32
                %ge3A_421 = vector.broadcast %ge3A_420 : i32 to vector<16xi32>
                %ge3A_422 = arith.cmpi sge, %sub3A_416, %ge3A_421 : vector<16xi32>
                %and3A_423 = arith.andi %ge3A_422, %le3A_419 : vector<16xi1>
                %sub3A_424 = arith.subi %masked_cumsum3A_353, %select_n3A_322 : vector<16xi32>
                %broadcast_in_dim3A_425 = vector.broadcast %add3A_375 : i32 to vector<16xi32>
                %add3A_426 = arith.addi %sub3A_424, %broadcast_in_dim3A_425 : vector<16xi32>
                %sub3A_427 = arith.subi %broadcast_in_dim3A_240, %add3A_426 : vector<16xi32>
                %broadcast_in_dim3A_428 = vector.broadcast %or3A_257 : i32 to vector<16xi32>
                %and3A_429 = arith.andi %gather3A_215, %broadcast_in_dim3A_428 : vector<16xi32>
                %le3A_430 = arith.cmpi sle, %and3A_429, %sub3A_427 : vector<16xi32>
                %ge3A_431 = arith.constant 1 : i32
                %ge3A_432 = vector.broadcast %ge3A_431 : i32 to vector<16xi32>
                %ge3A_433 = arith.cmpi sge, %sub3A_427, %ge3A_432 : vector<16xi32>
                %and3A_434 = arith.andi %ge3A_433, %le3A_430 : vector<16xi1>
                %sub3A_435 = arith.subi %masked_cumsum3A_356, %select_n3A_327 : vector<16xi32>
                %broadcast_in_dim3A_436 = vector.broadcast %add3A_378 : i32 to vector<16xi32>
                %add3A_437 = arith.addi %sub3A_435, %broadcast_in_dim3A_436 : vector<16xi32>
                %sub3A_438 = arith.subi %broadcast_in_dim3A_240, %add3A_437 : vector<16xi32>
                %broadcast_in_dim3A_439 = vector.broadcast %or3A_257 : i32 to vector<16xi32>
                %and3A_440 = arith.andi %gather3A_221, %broadcast_in_dim3A_439 : vector<16xi32>
                %le3A_441 = arith.cmpi sle, %and3A_440, %sub3A_438 : vector<16xi32>
                %ge3A_442 = arith.constant 1 : i32
                %ge3A_443 = vector.broadcast %ge3A_442 : i32 to vector<16xi32>
                %ge3A_444 = arith.cmpi sge, %sub3A_438, %ge3A_443 : vector<16xi32>
                %and3A_445 = arith.andi %ge3A_444, %le3A_441 : vector<16xi1>
                %sub3A_446 = arith.subi %masked_cumsum3A_359, %select_n3A_332 : vector<16xi32>
                %broadcast_in_dim3A_447 = vector.broadcast %add3A_381 : i32 to vector<16xi32>
                %add3A_448 = arith.addi %sub3A_446, %broadcast_in_dim3A_447 : vector<16xi32>
                %sub3A_449 = arith.subi %broadcast_in_dim3A_240, %add3A_448 : vector<16xi32>
                %broadcast_in_dim3A_450 = vector.broadcast %or3A_257 : i32 to vector<16xi32>
                %and3A_451 = arith.andi %gather3A_227, %broadcast_in_dim3A_450 : vector<16xi32>
                %le3A_452 = arith.cmpi sle, %and3A_451, %sub3A_449 : vector<16xi32>
                %ge3A_453 = arith.constant 1 : i32
                %ge3A_454 = vector.broadcast %ge3A_453 : i32 to vector<16xi32>
                %ge3A_455 = arith.cmpi sge, %sub3A_449, %ge3A_454 : vector<16xi32>
                %and3A_456 = arith.andi %ge3A_455, %le3A_452 : vector<16xi1>
                %sub3A_457 = arith.subi %masked_cumsum3A_362, %select_n3A_337 : vector<16xi32>
                %broadcast_in_dim3A_458 = vector.broadcast %add3A_384 : i32 to vector<16xi32>
                %add3A_459 = arith.addi %sub3A_457, %broadcast_in_dim3A_458 : vector<16xi32>
                %sub3A_460 = arith.subi %broadcast_in_dim3A_240, %add3A_459 : vector<16xi32>
                %broadcast_in_dim3A_461 = vector.broadcast %or3A_257 : i32 to vector<16xi32>
                %and3A_462 = arith.andi %gather3A_233, %broadcast_in_dim3A_461 : vector<16xi32>
                %le3A_463 = arith.cmpi sle, %and3A_462, %sub3A_460 : vector<16xi32>
                %ge3A_464 = arith.constant 1 : i32
                %ge3A_465 = vector.broadcast %ge3A_464 : i32 to vector<16xi32>
                %ge3A_466 = arith.cmpi sge, %sub3A_460, %ge3A_465 : vector<16xi32>
                %and3A_467 = arith.andi %ge3A_466, %le3A_463 : vector<16xi1>
                %sub3A_468 = arith.subi %masked_cumsum3A_365, %select_n3A_342 : vector<16xi32>
                %broadcast_in_dim3A_469 = vector.broadcast %add3A_387 : i32 to vector<16xi32>
                %add3A_470 = arith.addi %sub3A_468, %broadcast_in_dim3A_469 : vector<16xi32>
                %sub3A_471 = arith.subi %broadcast_in_dim3A_240, %add3A_470 : vector<16xi32>
                %broadcast_in_dim3A_472 = vector.broadcast %or3A_257 : i32 to vector<16xi32>
                %and3A_473 = arith.andi %gather3A_239, %broadcast_in_dim3A_472 : vector<16xi32>
                %le3A_474 = arith.cmpi sle, %and3A_473, %sub3A_471 : vector<16xi32>
                %ge3A_475 = arith.constant 1 : i32
                %ge3A_476 = vector.broadcast %ge3A_475 : i32 to vector<16xi32>
                %ge3A_477 = arith.cmpi sge, %sub3A_471, %ge3A_476 : vector<16xi32>
                %and3A_478 = arith.andi %ge3A_477, %le3A_474 : vector<16xi1>
                %ne3A_479 = arith.xori %and3A_401, %while3A_293 : vector<16xi1>
                %ne3A_480 = arith.xori %and3A_412, %while3A_294 : vector<16xi1>
                %or3A_481 = arith.ori %ne3A_479, %ne3A_480 : vector<16xi1>
                %ne3A_482 = arith.xori %and3A_423, %while3A_295 : vector<16xi1>
                %or3A_483 = arith.ori %or3A_481, %ne3A_482 : vector<16xi1>
                %ne3A_484 = arith.xori %and3A_434, %while3A_296 : vector<16xi1>
                %or3A_485 = arith.ori %or3A_483, %ne3A_484 : vector<16xi1>
                %ne3A_486 = arith.xori %and3A_445, %while3A_297 : vector<16xi1>
                %or3A_487 = arith.ori %or3A_485, %ne3A_486 : vector<16xi1>
                %ne3A_488 = arith.xori %and3A_456, %while3A_298 : vector<16xi1>
                %or3A_489 = arith.ori %or3A_487, %ne3A_488 : vector<16xi1>
                %ne3A_490 = arith.xori %and3A_467, %while3A_299 : vector<16xi1>
                %or3A_491 = arith.ori %or3A_489, %ne3A_490 : vector<16xi1>
                %ne3A_492 = arith.xori %and3A_478, %while3A_300 : vector<16xi1>
                %or3A_493 = arith.ori %or3A_491, %ne3A_492 : vector<16xi1>
                %all_reduce_population_count3A = tpu.all_reduce %or3A_493 {dim = 0 : i64, kind = #tpu.reduction_kind<sum>} : vector<16xi1> -> vector<16xi32>
                %slice3A_494 = vector.extract_strided_slice %all_reduce_population_count3A {offsets = [0], sizes = [1], strides = [1]} : vector<16xi32> to vector<1xi32>
                %squeeze3A_495 = vector.extract %slice3A_494[0] : i32 from vector<1xi32>
                scf.yield %and3A_401, %and3A_412, %and3A_423, %and3A_434, %and3A_445, %and3A_456, %and3A_467, %and3A_478, %squeeze3A_495, %add3A_390 : vector<16xi1>, vector<16xi1>, vector<16xi1>, vector<16xi1>, vector<16xi1>, vector<16xi1>, vector<16xi1>, vector<16xi1>, i32, i32
              }
              scf.yield %while3A_292#0, %while3A_292#1, %while3A_292#2, %while3A_292#3, %while3A_292#4, %while3A_292#5, %while3A_292#6, %while3A_292#7, %while3A_292#8, %while3A_292#9 : vector<16xi1>, vector<16xi1>, vector<16xi1>, vector<16xi1>, vector<16xi1>, vector<16xi1>, vector<16xi1>, vector<16xi1>, i32, i32
            } else {
              %while3A_290 = arith.constant 1 : i32
              %while3A_291 = arith.constant 0 : i32
              %while3A_292:10 = scf.while (%while3A_293 = %ge3A_242, %while3A_294 = %ge3A_242, %while3A_295 = %ge3A_242, %while3A_296 = %ge3A_242, %while3A_297 = %ge3A_242, %while3A_298 = %ge3A_242, %while3A_299 = %ge3A_242, %while3A_300 = %ge3A_242, %while3A_301 = %while3A_290, %while3A_302 = %while3A_291) : (vector<16xi1>, vector<16xi1>, vector<16xi1>, vector<16xi1>, vector<16xi1>, vector<16xi1>, vector<16xi1>, vector<16xi1>, i32, i32) -> (vector<16xi1>, vector<16xi1>, vector<16xi1>, vector<16xi1>, vector<16xi1>, vector<16xi1>, vector<16xi1>, vector<16xi1>, i32, i32) {
                %ne3A_303 = arith.constant 0 : i32
                %ne3A_304 = arith.cmpi ne, %while3A_301, %ne3A_303 : i32
                scf.condition(%ne3A_304) %while3A_293, %while3A_294, %while3A_295, %while3A_296, %while3A_297, %while3A_298, %while3A_299, %while3A_300, %while3A_301, %while3A_302 : vector<16xi1>, vector<16xi1>, vector<16xi1>, vector<16xi1>, vector<16xi1>, vector<16xi1>, vector<16xi1>, vector<16xi1>, i32, i32
              } do {
              ^bb0(%while3A_293: vector<16xi1>, %while3A_294: vector<16xi1>, %while3A_295: vector<16xi1>, %while3A_296: vector<16xi1>, %while3A_297: vector<16xi1>, %while3A_298: vector<16xi1>, %while3A_299: vector<16xi1>, %while3A_300: vector<16xi1>, %while3A_301: i32, %while3A_302: i32):
                %jit3A_303 = arith.constant 1 : i32
                %jit3A_304 = arith.constant 0 : i32
                %broadcast_in_dim3A_305 = vector.broadcast %jit3A_303 : i32 to vector<16xi32>
                %broadcast_in_dim3A_306 = vector.broadcast %jit3A_304 : i32 to vector<16xi32>
                %select_n3A_307 = arith.select %while3A_293, %broadcast_in_dim3A_305, %broadcast_in_dim3A_306 : vector<16xi1>, vector<16xi32>
                %jit3A_308 = arith.constant 1 : i32
                %jit3A_309 = arith.constant 0 : i32
                %broadcast_in_dim3A_310 = vector.broadcast %jit3A_308 : i32 to vector<16xi32>
                %broadcast_in_dim3A_311 = vector.broadcast %jit3A_309 : i32 to vector<16xi32>
                %select_n3A_312 = arith.select %while3A_294, %broadcast_in_dim3A_310, %broadcast_in_dim3A_311 : vector<16xi1>, vector<16xi32>
                %jit3A_313 = arith.constant 1 : i32
                %jit3A_314 = arith.constant 0 : i32
                %broadcast_in_dim3A_315 = vector.broadcast %jit3A_313 : i32 to vector<16xi32>
                %broadcast_in_dim3A_316 = vector.broadcast %jit3A_314 : i32 to vector<16xi32>
                %select_n3A_317 = arith.select %while3A_295, %broadcast_in_dim3A_315, %broadcast_in_dim3A_316 : vector<16xi1>, vector<16xi32>
                %jit3A_318 = arith.constant 1 : i32
                %jit3A_319 = arith.constant 0 : i32
                %broadcast_in_dim3A_320 = vector.broadcast %jit3A_318 : i32 to vector<16xi32>
                %broadcast_in_dim3A_321 = vector.broadcast %jit3A_319 : i32 to vector<16xi32>
                %select_n3A_322 = arith.select %while3A_296, %broadcast_in_dim3A_320, %broadcast_in_dim3A_321 : vector<16xi1>, vector<16xi32>
                %jit3A_323 = arith.constant 1 : i32
                %jit3A_324 = arith.constant 0 : i32
                %broadcast_in_dim3A_325 = vector.broadcast %jit3A_323 : i32 to vector<16xi32>
                %broadcast_in_dim3A_326 = vector.broadcast %jit3A_324 : i32 to vector<16xi32>
                %select_n3A_327 = arith.select %while3A_297, %broadcast_in_dim3A_325, %broadcast_in_dim3A_326 : vector<16xi1>, vector<16xi32>
                %jit3A_328 = arith.constant 1 : i32
                %jit3A_329 = arith.constant 0 : i32
                %broadcast_in_dim3A_330 = vector.broadcast %jit3A_328 : i32 to vector<16xi32>
                %broadcast_in_dim3A_331 = vector.broadcast %jit3A_329 : i32 to vector<16xi32>
                %select_n3A_332 = arith.select %while3A_298, %broadcast_in_dim3A_330, %broadcast_in_dim3A_331 : vector<16xi1>, vector<16xi32>
                %jit3A_333 = arith.constant 1 : i32
                %jit3A_334 = arith.constant 0 : i32
                %broadcast_in_dim3A_335 = vector.broadcast %jit3A_333 : i32 to vector<16xi32>
                %broadcast_in_dim3A_336 = vector.broadcast %jit3A_334 : i32 to vector<16xi32>
                %select_n3A_337 = arith.select %while3A_299, %broadcast_in_dim3A_335, %broadcast_in_dim3A_336 : vector<16xi1>, vector<16xi32>
                %jit3A_338 = arith.constant 1 : i32
                %jit3A_339 = arith.constant 0 : i32
                %broadcast_in_dim3A_340 = vector.broadcast %jit3A_338 : i32 to vector<16xi32>
                %broadcast_in_dim3A_341 = vector.broadcast %jit3A_339 : i32 to vector<16xi32>
                %select_n3A_342 = arith.select %while3A_300, %broadcast_in_dim3A_340, %broadcast_in_dim3A_341 : vector<16xi1>, vector<16xi32>
                %broadcast_in_dim3A_343 = arith.constant true
                %broadcast_in_dim3A_344 = vector.broadcast %broadcast_in_dim3A_343 : i1 to vector<16xi1>
                %masked_cumsum3A = tpu.scan <sum>, %select_n3A_307 masked %broadcast_in_dim3A_344 : vector<16xi32>, vector<16xi1> -> vector<16xi32>
                %broadcast_in_dim3A_345 = arith.constant true
                %broadcast_in_dim3A_346 = vector.broadcast %broadcast_in_dim3A_345 : i1 to vector<16xi1>
                %masked_cumsum3A_347 = tpu.scan <sum>, %select_n3A_312 masked %broadcast_in_dim3A_346 : vector<16xi32>, vector<16xi1> -> vector<16xi32>
                %broadcast_in_dim3A_348 = arith.constant true
                %broadcast_in_dim3A_349 = vector.broadcast %broadcast_in_dim3A_348 : i1 to vector<16xi1>
                %masked_cumsum3A_350 = tpu.scan <sum>, %select_n3A_317 masked %broadcast_in_dim3A_349 : vector<16xi32>, vector<16xi1> -> vector<16xi32>
                %broadcast_in_dim3A_351 = arith.constant true
                %broadcast_in_dim3A_352 = vector.broadcast %broadcast_in_dim3A_351 : i1 to vector<16xi1>
                %masked_cumsum3A_353 = tpu.scan <sum>, %select_n3A_322 masked %broadcast_in_dim3A_352 : vector<16xi32>, vector<16xi1> -> vector<16xi32>
                %broadcast_in_dim3A_354 = arith.constant true
                %broadcast_in_dim3A_355 = vector.broadcast %broadcast_in_dim3A_354 : i1 to vector<16xi1>
                %masked_cumsum3A_356 = tpu.scan <sum>, %select_n3A_327 masked %broadcast_in_dim3A_355 : vector<16xi32>, vector<16xi1> -> vector<16xi32>
                %broadcast_in_dim3A_357 = arith.constant true
                %broadcast_in_dim3A_358 = vector.broadcast %broadcast_in_dim3A_357 : i1 to vector<16xi1>
                %masked_cumsum3A_359 = tpu.scan <sum>, %select_n3A_332 masked %broadcast_in_dim3A_358 : vector<16xi32>, vector<16xi1> -> vector<16xi32>
                %broadcast_in_dim3A_360 = arith.constant true
                %broadcast_in_dim3A_361 = vector.broadcast %broadcast_in_dim3A_360 : i1 to vector<16xi1>
                %masked_cumsum3A_362 = tpu.scan <sum>, %select_n3A_337 masked %broadcast_in_dim3A_361 : vector<16xi32>, vector<16xi1> -> vector<16xi32>
                %broadcast_in_dim3A_363 = arith.constant true
                %broadcast_in_dim3A_364 = vector.broadcast %broadcast_in_dim3A_363 : i1 to vector<16xi1>
                %masked_cumsum3A_365 = tpu.scan <sum>, %select_n3A_342 masked %broadcast_in_dim3A_364 : vector<16xi32>, vector<16xi1> -> vector<16xi32>
                %slice3A_366 = vector.extract_strided_slice %masked_cumsum3A {offsets = [15], sizes = [1], strides = [1]} : vector<16xi32> to vector<1xi32>
                %squeeze3A_367 = vector.extract %slice3A_366[0] : i32 from vector<1xi32>
                %add3A_368 = arith.constant 0 : i32
                %add3A_369 = arith.addi %add3A_368, %squeeze3A_367 : i32
                %slice3A_370 = vector.extract_strided_slice %masked_cumsum3A_347 {offsets = [15], sizes = [1], strides = [1]} : vector<16xi32> to vector<1xi32>
                %squeeze3A_371 = vector.extract %slice3A_370[0] : i32 from vector<1xi32>
                %add3A_372 = arith.addi %add3A_369, %squeeze3A_371 : i32
                %slice3A_373 = vector.extract_strided_slice %masked_cumsum3A_350 {offsets = [15], sizes = [1], strides = [1]} : vector<16xi32> to vector<1xi32>
                %squeeze3A_374 = vector.extract %slice3A_373[0] : i32 from vector<1xi32>
                %add3A_375 = arith.addi %add3A_372, %squeeze3A_374 : i32
                %slice3A_376 = vector.extract_strided_slice %masked_cumsum3A_353 {offsets = [15], sizes = [1], strides = [1]} : vector<16xi32> to vector<1xi32>
                %squeeze3A_377 = vector.extract %slice3A_376[0] : i32 from vector<1xi32>
                %add3A_378 = arith.addi %add3A_375, %squeeze3A_377 : i32
                %slice3A_379 = vector.extract_strided_slice %masked_cumsum3A_356 {offsets = [15], sizes = [1], strides = [1]} : vector<16xi32> to vector<1xi32>
                %squeeze3A_380 = vector.extract %slice3A_379[0] : i32 from vector<1xi32>
                %add3A_381 = arith.addi %add3A_378, %squeeze3A_380 : i32
                %slice3A_382 = vector.extract_strided_slice %masked_cumsum3A_359 {offsets = [15], sizes = [1], strides = [1]} : vector<16xi32> to vector<1xi32>
                %squeeze3A_383 = vector.extract %slice3A_382[0] : i32 from vector<1xi32>
                %add3A_384 = arith.addi %add3A_381, %squeeze3A_383 : i32
                %slice3A_385 = vector.extract_strided_slice %masked_cumsum3A_362 {offsets = [15], sizes = [1], strides = [1]} : vector<16xi32> to vector<1xi32>
                %squeeze3A_386 = vector.extract %slice3A_385[0] : i32 from vector<1xi32>
                %add3A_387 = arith.addi %add3A_384, %squeeze3A_386 : i32
                %slice3A_388 = vector.extract_strided_slice %masked_cumsum3A_365 {offsets = [15], sizes = [1], strides = [1]} : vector<16xi32> to vector<1xi32>
                %squeeze3A_389 = vector.extract %slice3A_388[0] : i32 from vector<1xi32>
                %add3A_390 = arith.addi %add3A_387, %squeeze3A_389 : i32
                %sub3A_391 = arith.subi %masked_cumsum3A, %select_n3A_307 : vector<16xi32>
                %broadcast_in_dim3A_392 = arith.constant 0 : i32
                %broadcast_in_dim3A_393 = vector.broadcast %broadcast_in_dim3A_392 : i32 to vector<16xi32>
                %add3A_394 = arith.addi %sub3A_391, %broadcast_in_dim3A_393 : vector<16xi32>
                %sub3A_395 = arith.subi %broadcast_in_dim3A_240, %add3A_394 : vector<16xi32>
                %shift_right_arithmetic3A_396 = arith.constant 1 : i32
                %shift_right_arithmetic3A_397 = vector.broadcast %shift_right_arithmetic3A_396 : i32 to vector<16xi32>
                %shift_right_arithmetic3A_398 = arith.shrsi %sub3A_395, %shift_right_arithmetic3A_397 : vector<16xi32>
                %or3A_399 = arith.ori %sub3A_395, %shift_right_arithmetic3A_398 : vector<16xi32>
                %shift_right_arithmetic3A_400 = arith.constant 2 : i32
                %shift_right_arithmetic3A_401 = vector.broadcast %shift_right_arithmetic3A_400 : i32 to vector<16xi32>
                %shift_right_arithmetic3A_402 = arith.shrsi %or3A_399, %shift_right_arithmetic3A_401 : vector<16xi32>
                %or3A_403 = arith.ori %or3A_399, %shift_right_arithmetic3A_402 : vector<16xi32>
                %shift_right_arithmetic3A_404 = arith.constant 4 : i32
                %shift_right_arithmetic3A_405 = vector.broadcast %shift_right_arithmetic3A_404 : i32 to vector<16xi32>
                %shift_right_arithmetic3A_406 = arith.shrsi %or3A_403, %shift_right_arithmetic3A_405 : vector<16xi32>
                %or3A_407 = arith.ori %or3A_403, %shift_right_arithmetic3A_406 : vector<16xi32>
                %shift_right_arithmetic3A_408 = arith.constant 8 : i32
                %shift_right_arithmetic3A_409 = vector.broadcast %shift_right_arithmetic3A_408 : i32 to vector<16xi32>
                %shift_right_arithmetic3A_410 = arith.shrsi %or3A_407, %shift_right_arithmetic3A_409 : vector<16xi32>
                %or3A_411 = arith.ori %or3A_407, %shift_right_arithmetic3A_410 : vector<16xi32>
                %shift_right_arithmetic3A_412 = arith.constant 16 : i32
                %shift_right_arithmetic3A_413 = vector.broadcast %shift_right_arithmetic3A_412 : i32 to vector<16xi32>
                %shift_right_arithmetic3A_414 = arith.shrsi %or3A_411, %shift_right_arithmetic3A_413 : vector<16xi32>
                %or3A_415 = arith.ori %or3A_411, %shift_right_arithmetic3A_414 : vector<16xi32>
                %and3A_416 = arith.andi %gather3A, %or3A_415 : vector<16xi32>
                %le3A = arith.cmpi sle, %and3A_416, %sub3A_395 : vector<16xi32>
                %ge3A_417 = arith.constant 1 : i32
                %ge3A_418 = vector.broadcast %ge3A_417 : i32 to vector<16xi32>
                %ge3A_419 = arith.cmpi sge, %sub3A_395, %ge3A_418 : vector<16xi32>
                %and3A_420 = arith.andi %ge3A_419, %le3A : vector<16xi1>
                %sub3A_421 = arith.subi %masked_cumsum3A_347, %select_n3A_312 : vector<16xi32>
                %broadcast_in_dim3A_422 = vector.broadcast %add3A_369 : i32 to vector<16xi32>
                %add3A_423 = arith.addi %sub3A_421, %broadcast_in_dim3A_422 : vector<16xi32>
                %sub3A_424 = arith.subi %broadcast_in_dim3A_240, %add3A_423 : vector<16xi32>
                %shift_right_arithmetic3A_425 = arith.constant 1 : i32
                %shift_right_arithmetic3A_426 = vector.broadcast %shift_right_arithmetic3A_425 : i32 to vector<16xi32>
                %shift_right_arithmetic3A_427 = arith.shrsi %sub3A_424, %shift_right_arithmetic3A_426 : vector<16xi32>
                %or3A_428 = arith.ori %sub3A_424, %shift_right_arithmetic3A_427 : vector<16xi32>
                %shift_right_arithmetic3A_429 = arith.constant 2 : i32
                %shift_right_arithmetic3A_430 = vector.broadcast %shift_right_arithmetic3A_429 : i32 to vector<16xi32>
                %shift_right_arithmetic3A_431 = arith.shrsi %or3A_428, %shift_right_arithmetic3A_430 : vector<16xi32>
                %or3A_432 = arith.ori %or3A_428, %shift_right_arithmetic3A_431 : vector<16xi32>
                %shift_right_arithmetic3A_433 = arith.constant 4 : i32
                %shift_right_arithmetic3A_434 = vector.broadcast %shift_right_arithmetic3A_433 : i32 to vector<16xi32>
                %shift_right_arithmetic3A_435 = arith.shrsi %or3A_432, %shift_right_arithmetic3A_434 : vector<16xi32>
                %or3A_436 = arith.ori %or3A_432, %shift_right_arithmetic3A_435 : vector<16xi32>
                %shift_right_arithmetic3A_437 = arith.constant 8 : i32
                %shift_right_arithmetic3A_438 = vector.broadcast %shift_right_arithmetic3A_437 : i32 to vector<16xi32>
                %shift_right_arithmetic3A_439 = arith.shrsi %or3A_436, %shift_right_arithmetic3A_438 : vector<16xi32>
                %or3A_440 = arith.ori %or3A_436, %shift_right_arithmetic3A_439 : vector<16xi32>
                %shift_right_arithmetic3A_441 = arith.constant 16 : i32
                %shift_right_arithmetic3A_442 = vector.broadcast %shift_right_arithmetic3A_441 : i32 to vector<16xi32>
                %shift_right_arithmetic3A_443 = arith.shrsi %or3A_440, %shift_right_arithmetic3A_442 : vector<16xi32>
                %or3A_444 = arith.ori %or3A_440, %shift_right_arithmetic3A_443 : vector<16xi32>
                %and3A_445 = arith.andi %gather3A_203, %or3A_444 : vector<16xi32>
                %le3A_446 = arith.cmpi sle, %and3A_445, %sub3A_424 : vector<16xi32>
                %ge3A_447 = arith.constant 1 : i32
                %ge3A_448 = vector.broadcast %ge3A_447 : i32 to vector<16xi32>
                %ge3A_449 = arith.cmpi sge, %sub3A_424, %ge3A_448 : vector<16xi32>
                %and3A_450 = arith.andi %ge3A_449, %le3A_446 : vector<16xi1>
                %sub3A_451 = arith.subi %masked_cumsum3A_350, %select_n3A_317 : vector<16xi32>
                %broadcast_in_dim3A_452 = vector.broadcast %add3A_372 : i32 to vector<16xi32>
                %add3A_453 = arith.addi %sub3A_451, %broadcast_in_dim3A_452 : vector<16xi32>
                %sub3A_454 = arith.subi %broadcast_in_dim3A_240, %add3A_453 : vector<16xi32>
                %shift_right_arithmetic3A_455 = arith.constant 1 : i32
                %shift_right_arithmetic3A_456 = vector.broadcast %shift_right_arithmetic3A_455 : i32 to vector<16xi32>
                %shift_right_arithmetic3A_457 = arith.shrsi %sub3A_454, %shift_right_arithmetic3A_456 : vector<16xi32>
                %or3A_458 = arith.ori %sub3A_454, %shift_right_arithmetic3A_457 : vector<16xi32>
                %shift_right_arithmetic3A_459 = arith.constant 2 : i32
                %shift_right_arithmetic3A_460 = vector.broadcast %shift_right_arithmetic3A_459 : i32 to vector<16xi32>
                %shift_right_arithmetic3A_461 = arith.shrsi %or3A_458, %shift_right_arithmetic3A_460 : vector<16xi32>
                %or3A_462 = arith.ori %or3A_458, %shift_right_arithmetic3A_461 : vector<16xi32>
                %shift_right_arithmetic3A_463 = arith.constant 4 : i32
                %shift_right_arithmetic3A_464 = vector.broadcast %shift_right_arithmetic3A_463 : i32 to vector<16xi32>
                %shift_right_arithmetic3A_465 = arith.shrsi %or3A_462, %shift_right_arithmetic3A_464 : vector<16xi32>
                %or3A_466 = arith.ori %or3A_462, %shift_right_arithmetic3A_465 : vector<16xi32>
                %shift_right_arithmetic3A_467 = arith.constant 8 : i32
                %shift_right_arithmetic3A_468 = vector.broadcast %shift_right_arithmetic3A_467 : i32 to vector<16xi32>
                %shift_right_arithmetic3A_469 = arith.shrsi %or3A_466, %shift_right_arithmetic3A_468 : vector<16xi32>
                %or3A_470 = arith.ori %or3A_466, %shift_right_arithmetic3A_469 : vector<16xi32>
                %shift_right_arithmetic3A_471 = arith.constant 16 : i32
                %shift_right_arithmetic3A_472 = vector.broadcast %shift_right_arithmetic3A_471 : i32 to vector<16xi32>
                %shift_right_arithmetic3A_473 = arith.shrsi %or3A_470, %shift_right_arithmetic3A_472 : vector<16xi32>
                %or3A_474 = arith.ori %or3A_470, %shift_right_arithmetic3A_473 : vector<16xi32>
                %and3A_475 = arith.andi %gather3A_209, %or3A_474 : vector<16xi32>
                %le3A_476 = arith.cmpi sle, %and3A_475, %sub3A_454 : vector<16xi32>
                %ge3A_477 = arith.constant 1 : i32
                %ge3A_478 = vector.broadcast %ge3A_477 : i32 to vector<16xi32>
                %ge3A_479 = arith.cmpi sge, %sub3A_454, %ge3A_478 : vector<16xi32>
                %and3A_480 = arith.andi %ge3A_479, %le3A_476 : vector<16xi1>
                %sub3A_481 = arith.subi %masked_cumsum3A_353, %select_n3A_322 : vector<16xi32>
                %broadcast_in_dim3A_482 = vector.broadcast %add3A_375 : i32 to vector<16xi32>
                %add3A_483 = arith.addi %sub3A_481, %broadcast_in_dim3A_482 : vector<16xi32>
                %sub3A_484 = arith.subi %broadcast_in_dim3A_240, %add3A_483 : vector<16xi32>
                %shift_right_arithmetic3A_485 = arith.constant 1 : i32
                %shift_right_arithmetic3A_486 = vector.broadcast %shift_right_arithmetic3A_485 : i32 to vector<16xi32>
                %shift_right_arithmetic3A_487 = arith.shrsi %sub3A_484, %shift_right_arithmetic3A_486 : vector<16xi32>
                %or3A_488 = arith.ori %sub3A_484, %shift_right_arithmetic3A_487 : vector<16xi32>
                %shift_right_arithmetic3A_489 = arith.constant 2 : i32
                %shift_right_arithmetic3A_490 = vector.broadcast %shift_right_arithmetic3A_489 : i32 to vector<16xi32>
                %shift_right_arithmetic3A_491 = arith.shrsi %or3A_488, %shift_right_arithmetic3A_490 : vector<16xi32>
                %or3A_492 = arith.ori %or3A_488, %shift_right_arithmetic3A_491 : vector<16xi32>
                %shift_right_arithmetic3A_493 = arith.constant 4 : i32
                %shift_right_arithmetic3A_494 = vector.broadcast %shift_right_arithmetic3A_493 : i32 to vector<16xi32>
                %shift_right_arithmetic3A_495 = arith.shrsi %or3A_492, %shift_right_arithmetic3A_494 : vector<16xi32>
                %or3A_496 = arith.ori %or3A_492, %shift_right_arithmetic3A_495 : vector<16xi32>
                %shift_right_arithmetic3A_497 = arith.constant 8 : i32
                %shift_right_arithmetic3A_498 = vector.broadcast %shift_right_arithmetic3A_497 : i32 to vector<16xi32>
                %shift_right_arithmetic3A_499 = arith.shrsi %or3A_496, %shift_right_arithmetic3A_498 : vector<16xi32>
                %or3A_500 = arith.ori %or3A_496, %shift_right_arithmetic3A_499 : vector<16xi32>
                %shift_right_arithmetic3A_501 = arith.constant 16 : i32
                %shift_right_arithmetic3A_502 = vector.broadcast %shift_right_arithmetic3A_501 : i32 to vector<16xi32>
                %shift_right_arithmetic3A_503 = arith.shrsi %or3A_500, %shift_right_arithmetic3A_502 : vector<16xi32>
                %or3A_504 = arith.ori %or3A_500, %shift_right_arithmetic3A_503 : vector<16xi32>
                %and3A_505 = arith.andi %gather3A_215, %or3A_504 : vector<16xi32>
                %le3A_506 = arith.cmpi sle, %and3A_505, %sub3A_484 : vector<16xi32>
                %ge3A_507 = arith.constant 1 : i32
                %ge3A_508 = vector.broadcast %ge3A_507 : i32 to vector<16xi32>
                %ge3A_509 = arith.cmpi sge, %sub3A_484, %ge3A_508 : vector<16xi32>
                %and3A_510 = arith.andi %ge3A_509, %le3A_506 : vector<16xi1>
                %sub3A_511 = arith.subi %masked_cumsum3A_356, %select_n3A_327 : vector<16xi32>
                %broadcast_in_dim3A_512 = vector.broadcast %add3A_378 : i32 to vector<16xi32>
                %add3A_513 = arith.addi %sub3A_511, %broadcast_in_dim3A_512 : vector<16xi32>
                %sub3A_514 = arith.subi %broadcast_in_dim3A_240, %add3A_513 : vector<16xi32>
                %shift_right_arithmetic3A_515 = arith.constant 1 : i32
                %shift_right_arithmetic3A_516 = vector.broadcast %shift_right_arithmetic3A_515 : i32 to vector<16xi32>
                %shift_right_arithmetic3A_517 = arith.shrsi %sub3A_514, %shift_right_arithmetic3A_516 : vector<16xi32>
                %or3A_518 = arith.ori %sub3A_514, %shift_right_arithmetic3A_517 : vector<16xi32>
                %shift_right_arithmetic3A_519 = arith.constant 2 : i32
                %shift_right_arithmetic3A_520 = vector.broadcast %shift_right_arithmetic3A_519 : i32 to vector<16xi32>
                %shift_right_arithmetic3A_521 = arith.shrsi %or3A_518, %shift_right_arithmetic3A_520 : vector<16xi32>
                %or3A_522 = arith.ori %or3A_518, %shift_right_arithmetic3A_521 : vector<16xi32>
                %shift_right_arithmetic3A_523 = arith.constant 4 : i32
                %shift_right_arithmetic3A_524 = vector.broadcast %shift_right_arithmetic3A_523 : i32 to vector<16xi32>
                %shift_right_arithmetic3A_525 = arith.shrsi %or3A_522, %shift_right_arithmetic3A_524 : vector<16xi32>
                %or3A_526 = arith.ori %or3A_522, %shift_right_arithmetic3A_525 : vector<16xi32>
                %shift_right_arithmetic3A_527 = arith.constant 8 : i32
                %shift_right_arithmetic3A_528 = vector.broadcast %shift_right_arithmetic3A_527 : i32 to vector<16xi32>
                %shift_right_arithmetic3A_529 = arith.shrsi %or3A_526, %shift_right_arithmetic3A_528 : vector<16xi32>
                %or3A_530 = arith.ori %or3A_526, %shift_right_arithmetic3A_529 : vector<16xi32>
                %shift_right_arithmetic3A_531 = arith.constant 16 : i32
                %shift_right_arithmetic3A_532 = vector.broadcast %shift_right_arithmetic3A_531 : i32 to vector<16xi32>
                %shift_right_arithmetic3A_533 = arith.shrsi %or3A_530, %shift_right_arithmetic3A_532 : vector<16xi32>
                %or3A_534 = arith.ori %or3A_530, %shift_right_arithmetic3A_533 : vector<16xi32>
                %and3A_535 = arith.andi %gather3A_221, %or3A_534 : vector<16xi32>
                %le3A_536 = arith.cmpi sle, %and3A_535, %sub3A_514 : vector<16xi32>
                %ge3A_537 = arith.constant 1 : i32
                %ge3A_538 = vector.broadcast %ge3A_537 : i32 to vector<16xi32>
                %ge3A_539 = arith.cmpi sge, %sub3A_514, %ge3A_538 : vector<16xi32>
                %and3A_540 = arith.andi %ge3A_539, %le3A_536 : vector<16xi1>
                %sub3A_541 = arith.subi %masked_cumsum3A_359, %select_n3A_332 : vector<16xi32>
                %broadcast_in_dim3A_542 = vector.broadcast %add3A_381 : i32 to vector<16xi32>
                %add3A_543 = arith.addi %sub3A_541, %broadcast_in_dim3A_542 : vector<16xi32>
                %sub3A_544 = arith.subi %broadcast_in_dim3A_240, %add3A_543 : vector<16xi32>
                %shift_right_arithmetic3A_545 = arith.constant 1 : i32
                %shift_right_arithmetic3A_546 = vector.broadcast %shift_right_arithmetic3A_545 : i32 to vector<16xi32>
                %shift_right_arithmetic3A_547 = arith.shrsi %sub3A_544, %shift_right_arithmetic3A_546 : vector<16xi32>
                %or3A_548 = arith.ori %sub3A_544, %shift_right_arithmetic3A_547 : vector<16xi32>
                %shift_right_arithmetic3A_549 = arith.constant 2 : i32
                %shift_right_arithmetic3A_550 = vector.broadcast %shift_right_arithmetic3A_549 : i32 to vector<16xi32>
                %shift_right_arithmetic3A_551 = arith.shrsi %or3A_548, %shift_right_arithmetic3A_550 : vector<16xi32>
                %or3A_552 = arith.ori %or3A_548, %shift_right_arithmetic3A_551 : vector<16xi32>
                %shift_right_arithmetic3A_553 = arith.constant 4 : i32
                %shift_right_arithmetic3A_554 = vector.broadcast %shift_right_arithmetic3A_553 : i32 to vector<16xi32>
                %shift_right_arithmetic3A_555 = arith.shrsi %or3A_552, %shift_right_arithmetic3A_554 : vector<16xi32>
                %or3A_556 = arith.ori %or3A_552, %shift_right_arithmetic3A_555 : vector<16xi32>
                %shift_right_arithmetic3A_557 = arith.constant 8 : i32
                %shift_right_arithmetic3A_558 = vector.broadcast %shift_right_arithmetic3A_557 : i32 to vector<16xi32>
                %shift_right_arithmetic3A_559 = arith.shrsi %or3A_556, %shift_right_arithmetic3A_558 : vector<16xi32>
                %or3A_560 = arith.ori %or3A_556, %shift_right_arithmetic3A_559 : vector<16xi32>
                %shift_right_arithmetic3A_561 = arith.constant 16 : i32
                %shift_right_arithmetic3A_562 = vector.broadcast %shift_right_arithmetic3A_561 : i32 to vector<16xi32>
                %shift_right_arithmetic3A_563 = arith.shrsi %or3A_560, %shift_right_arithmetic3A_562 : vector<16xi32>
                %or3A_564 = arith.ori %or3A_560, %shift_right_arithmetic3A_563 : vector<16xi32>
                %and3A_565 = arith.andi %gather3A_227, %or3A_564 : vector<16xi32>
                %le3A_566 = arith.cmpi sle, %and3A_565, %sub3A_544 : vector<16xi32>
                %ge3A_567 = arith.constant 1 : i32
                %ge3A_568 = vector.broadcast %ge3A_567 : i32 to vector<16xi32>
                %ge3A_569 = arith.cmpi sge, %sub3A_544, %ge3A_568 : vector<16xi32>
                %and3A_570 = arith.andi %ge3A_569, %le3A_566 : vector<16xi1>
                %sub3A_571 = arith.subi %masked_cumsum3A_362, %select_n3A_337 : vector<16xi32>
                %broadcast_in_dim3A_572 = vector.broadcast %add3A_384 : i32 to vector<16xi32>
                %add3A_573 = arith.addi %sub3A_571, %broadcast_in_dim3A_572 : vector<16xi32>
                %sub3A_574 = arith.subi %broadcast_in_dim3A_240, %add3A_573 : vector<16xi32>
                %shift_right_arithmetic3A_575 = arith.constant 1 : i32
                %shift_right_arithmetic3A_576 = vector.broadcast %shift_right_arithmetic3A_575 : i32 to vector<16xi32>
                %shift_right_arithmetic3A_577 = arith.shrsi %sub3A_574, %shift_right_arithmetic3A_576 : vector<16xi32>
                %or3A_578 = arith.ori %sub3A_574, %shift_right_arithmetic3A_577 : vector<16xi32>
                %shift_right_arithmetic3A_579 = arith.constant 2 : i32
                %shift_right_arithmetic3A_580 = vector.broadcast %shift_right_arithmetic3A_579 : i32 to vector<16xi32>
                %shift_right_arithmetic3A_581 = arith.shrsi %or3A_578, %shift_right_arithmetic3A_580 : vector<16xi32>
                %or3A_582 = arith.ori %or3A_578, %shift_right_arithmetic3A_581 : vector<16xi32>
                %shift_right_arithmetic3A_583 = arith.constant 4 : i32
                %shift_right_arithmetic3A_584 = vector.broadcast %shift_right_arithmetic3A_583 : i32 to vector<16xi32>
                %shift_right_arithmetic3A_585 = arith.shrsi %or3A_582, %shift_right_arithmetic3A_584 : vector<16xi32>
                %or3A_586 = arith.ori %or3A_582, %shift_right_arithmetic3A_585 : vector<16xi32>
                %shift_right_arithmetic3A_587 = arith.constant 8 : i32
                %shift_right_arithmetic3A_588 = vector.broadcast %shift_right_arithmetic3A_587 : i32 to vector<16xi32>
                %shift_right_arithmetic3A_589 = arith.shrsi %or3A_586, %shift_right_arithmetic3A_588 : vector<16xi32>
                %or3A_590 = arith.ori %or3A_586, %shift_right_arithmetic3A_589 : vector<16xi32>
                %shift_right_arithmetic3A_591 = arith.constant 16 : i32
                %shift_right_arithmetic3A_592 = vector.broadcast %shift_right_arithmetic3A_591 : i32 to vector<16xi32>
                %shift_right_arithmetic3A_593 = arith.shrsi %or3A_590, %shift_right_arithmetic3A_592 : vector<16xi32>
                %or3A_594 = arith.ori %or3A_590, %shift_right_arithmetic3A_593 : vector<16xi32>
                %and3A_595 = arith.andi %gather3A_233, %or3A_594 : vector<16xi32>
                %le3A_596 = arith.cmpi sle, %and3A_595, %sub3A_574 : vector<16xi32>
                %ge3A_597 = arith.constant 1 : i32
                %ge3A_598 = vector.broadcast %ge3A_597 : i32 to vector<16xi32>
                %ge3A_599 = arith.cmpi sge, %sub3A_574, %ge3A_598 : vector<16xi32>
                %and3A_600 = arith.andi %ge3A_599, %le3A_596 : vector<16xi1>
                %sub3A_601 = arith.subi %masked_cumsum3A_365, %select_n3A_342 : vector<16xi32>
                %broadcast_in_dim3A_602 = vector.broadcast %add3A_387 : i32 to vector<16xi32>
                %add3A_603 = arith.addi %sub3A_601, %broadcast_in_dim3A_602 : vector<16xi32>
                %sub3A_604 = arith.subi %broadcast_in_dim3A_240, %add3A_603 : vector<16xi32>
                %shift_right_arithmetic3A_605 = arith.constant 1 : i32
                %shift_right_arithmetic3A_606 = vector.broadcast %shift_right_arithmetic3A_605 : i32 to vector<16xi32>
                %shift_right_arithmetic3A_607 = arith.shrsi %sub3A_604, %shift_right_arithmetic3A_606 : vector<16xi32>
                %or3A_608 = arith.ori %sub3A_604, %shift_right_arithmetic3A_607 : vector<16xi32>
                %shift_right_arithmetic3A_609 = arith.constant 2 : i32
                %shift_right_arithmetic3A_610 = vector.broadcast %shift_right_arithmetic3A_609 : i32 to vector<16xi32>
                %shift_right_arithmetic3A_611 = arith.shrsi %or3A_608, %shift_right_arithmetic3A_610 : vector<16xi32>
                %or3A_612 = arith.ori %or3A_608, %shift_right_arithmetic3A_611 : vector<16xi32>
                %shift_right_arithmetic3A_613 = arith.constant 4 : i32
                %shift_right_arithmetic3A_614 = vector.broadcast %shift_right_arithmetic3A_613 : i32 to vector<16xi32>
                %shift_right_arithmetic3A_615 = arith.shrsi %or3A_612, %shift_right_arithmetic3A_614 : vector<16xi32>
                %or3A_616 = arith.ori %or3A_612, %shift_right_arithmetic3A_615 : vector<16xi32>
                %shift_right_arithmetic3A_617 = arith.constant 8 : i32
                %shift_right_arithmetic3A_618 = vector.broadcast %shift_right_arithmetic3A_617 : i32 to vector<16xi32>
                %shift_right_arithmetic3A_619 = arith.shrsi %or3A_616, %shift_right_arithmetic3A_618 : vector<16xi32>
                %or3A_620 = arith.ori %or3A_616, %shift_right_arithmetic3A_619 : vector<16xi32>
                %shift_right_arithmetic3A_621 = arith.constant 16 : i32
                %shift_right_arithmetic3A_622 = vector.broadcast %shift_right_arithmetic3A_621 : i32 to vector<16xi32>
                %shift_right_arithmetic3A_623 = arith.shrsi %or3A_620, %shift_right_arithmetic3A_622 : vector<16xi32>
                %or3A_624 = arith.ori %or3A_620, %shift_right_arithmetic3A_623 : vector<16xi32>
                %and3A_625 = arith.andi %gather3A_239, %or3A_624 : vector<16xi32>
                %le3A_626 = arith.cmpi sle, %and3A_625, %sub3A_604 : vector<16xi32>
                %ge3A_627 = arith.constant 1 : i32
                %ge3A_628 = vector.broadcast %ge3A_627 : i32 to vector<16xi32>
                %ge3A_629 = arith.cmpi sge, %sub3A_604, %ge3A_628 : vector<16xi32>
                %and3A_630 = arith.andi %ge3A_629, %le3A_626 : vector<16xi1>
                %ne3A_631 = arith.xori %and3A_420, %while3A_293 : vector<16xi1>
                %ne3A_632 = arith.xori %and3A_450, %while3A_294 : vector<16xi1>
                %or3A_633 = arith.ori %ne3A_631, %ne3A_632 : vector<16xi1>
                %ne3A_634 = arith.xori %and3A_480, %while3A_295 : vector<16xi1>
                %or3A_635 = arith.ori %or3A_633, %ne3A_634 : vector<16xi1>
                %ne3A_636 = arith.xori %and3A_510, %while3A_296 : vector<16xi1>
                %or3A_637 = arith.ori %or3A_635, %ne3A_636 : vector<16xi1>
                %ne3A_638 = arith.xori %and3A_540, %while3A_297 : vector<16xi1>
                %or3A_639 = arith.ori %or3A_637, %ne3A_638 : vector<16xi1>
                %ne3A_640 = arith.xori %and3A_570, %while3A_298 : vector<16xi1>
                %or3A_641 = arith.ori %or3A_639, %ne3A_640 : vector<16xi1>
                %ne3A_642 = arith.xori %and3A_600, %while3A_299 : vector<16xi1>
                %or3A_643 = arith.ori %or3A_641, %ne3A_642 : vector<16xi1>
                %ne3A_644 = arith.xori %and3A_630, %while3A_300 : vector<16xi1>
                %or3A_645 = arith.ori %or3A_643, %ne3A_644 : vector<16xi1>
                %all_reduce_population_count3A = tpu.all_reduce %or3A_645 {dim = 0 : i64, kind = #tpu.reduction_kind<sum>} : vector<16xi1> -> vector<16xi32>
                %slice3A_646 = vector.extract_strided_slice %all_reduce_population_count3A {offsets = [0], sizes = [1], strides = [1]} : vector<16xi32> to vector<1xi32>
                %squeeze3A_647 = vector.extract %slice3A_646[0] : i32 from vector<1xi32>
                scf.yield %and3A_420, %and3A_450, %and3A_480, %and3A_510, %and3A_540, %and3A_570, %and3A_600, %and3A_630, %squeeze3A_647, %add3A_390 : vector<16xi1>, vector<16xi1>, vector<16xi1>, vector<16xi1>, vector<16xi1>, vector<16xi1>, vector<16xi1>, vector<16xi1>, i32, i32
              }
              scf.yield %while3A_292#0, %while3A_292#1, %while3A_292#2, %while3A_292#3, %while3A_292#4, %while3A_292#5, %while3A_292#6, %while3A_292#7, %while3A_292#8, %while3A_292#9 : vector<16xi1>, vector<16xi1>, vector<16xi1>, vector<16xi1>, vector<16xi1>, vector<16xi1>, vector<16xi1>, vector<16xi1>, i32, i32
            }
            %sub3A_282 = arith.subi %while3A_180, %cond3A_281#9 : i32
            %ge3A_283 = arith.constant 1 : i32
            %ge3A_284 = arith.cmpi sge, %sub3A_282, %ge3A_283 : i32
            %convert_element_type3A_285 = arith.extui %ge3A_284 : i1 to i32
            %cond3A_286 = arith.constant 0 : i32
            %cond3A_287 = arith.constant 0 : i32
            %cond3A_288 = arith.cmpi ne, %convert_element_type3A_285, %cond3A_287 : i32
            %cond3A_289 = scf.if %cond3A_288 -> (i32) {
              %add3A_290 = arith.constant 128 : i32
              %add3A_291 = arith.addi %while3A_181, %add3A_290 : i32
              scf.yield %add3A_291 : i32
            } else {
              %jit3A_290 = arith.constant 1 : i32
              %jit3A_291 = arith.constant 0 : i32
              %broadcast_in_dim3A_292 = vector.broadcast %jit3A_290 : i32 to vector<16xi32>
              %broadcast_in_dim3A_293 = vector.broadcast %jit3A_291 : i32 to vector<16xi32>
              %select_n3A_294 = arith.select %cond3A_281#0, %broadcast_in_dim3A_292, %broadcast_in_dim3A_293 : vector<16xi1>, vector<16xi32>
              %jit3A_295 = arith.constant 1 : i32
              %jit3A_296 = arith.constant 0 : i32
              %broadcast_in_dim3A_297 = vector.broadcast %jit3A_295 : i32 to vector<16xi32>
              %broadcast_in_dim3A_298 = vector.broadcast %jit3A_296 : i32 to vector<16xi32>
              %select_n3A_299 = arith.select %cond3A_281#1, %broadcast_in_dim3A_297, %broadcast_in_dim3A_298 : vector<16xi1>, vector<16xi32>
              %jit3A_300 = arith.constant 1 : i32
              %jit3A_301 = arith.constant 0 : i32
              %broadcast_in_dim3A_302 = vector.broadcast %jit3A_300 : i32 to vector<16xi32>
              %broadcast_in_dim3A_303 = vector.broadcast %jit3A_301 : i32 to vector<16xi32>
              %select_n3A_304 = arith.select %cond3A_281#2, %broadcast_in_dim3A_302, %broadcast_in_dim3A_303 : vector<16xi1>, vector<16xi32>
              %jit3A_305 = arith.constant 1 : i32
              %jit3A_306 = arith.constant 0 : i32
              %broadcast_in_dim3A_307 = vector.broadcast %jit3A_305 : i32 to vector<16xi32>
              %broadcast_in_dim3A_308 = vector.broadcast %jit3A_306 : i32 to vector<16xi32>
              %select_n3A_309 = arith.select %cond3A_281#3, %broadcast_in_dim3A_307, %broadcast_in_dim3A_308 : vector<16xi1>, vector<16xi32>
              %jit3A_310 = arith.constant 1 : i32
              %jit3A_311 = arith.constant 0 : i32
              %broadcast_in_dim3A_312 = vector.broadcast %jit3A_310 : i32 to vector<16xi32>
              %broadcast_in_dim3A_313 = vector.broadcast %jit3A_311 : i32 to vector<16xi32>
              %select_n3A_314 = arith.select %cond3A_281#4, %broadcast_in_dim3A_312, %broadcast_in_dim3A_313 : vector<16xi1>, vector<16xi32>
              %jit3A_315 = arith.constant 1 : i32
              %jit3A_316 = arith.constant 0 : i32
              %broadcast_in_dim3A_317 = vector.broadcast %jit3A_315 : i32 to vector<16xi32>
              %broadcast_in_dim3A_318 = vector.broadcast %jit3A_316 : i32 to vector<16xi32>
              %select_n3A_319 = arith.select %cond3A_281#5, %broadcast_in_dim3A_317, %broadcast_in_dim3A_318 : vector<16xi1>, vector<16xi32>
              %jit3A_320 = arith.constant 1 : i32
              %jit3A_321 = arith.constant 0 : i32
              %broadcast_in_dim3A_322 = vector.broadcast %jit3A_320 : i32 to vector<16xi32>
              %broadcast_in_dim3A_323 = vector.broadcast %jit3A_321 : i32 to vector<16xi32>
              %select_n3A_324 = arith.select %cond3A_281#6, %broadcast_in_dim3A_322, %broadcast_in_dim3A_323 : vector<16xi1>, vector<16xi32>
              %jit3A_325 = arith.constant 1 : i32
              %jit3A_326 = arith.constant 0 : i32
              %broadcast_in_dim3A_327 = vector.broadcast %jit3A_325 : i32 to vector<16xi32>
              %broadcast_in_dim3A_328 = vector.broadcast %jit3A_326 : i32 to vector<16xi32>
              %select_n3A_329 = arith.select %cond3A_281#7, %broadcast_in_dim3A_327, %broadcast_in_dim3A_328 : vector<16xi1>, vector<16xi32>
              %broadcast_in_dim3A_330 = arith.constant true
              %broadcast_in_dim3A_331 = vector.broadcast %broadcast_in_dim3A_330 : i1 to vector<16xi1>
              %masked_cumsum3A = tpu.scan <sum>, %select_n3A_294 masked %broadcast_in_dim3A_331 : vector<16xi32>, vector<16xi1> -> vector<16xi32>
              %broadcast_in_dim3A_332 = arith.constant true
              %broadcast_in_dim3A_333 = vector.broadcast %broadcast_in_dim3A_332 : i1 to vector<16xi1>
              %masked_cumsum3A_334 = tpu.scan <sum>, %select_n3A_299 masked %broadcast_in_dim3A_333 : vector<16xi32>, vector<16xi1> -> vector<16xi32>
              %broadcast_in_dim3A_335 = arith.constant true
              %broadcast_in_dim3A_336 = vector.broadcast %broadcast_in_dim3A_335 : i1 to vector<16xi1>
              %masked_cumsum3A_337 = tpu.scan <sum>, %select_n3A_304 masked %broadcast_in_dim3A_336 : vector<16xi32>, vector<16xi1> -> vector<16xi32>
              %broadcast_in_dim3A_338 = arith.constant true
              %broadcast_in_dim3A_339 = vector.broadcast %broadcast_in_dim3A_338 : i1 to vector<16xi1>
              %masked_cumsum3A_340 = tpu.scan <sum>, %select_n3A_309 masked %broadcast_in_dim3A_339 : vector<16xi32>, vector<16xi1> -> vector<16xi32>
              %broadcast_in_dim3A_341 = arith.constant true
              %broadcast_in_dim3A_342 = vector.broadcast %broadcast_in_dim3A_341 : i1 to vector<16xi1>
              %masked_cumsum3A_343 = tpu.scan <sum>, %select_n3A_314 masked %broadcast_in_dim3A_342 : vector<16xi32>, vector<16xi1> -> vector<16xi32>
              %broadcast_in_dim3A_344 = arith.constant true
              %broadcast_in_dim3A_345 = vector.broadcast %broadcast_in_dim3A_344 : i1 to vector<16xi1>
              %masked_cumsum3A_346 = tpu.scan <sum>, %select_n3A_319 masked %broadcast_in_dim3A_345 : vector<16xi32>, vector<16xi1> -> vector<16xi32>
              %broadcast_in_dim3A_347 = arith.constant true
              %broadcast_in_dim3A_348 = vector.broadcast %broadcast_in_dim3A_347 : i1 to vector<16xi1>
              %masked_cumsum3A_349 = tpu.scan <sum>, %select_n3A_324 masked %broadcast_in_dim3A_348 : vector<16xi32>, vector<16xi1> -> vector<16xi32>
              %broadcast_in_dim3A_350 = arith.constant true
              %broadcast_in_dim3A_351 = vector.broadcast %broadcast_in_dim3A_350 : i1 to vector<16xi1>
              %masked_cumsum3A_352 = tpu.scan <sum>, %select_n3A_329 masked %broadcast_in_dim3A_351 : vector<16xi32>, vector<16xi1> -> vector<16xi32>
              %slice3A_353 = vector.extract_strided_slice %masked_cumsum3A {offsets = [15], sizes = [1], strides = [1]} : vector<16xi32> to vector<1xi32>
              %squeeze3A_354 = vector.extract %slice3A_353[0] : i32 from vector<1xi32>
              %add3A_355 = arith.constant 0 : i32
              %add3A_356 = arith.addi %add3A_355, %squeeze3A_354 : i32
              %slice3A_357 = vector.extract_strided_slice %masked_cumsum3A_334 {offsets = [15], sizes = [1], strides = [1]} : vector<16xi32> to vector<1xi32>
              %squeeze3A_358 = vector.extract %slice3A_357[0] : i32 from vector<1xi32>
              %add3A_359 = arith.addi %add3A_356, %squeeze3A_358 : i32
              %slice3A_360 = vector.extract_strided_slice %masked_cumsum3A_337 {offsets = [15], sizes = [1], strides = [1]} : vector<16xi32> to vector<1xi32>
              %squeeze3A_361 = vector.extract %slice3A_360[0] : i32 from vector<1xi32>
              %add3A_362 = arith.addi %add3A_359, %squeeze3A_361 : i32
              %slice3A_363 = vector.extract_strided_slice %masked_cumsum3A_340 {offsets = [15], sizes = [1], strides = [1]} : vector<16xi32> to vector<1xi32>
              %squeeze3A_364 = vector.extract %slice3A_363[0] : i32 from vector<1xi32>
              %add3A_365 = arith.addi %add3A_362, %squeeze3A_364 : i32
              %slice3A_366 = vector.extract_strided_slice %masked_cumsum3A_343 {offsets = [15], sizes = [1], strides = [1]} : vector<16xi32> to vector<1xi32>
              %squeeze3A_367 = vector.extract %slice3A_366[0] : i32 from vector<1xi32>
              %add3A_368 = arith.addi %add3A_365, %squeeze3A_367 : i32
              %slice3A_369 = vector.extract_strided_slice %masked_cumsum3A_346 {offsets = [15], sizes = [1], strides = [1]} : vector<16xi32> to vector<1xi32>
              %squeeze3A_370 = vector.extract %slice3A_369[0] : i32 from vector<1xi32>
              %add3A_371 = arith.addi %add3A_368, %squeeze3A_370 : i32
              %slice3A_372 = vector.extract_strided_slice %masked_cumsum3A_349 {offsets = [15], sizes = [1], strides = [1]} : vector<16xi32> to vector<1xi32>
              %squeeze3A_373 = vector.extract %slice3A_372[0] : i32 from vector<1xi32>
              %add3A_374 = arith.addi %add3A_371, %squeeze3A_373 : i32
              %broadcast_in_dim3A_375 = arith.constant 0 : i32
              %broadcast_in_dim3A_376 = vector.broadcast %broadcast_in_dim3A_375 : i32 to vector<16xi32>
              %add3A_377 = arith.addi %masked_cumsum3A, %broadcast_in_dim3A_376 : vector<16xi32>
              %eq3A_378 = arith.cmpi eq, %add3A_377, %broadcast_in_dim3A_240 : vector<16xi32>
              %and3A_379 = arith.andi %cond3A_281#0, %eq3A_378 : vector<16xi1>
              %all_reduce_population_count3A = tpu.all_reduce %and3A_379 {dim = 0 : i64, kind = #tpu.reduction_kind<sum>} : vector<16xi1> -> vector<16xi32>
              %slice3A_380 = vector.extract_strided_slice %all_reduce_population_count3A {offsets = [0], sizes = [1], strides = [1]} : vector<16xi32> to vector<1xi32>
              %squeeze3A_381 = vector.extract %slice3A_380[0] : i32 from vector<1xi32>
              %all_reduce_ffs3A = tpu.all_reduce %and3A_379 {dim = 0 : i64, kind = #tpu.reduction_kind<find_first_set>} : vector<16xi1> -> vector<16xi32>
              %slice3A_382 = vector.extract_strided_slice %all_reduce_ffs3A {offsets = [0], sizes = [1], strides = [1]} : vector<16xi32> to vector<1xi32>
              %squeeze3A_383 = vector.extract %slice3A_382[0] : i32 from vector<1xi32>
              %add3A_384 = arith.constant 0 : i32
              %add3A_385 = arith.addi %add3A_384, %squeeze3A_383 : i32
              %add3A_386 = arith.constant 1 : i32
              %add3A_387 = arith.addi %add3A_385, %add3A_386 : i32
              %eq3A_388 = arith.constant 0 : i32
              %eq3A_389 = arith.constant 0 : i32
              %eq3A_390 = arith.cmpi eq, %eq3A_388, %eq3A_389 : i32
              %gt3A_391 = arith.constant 0 : i32
              %gt3A_392 = arith.cmpi sgt, %squeeze3A_381, %gt3A_391 : i32
              %and3A_393 = arith.andi %eq3A_390, %gt3A_392 : i1
              %jit3A_394 = arith.constant 0 : i32
              %select_n3A_395 = arith.select %and3A_393, %add3A_387, %jit3A_394 : i32
              %gt3A_396 = arith.constant 0 : i32
              %gt3A_397 = arith.cmpi sgt, %squeeze3A_381, %gt3A_396 : i32
              %jit3A_398 = arith.constant 1 : i32
              %jit3A_399 = arith.constant 0 : i32
              %select_n3A_400 = arith.select %gt3A_397, %jit3A_398, %jit3A_399 : i32
              %broadcast_in_dim3A_401 = vector.broadcast %add3A_356 : i32 to vector<16xi32>
              %add3A_402 = arith.addi %masked_cumsum3A_334, %broadcast_in_dim3A_401 : vector<16xi32>
              %eq3A_403 = arith.cmpi eq, %add3A_402, %broadcast_in_dim3A_240 : vector<16xi32>
              %and3A_404 = arith.andi %cond3A_281#1, %eq3A_403 : vector<16xi1>
              %all_reduce_population_count3A_405 = tpu.all_reduce %and3A_404 {dim = 0 : i64, kind = #tpu.reduction_kind<sum>} : vector<16xi1> -> vector<16xi32>
              %slice3A_406 = vector.extract_strided_slice %all_reduce_population_count3A_405 {offsets = [0], sizes = [1], strides = [1]} : vector<16xi32> to vector<1xi32>
              %squeeze3A_407 = vector.extract %slice3A_406[0] : i32 from vector<1xi32>
              %all_reduce_ffs3A_408 = tpu.all_reduce %and3A_404 {dim = 0 : i64, kind = #tpu.reduction_kind<find_first_set>} : vector<16xi1> -> vector<16xi32>
              %slice3A_409 = vector.extract_strided_slice %all_reduce_ffs3A_408 {offsets = [0], sizes = [1], strides = [1]} : vector<16xi32> to vector<1xi32>
              %squeeze3A_410 = vector.extract %slice3A_409[0] : i32 from vector<1xi32>
              %add3A_411 = arith.constant 16 : i32
              %add3A_412 = arith.addi %add3A_411, %squeeze3A_410 : i32
              %add3A_413 = arith.constant 1 : i32
              %add3A_414 = arith.addi %add3A_412, %add3A_413 : i32
              %eq3A_415 = arith.constant 0 : i32
              %eq3A_416 = arith.cmpi eq, %select_n3A_400, %eq3A_415 : i32
              %gt3A_417 = arith.constant 0 : i32
              %gt3A_418 = arith.cmpi sgt, %squeeze3A_407, %gt3A_417 : i32
              %and3A_419 = arith.andi %eq3A_416, %gt3A_418 : i1
              %select_n3A_420 = arith.select %and3A_419, %add3A_414, %select_n3A_395 : i32
              %gt3A_421 = arith.constant 0 : i32
              %gt3A_422 = arith.cmpi sgt, %squeeze3A_407, %gt3A_421 : i32
              %jit3A_423 = arith.constant 1 : i32
              %select_n3A_424 = arith.select %gt3A_422, %jit3A_423, %select_n3A_400 : i32
              %broadcast_in_dim3A_425 = vector.broadcast %add3A_359 : i32 to vector<16xi32>
              %add3A_426 = arith.addi %masked_cumsum3A_337, %broadcast_in_dim3A_425 : vector<16xi32>
              %eq3A_427 = arith.cmpi eq, %add3A_426, %broadcast_in_dim3A_240 : vector<16xi32>
              %and3A_428 = arith.andi %cond3A_281#2, %eq3A_427 : vector<16xi1>
              %all_reduce_population_count3A_429 = tpu.all_reduce %and3A_428 {dim = 0 : i64, kind = #tpu.reduction_kind<sum>} : vector<16xi1> -> vector<16xi32>
              %slice3A_430 = vector.extract_strided_slice %all_reduce_population_count3A_429 {offsets = [0], sizes = [1], strides = [1]} : vector<16xi32> to vector<1xi32>
              %squeeze3A_431 = vector.extract %slice3A_430[0] : i32 from vector<1xi32>
              %all_reduce_ffs3A_432 = tpu.all_reduce %and3A_428 {dim = 0 : i64, kind = #tpu.reduction_kind<find_first_set>} : vector<16xi1> -> vector<16xi32>
              %slice3A_433 = vector.extract_strided_slice %all_reduce_ffs3A_432 {offsets = [0], sizes = [1], strides = [1]} : vector<16xi32> to vector<1xi32>
              %squeeze3A_434 = vector.extract %slice3A_433[0] : i32 from vector<1xi32>
              %add3A_435 = arith.constant 32 : i32
              %add3A_436 = arith.addi %add3A_435, %squeeze3A_434 : i32
              %add3A_437 = arith.constant 1 : i32
              %add3A_438 = arith.addi %add3A_436, %add3A_437 : i32
              %eq3A_439 = arith.constant 0 : i32
              %eq3A_440 = arith.cmpi eq, %select_n3A_424, %eq3A_439 : i32
              %gt3A_441 = arith.constant 0 : i32
              %gt3A_442 = arith.cmpi sgt, %squeeze3A_431, %gt3A_441 : i32
              %and3A_443 = arith.andi %eq3A_440, %gt3A_442 : i1
              %select_n3A_444 = arith.select %and3A_443, %add3A_438, %select_n3A_420 : i32
              %gt3A_445 = arith.constant 0 : i32
              %gt3A_446 = arith.cmpi sgt, %squeeze3A_431, %gt3A_445 : i32
              %jit3A_447 = arith.constant 1 : i32
              %select_n3A_448 = arith.select %gt3A_446, %jit3A_447, %select_n3A_424 : i32
              %broadcast_in_dim3A_449 = vector.broadcast %add3A_362 : i32 to vector<16xi32>
              %add3A_450 = arith.addi %masked_cumsum3A_340, %broadcast_in_dim3A_449 : vector<16xi32>
              %eq3A_451 = arith.cmpi eq, %add3A_450, %broadcast_in_dim3A_240 : vector<16xi32>
              %and3A_452 = arith.andi %cond3A_281#3, %eq3A_451 : vector<16xi1>
              %all_reduce_population_count3A_453 = tpu.all_reduce %and3A_452 {dim = 0 : i64, kind = #tpu.reduction_kind<sum>} : vector<16xi1> -> vector<16xi32>
              %slice3A_454 = vector.extract_strided_slice %all_reduce_population_count3A_453 {offsets = [0], sizes = [1], strides = [1]} : vector<16xi32> to vector<1xi32>
              %squeeze3A_455 = vector.extract %slice3A_454[0] : i32 from vector<1xi32>
              %all_reduce_ffs3A_456 = tpu.all_reduce %and3A_452 {dim = 0 : i64, kind = #tpu.reduction_kind<find_first_set>} : vector<16xi1> -> vector<16xi32>
              %slice3A_457 = vector.extract_strided_slice %all_reduce_ffs3A_456 {offsets = [0], sizes = [1], strides = [1]} : vector<16xi32> to vector<1xi32>
              %squeeze3A_458 = vector.extract %slice3A_457[0] : i32 from vector<1xi32>
              %add3A_459 = arith.constant 48 : i32
              %add3A_460 = arith.addi %add3A_459, %squeeze3A_458 : i32
              %add3A_461 = arith.constant 1 : i32
              %add3A_462 = arith.addi %add3A_460, %add3A_461 : i32
              %eq3A_463 = arith.constant 0 : i32
              %eq3A_464 = arith.cmpi eq, %select_n3A_448, %eq3A_463 : i32
              %gt3A_465 = arith.constant 0 : i32
              %gt3A_466 = arith.cmpi sgt, %squeeze3A_455, %gt3A_465 : i32
              %and3A_467 = arith.andi %eq3A_464, %gt3A_466 : i1
              %select_n3A_468 = arith.select %and3A_467, %add3A_462, %select_n3A_444 : i32
              %gt3A_469 = arith.constant 0 : i32
              %gt3A_470 = arith.cmpi sgt, %squeeze3A_455, %gt3A_469 : i32
              %jit3A_471 = arith.constant 1 : i32
              %select_n3A_472 = arith.select %gt3A_470, %jit3A_471, %select_n3A_448 : i32
              %broadcast_in_dim3A_473 = vector.broadcast %add3A_365 : i32 to vector<16xi32>
              %add3A_474 = arith.addi %masked_cumsum3A_343, %broadcast_in_dim3A_473 : vector<16xi32>
              %eq3A_475 = arith.cmpi eq, %add3A_474, %broadcast_in_dim3A_240 : vector<16xi32>
              %and3A_476 = arith.andi %cond3A_281#4, %eq3A_475 : vector<16xi1>
              %all_reduce_population_count3A_477 = tpu.all_reduce %and3A_476 {dim = 0 : i64, kind = #tpu.reduction_kind<sum>} : vector<16xi1> -> vector<16xi32>
              %slice3A_478 = vector.extract_strided_slice %all_reduce_population_count3A_477 {offsets = [0], sizes = [1], strides = [1]} : vector<16xi32> to vector<1xi32>
              %squeeze3A_479 = vector.extract %slice3A_478[0] : i32 from vector<1xi32>
              %all_reduce_ffs3A_480 = tpu.all_reduce %and3A_476 {dim = 0 : i64, kind = #tpu.reduction_kind<find_first_set>} : vector<16xi1> -> vector<16xi32>
              %slice3A_481 = vector.extract_strided_slice %all_reduce_ffs3A_480 {offsets = [0], sizes = [1], strides = [1]} : vector<16xi32> to vector<1xi32>
              %squeeze3A_482 = vector.extract %slice3A_481[0] : i32 from vector<1xi32>
              %add3A_483 = arith.constant 64 : i32
              %add3A_484 = arith.addi %add3A_483, %squeeze3A_482 : i32
              %add3A_485 = arith.constant 1 : i32
              %add3A_486 = arith.addi %add3A_484, %add3A_485 : i32
              %eq3A_487 = arith.constant 0 : i32
              %eq3A_488 = arith.cmpi eq, %select_n3A_472, %eq3A_487 : i32
              %gt3A_489 = arith.constant 0 : i32
              %gt3A_490 = arith.cmpi sgt, %squeeze3A_479, %gt3A_489 : i32
              %and3A_491 = arith.andi %eq3A_488, %gt3A_490 : i1
              %select_n3A_492 = arith.select %and3A_491, %add3A_486, %select_n3A_468 : i32
              %gt3A_493 = arith.constant 0 : i32
              %gt3A_494 = arith.cmpi sgt, %squeeze3A_479, %gt3A_493 : i32
              %jit3A_495 = arith.constant 1 : i32
              %select_n3A_496 = arith.select %gt3A_494, %jit3A_495, %select_n3A_472 : i32
              %broadcast_in_dim3A_497 = vector.broadcast %add3A_368 : i32 to vector<16xi32>
              %add3A_498 = arith.addi %masked_cumsum3A_346, %broadcast_in_dim3A_497 : vector<16xi32>
              %eq3A_499 = arith.cmpi eq, %add3A_498, %broadcast_in_dim3A_240 : vector<16xi32>
              %and3A_500 = arith.andi %cond3A_281#5, %eq3A_499 : vector<16xi1>
              %all_reduce_population_count3A_501 = tpu.all_reduce %and3A_500 {dim = 0 : i64, kind = #tpu.reduction_kind<sum>} : vector<16xi1> -> vector<16xi32>
              %slice3A_502 = vector.extract_strided_slice %all_reduce_population_count3A_501 {offsets = [0], sizes = [1], strides = [1]} : vector<16xi32> to vector<1xi32>
              %squeeze3A_503 = vector.extract %slice3A_502[0] : i32 from vector<1xi32>
              %all_reduce_ffs3A_504 = tpu.all_reduce %and3A_500 {dim = 0 : i64, kind = #tpu.reduction_kind<find_first_set>} : vector<16xi1> -> vector<16xi32>
              %slice3A_505 = vector.extract_strided_slice %all_reduce_ffs3A_504 {offsets = [0], sizes = [1], strides = [1]} : vector<16xi32> to vector<1xi32>
              %squeeze3A_506 = vector.extract %slice3A_505[0] : i32 from vector<1xi32>
              %add3A_507 = arith.constant 80 : i32
              %add3A_508 = arith.addi %add3A_507, %squeeze3A_506 : i32
              %add3A_509 = arith.constant 1 : i32
              %add3A_510 = arith.addi %add3A_508, %add3A_509 : i32
              %eq3A_511 = arith.constant 0 : i32
              %eq3A_512 = arith.cmpi eq, %select_n3A_496, %eq3A_511 : i32
              %gt3A_513 = arith.constant 0 : i32
              %gt3A_514 = arith.cmpi sgt, %squeeze3A_503, %gt3A_513 : i32
              %and3A_515 = arith.andi %eq3A_512, %gt3A_514 : i1
              %select_n3A_516 = arith.select %and3A_515, %add3A_510, %select_n3A_492 : i32
              %gt3A_517 = arith.constant 0 : i32
              %gt3A_518 = arith.cmpi sgt, %squeeze3A_503, %gt3A_517 : i32
              %jit3A_519 = arith.constant 1 : i32
              %select_n3A_520 = arith.select %gt3A_518, %jit3A_519, %select_n3A_496 : i32
              %broadcast_in_dim3A_521 = vector.broadcast %add3A_371 : i32 to vector<16xi32>
              %add3A_522 = arith.addi %masked_cumsum3A_349, %broadcast_in_dim3A_521 : vector<16xi32>
              %eq3A_523 = arith.cmpi eq, %add3A_522, %broadcast_in_dim3A_240 : vector<16xi32>
              %and3A_524 = arith.andi %cond3A_281#6, %eq3A_523 : vector<16xi1>
              %all_reduce_population_count3A_525 = tpu.all_reduce %and3A_524 {dim = 0 : i64, kind = #tpu.reduction_kind<sum>} : vector<16xi1> -> vector<16xi32>
              %slice3A_526 = vector.extract_strided_slice %all_reduce_population_count3A_525 {offsets = [0], sizes = [1], strides = [1]} : vector<16xi32> to vector<1xi32>
              %squeeze3A_527 = vector.extract %slice3A_526[0] : i32 from vector<1xi32>
              %all_reduce_ffs3A_528 = tpu.all_reduce %and3A_524 {dim = 0 : i64, kind = #tpu.reduction_kind<find_first_set>} : vector<16xi1> -> vector<16xi32>
              %slice3A_529 = vector.extract_strided_slice %all_reduce_ffs3A_528 {offsets = [0], sizes = [1], strides = [1]} : vector<16xi32> to vector<1xi32>
              %squeeze3A_530 = vector.extract %slice3A_529[0] : i32 from vector<1xi32>
              %add3A_531 = arith.constant 96 : i32
              %add3A_532 = arith.addi %add3A_531, %squeeze3A_530 : i32
              %add3A_533 = arith.constant 1 : i32
              %add3A_534 = arith.addi %add3A_532, %add3A_533 : i32
              %eq3A_535 = arith.constant 0 : i32
              %eq3A_536 = arith.cmpi eq, %select_n3A_520, %eq3A_535 : i32
              %gt3A_537 = arith.constant 0 : i32
              %gt3A_538 = arith.cmpi sgt, %squeeze3A_527, %gt3A_537 : i32
              %and3A_539 = arith.andi %eq3A_536, %gt3A_538 : i1
              %select_n3A_540 = arith.select %and3A_539, %add3A_534, %select_n3A_516 : i32
              %gt3A_541 = arith.constant 0 : i32
              %gt3A_542 = arith.cmpi sgt, %squeeze3A_527, %gt3A_541 : i32
              %jit3A_543 = arith.constant 1 : i32
              %select_n3A_544 = arith.select %gt3A_542, %jit3A_543, %select_n3A_520 : i32
              %broadcast_in_dim3A_545 = vector.broadcast %add3A_374 : i32 to vector<16xi32>
              %add3A_546 = arith.addi %masked_cumsum3A_352, %broadcast_in_dim3A_545 : vector<16xi32>
              %eq3A_547 = arith.cmpi eq, %add3A_546, %broadcast_in_dim3A_240 : vector<16xi32>
              %and3A_548 = arith.andi %cond3A_281#7, %eq3A_547 : vector<16xi1>
              %all_reduce_population_count3A_549 = tpu.all_reduce %and3A_548 {dim = 0 : i64, kind = #tpu.reduction_kind<sum>} : vector<16xi1> -> vector<16xi32>
              %slice3A_550 = vector.extract_strided_slice %all_reduce_population_count3A_549 {offsets = [0], sizes = [1], strides = [1]} : vector<16xi32> to vector<1xi32>
              %squeeze3A_551 = vector.extract %slice3A_550[0] : i32 from vector<1xi32>
              %all_reduce_ffs3A_552 = tpu.all_reduce %and3A_548 {dim = 0 : i64, kind = #tpu.reduction_kind<find_first_set>} : vector<16xi1> -> vector<16xi32>
              %slice3A_553 = vector.extract_strided_slice %all_reduce_ffs3A_552 {offsets = [0], sizes = [1], strides = [1]} : vector<16xi32> to vector<1xi32>
              %squeeze3A_554 = vector.extract %slice3A_553[0] : i32 from vector<1xi32>
              %add3A_555 = arith.constant 112 : i32
              %add3A_556 = arith.addi %add3A_555, %squeeze3A_554 : i32
              %add3A_557 = arith.constant 1 : i32
              %add3A_558 = arith.addi %add3A_556, %add3A_557 : i32
              %eq3A_559 = arith.constant 0 : i32
              %eq3A_560 = arith.cmpi eq, %select_n3A_544, %eq3A_559 : i32
              %gt3A_561 = arith.constant 0 : i32
              %gt3A_562 = arith.cmpi sgt, %squeeze3A_551, %gt3A_561 : i32
              %and3A_563 = arith.andi %eq3A_560, %gt3A_562 : i1
              %select_n3A_564 = arith.select %and3A_563, %add3A_558, %select_n3A_540 : i32
              %gt3A_565 = arith.constant 0 : i32
              %gt3A_566 = arith.cmpi sgt, %squeeze3A_551, %gt3A_565 : i32
              %jit3A_567 = arith.constant 1 : i32
              %select_n3A_568 = arith.select %gt3A_566, %jit3A_567, %select_n3A_544 : i32
              %add3A_569 = arith.addi %while3A_181, %select_n3A_564 : i32
              scf.yield %add3A_569 : i32
            }
            scf.yield %sub3A_282, %cond3A_289, %cond3A_191 : i32, i32, i32
          }
          scf.yield %while3A#1, %while3A#2 : i32, i32
        } else {
          scf.yield %scan3A_22, %scan3A_23 : i32, i32
        }
        %convert_element_type3A_74 = arith.extui %gt3A_69 : i1 to i32
        %cond3A_75 = arith.constant 0 : i32
        %cond3A_76 = arith.constant 0 : i32
        %cond3A_77 = arith.cmpi ne, %convert_element_type3A_74, %cond3A_76 : i32
        %cond3A_78 = scf.if %cond3A_77 -> (i32) {
          %scan3A_148 = arith.constant 0 : i32
          %scan3A_149 = arith.constant 0 : i32
          %scan3A_150 = arith.constant 128 : i32
          %scan3A_151 = arith.addi %scan3A_149, %scan3A_150 : i32
          %scan3A_152 = arith.constant 1 : i32
          %scan3A_153 = scf.for %scan3A_155 = %scan3A_149 to %scan3A_151 step %scan3A_152 iter_args(%scan3A_156 = %scan3A_148) -> (i32)  : i32 {
            %broadcast_in_dim3A_157 = vector.broadcast %scan3A_155 : i32 to vector<16xi32>
            %gather3A = tpu.vector_load_idx %arg15[%broadcast_in_dim3A_157] : memref<128xi32, #tpu.memory_space<vmem>>[vector<16xi32>], vector<16xi32>,
            %slice3A_158 = vector.extract_strided_slice %gather3A {offsets = [0], sizes = [1], strides = [1]} : vector<16xi32> to vector<1xi32>
            %squeeze3A_159 = vector.extract %slice3A_158[0] : i32 from vector<1xi32>
            %broadcast_in_dim3A_160 = vector.broadcast %squeeze3A_159 : i32 to vector<16xi32>
            %gather3A_161 = tpu.vector_load_idx %arg11[%broadcast_in_dim3A_160] : memref<20000xi32, #tpu.memory_space<vmem>>[vector<16xi32>], vector<16xi32>,
            %slice3A_162 = vector.extract_strided_slice %gather3A_161 {offsets = [0], sizes = [1], strides = [1]} : vector<16xi32> to vector<1xi32>
            %squeeze3A_163 = vector.extract %slice3A_162[0] : i32 from vector<1xi32>
            %broadcast_in_dim3A_164 = vector.broadcast %squeeze3A_163 : i32 to vector<16xi32>
            %gather3A_165 = tpu.vector_load_idx %arg9[%broadcast_in_dim3A_164] : memref<20000xf32, #tpu.memory_space<vmem>>[vector<16xi32>], vector<16xf32>,
            %slice3A_166 = vector.extract_strided_slice %gather3A_165 {offsets = [0], sizes = [1], strides = [1]} : vector<16xf32> to vector<1xf32>
            %squeeze3A_167 = vector.extract %slice3A_166[0] : f32 from vector<1xf32>
            %eq3A_168 = arith.constant 1.000000e+00 : f32
            %eq3A_169 = arith.cmpf oeq, %squeeze3A_167, %eq3A_168 : f32
            %jit3A_170 = arith.constant 1 : i32
            %jit3A_171 = arith.constant 0 : i32
            %select_n3A_172 = arith.select %eq3A_169, %jit3A_170, %jit3A_171 : i32
            %add3A_173 = arith.addi %scan3A_156, %select_n3A_172 : i32
            scf.yield %add3A_173 : i32
          }
          %scan3A_154 = arith.constant 128 : i32
          scf.yield %scan3A_153 : i32
        } else {
          scf.yield %squeeze3A_29 : i32
        }
        %sub3A_79 = arith.constant 256 : i32
        %sub3A_80 = arith.subi %sub3A_79, %cond3A_78 : i32
        %gt3A_81 = arith.cmpi sgt, %squeeze3A_27, %sub3A_80 : i32
        %convert_element_type3A_82 = arith.extui %gt3A_81 : i1 to i32
        %cond3A_83 = arith.constant 0 : i32
        %cond3A_84 = arith.cmpi ne, %convert_element_type3A_82, %cond3A_83 : i32
        %cond3A_85:2 = scf.if %cond3A_84 -> (i32, i32) {
          %sub3A_148 = arith.constant 1 : i32
          %sub3A_149 = arith.subi %squeeze3A_27, %sub3A_148 : i32
          %shift_right_arithmetic3A = arith.constant 1 : i32
          %shift_right_arithmetic3A_150 = arith.shrsi %sub3A_149, %shift_right_arithmetic3A : i32
          %or3A = arith.ori %sub3A_149, %shift_right_arithmetic3A_150 : i32
          %shift_right_arithmetic3A_151 = arith.constant 2 : i32
          %shift_right_arithmetic3A_152 = arith.shrsi %or3A, %shift_right_arithmetic3A_151 : i32
          %or3A_153 = arith.ori %or3A, %shift_right_arithmetic3A_152 : i32
          %shift_right_arithmetic3A_154 = arith.constant 4 : i32
          %shift_right_arithmetic3A_155 = arith.shrsi %or3A_153, %shift_right_arithmetic3A_154 : i32
          %or3A_156 = arith.ori %or3A_153, %shift_right_arithmetic3A_155 : i32
          %shift_right_arithmetic3A_157 = arith.constant 8 : i32
          %shift_right_arithmetic3A_158 = arith.shrsi %or3A_156, %shift_right_arithmetic3A_157 : i32
          %or3A_159 = arith.ori %or3A_156, %shift_right_arithmetic3A_158 : i32
          %shift_right_arithmetic3A_160 = arith.constant 16 : i32
          %shift_right_arithmetic3A_161 = arith.shrsi %or3A_159, %shift_right_arithmetic3A_160 : i32
          %or3A_162 = arith.ori %or3A_159, %shift_right_arithmetic3A_161 : i32
          %while3A = arith.constant 0 : i32
          %while3A_163 = arith.subi %sub3A_80, %while3A : i32
          %while3A_164 = arith.addi %while3A, %while3A_163 : i32
          %while3A_165 = arith.constant 1 : i32
          %while3A_166 = arith.divsi %while3A_163, %while3A_165 : i32
          %while3A_167 = arith.muli %while3A_166, %while3A_165 : i32
          %while3A_168 = arith.addi %while3A, %while3A_167 : i32
          %while3A_169 = arith.constant 1 : i32
          %while3A_170:3 = scf.for %while3A_189 = %while3A to %while3A_168 step %while3A_169 iter_args(%while3A_190 = %cond3A_73#0, %while3A_191 = %cond3A_73#1, %while3A_192 = %or3A_162) -> (i32, i32, i32)  : i32 {
            %sub3A_193 = arith.constant 1 : i32
            %sub3A_194 = arith.subi %squeeze3A_27, %sub3A_193 : i32
            %sub3A_195 = arith.subi %sub3A_194, %while3A_189 : i32
            %add3A_196 = arith.constant 1 : i32
            %add3A_197 = arith.addi %sub3A_195, %add3A_196 : i32
            %while3A_198:3 = scf.while (%while3A_220 = %add3A_197, %while3A_221 = %while3A_190, %while3A_222 = %while3A_191) : (i32, i32, i32) -> (i32, i32, i32) {
              %gt3A_223 = arith.cmpi sgt, %while3A_220, %sub3A_195 : i32
              scf.condition(%gt3A_223) %while3A_220, %while3A_221, %while3A_222 : i32, i32, i32
            } do {
            ^bb0(%while3A_220: i32, %while3A_221: i32, %while3A_222: i32):
              %sub3A_223 = arith.subi %while3A_221, %while3A_222 : i32
              %ge3A = arith.constant 16384 : i32
              %ge3A_224 = arith.cmpi sge, %sub3A_223, %ge3A : i32
              %convert_element_type3A_225 = arith.extui %ge3A_224 : i1 to i32
              %cond3A_226 = arith.constant 0 : i32
              %cond3A_227 = arith.cmpi ne, %convert_element_type3A_225, %cond3A_226 : i32
              %cond3A_228 = scf.if %cond3A_227 -> (i32) {
                %and3A_237 = arith.constant -8 : i32
                %and3A_238 = arith.andi %while3A_221, %and3A_237 : i32
                %multiple_of3A_239 = tpu.assume_multiple %and3A_238, 8 : i32
                "tpu.region"() ({
                  %run_scoped3A = tpu.sem_alloc : memref<!tpu.dma_semaphore, #tpu.memory_space<semaphore_mem>>
                  %dma_start3A = tpu.memref_slice %arg2[%multiple_of3A_239] : memref<1048576xi32, #tpu.memory_space<hbm>> -> memref<16384xi32, #tpu.memory_space<hbm>>
                  %dma_start3A_240 = tpu.memref_slice %arg2[%multiple_of3A_239] : memref<1048576xi32, #tpu.memory_space<hbm>> -> memref<16384xi32, #tpu.memory_space<hbm>>
                  tpu.enqueue_dma source(%dma_start3A_240 : memref<16384xi32, #tpu.memory_space<hbm>>) target(%arg13 : memref<16384xi32, #tpu.memory_space<vmem>>) target_semaphore(%run_scoped3A : memref<!tpu.dma_semaphore, #tpu.memory_space<semaphore_mem>>)
                  %dma_wait3A = tpu.memref_slice %arg2[%multiple_of3A_239] : memref<1048576xi32, #tpu.memory_space<hbm>> -> memref<16384xi32, #tpu.memory_space<hbm>>
                  %dma_wait3A_241 = tpu.memref_slice %arg2[%multiple_of3A_239] : memref<1048576xi32, #tpu.memory_space<hbm>> -> memref<16384xi32, #tpu.memory_space<hbm>>
                  tpu.wait_dma2 semaphore(%run_scoped3A : memref<!tpu.dma_semaphore, #tpu.memory_space<semaphore_mem>>) src(%dma_wait3A_241 : memref<16384xi32, #tpu.memory_space<hbm>>) dst(%arg13 : memref<16384xi32, #tpu.memory_space<vmem>>)
                  tpu.yield
                }) : () -> ()
                scf.yield %multiple_of3A_239 : i32
              } else {
                scf.yield %while3A_222 : i32
              }
              %sub3A_229 = arith.subi %while3A_221, %cond3A_228 : i32
              %broadcast_in_dim3A_230 = vector.broadcast %sub3A_229 : i32 to vector<16xi32>
              %gather3A_231 = tpu.vector_load_idx %arg13[%broadcast_in_dim3A_230] : memref<16384xi32, #tpu.memory_space<vmem>>[vector<16xi32>], vector<16xi32>,
              %slice3A_232 = vector.extract_strided_slice %gather3A_231 {offsets = [0], sizes = [1], strides = [1]} : vector<16xi32> to vector<1xi32>
              %squeeze3A_233 = vector.extract %slice3A_232[0] : i32 from vector<1xi32>
              %and3A_234 = arith.andi %squeeze3A_233, %while3A_192 : i32
              %add3A_235 = arith.constant 1 : i32
              %add3A_236 = arith.addi %while3A_221, %add3A_235 : i32
              scf.yield %and3A_234, %add3A_236, %cond3A_228 : i32, i32, i32
            }
            %broadcast_in_dim3A_199 = vector.broadcast %sub3A_195 : i32 to vector<16xi32>
            %broadcast_in_dim3A_200 = vector.broadcast %while3A_198#0 : i32 to vector<16xi32>
            %select_n3A_201 = arith.select %eq3A_1, %broadcast_in_dim3A_200, %broadcast_in_dim3A_199 : vector<16xi1>, vector<16xi32>
            %gather3A = tpu.vector_load_idx %arg10[%select_n3A_201] : memref<20000xi32, #tpu.memory_space<vmem>>[vector<16xi32>], vector<16xi32>,
            %slice3A_202 = vector.extract_strided_slice %gather3A {offsets = [0], sizes = [1], strides = [1]} : vector<16xi32> to vector<1xi32>
            %squeeze3A_203 = vector.extract %slice3A_202[0] : i32 from vector<1xi32>
            %slice3A_204 = vector.extract_strided_slice %gather3A {offsets = [1], sizes = [1], strides = [1]} : vector<16xi32> to vector<1xi32>
            %squeeze3A_205 = vector.extract %slice3A_204[0] : i32 from vector<1xi32>
            %broadcast_in_dim3A_206 = vector.broadcast %while3A_198#0 : i32 to vector<16xi32>
            %broadcast_in_dim3A_207 = vector.broadcast %squeeze3A_205 : i32 to vector<16xi32>
            tpu.vector_store_idx %arg10[%broadcast_in_dim3A_206], %broadcast_in_dim3A_207 masked %eq3A_1 : memref<20000xi32, #tpu.memory_space<vmem>>[vector<16xi32>], vector<16xi32>, vector<16xi1>
            %broadcast_in_dim3A_208 = vector.broadcast %while3A_189 : i32 to vector<16xi32>
            %broadcast_in_dim3A_209 = vector.broadcast %while3A_198#0 : i32 to vector<16xi32>
            tpu.vector_store_idx %arg17[%broadcast_in_dim3A_208], %broadcast_in_dim3A_209 masked %eq3A_1 : memref<256xi32, #tpu.memory_space<vmem>>[vector<16xi32>], vector<16xi32>, vector<16xi1>
            %broadcast_in_dim3A_210 = vector.broadcast %while3A_189 : i32 to vector<16xi32>
            %broadcast_in_dim3A_211 = vector.broadcast %squeeze3A_203 : i32 to vector<16xi32>
            tpu.vector_store_idx %arg16[%broadcast_in_dim3A_210], %broadcast_in_dim3A_211 masked %eq3A_1 : memref<256xi32, #tpu.memory_space<vmem>>[vector<16xi32>], vector<16xi32>, vector<16xi1>
            %sub3A_212 = arith.constant 1 : i32
            %sub3A_213 = arith.subi %sub3A_195, %sub3A_212 : i32
            %shift_right_arithmetic3A_214 = arith.constant 1 : i32
            %shift_right_arithmetic3A_215 = arith.shrsi %while3A_192, %shift_right_arithmetic3A_214 : i32
            %eq3A_216 = arith.cmpi eq, %sub3A_213, %shift_right_arithmetic3A_215 : i32
            %shift_right_arithmetic3A_217 = arith.constant 1 : i32
            %shift_right_arithmetic3A_218 = arith.shrsi %while3A_192, %shift_right_arithmetic3A_217 : i32
            %select_n3A_219 = arith.select %eq3A_216, %shift_right_arithmetic3A_218, %while3A_192 : i32
            scf.yield %while3A_198#1, %while3A_198#2, %select_n3A_219 : i32, i32, i32
          }
          %while3A_171 = arith.constant 1 : i32
          %while3A_172:3 = scf.for %while3A_189 = %while3A_168 to %while3A_164 step %while3A_171 iter_args(%while3A_190 = %while3A_170#0, %while3A_191 = %while3A_170#1, %while3A_192 = %while3A_170#2) -> (i32, i32, i32)  : i32 {
            %sub3A_193 = arith.constant 1 : i32
            %sub3A_194 = arith.subi %squeeze3A_27, %sub3A_193 : i32
            %sub3A_195 = arith.subi %sub3A_194, %while3A_189 : i32
            %add3A_196 = arith.constant 1 : i32
            %add3A_197 = arith.addi %sub3A_195, %add3A_196 : i32
            %while3A_198:3 = scf.while (%while3A_220 = %add3A_197, %while3A_221 = %while3A_190, %while3A_222 = %while3A_191) : (i32, i32, i32) -> (i32, i32, i32) {
              %gt3A_223 = arith.cmpi sgt, %while3A_220, %sub3A_195 : i32
              scf.condition(%gt3A_223) %while3A_220, %while3A_221, %while3A_222 : i32, i32, i32
            } do {
            ^bb0(%while3A_220: i32, %while3A_221: i32, %while3A_222: i32):
              %sub3A_223 = arith.subi %while3A_221, %while3A_222 : i32
              %ge3A = arith.constant 16384 : i32
              %ge3A_224 = arith.cmpi sge, %sub3A_223, %ge3A : i32
              %convert_element_type3A_225 = arith.extui %ge3A_224 : i1 to i32
              %cond3A_226 = arith.constant 0 : i32
              %cond3A_227 = arith.cmpi ne, %convert_element_type3A_225, %cond3A_226 : i32
              %cond3A_228 = scf.if %cond3A_227 -> (i32) {
                %and3A_237 = arith.constant -8 : i32
                %and3A_238 = arith.andi %while3A_221, %and3A_237 : i32
                %multiple_of3A_239 = tpu.assume_multiple %and3A_238, 8 : i32
                "tpu.region"() ({
                  %run_scoped3A = tpu.sem_alloc : memref<!tpu.dma_semaphore, #tpu.memory_space<semaphore_mem>>
                  %dma_start3A = tpu.memref_slice %arg2[%multiple_of3A_239] : memref<1048576xi32, #tpu.memory_space<hbm>> -> memref<16384xi32, #tpu.memory_space<hbm>>
                  %dma_start3A_240 = tpu.memref_slice %arg2[%multiple_of3A_239] : memref<1048576xi32, #tpu.memory_space<hbm>> -> memref<16384xi32, #tpu.memory_space<hbm>>
                  tpu.enqueue_dma source(%dma_start3A_240 : memref<16384xi32, #tpu.memory_space<hbm>>) target(%arg13 : memref<16384xi32, #tpu.memory_space<vmem>>) target_semaphore(%run_scoped3A : memref<!tpu.dma_semaphore, #tpu.memory_space<semaphore_mem>>)
                  %dma_wait3A = tpu.memref_slice %arg2[%multiple_of3A_239] : memref<1048576xi32, #tpu.memory_space<hbm>> -> memref<16384xi32, #tpu.memory_space<hbm>>
                  %dma_wait3A_241 = tpu.memref_slice %arg2[%multiple_of3A_239] : memref<1048576xi32, #tpu.memory_space<hbm>> -> memref<16384xi32, #tpu.memory_space<hbm>>
                  tpu.wait_dma2 semaphore(%run_scoped3A : memref<!tpu.dma_semaphore, #tpu.memory_space<semaphore_mem>>) src(%dma_wait3A_241 : memref<16384xi32, #tpu.memory_space<hbm>>) dst(%arg13 : memref<16384xi32, #tpu.memory_space<vmem>>)
                  tpu.yield
                }) : () -> ()
                scf.yield %multiple_of3A_239 : i32
              } else {
                scf.yield %while3A_222 : i32
              }
              %sub3A_229 = arith.subi %while3A_221, %cond3A_228 : i32
              %broadcast_in_dim3A_230 = vector.broadcast %sub3A_229 : i32 to vector<16xi32>
              %gather3A_231 = tpu.vector_load_idx %arg13[%broadcast_in_dim3A_230] : memref<16384xi32, #tpu.memory_space<vmem>>[vector<16xi32>], vector<16xi32>,
              %slice3A_232 = vector.extract_strided_slice %gather3A_231 {offsets = [0], sizes = [1], strides = [1]} : vector<16xi32> to vector<1xi32>
              %squeeze3A_233 = vector.extract %slice3A_232[0] : i32 from vector<1xi32>
              %and3A_234 = arith.andi %squeeze3A_233, %while3A_192 : i32
              %add3A_235 = arith.constant 1 : i32
              %add3A_236 = arith.addi %while3A_221, %add3A_235 : i32
              scf.yield %and3A_234, %add3A_236, %cond3A_228 : i32, i32, i32
            }
            %broadcast_in_dim3A_199 = vector.broadcast %sub3A_195 : i32 to vector<16xi32>
            %broadcast_in_dim3A_200 = vector.broadcast %while3A_198#0 : i32 to vector<16xi32>
            %select_n3A_201 = arith.select %eq3A_1, %broadcast_in_dim3A_200, %broadcast_in_dim3A_199 : vector<16xi1>, vector<16xi32>
            %gather3A = tpu.vector_load_idx %arg10[%select_n3A_201] : memref<20000xi32, #tpu.memory_space<vmem>>[vector<16xi32>], vector<16xi32>,
            %slice3A_202 = vector.extract_strided_slice %gather3A {offsets = [0], sizes = [1], strides = [1]} : vector<16xi32> to vector<1xi32>
            %squeeze3A_203 = vector.extract %slice3A_202[0] : i32 from vector<1xi32>
            %slice3A_204 = vector.extract_strided_slice %gather3A {offsets = [1], sizes = [1], strides = [1]} : vector<16xi32> to vector<1xi32>
            %squeeze3A_205 = vector.extract %slice3A_204[0] : i32 from vector<1xi32>
            %broadcast_in_dim3A_206 = vector.broadcast %while3A_198#0 : i32 to vector<16xi32>
            %broadcast_in_dim3A_207 = vector.broadcast %squeeze3A_205 : i32 to vector<16xi32>
            tpu.vector_store_idx %arg10[%broadcast_in_dim3A_206], %broadcast_in_dim3A_207 masked %eq3A_1 : memref<20000xi32, #tpu.memory_space<vmem>>[vector<16xi32>], vector<16xi32>, vector<16xi1>
            %broadcast_in_dim3A_208 = vector.broadcast %while3A_189 : i32 to vector<16xi32>
            %broadcast_in_dim3A_209 = vector.broadcast %while3A_198#0 : i32 to vector<16xi32>
            tpu.vector_store_idx %arg17[%broadcast_in_dim3A_208], %broadcast_in_dim3A_209 masked %eq3A_1 : memref<256xi32, #tpu.memory_space<vmem>>[vector<16xi32>], vector<16xi32>, vector<16xi1>
            %broadcast_in_dim3A_210 = vector.broadcast %while3A_189 : i32 to vector<16xi32>
            %broadcast_in_dim3A_211 = vector.broadcast %squeeze3A_203 : i32 to vector<16xi32>
            tpu.vector_store_idx %arg16[%broadcast_in_dim3A_210], %broadcast_in_dim3A_211 masked %eq3A_1 : memref<256xi32, #tpu.memory_space<vmem>>[vector<16xi32>], vector<16xi32>, vector<16xi1>
            %sub3A_212 = arith.constant 1 : i32
            %sub3A_213 = arith.subi %sub3A_195, %sub3A_212 : i32
            %shift_right_arithmetic3A_214 = arith.constant 1 : i32
            %shift_right_arithmetic3A_215 = arith.shrsi %while3A_192, %shift_right_arithmetic3A_214 : i32
            %eq3A_216 = arith.cmpi eq, %sub3A_213, %shift_right_arithmetic3A_215 : i32
            %shift_right_arithmetic3A_217 = arith.constant 1 : i32
            %shift_right_arithmetic3A_218 = arith.shrsi %while3A_192, %shift_right_arithmetic3A_217 : i32
            %select_n3A_219 = arith.select %eq3A_216, %shift_right_arithmetic3A_218, %while3A_192 : i32
            scf.yield %while3A_198#1, %while3A_198#2, %select_n3A_219 : i32, i32, i32
          }
          %while3A_173 = arith.constant 0 : i32
          %while3A_174 = arith.constant 0 : i32
          %while3A_175 = arith.subi %sub3A_80, %while3A_173 : i32
          %while3A_176 = arith.addi %while3A_173, %while3A_175 : i32
          %while3A_177 = arith.constant 1 : i32
          %while3A_178 = arith.divsi %while3A_175, %while3A_177 : i32
          %while3A_179 = arith.muli %while3A_178, %while3A_177 : i32
          %while3A_180 = arith.addi %while3A_173, %while3A_179 : i32
          %while3A_181 = arith.constant 1 : i32
          %while3A_182 = scf.for %while3A_189 = %while3A_173 to %while3A_180 step %while3A_181 iter_args(%while3A_190 = %while3A_174) -> (i32)  : i32 {
            %broadcast_in_dim3A_191 = vector.broadcast %while3A_189 : i32 to vector<16xi32>
            %gather3A = tpu.vector_load_idx %arg17[%broadcast_in_dim3A_191] : memref<256xi32, #tpu.memory_space<vmem>>[vector<16xi32>], vector<16xi32>,
            %slice3A_192 = vector.extract_strided_slice %gather3A {offsets = [0], sizes = [1], strides = [1]} : vector<16xi32> to vector<1xi32>
            %squeeze3A_193 = vector.extract %slice3A_192[0] : i32 from vector<1xi32>
            %broadcast_in_dim3A_194 = vector.broadcast %squeeze3A_193 : i32 to vector<16xi32>
            %broadcast_in_dim3A_195 = vector.broadcast %squeeze3A_193 : i32 to vector<16xi32>
            tpu.vector_store_idx %arg10[%broadcast_in_dim3A_194], %broadcast_in_dim3A_195 masked %eq3A_1 : memref<20000xi32, #tpu.memory_space<vmem>>[vector<16xi32>], vector<16xi32>, vector<16xi1>
            %while3A_196 = arith.constant 0 : i32
            scf.yield %while3A_196 : i32
          }
          %while3A_183 = arith.constant 1 : i32
          %while3A_184 = scf.for %while3A_189 = %while3A_180 to %while3A_176 step %while3A_183 iter_args(%while3A_190 = %while3A_182) -> (i32)  : i32 {
            %broadcast_in_dim3A_191 = vector.broadcast %while3A_189 : i32 to vector<16xi32>
            %gather3A = tpu.vector_load_idx %arg17[%broadcast_in_dim3A_191] : memref<256xi32, #tpu.memory_space<vmem>>[vector<16xi32>], vector<16xi32>,
            %slice3A_192 = vector.extract_strided_slice %gather3A {offsets = [0], sizes = [1], strides = [1]} : vector<16xi32> to vector<1xi32>
            %squeeze3A_193 = vector.extract %slice3A_192[0] : i32 from vector<1xi32>
            %broadcast_in_dim3A_194 = vector.broadcast %squeeze3A_193 : i32 to vector<16xi32>
            %broadcast_in_dim3A_195 = vector.broadcast %squeeze3A_193 : i32 to vector<16xi32>
            tpu.vector_store_idx %arg10[%broadcast_in_dim3A_194], %broadcast_in_dim3A_195 masked %eq3A_1 : memref<20000xi32, #tpu.memory_space<vmem>>[vector<16xi32>], vector<16xi32>, vector<16xi1>
            %while3A_196 = arith.constant 0 : i32
            scf.yield %while3A_196 : i32
          }
          %sub3A_185 = arith.constant 1 : i32
          %sub3A_186 = arith.subi %squeeze3A_27, %sub3A_185 : i32
          %sub3A_187 = arith.subi %sub3A_186, %sub3A_80 : i32
          %while3A_188:3 = scf.while (%while3A_189 = %sub3A_187, %while3A_190 = %while3A_172#0, %while3A_191 = %while3A_172#1) : (i32, i32, i32) -> (i32, i32, i32) {
            %ge3A = arith.constant 1 : i32
            %ge3A_192 = arith.cmpi sge, %while3A_189, %ge3A : i32
            scf.condition(%ge3A_192) %while3A_189, %while3A_190, %while3A_191 : i32, i32, i32
          } do {
          ^bb0(%while3A_189: i32, %while3A_190: i32, %while3A_191: i32):
            %add3A_192 = arith.constant 128 : i32
            %add3A_193 = arith.addi %while3A_190, %add3A_192 : i32
            %sub3A_194 = arith.subi %add3A_193, %while3A_191 : i32
            %gt3A_195 = arith.constant 16384 : i32
            %gt3A_196 = arith.cmpi sgt, %sub3A_194, %gt3A_195 : i32
            %convert_element_type3A_197 = arith.extui %gt3A_196 : i1 to i32
            %cond3A_198 = arith.constant 0 : i32
            %cond3A_199 = arith.cmpi ne, %convert_element_type3A_197, %cond3A_198 : i32
            %cond3A_200 = scf.if %cond3A_199 -> (i32) {
              %and3A_299 = arith.constant -8 : i32
              %and3A_300 = arith.andi %while3A_190, %and3A_299 : i32
              %multiple_of3A_301 = tpu.assume_multiple %and3A_300, 8 : i32
              "tpu.region"() ({
                %run_scoped3A = tpu.sem_alloc : memref<!tpu.dma_semaphore, #tpu.memory_space<semaphore_mem>>
                %dma_start3A = tpu.memref_slice %arg2[%multiple_of3A_301] : memref<1048576xi32, #tpu.memory_space<hbm>> -> memref<16384xi32, #tpu.memory_space<hbm>>
                %dma_start3A_302 = tpu.memref_slice %arg2[%multiple_of3A_301] : memref<1048576xi32, #tpu.memory_space<hbm>> -> memref<16384xi32, #tpu.memory_space<hbm>>
                tpu.enqueue_dma source(%dma_start3A_302 : memref<16384xi32, #tpu.memory_space<hbm>>) target(%arg13 : memref<16384xi32, #tpu.memory_space<vmem>>) target_semaphore(%run_scoped3A : memref<!tpu.dma_semaphore, #tpu.memory_space<semaphore_mem>>)
                %dma_wait3A = tpu.memref_slice %arg2[%multiple_of3A_301] : memref<1048576xi32, #tpu.memory_space<hbm>> -> memref<16384xi32, #tpu.memory_space<hbm>>
                %dma_wait3A_303 = tpu.memref_slice %arg2[%multiple_of3A_301] : memref<1048576xi32, #tpu.memory_space<hbm>> -> memref<16384xi32, #tpu.memory_space<hbm>>
                tpu.wait_dma2 semaphore(%run_scoped3A : memref<!tpu.dma_semaphore, #tpu.memory_space<semaphore_mem>>) src(%dma_wait3A_303 : memref<16384xi32, #tpu.memory_space<hbm>>) dst(%arg13 : memref<16384xi32, #tpu.memory_space<vmem>>)
                tpu.yield
              }) : () -> ()
              scf.yield %multiple_of3A_301 : i32
            } else {
              scf.yield %while3A_191 : i32
            }
            %iota3A_201 = tpu.iota {dimensions = array<i32: 0>} : vector<16xi32>
            %sub3A_202 = arith.subi %while3A_190, %cond3A_200 : i32
            %add3A_203 = arith.constant 0 : i32
            %add3A_204 = arith.addi %sub3A_202, %add3A_203 : i32
            %broadcast_in_dim3A_205 = vector.broadcast %add3A_204 : i32 to vector<16xi32>
            %add3A_206 = arith.addi %broadcast_in_dim3A_205, %iota3A_201 : vector<16xi32>
            %gather3A = tpu.vector_load_idx %arg13[%add3A_206] : memref<16384xi32, #tpu.memory_space<vmem>>[vector<16xi32>], vector<16xi32>,
            %sub3A_207 = arith.subi %while3A_190, %cond3A_200 : i32
            %add3A_208 = arith.constant 16 : i32
            %add3A_209 = arith.addi %sub3A_207, %add3A_208 : i32
            %broadcast_in_dim3A_210 = vector.broadcast %add3A_209 : i32 to vector<16xi32>
            %add3A_211 = arith.addi %broadcast_in_dim3A_210, %iota3A_201 : vector<16xi32>
            %gather3A_212 = tpu.vector_load_idx %arg13[%add3A_211] : memref<16384xi32, #tpu.memory_space<vmem>>[vector<16xi32>], vector<16xi32>,
            %sub3A_213 = arith.subi %while3A_190, %cond3A_200 : i32
            %add3A_214 = arith.constant 32 : i32
            %add3A_215 = arith.addi %sub3A_213, %add3A_214 : i32
            %broadcast_in_dim3A_216 = vector.broadcast %add3A_215 : i32 to vector<16xi32>
            %add3A_217 = arith.addi %broadcast_in_dim3A_216, %iota3A_201 : vector<16xi32>
            %gather3A_218 = tpu.vector_load_idx %arg13[%add3A_217] : memref<16384xi32, #tpu.memory_space<vmem>>[vector<16xi32>], vector<16xi32>,
            %sub3A_219 = arith.subi %while3A_190, %cond3A_200 : i32
            %add3A_220 = arith.constant 48 : i32
            %add3A_221 = arith.addi %sub3A_219, %add3A_220 : i32
            %broadcast_in_dim3A_222 = vector.broadcast %add3A_221 : i32 to vector<16xi32>
            %add3A_223 = arith.addi %broadcast_in_dim3A_222, %iota3A_201 : vector<16xi32>
            %gather3A_224 = tpu.vector_load_idx %arg13[%add3A_223] : memref<16384xi32, #tpu.memory_space<vmem>>[vector<16xi32>], vector<16xi32>,
            %sub3A_225 = arith.subi %while3A_190, %cond3A_200 : i32
            %add3A_226 = arith.constant 64 : i32
            %add3A_227 = arith.addi %sub3A_225, %add3A_226 : i32
            %broadcast_in_dim3A_228 = vector.broadcast %add3A_227 : i32 to vector<16xi32>
            %add3A_229 = arith.addi %broadcast_in_dim3A_228, %iota3A_201 : vector<16xi32>
            %gather3A_230 = tpu.vector_load_idx %arg13[%add3A_229] : memref<16384xi32, #tpu.memory_space<vmem>>[vector<16xi32>], vector<16xi32>,
            %sub3A_231 = arith.subi %while3A_190, %cond3A_200 : i32
            %add3A_232 = arith.constant 80 : i32
            %add3A_233 = arith.addi %sub3A_231, %add3A_232 : i32
            %broadcast_in_dim3A_234 = vector.broadcast %add3A_233 : i32 to vector<16xi32>
            %add3A_235 = arith.addi %broadcast_in_dim3A_234, %iota3A_201 : vector<16xi32>
            %gather3A_236 = tpu.vector_load_idx %arg13[%add3A_235] : memref<16384xi32, #tpu.memory_space<vmem>>[vector<16xi32>], vector<16xi32>,
            %sub3A_237 = arith.subi %while3A_190, %cond3A_200 : i32
            %add3A_238 = arith.constant 96 : i32
            %add3A_239 = arith.addi %sub3A_237, %add3A_238 : i32
            %broadcast_in_dim3A_240 = vector.broadcast %add3A_239 : i32 to vector<16xi32>
            %add3A_241 = arith.addi %broadcast_in_dim3A_240, %iota3A_201 : vector<16xi32>
            %gather3A_242 = tpu.vector_load_idx %arg13[%add3A_241] : memref<16384xi32, #tpu.memory_space<vmem>>[vector<16xi32>], vector<16xi32>,
            %sub3A_243 = arith.subi %while3A_190, %cond3A_200 : i32
            %add3A_244 = arith.constant 112 : i32
            %add3A_245 = arith.addi %sub3A_243, %add3A_244 : i32
            %broadcast_in_dim3A_246 = vector.broadcast %add3A_245 : i32 to vector<16xi32>
            %add3A_247 = arith.addi %broadcast_in_dim3A_246, %iota3A_201 : vector<16xi32>
            %gather3A_248 = tpu.vector_load_idx %arg13[%add3A_247] : memref<16384xi32, #tpu.memory_space<vmem>>[vector<16xi32>], vector<16xi32>,
            %broadcast_in_dim3A_249 = vector.broadcast %while3A_189 : i32 to vector<16xi32>
            %ge3A = arith.constant 0 : i32
            %ge3A_250 = vector.broadcast %ge3A : i32 to vector<16xi32>
            %ge3A_251 = arith.cmpi sge, %iota3A_201, %ge3A_250 : vector<16xi32>
            %shift_right_arithmetic3A_252 = arith.constant 1 : i32
            %shift_right_arithmetic3A_253 = arith.shrsi %while3A_189, %shift_right_arithmetic3A_252 : i32
            %or3A_254 = arith.ori %while3A_189, %shift_right_arithmetic3A_253 : i32
            %shift_right_arithmetic3A_255 = arith.constant 2 : i32
            %shift_right_arithmetic3A_256 = arith.shrsi %or3A_254, %shift_right_arithmetic3A_255 : i32
            %or3A_257 = arith.ori %or3A_254, %shift_right_arithmetic3A_256 : i32
            %shift_right_arithmetic3A_258 = arith.constant 4 : i32
            %shift_right_arithmetic3A_259 = arith.shrsi %or3A_257, %shift_right_arithmetic3A_258 : i32
            %or3A_260 = arith.ori %or3A_257, %shift_right_arithmetic3A_259 : i32
            %shift_right_arithmetic3A_261 = arith.constant 8 : i32
            %shift_right_arithmetic3A_262 = arith.shrsi %or3A_260, %shift_right_arithmetic3A_261 : i32
            %or3A_263 = arith.ori %or3A_260, %shift_right_arithmetic3A_262 : i32
            %shift_right_arithmetic3A_264 = arith.constant 16 : i32
            %shift_right_arithmetic3A_265 = arith.shrsi %or3A_263, %shift_right_arithmetic3A_264 : i32
            %or3A_266 = arith.ori %or3A_263, %shift_right_arithmetic3A_265 : i32
            %sub3A_267 = arith.constant 127 : i32
            %sub3A_268 = arith.subi %while3A_189, %sub3A_267 : i32
            %max3A = arith.constant 1 : i32
            %max3A_269 = arith.maxsi %sub3A_268, %max3A : i32
            %shift_right_arithmetic3A_270 = arith.constant 1 : i32
            %shift_right_arithmetic3A_271 = arith.shrsi %max3A_269, %shift_right_arithmetic3A_270 : i32
            %or3A_272 = arith.ori %max3A_269, %shift_right_arithmetic3A_271 : i32
            %shift_right_arithmetic3A_273 = arith.constant 2 : i32
            %shift_right_arithmetic3A_274 = arith.shrsi %or3A_272, %shift_right_arithmetic3A_273 : i32
            %or3A_275 = arith.ori %or3A_272, %shift_right_arithmetic3A_274 : i32
            %shift_right_arithmetic3A_276 = arith.constant 4 : i32
            %shift_right_arithmetic3A_277 = arith.shrsi %or3A_275, %shift_right_arithmetic3A_276 : i32
            %or3A_278 = arith.ori %or3A_275, %shift_right_arithmetic3A_277 : i32
            %shift_right_arithmetic3A_279 = arith.constant 8 : i32
            %shift_right_arithmetic3A_280 = arith.shrsi %or3A_278, %shift_right_arithmetic3A_279 : i32
            %or3A_281 = arith.ori %or3A_278, %shift_right_arithmetic3A_280 : i32
            %shift_right_arithmetic3A_282 = arith.constant 16 : i32
            %shift_right_arithmetic3A_283 = arith.shrsi %or3A_281, %shift_right_arithmetic3A_282 : i32
            %or3A_284 = arith.ori %or3A_281, %shift_right_arithmetic3A_283 : i32
            %eq3A_285 = arith.cmpi eq, %or3A_266, %or3A_284 : i32
            %convert_element_type3A_286 = arith.extui %eq3A_285 : i1 to i32
            %cond3A_287 = arith.constant 0 : i32
            %cond3A_288 = arith.constant 0 : i32
            %cond3A_289 = arith.cmpi ne, %convert_element_type3A_286, %cond3A_288 : i32
            %cond3A_290:10 = scf.if %cond3A_289 -> (vector<16xi1>, vector<16xi1>, vector<16xi1>, vector<16xi1>, vector<16xi1>, vector<16xi1>, vector<16xi1>, vector<16xi1>, i32, i32) {
              %while3A_299 = arith.constant 1 : i32
              %while3A_300 = arith.constant 0 : i32
              %while3A_301:10 = scf.while (%while3A_302 = %ge3A_251, %while3A_303 = %ge3A_251, %while3A_304 = %ge3A_251, %while3A_305 = %ge3A_251, %while3A_306 = %ge3A_251, %while3A_307 = %ge3A_251, %while3A_308 = %ge3A_251, %while3A_309 = %ge3A_251, %while3A_310 = %while3A_299, %while3A_311 = %while3A_300) : (vector<16xi1>, vector<16xi1>, vector<16xi1>, vector<16xi1>, vector<16xi1>, vector<16xi1>, vector<16xi1>, vector<16xi1>, i32, i32) -> (vector<16xi1>, vector<16xi1>, vector<16xi1>, vector<16xi1>, vector<16xi1>, vector<16xi1>, vector<16xi1>, vector<16xi1>, i32, i32) {
                %ne3A_312 = arith.constant 0 : i32
                %ne3A_313 = arith.cmpi ne, %while3A_310, %ne3A_312 : i32
                scf.condition(%ne3A_313) %while3A_302, %while3A_303, %while3A_304, %while3A_305, %while3A_306, %while3A_307, %while3A_308, %while3A_309, %while3A_310, %while3A_311 : vector<16xi1>, vector<16xi1>, vector<16xi1>, vector<16xi1>, vector<16xi1>, vector<16xi1>, vector<16xi1>, vector<16xi1>, i32, i32
              } do {
              ^bb0(%while3A_302: vector<16xi1>, %while3A_303: vector<16xi1>, %while3A_304: vector<16xi1>, %while3A_305: vector<16xi1>, %while3A_306: vector<16xi1>, %while3A_307: vector<16xi1>, %while3A_308: vector<16xi1>, %while3A_309: vector<16xi1>, %while3A_310: i32, %while3A_311: i32):
                %jit3A_312 = arith.constant 1 : i32
                %jit3A_313 = arith.constant 0 : i32
                %broadcast_in_dim3A_314 = vector.broadcast %jit3A_312 : i32 to vector<16xi32>
                %broadcast_in_dim3A_315 = vector.broadcast %jit3A_313 : i32 to vector<16xi32>
                %select_n3A_316 = arith.select %while3A_302, %broadcast_in_dim3A_314, %broadcast_in_dim3A_315 : vector<16xi1>, vector<16xi32>
                %jit3A_317 = arith.constant 1 : i32
                %jit3A_318 = arith.constant 0 : i32
                %broadcast_in_dim3A_319 = vector.broadcast %jit3A_317 : i32 to vector<16xi32>
                %broadcast_in_dim3A_320 = vector.broadcast %jit3A_318 : i32 to vector<16xi32>
                %select_n3A_321 = arith.select %while3A_303, %broadcast_in_dim3A_319, %broadcast_in_dim3A_320 : vector<16xi1>, vector<16xi32>
                %jit3A_322 = arith.constant 1 : i32
                %jit3A_323 = arith.constant 0 : i32
                %broadcast_in_dim3A_324 = vector.broadcast %jit3A_322 : i32 to vector<16xi32>
                %broadcast_in_dim3A_325 = vector.broadcast %jit3A_323 : i32 to vector<16xi32>
                %select_n3A_326 = arith.select %while3A_304, %broadcast_in_dim3A_324, %broadcast_in_dim3A_325 : vector<16xi1>, vector<16xi32>
                %jit3A_327 = arith.constant 1 : i32
                %jit3A_328 = arith.constant 0 : i32
                %broadcast_in_dim3A_329 = vector.broadcast %jit3A_327 : i32 to vector<16xi32>
                %broadcast_in_dim3A_330 = vector.broadcast %jit3A_328 : i32 to vector<16xi32>
                %select_n3A_331 = arith.select %while3A_305, %broadcast_in_dim3A_329, %broadcast_in_dim3A_330 : vector<16xi1>, vector<16xi32>
                %jit3A_332 = arith.constant 1 : i32
                %jit3A_333 = arith.constant 0 : i32
                %broadcast_in_dim3A_334 = vector.broadcast %jit3A_332 : i32 to vector<16xi32>
                %broadcast_in_dim3A_335 = vector.broadcast %jit3A_333 : i32 to vector<16xi32>
                %select_n3A_336 = arith.select %while3A_306, %broadcast_in_dim3A_334, %broadcast_in_dim3A_335 : vector<16xi1>, vector<16xi32>
                %jit3A_337 = arith.constant 1 : i32
                %jit3A_338 = arith.constant 0 : i32
                %broadcast_in_dim3A_339 = vector.broadcast %jit3A_337 : i32 to vector<16xi32>
                %broadcast_in_dim3A_340 = vector.broadcast %jit3A_338 : i32 to vector<16xi32>
                %select_n3A_341 = arith.select %while3A_307, %broadcast_in_dim3A_339, %broadcast_in_dim3A_340 : vector<16xi1>, vector<16xi32>
                %jit3A_342 = arith.constant 1 : i32
                %jit3A_343 = arith.constant 0 : i32
                %broadcast_in_dim3A_344 = vector.broadcast %jit3A_342 : i32 to vector<16xi32>
                %broadcast_in_dim3A_345 = vector.broadcast %jit3A_343 : i32 to vector<16xi32>
                %select_n3A_346 = arith.select %while3A_308, %broadcast_in_dim3A_344, %broadcast_in_dim3A_345 : vector<16xi1>, vector<16xi32>
                %jit3A_347 = arith.constant 1 : i32
                %jit3A_348 = arith.constant 0 : i32
                %broadcast_in_dim3A_349 = vector.broadcast %jit3A_347 : i32 to vector<16xi32>
                %broadcast_in_dim3A_350 = vector.broadcast %jit3A_348 : i32 to vector<16xi32>
                %select_n3A_351 = arith.select %while3A_309, %broadcast_in_dim3A_349, %broadcast_in_dim3A_350 : vector<16xi1>, vector<16xi32>
                %broadcast_in_dim3A_352 = arith.constant true
                %broadcast_in_dim3A_353 = vector.broadcast %broadcast_in_dim3A_352 : i1 to vector<16xi1>
                %masked_cumsum3A = tpu.scan <sum>, %select_n3A_316 masked %broadcast_in_dim3A_353 : vector<16xi32>, vector<16xi1> -> vector<16xi32>
                %broadcast_in_dim3A_354 = arith.constant true
                %broadcast_in_dim3A_355 = vector.broadcast %broadcast_in_dim3A_354 : i1 to vector<16xi1>
                %masked_cumsum3A_356 = tpu.scan <sum>, %select_n3A_321 masked %broadcast_in_dim3A_355 : vector<16xi32>, vector<16xi1> -> vector<16xi32>
                %broadcast_in_dim3A_357 = arith.constant true
                %broadcast_in_dim3A_358 = vector.broadcast %broadcast_in_dim3A_357 : i1 to vector<16xi1>
                %masked_cumsum3A_359 = tpu.scan <sum>, %select_n3A_326 masked %broadcast_in_dim3A_358 : vector<16xi32>, vector<16xi1> -> vector<16xi32>
                %broadcast_in_dim3A_360 = arith.constant true
                %broadcast_in_dim3A_361 = vector.broadcast %broadcast_in_dim3A_360 : i1 to vector<16xi1>
                %masked_cumsum3A_362 = tpu.scan <sum>, %select_n3A_331 masked %broadcast_in_dim3A_361 : vector<16xi32>, vector<16xi1> -> vector<16xi32>
                %broadcast_in_dim3A_363 = arith.constant true
                %broadcast_in_dim3A_364 = vector.broadcast %broadcast_in_dim3A_363 : i1 to vector<16xi1>
                %masked_cumsum3A_365 = tpu.scan <sum>, %select_n3A_336 masked %broadcast_in_dim3A_364 : vector<16xi32>, vector<16xi1> -> vector<16xi32>
                %broadcast_in_dim3A_366 = arith.constant true
                %broadcast_in_dim3A_367 = vector.broadcast %broadcast_in_dim3A_366 : i1 to vector<16xi1>
                %masked_cumsum3A_368 = tpu.scan <sum>, %select_n3A_341 masked %broadcast_in_dim3A_367 : vector<16xi32>, vector<16xi1> -> vector<16xi32>
                %broadcast_in_dim3A_369 = arith.constant true
                %broadcast_in_dim3A_370 = vector.broadcast %broadcast_in_dim3A_369 : i1 to vector<16xi1>
                %masked_cumsum3A_371 = tpu.scan <sum>, %select_n3A_346 masked %broadcast_in_dim3A_370 : vector<16xi32>, vector<16xi1> -> vector<16xi32>
                %broadcast_in_dim3A_372 = arith.constant true
                %broadcast_in_dim3A_373 = vector.broadcast %broadcast_in_dim3A_372 : i1 to vector<16xi1>
                %masked_cumsum3A_374 = tpu.scan <sum>, %select_n3A_351 masked %broadcast_in_dim3A_373 : vector<16xi32>, vector<16xi1> -> vector<16xi32>
                %slice3A_375 = vector.extract_strided_slice %masked_cumsum3A {offsets = [15], sizes = [1], strides = [1]} : vector<16xi32> to vector<1xi32>
                %squeeze3A_376 = vector.extract %slice3A_375[0] : i32 from vector<1xi32>
                %add3A_377 = arith.constant 0 : i32
                %add3A_378 = arith.addi %add3A_377, %squeeze3A_376 : i32
                %slice3A_379 = vector.extract_strided_slice %masked_cumsum3A_356 {offsets = [15], sizes = [1], strides = [1]} : vector<16xi32> to vector<1xi32>
                %squeeze3A_380 = vector.extract %slice3A_379[0] : i32 from vector<1xi32>
                %add3A_381 = arith.addi %add3A_378, %squeeze3A_380 : i32
                %slice3A_382 = vector.extract_strided_slice %masked_cumsum3A_359 {offsets = [15], sizes = [1], strides = [1]} : vector<16xi32> to vector<1xi32>
                %squeeze3A_383 = vector.extract %slice3A_382[0] : i32 from vector<1xi32>
                %add3A_384 = arith.addi %add3A_381, %squeeze3A_383 : i32
                %slice3A_385 = vector.extract_strided_slice %masked_cumsum3A_362 {offsets = [15], sizes = [1], strides = [1]} : vector<16xi32> to vector<1xi32>
                %squeeze3A_386 = vector.extract %slice3A_385[0] : i32 from vector<1xi32>
                %add3A_387 = arith.addi %add3A_384, %squeeze3A_386 : i32
                %slice3A_388 = vector.extract_strided_slice %masked_cumsum3A_365 {offsets = [15], sizes = [1], strides = [1]} : vector<16xi32> to vector<1xi32>
                %squeeze3A_389 = vector.extract %slice3A_388[0] : i32 from vector<1xi32>
                %add3A_390 = arith.addi %add3A_387, %squeeze3A_389 : i32
                %slice3A_391 = vector.extract_strided_slice %masked_cumsum3A_368 {offsets = [15], sizes = [1], strides = [1]} : vector<16xi32> to vector<1xi32>
                %squeeze3A_392 = vector.extract %slice3A_391[0] : i32 from vector<1xi32>
                %add3A_393 = arith.addi %add3A_390, %squeeze3A_392 : i32
                %slice3A_394 = vector.extract_strided_slice %masked_cumsum3A_371 {offsets = [15], sizes = [1], strides = [1]} : vector<16xi32> to vector<1xi32>
                %squeeze3A_395 = vector.extract %slice3A_394[0] : i32 from vector<1xi32>
                %add3A_396 = arith.addi %add3A_393, %squeeze3A_395 : i32
                %slice3A_397 = vector.extract_strided_slice %masked_cumsum3A_374 {offsets = [15], sizes = [1], strides = [1]} : vector<16xi32> to vector<1xi32>
                %squeeze3A_398 = vector.extract %slice3A_397[0] : i32 from vector<1xi32>
                %add3A_399 = arith.addi %add3A_396, %squeeze3A_398 : i32
                %sub3A_400 = arith.subi %masked_cumsum3A, %select_n3A_316 : vector<16xi32>
                %broadcast_in_dim3A_401 = arith.constant 0 : i32
                %broadcast_in_dim3A_402 = vector.broadcast %broadcast_in_dim3A_401 : i32 to vector<16xi32>
                %add3A_403 = arith.addi %sub3A_400, %broadcast_in_dim3A_402 : vector<16xi32>
                %sub3A_404 = arith.subi %broadcast_in_dim3A_249, %add3A_403 : vector<16xi32>
                %broadcast_in_dim3A_405 = vector.broadcast %or3A_266 : i32 to vector<16xi32>
                %and3A_406 = arith.andi %gather3A, %broadcast_in_dim3A_405 : vector<16xi32>
                %le3A = arith.cmpi sle, %and3A_406, %sub3A_404 : vector<16xi32>
                %ge3A_407 = arith.constant 1 : i32
                %ge3A_408 = vector.broadcast %ge3A_407 : i32 to vector<16xi32>
                %ge3A_409 = arith.cmpi sge, %sub3A_404, %ge3A_408 : vector<16xi32>
                %and3A_410 = arith.andi %ge3A_409, %le3A : vector<16xi1>
                %sub3A_411 = arith.subi %masked_cumsum3A_356, %select_n3A_321 : vector<16xi32>
                %broadcast_in_dim3A_412 = vector.broadcast %add3A_378 : i32 to vector<16xi32>
                %add3A_413 = arith.addi %sub3A_411, %broadcast_in_dim3A_412 : vector<16xi32>
                %sub3A_414 = arith.subi %broadcast_in_dim3A_249, %add3A_413 : vector<16xi32>
                %broadcast_in_dim3A_415 = vector.broadcast %or3A_266 : i32 to vector<16xi32>
                %and3A_416 = arith.andi %gather3A_212, %broadcast_in_dim3A_415 : vector<16xi32>
                %le3A_417 = arith.cmpi sle, %and3A_416, %sub3A_414 : vector<16xi32>
                %ge3A_418 = arith.constant 1 : i32
                %ge3A_419 = vector.broadcast %ge3A_418 : i32 to vector<16xi32>
                %ge3A_420 = arith.cmpi sge, %sub3A_414, %ge3A_419 : vector<16xi32>
                %and3A_421 = arith.andi %ge3A_420, %le3A_417 : vector<16xi1>
                %sub3A_422 = arith.subi %masked_cumsum3A_359, %select_n3A_326 : vector<16xi32>
                %broadcast_in_dim3A_423 = vector.broadcast %add3A_381 : i32 to vector<16xi32>
                %add3A_424 = arith.addi %sub3A_422, %broadcast_in_dim3A_423 : vector<16xi32>
                %sub3A_425 = arith.subi %broadcast_in_dim3A_249, %add3A_424 : vector<16xi32>
                %broadcast_in_dim3A_426 = vector.broadcast %or3A_266 : i32 to vector<16xi32>
                %and3A_427 = arith.andi %gather3A_218, %broadcast_in_dim3A_426 : vector<16xi32>
                %le3A_428 = arith.cmpi sle, %and3A_427, %sub3A_425 : vector<16xi32>
                %ge3A_429 = arith.constant 1 : i32
                %ge3A_430 = vector.broadcast %ge3A_429 : i32 to vector<16xi32>
                %ge3A_431 = arith.cmpi sge, %sub3A_425, %ge3A_430 : vector<16xi32>
                %and3A_432 = arith.andi %ge3A_431, %le3A_428 : vector<16xi1>
                %sub3A_433 = arith.subi %masked_cumsum3A_362, %select_n3A_331 : vector<16xi32>
                %broadcast_in_dim3A_434 = vector.broadcast %add3A_384 : i32 to vector<16xi32>
                %add3A_435 = arith.addi %sub3A_433, %broadcast_in_dim3A_434 : vector<16xi32>
                %sub3A_436 = arith.subi %broadcast_in_dim3A_249, %add3A_435 : vector<16xi32>
                %broadcast_in_dim3A_437 = vector.broadcast %or3A_266 : i32 to vector<16xi32>
                %and3A_438 = arith.andi %gather3A_224, %broadcast_in_dim3A_437 : vector<16xi32>
                %le3A_439 = arith.cmpi sle, %and3A_438, %sub3A_436 : vector<16xi32>
                %ge3A_440 = arith.constant 1 : i32
                %ge3A_441 = vector.broadcast %ge3A_440 : i32 to vector<16xi32>
                %ge3A_442 = arith.cmpi sge, %sub3A_436, %ge3A_441 : vector<16xi32>
                %and3A_443 = arith.andi %ge3A_442, %le3A_439 : vector<16xi1>
                %sub3A_444 = arith.subi %masked_cumsum3A_365, %select_n3A_336 : vector<16xi32>
                %broadcast_in_dim3A_445 = vector.broadcast %add3A_387 : i32 to vector<16xi32>
                %add3A_446 = arith.addi %sub3A_444, %broadcast_in_dim3A_445 : vector<16xi32>
                %sub3A_447 = arith.subi %broadcast_in_dim3A_249, %add3A_446 : vector<16xi32>
                %broadcast_in_dim3A_448 = vector.broadcast %or3A_266 : i32 to vector<16xi32>
                %and3A_449 = arith.andi %gather3A_230, %broadcast_in_dim3A_448 : vector<16xi32>
                %le3A_450 = arith.cmpi sle, %and3A_449, %sub3A_447 : vector<16xi32>
                %ge3A_451 = arith.constant 1 : i32
                %ge3A_452 = vector.broadcast %ge3A_451 : i32 to vector<16xi32>
                %ge3A_453 = arith.cmpi sge, %sub3A_447, %ge3A_452 : vector<16xi32>
                %and3A_454 = arith.andi %ge3A_453, %le3A_450 : vector<16xi1>
                %sub3A_455 = arith.subi %masked_cumsum3A_368, %select_n3A_341 : vector<16xi32>
                %broadcast_in_dim3A_456 = vector.broadcast %add3A_390 : i32 to vector<16xi32>
                %add3A_457 = arith.addi %sub3A_455, %broadcast_in_dim3A_456 : vector<16xi32>
                %sub3A_458 = arith.subi %broadcast_in_dim3A_249, %add3A_457 : vector<16xi32>
                %broadcast_in_dim3A_459 = vector.broadcast %or3A_266 : i32 to vector<16xi32>
                %and3A_460 = arith.andi %gather3A_236, %broadcast_in_dim3A_459 : vector<16xi32>
                %le3A_461 = arith.cmpi sle, %and3A_460, %sub3A_458 : vector<16xi32>
                %ge3A_462 = arith.constant 1 : i32
                %ge3A_463 = vector.broadcast %ge3A_462 : i32 to vector<16xi32>
                %ge3A_464 = arith.cmpi sge, %sub3A_458, %ge3A_463 : vector<16xi32>
                %and3A_465 = arith.andi %ge3A_464, %le3A_461 : vector<16xi1>
                %sub3A_466 = arith.subi %masked_cumsum3A_371, %select_n3A_346 : vector<16xi32>
                %broadcast_in_dim3A_467 = vector.broadcast %add3A_393 : i32 to vector<16xi32>
                %add3A_468 = arith.addi %sub3A_466, %broadcast_in_dim3A_467 : vector<16xi32>
                %sub3A_469 = arith.subi %broadcast_in_dim3A_249, %add3A_468 : vector<16xi32>
                %broadcast_in_dim3A_470 = vector.broadcast %or3A_266 : i32 to vector<16xi32>
                %and3A_471 = arith.andi %gather3A_242, %broadcast_in_dim3A_470 : vector<16xi32>
                %le3A_472 = arith.cmpi sle, %and3A_471, %sub3A_469 : vector<16xi32>
                %ge3A_473 = arith.constant 1 : i32
                %ge3A_474 = vector.broadcast %ge3A_473 : i32 to vector<16xi32>
                %ge3A_475 = arith.cmpi sge, %sub3A_469, %ge3A_474 : vector<16xi32>
                %and3A_476 = arith.andi %ge3A_475, %le3A_472 : vector<16xi1>
                %sub3A_477 = arith.subi %masked_cumsum3A_374, %select_n3A_351 : vector<16xi32>
                %broadcast_in_dim3A_478 = vector.broadcast %add3A_396 : i32 to vector<16xi32>
                %add3A_479 = arith.addi %sub3A_477, %broadcast_in_dim3A_478 : vector<16xi32>
                %sub3A_480 = arith.subi %broadcast_in_dim3A_249, %add3A_479 : vector<16xi32>
                %broadcast_in_dim3A_481 = vector.broadcast %or3A_266 : i32 to vector<16xi32>
                %and3A_482 = arith.andi %gather3A_248, %broadcast_in_dim3A_481 : vector<16xi32>
                %le3A_483 = arith.cmpi sle, %and3A_482, %sub3A_480 : vector<16xi32>
                %ge3A_484 = arith.constant 1 : i32
                %ge3A_485 = vector.broadcast %ge3A_484 : i32 to vector<16xi32>
                %ge3A_486 = arith.cmpi sge, %sub3A_480, %ge3A_485 : vector<16xi32>
                %and3A_487 = arith.andi %ge3A_486, %le3A_483 : vector<16xi1>
                %ne3A_488 = arith.xori %and3A_410, %while3A_302 : vector<16xi1>
                %ne3A_489 = arith.xori %and3A_421, %while3A_303 : vector<16xi1>
                %or3A_490 = arith.ori %ne3A_488, %ne3A_489 : vector<16xi1>
                %ne3A_491 = arith.xori %and3A_432, %while3A_304 : vector<16xi1>
                %or3A_492 = arith.ori %or3A_490, %ne3A_491 : vector<16xi1>
                %ne3A_493 = arith.xori %and3A_443, %while3A_305 : vector<16xi1>
                %or3A_494 = arith.ori %or3A_492, %ne3A_493 : vector<16xi1>
                %ne3A_495 = arith.xori %and3A_454, %while3A_306 : vector<16xi1>
                %or3A_496 = arith.ori %or3A_494, %ne3A_495 : vector<16xi1>
                %ne3A_497 = arith.xori %and3A_465, %while3A_307 : vector<16xi1>
                %or3A_498 = arith.ori %or3A_496, %ne3A_497 : vector<16xi1>
                %ne3A_499 = arith.xori %and3A_476, %while3A_308 : vector<16xi1>
                %or3A_500 = arith.ori %or3A_498, %ne3A_499 : vector<16xi1>
                %ne3A_501 = arith.xori %and3A_487, %while3A_309 : vector<16xi1>
                %or3A_502 = arith.ori %or3A_500, %ne3A_501 : vector<16xi1>
                %all_reduce_population_count3A = tpu.all_reduce %or3A_502 {dim = 0 : i64, kind = #tpu.reduction_kind<sum>} : vector<16xi1> -> vector<16xi32>
                %slice3A_503 = vector.extract_strided_slice %all_reduce_population_count3A {offsets = [0], sizes = [1], strides = [1]} : vector<16xi32> to vector<1xi32>
                %squeeze3A_504 = vector.extract %slice3A_503[0] : i32 from vector<1xi32>
                scf.yield %and3A_410, %and3A_421, %and3A_432, %and3A_443, %and3A_454, %and3A_465, %and3A_476, %and3A_487, %squeeze3A_504, %add3A_399 : vector<16xi1>, vector<16xi1>, vector<16xi1>, vector<16xi1>, vector<16xi1>, vector<16xi1>, vector<16xi1>, vector<16xi1>, i32, i32
              }
              scf.yield %while3A_301#0, %while3A_301#1, %while3A_301#2, %while3A_301#3, %while3A_301#4, %while3A_301#5, %while3A_301#6, %while3A_301#7, %while3A_301#8, %while3A_301#9 : vector<16xi1>, vector<16xi1>, vector<16xi1>, vector<16xi1>, vector<16xi1>, vector<16xi1>, vector<16xi1>, vector<16xi1>, i32, i32
            } else {
              %while3A_299 = arith.constant 1 : i32
              %while3A_300 = arith.constant 0 : i32
              %while3A_301:10 = scf.while (%while3A_302 = %ge3A_251, %while3A_303 = %ge3A_251, %while3A_304 = %ge3A_251, %while3A_305 = %ge3A_251, %while3A_306 = %ge3A_251, %while3A_307 = %ge3A_251, %while3A_308 = %ge3A_251, %while3A_309 = %ge3A_251, %while3A_310 = %while3A_299, %while3A_311 = %while3A_300) : (vector<16xi1>, vector<16xi1>, vector<16xi1>, vector<16xi1>, vector<16xi1>, vector<16xi1>, vector<16xi1>, vector<16xi1>, i32, i32) -> (vector<16xi1>, vector<16xi1>, vector<16xi1>, vector<16xi1>, vector<16xi1>, vector<16xi1>, vector<16xi1>, vector<16xi1>, i32, i32) {
                %ne3A_312 = arith.constant 0 : i32
                %ne3A_313 = arith.cmpi ne, %while3A_310, %ne3A_312 : i32
                scf.condition(%ne3A_313) %while3A_302, %while3A_303, %while3A_304, %while3A_305, %while3A_306, %while3A_307, %while3A_308, %while3A_309, %while3A_310, %while3A_311 : vector<16xi1>, vector<16xi1>, vector<16xi1>, vector<16xi1>, vector<16xi1>, vector<16xi1>, vector<16xi1>, vector<16xi1>, i32, i32
              } do {
              ^bb0(%while3A_302: vector<16xi1>, %while3A_303: vector<16xi1>, %while3A_304: vector<16xi1>, %while3A_305: vector<16xi1>, %while3A_306: vector<16xi1>, %while3A_307: vector<16xi1>, %while3A_308: vector<16xi1>, %while3A_309: vector<16xi1>, %while3A_310: i32, %while3A_311: i32):
                %jit3A_312 = arith.constant 1 : i32
                %jit3A_313 = arith.constant 0 : i32
                %broadcast_in_dim3A_314 = vector.broadcast %jit3A_312 : i32 to vector<16xi32>
                %broadcast_in_dim3A_315 = vector.broadcast %jit3A_313 : i32 to vector<16xi32>
                %select_n3A_316 = arith.select %while3A_302, %broadcast_in_dim3A_314, %broadcast_in_dim3A_315 : vector<16xi1>, vector<16xi32>
                %jit3A_317 = arith.constant 1 : i32
                %jit3A_318 = arith.constant 0 : i32
                %broadcast_in_dim3A_319 = vector.broadcast %jit3A_317 : i32 to vector<16xi32>
                %broadcast_in_dim3A_320 = vector.broadcast %jit3A_318 : i32 to vector<16xi32>
                %select_n3A_321 = arith.select %while3A_303, %broadcast_in_dim3A_319, %broadcast_in_dim3A_320 : vector<16xi1>, vector<16xi32>
                %jit3A_322 = arith.constant 1 : i32
                %jit3A_323 = arith.constant 0 : i32
                %broadcast_in_dim3A_324 = vector.broadcast %jit3A_322 : i32 to vector<16xi32>
                %broadcast_in_dim3A_325 = vector.broadcast %jit3A_323 : i32 to vector<16xi32>
                %select_n3A_326 = arith.select %while3A_304, %broadcast_in_dim3A_324, %broadcast_in_dim3A_325 : vector<16xi1>, vector<16xi32>
                %jit3A_327 = arith.constant 1 : i32
                %jit3A_328 = arith.constant 0 : i32
                %broadcast_in_dim3A_329 = vector.broadcast %jit3A_327 : i32 to vector<16xi32>
                %broadcast_in_dim3A_330 = vector.broadcast %jit3A_328 : i32 to vector<16xi32>
                %select_n3A_331 = arith.select %while3A_305, %broadcast_in_dim3A_329, %broadcast_in_dim3A_330 : vector<16xi1>, vector<16xi32>
                %jit3A_332 = arith.constant 1 : i32
                %jit3A_333 = arith.constant 0 : i32
                %broadcast_in_dim3A_334 = vector.broadcast %jit3A_332 : i32 to vector<16xi32>
                %broadcast_in_dim3A_335 = vector.broadcast %jit3A_333 : i32 to vector<16xi32>
                %select_n3A_336 = arith.select %while3A_306, %broadcast_in_dim3A_334, %broadcast_in_dim3A_335 : vector<16xi1>, vector<16xi32>
                %jit3A_337 = arith.constant 1 : i32
                %jit3A_338 = arith.constant 0 : i32
                %broadcast_in_dim3A_339 = vector.broadcast %jit3A_337 : i32 to vector<16xi32>
                %broadcast_in_dim3A_340 = vector.broadcast %jit3A_338 : i32 to vector<16xi32>
                %select_n3A_341 = arith.select %while3A_307, %broadcast_in_dim3A_339, %broadcast_in_dim3A_340 : vector<16xi1>, vector<16xi32>
                %jit3A_342 = arith.constant 1 : i32
                %jit3A_343 = arith.constant 0 : i32
                %broadcast_in_dim3A_344 = vector.broadcast %jit3A_342 : i32 to vector<16xi32>
                %broadcast_in_dim3A_345 = vector.broadcast %jit3A_343 : i32 to vector<16xi32>
                %select_n3A_346 = arith.select %while3A_308, %broadcast_in_dim3A_344, %broadcast_in_dim3A_345 : vector<16xi1>, vector<16xi32>
                %jit3A_347 = arith.constant 1 : i32
                %jit3A_348 = arith.constant 0 : i32
                %broadcast_in_dim3A_349 = vector.broadcast %jit3A_347 : i32 to vector<16xi32>
                %broadcast_in_dim3A_350 = vector.broadcast %jit3A_348 : i32 to vector<16xi32>
                %select_n3A_351 = arith.select %while3A_309, %broadcast_in_dim3A_349, %broadcast_in_dim3A_350 : vector<16xi1>, vector<16xi32>
                %broadcast_in_dim3A_352 = arith.constant true
                %broadcast_in_dim3A_353 = vector.broadcast %broadcast_in_dim3A_352 : i1 to vector<16xi1>
                %masked_cumsum3A = tpu.scan <sum>, %select_n3A_316 masked %broadcast_in_dim3A_353 : vector<16xi32>, vector<16xi1> -> vector<16xi32>
                %broadcast_in_dim3A_354 = arith.constant true
                %broadcast_in_dim3A_355 = vector.broadcast %broadcast_in_dim3A_354 : i1 to vector<16xi1>
                %masked_cumsum3A_356 = tpu.scan <sum>, %select_n3A_321 masked %broadcast_in_dim3A_355 : vector<16xi32>, vector<16xi1> -> vector<16xi32>
                %broadcast_in_dim3A_357 = arith.constant true
                %broadcast_in_dim3A_358 = vector.broadcast %broadcast_in_dim3A_357 : i1 to vector<16xi1>
                %masked_cumsum3A_359 = tpu.scan <sum>, %select_n3A_326 masked %broadcast_in_dim3A_358 : vector<16xi32>, vector<16xi1> -> vector<16xi32>
                %broadcast_in_dim3A_360 = arith.constant true
                %broadcast_in_dim3A_361 = vector.broadcast %broadcast_in_dim3A_360 : i1 to vector<16xi1>
                %masked_cumsum3A_362 = tpu.scan <sum>, %select_n3A_331 masked %broadcast_in_dim3A_361 : vector<16xi32>, vector<16xi1> -> vector<16xi32>
                %broadcast_in_dim3A_363 = arith.constant true
                %broadcast_in_dim3A_364 = vector.broadcast %broadcast_in_dim3A_363 : i1 to vector<16xi1>
                %masked_cumsum3A_365 = tpu.scan <sum>, %select_n3A_336 masked %broadcast_in_dim3A_364 : vector<16xi32>, vector<16xi1> -> vector<16xi32>
                %broadcast_in_dim3A_366 = arith.constant true
                %broadcast_in_dim3A_367 = vector.broadcast %broadcast_in_dim3A_366 : i1 to vector<16xi1>
                %masked_cumsum3A_368 = tpu.scan <sum>, %select_n3A_341 masked %broadcast_in_dim3A_367 : vector<16xi32>, vector<16xi1> -> vector<16xi32>
                %broadcast_in_dim3A_369 = arith.constant true
                %broadcast_in_dim3A_370 = vector.broadcast %broadcast_in_dim3A_369 : i1 to vector<16xi1>
                %masked_cumsum3A_371 = tpu.scan <sum>, %select_n3A_346 masked %broadcast_in_dim3A_370 : vector<16xi32>, vector<16xi1> -> vector<16xi32>
                %broadcast_in_dim3A_372 = arith.constant true
                %broadcast_in_dim3A_373 = vector.broadcast %broadcast_in_dim3A_372 : i1 to vector<16xi1>
                %masked_cumsum3A_374 = tpu.scan <sum>, %select_n3A_351 masked %broadcast_in_dim3A_373 : vector<16xi32>, vector<16xi1> -> vector<16xi32>
                %slice3A_375 = vector.extract_strided_slice %masked_cumsum3A {offsets = [15], sizes = [1], strides = [1]} : vector<16xi32> to vector<1xi32>
                %squeeze3A_376 = vector.extract %slice3A_375[0] : i32 from vector<1xi32>
                %add3A_377 = arith.constant 0 : i32
                %add3A_378 = arith.addi %add3A_377, %squeeze3A_376 : i32
                %slice3A_379 = vector.extract_strided_slice %masked_cumsum3A_356 {offsets = [15], sizes = [1], strides = [1]} : vector<16xi32> to vector<1xi32>
                %squeeze3A_380 = vector.extract %slice3A_379[0] : i32 from vector<1xi32>
                %add3A_381 = arith.addi %add3A_378, %squeeze3A_380 : i32
                %slice3A_382 = vector.extract_strided_slice %masked_cumsum3A_359 {offsets = [15], sizes = [1], strides = [1]} : vector<16xi32> to vector<1xi32>
                %squeeze3A_383 = vector.extract %slice3A_382[0] : i32 from vector<1xi32>
                %add3A_384 = arith.addi %add3A_381, %squeeze3A_383 : i32
                %slice3A_385 = vector.extract_strided_slice %masked_cumsum3A_362 {offsets = [15], sizes = [1], strides = [1]} : vector<16xi32> to vector<1xi32>
                %squeeze3A_386 = vector.extract %slice3A_385[0] : i32 from vector<1xi32>
                %add3A_387 = arith.addi %add3A_384, %squeeze3A_386 : i32
                %slice3A_388 = vector.extract_strided_slice %masked_cumsum3A_365 {offsets = [15], sizes = [1], strides = [1]} : vector<16xi32> to vector<1xi32>
                %squeeze3A_389 = vector.extract %slice3A_388[0] : i32 from vector<1xi32>
                %add3A_390 = arith.addi %add3A_387, %squeeze3A_389 : i32
                %slice3A_391 = vector.extract_strided_slice %masked_cumsum3A_368 {offsets = [15], sizes = [1], strides = [1]} : vector<16xi32> to vector<1xi32>
                %squeeze3A_392 = vector.extract %slice3A_391[0] : i32 from vector<1xi32>
                %add3A_393 = arith.addi %add3A_390, %squeeze3A_392 : i32
                %slice3A_394 = vector.extract_strided_slice %masked_cumsum3A_371 {offsets = [15], sizes = [1], strides = [1]} : vector<16xi32> to vector<1xi32>
                %squeeze3A_395 = vector.extract %slice3A_394[0] : i32 from vector<1xi32>
                %add3A_396 = arith.addi %add3A_393, %squeeze3A_395 : i32
                %slice3A_397 = vector.extract_strided_slice %masked_cumsum3A_374 {offsets = [15], sizes = [1], strides = [1]} : vector<16xi32> to vector<1xi32>
                %squeeze3A_398 = vector.extract %slice3A_397[0] : i32 from vector<1xi32>
                %add3A_399 = arith.addi %add3A_396, %squeeze3A_398 : i32
                %sub3A_400 = arith.subi %masked_cumsum3A, %select_n3A_316 : vector<16xi32>
                %broadcast_in_dim3A_401 = arith.constant 0 : i32
                %broadcast_in_dim3A_402 = vector.broadcast %broadcast_in_dim3A_401 : i32 to vector<16xi32>
                %add3A_403 = arith.addi %sub3A_400, %broadcast_in_dim3A_402 : vector<16xi32>
                %sub3A_404 = arith.subi %broadcast_in_dim3A_249, %add3A_403 : vector<16xi32>
                %shift_right_arithmetic3A_405 = arith.constant 1 : i32
                %shift_right_arithmetic3A_406 = vector.broadcast %shift_right_arithmetic3A_405 : i32 to vector<16xi32>
                %shift_right_arithmetic3A_407 = arith.shrsi %sub3A_404, %shift_right_arithmetic3A_406 : vector<16xi32>
                %or3A_408 = arith.ori %sub3A_404, %shift_right_arithmetic3A_407 : vector<16xi32>
                %shift_right_arithmetic3A_409 = arith.constant 2 : i32
                %shift_right_arithmetic3A_410 = vector.broadcast %shift_right_arithmetic3A_409 : i32 to vector<16xi32>
                %shift_right_arithmetic3A_411 = arith.shrsi %or3A_408, %shift_right_arithmetic3A_410 : vector<16xi32>
                %or3A_412 = arith.ori %or3A_408, %shift_right_arithmetic3A_411 : vector<16xi32>
                %shift_right_arithmetic3A_413 = arith.constant 4 : i32
                %shift_right_arithmetic3A_414 = vector.broadcast %shift_right_arithmetic3A_413 : i32 to vector<16xi32>
                %shift_right_arithmetic3A_415 = arith.shrsi %or3A_412, %shift_right_arithmetic3A_414 : vector<16xi32>
                %or3A_416 = arith.ori %or3A_412, %shift_right_arithmetic3A_415 : vector<16xi32>
                %shift_right_arithmetic3A_417 = arith.constant 8 : i32
                %shift_right_arithmetic3A_418 = vector.broadcast %shift_right_arithmetic3A_417 : i32 to vector<16xi32>
                %shift_right_arithmetic3A_419 = arith.shrsi %or3A_416, %shift_right_arithmetic3A_418 : vector<16xi32>
                %or3A_420 = arith.ori %or3A_416, %shift_right_arithmetic3A_419 : vector<16xi32>
                %shift_right_arithmetic3A_421 = arith.constant 16 : i32
                %shift_right_arithmetic3A_422 = vector.broadcast %shift_right_arithmetic3A_421 : i32 to vector<16xi32>
                %shift_right_arithmetic3A_423 = arith.shrsi %or3A_420, %shift_right_arithmetic3A_422 : vector<16xi32>
                %or3A_424 = arith.ori %or3A_420, %shift_right_arithmetic3A_423 : vector<16xi32>
                %and3A_425 = arith.andi %gather3A, %or3A_424 : vector<16xi32>
                %le3A = arith.cmpi sle, %and3A_425, %sub3A_404 : vector<16xi32>
                %ge3A_426 = arith.constant 1 : i32
                %ge3A_427 = vector.broadcast %ge3A_426 : i32 to vector<16xi32>
                %ge3A_428 = arith.cmpi sge, %sub3A_404, %ge3A_427 : vector<16xi32>
                %and3A_429 = arith.andi %ge3A_428, %le3A : vector<16xi1>
                %sub3A_430 = arith.subi %masked_cumsum3A_356, %select_n3A_321 : vector<16xi32>
                %broadcast_in_dim3A_431 = vector.broadcast %add3A_378 : i32 to vector<16xi32>
                %add3A_432 = arith.addi %sub3A_430, %broadcast_in_dim3A_431 : vector<16xi32>
                %sub3A_433 = arith.subi %broadcast_in_dim3A_249, %add3A_432 : vector<16xi32>
                %shift_right_arithmetic3A_434 = arith.constant 1 : i32
                %shift_right_arithmetic3A_435 = vector.broadcast %shift_right_arithmetic3A_434 : i32 to vector<16xi32>
                %shift_right_arithmetic3A_436 = arith.shrsi %sub3A_433, %shift_right_arithmetic3A_435 : vector<16xi32>
                %or3A_437 = arith.ori %sub3A_433, %shift_right_arithmetic3A_436 : vector<16xi32>
                %shift_right_arithmetic3A_438 = arith.constant 2 : i32
                %shift_right_arithmetic3A_439 = vector.broadcast %shift_right_arithmetic3A_438 : i32 to vector<16xi32>
                %shift_right_arithmetic3A_440 = arith.shrsi %or3A_437, %shift_right_arithmetic3A_439 : vector<16xi32>
                %or3A_441 = arith.ori %or3A_437, %shift_right_arithmetic3A_440 : vector<16xi32>
                %shift_right_arithmetic3A_442 = arith.constant 4 : i32
                %shift_right_arithmetic3A_443 = vector.broadcast %shift_right_arithmetic3A_442 : i32 to vector<16xi32>
                %shift_right_arithmetic3A_444 = arith.shrsi %or3A_441, %shift_right_arithmetic3A_443 : vector<16xi32>
                %or3A_445 = arith.ori %or3A_441, %shift_right_arithmetic3A_444 : vector<16xi32>
                %shift_right_arithmetic3A_446 = arith.constant 8 : i32
                %shift_right_arithmetic3A_447 = vector.broadcast %shift_right_arithmetic3A_446 : i32 to vector<16xi32>
                %shift_right_arithmetic3A_448 = arith.shrsi %or3A_445, %shift_right_arithmetic3A_447 : vector<16xi32>
                %or3A_449 = arith.ori %or3A_445, %shift_right_arithmetic3A_448 : vector<16xi32>
                %shift_right_arithmetic3A_450 = arith.constant 16 : i32
                %shift_right_arithmetic3A_451 = vector.broadcast %shift_right_arithmetic3A_450 : i32 to vector<16xi32>
                %shift_right_arithmetic3A_452 = arith.shrsi %or3A_449, %shift_right_arithmetic3A_451 : vector<16xi32>
                %or3A_453 = arith.ori %or3A_449, %shift_right_arithmetic3A_452 : vector<16xi32>
                %and3A_454 = arith.andi %gather3A_212, %or3A_453 : vector<16xi32>
                %le3A_455 = arith.cmpi sle, %and3A_454, %sub3A_433 : vector<16xi32>
                %ge3A_456 = arith.constant 1 : i32
                %ge3A_457 = vector.broadcast %ge3A_456 : i32 to vector<16xi32>
                %ge3A_458 = arith.cmpi sge, %sub3A_433, %ge3A_457 : vector<16xi32>
                %and3A_459 = arith.andi %ge3A_458, %le3A_455 : vector<16xi1>
                %sub3A_460 = arith.subi %masked_cumsum3A_359, %select_n3A_326 : vector<16xi32>
                %broadcast_in_dim3A_461 = vector.broadcast %add3A_381 : i32 to vector<16xi32>
                %add3A_462 = arith.addi %sub3A_460, %broadcast_in_dim3A_461 : vector<16xi32>
                %sub3A_463 = arith.subi %broadcast_in_dim3A_249, %add3A_462 : vector<16xi32>
                %shift_right_arithmetic3A_464 = arith.constant 1 : i32
                %shift_right_arithmetic3A_465 = vector.broadcast %shift_right_arithmetic3A_464 : i32 to vector<16xi32>
                %shift_right_arithmetic3A_466 = arith.shrsi %sub3A_463, %shift_right_arithmetic3A_465 : vector<16xi32>
                %or3A_467 = arith.ori %sub3A_463, %shift_right_arithmetic3A_466 : vector<16xi32>
                %shift_right_arithmetic3A_468 = arith.constant 2 : i32
                %shift_right_arithmetic3A_469 = vector.broadcast %shift_right_arithmetic3A_468 : i32 to vector<16xi32>
                %shift_right_arithmetic3A_470 = arith.shrsi %or3A_467, %shift_right_arithmetic3A_469 : vector<16xi32>
                %or3A_471 = arith.ori %or3A_467, %shift_right_arithmetic3A_470 : vector<16xi32>
                %shift_right_arithmetic3A_472 = arith.constant 4 : i32
                %shift_right_arithmetic3A_473 = vector.broadcast %shift_right_arithmetic3A_472 : i32 to vector<16xi32>
                %shift_right_arithmetic3A_474 = arith.shrsi %or3A_471, %shift_right_arithmetic3A_473 : vector<16xi32>
                %or3A_475 = arith.ori %or3A_471, %shift_right_arithmetic3A_474 : vector<16xi32>
                %shift_right_arithmetic3A_476 = arith.constant 8 : i32
                %shift_right_arithmetic3A_477 = vector.broadcast %shift_right_arithmetic3A_476 : i32 to vector<16xi32>
                %shift_right_arithmetic3A_478 = arith.shrsi %or3A_475, %shift_right_arithmetic3A_477 : vector<16xi32>
                %or3A_479 = arith.ori %or3A_475, %shift_right_arithmetic3A_478 : vector<16xi32>
                %shift_right_arithmetic3A_480 = arith.constant 16 : i32
                %shift_right_arithmetic3A_481 = vector.broadcast %shift_right_arithmetic3A_480 : i32 to vector<16xi32>
                %shift_right_arithmetic3A_482 = arith.shrsi %or3A_479, %shift_right_arithmetic3A_481 : vector<16xi32>
                %or3A_483 = arith.ori %or3A_479, %shift_right_arithmetic3A_482 : vector<16xi32>
                %and3A_484 = arith.andi %gather3A_218, %or3A_483 : vector<16xi32>
                %le3A_485 = arith.cmpi sle, %and3A_484, %sub3A_463 : vector<16xi32>
                %ge3A_486 = arith.constant 1 : i32
                %ge3A_487 = vector.broadcast %ge3A_486 : i32 to vector<16xi32>
                %ge3A_488 = arith.cmpi sge, %sub3A_463, %ge3A_487 : vector<16xi32>
                %and3A_489 = arith.andi %ge3A_488, %le3A_485 : vector<16xi1>
                %sub3A_490 = arith.subi %masked_cumsum3A_362, %select_n3A_331 : vector<16xi32>
                %broadcast_in_dim3A_491 = vector.broadcast %add3A_384 : i32 to vector<16xi32>
                %add3A_492 = arith.addi %sub3A_490, %broadcast_in_dim3A_491 : vector<16xi32>
                %sub3A_493 = arith.subi %broadcast_in_dim3A_249, %add3A_492 : vector<16xi32>
                %shift_right_arithmetic3A_494 = arith.constant 1 : i32
                %shift_right_arithmetic3A_495 = vector.broadcast %shift_right_arithmetic3A_494 : i32 to vector<16xi32>
                %shift_right_arithmetic3A_496 = arith.shrsi %sub3A_493, %shift_right_arithmetic3A_495 : vector<16xi32>
                %or3A_497 = arith.ori %sub3A_493, %shift_right_arithmetic3A_496 : vector<16xi32>
                %shift_right_arithmetic3A_498 = arith.constant 2 : i32
                %shift_right_arithmetic3A_499 = vector.broadcast %shift_right_arithmetic3A_498 : i32 to vector<16xi32>
                %shift_right_arithmetic3A_500 = arith.shrsi %or3A_497, %shift_right_arithmetic3A_499 : vector<16xi32>
                %or3A_501 = arith.ori %or3A_497, %shift_right_arithmetic3A_500 : vector<16xi32>
                %shift_right_arithmetic3A_502 = arith.constant 4 : i32
                %shift_right_arithmetic3A_503 = vector.broadcast %shift_right_arithmetic3A_502 : i32 to vector<16xi32>
                %shift_right_arithmetic3A_504 = arith.shrsi %or3A_501, %shift_right_arithmetic3A_503 : vector<16xi32>
                %or3A_505 = arith.ori %or3A_501, %shift_right_arithmetic3A_504 : vector<16xi32>
                %shift_right_arithmetic3A_506 = arith.constant 8 : i32
                %shift_right_arithmetic3A_507 = vector.broadcast %shift_right_arithmetic3A_506 : i32 to vector<16xi32>
                %shift_right_arithmetic3A_508 = arith.shrsi %or3A_505, %shift_right_arithmetic3A_507 : vector<16xi32>
                %or3A_509 = arith.ori %or3A_505, %shift_right_arithmetic3A_508 : vector<16xi32>
                %shift_right_arithmetic3A_510 = arith.constant 16 : i32
                %shift_right_arithmetic3A_511 = vector.broadcast %shift_right_arithmetic3A_510 : i32 to vector<16xi32>
                %shift_right_arithmetic3A_512 = arith.shrsi %or3A_509, %shift_right_arithmetic3A_511 : vector<16xi32>
                %or3A_513 = arith.ori %or3A_509, %shift_right_arithmetic3A_512 : vector<16xi32>
                %and3A_514 = arith.andi %gather3A_224, %or3A_513 : vector<16xi32>
                %le3A_515 = arith.cmpi sle, %and3A_514, %sub3A_493 : vector<16xi32>
                %ge3A_516 = arith.constant 1 : i32
                %ge3A_517 = vector.broadcast %ge3A_516 : i32 to vector<16xi32>
                %ge3A_518 = arith.cmpi sge, %sub3A_493, %ge3A_517 : vector<16xi32>
                %and3A_519 = arith.andi %ge3A_518, %le3A_515 : vector<16xi1>
                %sub3A_520 = arith.subi %masked_cumsum3A_365, %select_n3A_336 : vector<16xi32>
                %broadcast_in_dim3A_521 = vector.broadcast %add3A_387 : i32 to vector<16xi32>
                %add3A_522 = arith.addi %sub3A_520, %broadcast_in_dim3A_521 : vector<16xi32>
                %sub3A_523 = arith.subi %broadcast_in_dim3A_249, %add3A_522 : vector<16xi32>
                %shift_right_arithmetic3A_524 = arith.constant 1 : i32
                %shift_right_arithmetic3A_525 = vector.broadcast %shift_right_arithmetic3A_524 : i32 to vector<16xi32>
                %shift_right_arithmetic3A_526 = arith.shrsi %sub3A_523, %shift_right_arithmetic3A_525 : vector<16xi32>
                %or3A_527 = arith.ori %sub3A_523, %shift_right_arithmetic3A_526 : vector<16xi32>
                %shift_right_arithmetic3A_528 = arith.constant 2 : i32
                %shift_right_arithmetic3A_529 = vector.broadcast %shift_right_arithmetic3A_528 : i32 to vector<16xi32>
                %shift_right_arithmetic3A_530 = arith.shrsi %or3A_527, %shift_right_arithmetic3A_529 : vector<16xi32>
                %or3A_531 = arith.ori %or3A_527, %shift_right_arithmetic3A_530 : vector<16xi32>
                %shift_right_arithmetic3A_532 = arith.constant 4 : i32
                %shift_right_arithmetic3A_533 = vector.broadcast %shift_right_arithmetic3A_532 : i32 to vector<16xi32>
                %shift_right_arithmetic3A_534 = arith.shrsi %or3A_531, %shift_right_arithmetic3A_533 : vector<16xi32>
                %or3A_535 = arith.ori %or3A_531, %shift_right_arithmetic3A_534 : vector<16xi32>
                %shift_right_arithmetic3A_536 = arith.constant 8 : i32
                %shift_right_arithmetic3A_537 = vector.broadcast %shift_right_arithmetic3A_536 : i32 to vector<16xi32>
                %shift_right_arithmetic3A_538 = arith.shrsi %or3A_535, %shift_right_arithmetic3A_537 : vector<16xi32>
                %or3A_539 = arith.ori %or3A_535, %shift_right_arithmetic3A_538 : vector<16xi32>
                %shift_right_arithmetic3A_540 = arith.constant 16 : i32
                %shift_right_arithmetic3A_541 = vector.broadcast %shift_right_arithmetic3A_540 : i32 to vector<16xi32>
                %shift_right_arithmetic3A_542 = arith.shrsi %or3A_539, %shift_right_arithmetic3A_541 : vector<16xi32>
                %or3A_543 = arith.ori %or3A_539, %shift_right_arithmetic3A_542 : vector<16xi32>
                %and3A_544 = arith.andi %gather3A_230, %or3A_543 : vector<16xi32>
                %le3A_545 = arith.cmpi sle, %and3A_544, %sub3A_523 : vector<16xi32>
                %ge3A_546 = arith.constant 1 : i32
                %ge3A_547 = vector.broadcast %ge3A_546 : i32 to vector<16xi32>
                %ge3A_548 = arith.cmpi sge, %sub3A_523, %ge3A_547 : vector<16xi32>
                %and3A_549 = arith.andi %ge3A_548, %le3A_545 : vector<16xi1>
                %sub3A_550 = arith.subi %masked_cumsum3A_368, %select_n3A_341 : vector<16xi32>
                %broadcast_in_dim3A_551 = vector.broadcast %add3A_390 : i32 to vector<16xi32>
                %add3A_552 = arith.addi %sub3A_550, %broadcast_in_dim3A_551 : vector<16xi32>
                %sub3A_553 = arith.subi %broadcast_in_dim3A_249, %add3A_552 : vector<16xi32>
                %shift_right_arithmetic3A_554 = arith.constant 1 : i32
                %shift_right_arithmetic3A_555 = vector.broadcast %shift_right_arithmetic3A_554 : i32 to vector<16xi32>
                %shift_right_arithmetic3A_556 = arith.shrsi %sub3A_553, %shift_right_arithmetic3A_555 : vector<16xi32>
                %or3A_557 = arith.ori %sub3A_553, %shift_right_arithmetic3A_556 : vector<16xi32>
                %shift_right_arithmetic3A_558 = arith.constant 2 : i32
                %shift_right_arithmetic3A_559 = vector.broadcast %shift_right_arithmetic3A_558 : i32 to vector<16xi32>
                %shift_right_arithmetic3A_560 = arith.shrsi %or3A_557, %shift_right_arithmetic3A_559 : vector<16xi32>
                %or3A_561 = arith.ori %or3A_557, %shift_right_arithmetic3A_560 : vector<16xi32>
                %shift_right_arithmetic3A_562 = arith.constant 4 : i32
                %shift_right_arithmetic3A_563 = vector.broadcast %shift_right_arithmetic3A_562 : i32 to vector<16xi32>
                %shift_right_arithmetic3A_564 = arith.shrsi %or3A_561, %shift_right_arithmetic3A_563 : vector<16xi32>
                %or3A_565 = arith.ori %or3A_561, %shift_right_arithmetic3A_564 : vector<16xi32>
                %shift_right_arithmetic3A_566 = arith.constant 8 : i32
                %shift_right_arithmetic3A_567 = vector.broadcast %shift_right_arithmetic3A_566 : i32 to vector<16xi32>
                %shift_right_arithmetic3A_568 = arith.shrsi %or3A_565, %shift_right_arithmetic3A_567 : vector<16xi32>
                %or3A_569 = arith.ori %or3A_565, %shift_right_arithmetic3A_568 : vector<16xi32>
                %shift_right_arithmetic3A_570 = arith.constant 16 : i32
                %shift_right_arithmetic3A_571 = vector.broadcast %shift_right_arithmetic3A_570 : i32 to vector<16xi32>
                %shift_right_arithmetic3A_572 = arith.shrsi %or3A_569, %shift_right_arithmetic3A_571 : vector<16xi32>
                %or3A_573 = arith.ori %or3A_569, %shift_right_arithmetic3A_572 : vector<16xi32>
                %and3A_574 = arith.andi %gather3A_236, %or3A_573 : vector<16xi32>
                %le3A_575 = arith.cmpi sle, %and3A_574, %sub3A_553 : vector<16xi32>
                %ge3A_576 = arith.constant 1 : i32
                %ge3A_577 = vector.broadcast %ge3A_576 : i32 to vector<16xi32>
                %ge3A_578 = arith.cmpi sge, %sub3A_553, %ge3A_577 : vector<16xi32>
                %and3A_579 = arith.andi %ge3A_578, %le3A_575 : vector<16xi1>
                %sub3A_580 = arith.subi %masked_cumsum3A_371, %select_n3A_346 : vector<16xi32>
                %broadcast_in_dim3A_581 = vector.broadcast %add3A_393 : i32 to vector<16xi32>
                %add3A_582 = arith.addi %sub3A_580, %broadcast_in_dim3A_581 : vector<16xi32>
                %sub3A_583 = arith.subi %broadcast_in_dim3A_249, %add3A_582 : vector<16xi32>
                %shift_right_arithmetic3A_584 = arith.constant 1 : i32
                %shift_right_arithmetic3A_585 = vector.broadcast %shift_right_arithmetic3A_584 : i32 to vector<16xi32>
                %shift_right_arithmetic3A_586 = arith.shrsi %sub3A_583, %shift_right_arithmetic3A_585 : vector<16xi32>
                %or3A_587 = arith.ori %sub3A_583, %shift_right_arithmetic3A_586 : vector<16xi32>
                %shift_right_arithmetic3A_588 = arith.constant 2 : i32
                %shift_right_arithmetic3A_589 = vector.broadcast %shift_right_arithmetic3A_588 : i32 to vector<16xi32>
                %shift_right_arithmetic3A_590 = arith.shrsi %or3A_587, %shift_right_arithmetic3A_589 : vector<16xi32>
                %or3A_591 = arith.ori %or3A_587, %shift_right_arithmetic3A_590 : vector<16xi32>
                %shift_right_arithmetic3A_592 = arith.constant 4 : i32
                %shift_right_arithmetic3A_593 = vector.broadcast %shift_right_arithmetic3A_592 : i32 to vector<16xi32>
                %shift_right_arithmetic3A_594 = arith.shrsi %or3A_591, %shift_right_arithmetic3A_593 : vector<16xi32>
                %or3A_595 = arith.ori %or3A_591, %shift_right_arithmetic3A_594 : vector<16xi32>
                %shift_right_arithmetic3A_596 = arith.constant 8 : i32
                %shift_right_arithmetic3A_597 = vector.broadcast %shift_right_arithmetic3A_596 : i32 to vector<16xi32>
                %shift_right_arithmetic3A_598 = arith.shrsi %or3A_595, %shift_right_arithmetic3A_597 : vector<16xi32>
                %or3A_599 = arith.ori %or3A_595, %shift_right_arithmetic3A_598 : vector<16xi32>
                %shift_right_arithmetic3A_600 = arith.constant 16 : i32
                %shift_right_arithmetic3A_601 = vector.broadcast %shift_right_arithmetic3A_600 : i32 to vector<16xi32>
                %shift_right_arithmetic3A_602 = arith.shrsi %or3A_599, %shift_right_arithmetic3A_601 : vector<16xi32>
                %or3A_603 = arith.ori %or3A_599, %shift_right_arithmetic3A_602 : vector<16xi32>
                %and3A_604 = arith.andi %gather3A_242, %or3A_603 : vector<16xi32>
                %le3A_605 = arith.cmpi sle, %and3A_604, %sub3A_583 : vector<16xi32>
                %ge3A_606 = arith.constant 1 : i32
                %ge3A_607 = vector.broadcast %ge3A_606 : i32 to vector<16xi32>
                %ge3A_608 = arith.cmpi sge, %sub3A_583, %ge3A_607 : vector<16xi32>
                %and3A_609 = arith.andi %ge3A_608, %le3A_605 : vector<16xi1>
                %sub3A_610 = arith.subi %masked_cumsum3A_374, %select_n3A_351 : vector<16xi32>
                %broadcast_in_dim3A_611 = vector.broadcast %add3A_396 : i32 to vector<16xi32>
                %add3A_612 = arith.addi %sub3A_610, %broadcast_in_dim3A_611 : vector<16xi32>
                %sub3A_613 = arith.subi %broadcast_in_dim3A_249, %add3A_612 : vector<16xi32>
                %shift_right_arithmetic3A_614 = arith.constant 1 : i32
                %shift_right_arithmetic3A_615 = vector.broadcast %shift_right_arithmetic3A_614 : i32 to vector<16xi32>
                %shift_right_arithmetic3A_616 = arith.shrsi %sub3A_613, %shift_right_arithmetic3A_615 : vector<16xi32>
                %or3A_617 = arith.ori %sub3A_613, %shift_right_arithmetic3A_616 : vector<16xi32>
                %shift_right_arithmetic3A_618 = arith.constant 2 : i32
                %shift_right_arithmetic3A_619 = vector.broadcast %shift_right_arithmetic3A_618 : i32 to vector<16xi32>
                %shift_right_arithmetic3A_620 = arith.shrsi %or3A_617, %shift_right_arithmetic3A_619 : vector<16xi32>
                %or3A_621 = arith.ori %or3A_617, %shift_right_arithmetic3A_620 : vector<16xi32>
                %shift_right_arithmetic3A_622 = arith.constant 4 : i32
                %shift_right_arithmetic3A_623 = vector.broadcast %shift_right_arithmetic3A_622 : i32 to vector<16xi32>
                %shift_right_arithmetic3A_624 = arith.shrsi %or3A_621, %shift_right_arithmetic3A_623 : vector<16xi32>
                %or3A_625 = arith.ori %or3A_621, %shift_right_arithmetic3A_624 : vector<16xi32>
                %shift_right_arithmetic3A_626 = arith.constant 8 : i32
                %shift_right_arithmetic3A_627 = vector.broadcast %shift_right_arithmetic3A_626 : i32 to vector<16xi32>
                %shift_right_arithmetic3A_628 = arith.shrsi %or3A_625, %shift_right_arithmetic3A_627 : vector<16xi32>
                %or3A_629 = arith.ori %or3A_625, %shift_right_arithmetic3A_628 : vector<16xi32>
                %shift_right_arithmetic3A_630 = arith.constant 16 : i32
                %shift_right_arithmetic3A_631 = vector.broadcast %shift_right_arithmetic3A_630 : i32 to vector<16xi32>
                %shift_right_arithmetic3A_632 = arith.shrsi %or3A_629, %shift_right_arithmetic3A_631 : vector<16xi32>
                %or3A_633 = arith.ori %or3A_629, %shift_right_arithmetic3A_632 : vector<16xi32>
                %and3A_634 = arith.andi %gather3A_248, %or3A_633 : vector<16xi32>
                %le3A_635 = arith.cmpi sle, %and3A_634, %sub3A_613 : vector<16xi32>
                %ge3A_636 = arith.constant 1 : i32
                %ge3A_637 = vector.broadcast %ge3A_636 : i32 to vector<16xi32>
                %ge3A_638 = arith.cmpi sge, %sub3A_613, %ge3A_637 : vector<16xi32>
                %and3A_639 = arith.andi %ge3A_638, %le3A_635 : vector<16xi1>
                %ne3A_640 = arith.xori %and3A_429, %while3A_302 : vector<16xi1>
                %ne3A_641 = arith.xori %and3A_459, %while3A_303 : vector<16xi1>
                %or3A_642 = arith.ori %ne3A_640, %ne3A_641 : vector<16xi1>
                %ne3A_643 = arith.xori %and3A_489, %while3A_304 : vector<16xi1>
                %or3A_644 = arith.ori %or3A_642, %ne3A_643 : vector<16xi1>
                %ne3A_645 = arith.xori %and3A_519, %while3A_305 : vector<16xi1>
                %or3A_646 = arith.ori %or3A_644, %ne3A_645 : vector<16xi1>
                %ne3A_647 = arith.xori %and3A_549, %while3A_306 : vector<16xi1>
                %or3A_648 = arith.ori %or3A_646, %ne3A_647 : vector<16xi1>
                %ne3A_649 = arith.xori %and3A_579, %while3A_307 : vector<16xi1>
                %or3A_650 = arith.ori %or3A_648, %ne3A_649 : vector<16xi1>
                %ne3A_651 = arith.xori %and3A_609, %while3A_308 : vector<16xi1>
                %or3A_652 = arith.ori %or3A_650, %ne3A_651 : vector<16xi1>
                %ne3A_653 = arith.xori %and3A_639, %while3A_309 : vector<16xi1>
                %or3A_654 = arith.ori %or3A_652, %ne3A_653 : vector<16xi1>
                %all_reduce_population_count3A = tpu.all_reduce %or3A_654 {dim = 0 : i64, kind = #tpu.reduction_kind<sum>} : vector<16xi1> -> vector<16xi32>
                %slice3A_655 = vector.extract_strided_slice %all_reduce_population_count3A {offsets = [0], sizes = [1], strides = [1]} : vector<16xi32> to vector<1xi32>
                %squeeze3A_656 = vector.extract %slice3A_655[0] : i32 from vector<1xi32>
                scf.yield %and3A_429, %and3A_459, %and3A_489, %and3A_519, %and3A_549, %and3A_579, %and3A_609, %and3A_639, %squeeze3A_656, %add3A_399 : vector<16xi1>, vector<16xi1>, vector<16xi1>, vector<16xi1>, vector<16xi1>, vector<16xi1>, vector<16xi1>, vector<16xi1>, i32, i32
              }
              scf.yield %while3A_301#0, %while3A_301#1, %while3A_301#2, %while3A_301#3, %while3A_301#4, %while3A_301#5, %while3A_301#6, %while3A_301#7, %while3A_301#8, %while3A_301#9 : vector<16xi1>, vector<16xi1>, vector<16xi1>, vector<16xi1>, vector<16xi1>, vector<16xi1>, vector<16xi1>, vector<16xi1>, i32, i32
            }
            %sub3A_291 = arith.subi %while3A_189, %cond3A_290#9 : i32
            %ge3A_292 = arith.constant 1 : i32
            %ge3A_293 = arith.cmpi sge, %sub3A_291, %ge3A_292 : i32
            %convert_element_type3A_294 = arith.extui %ge3A_293 : i1 to i32
            %cond3A_295 = arith.constant 0 : i32
            %cond3A_296 = arith.constant 0 : i32
            %cond3A_297 = arith.cmpi ne, %convert_element_type3A_294, %cond3A_296 : i32
            %cond3A_298 = scf.if %cond3A_297 -> (i32) {
              %add3A_299 = arith.constant 128 : i32
              %add3A_300 = arith.addi %while3A_190, %add3A_299 : i32
              scf.yield %add3A_300 : i32
            } else {
              %jit3A_299 = arith.constant 1 : i32
              %jit3A_300 = arith.constant 0 : i32
              %broadcast_in_dim3A_301 = vector.broadcast %jit3A_299 : i32 to vector<16xi32>
              %broadcast_in_dim3A_302 = vector.broadcast %jit3A_300 : i32 to vector<16xi32>
              %select_n3A_303 = arith.select %cond3A_290#0, %broadcast_in_dim3A_301, %broadcast_in_dim3A_302 : vector<16xi1>, vector<16xi32>
              %jit3A_304 = arith.constant 1 : i32
              %jit3A_305 = arith.constant 0 : i32
              %broadcast_in_dim3A_306 = vector.broadcast %jit3A_304 : i32 to vector<16xi32>
              %broadcast_in_dim3A_307 = vector.broadcast %jit3A_305 : i32 to vector<16xi32>
              %select_n3A_308 = arith.select %cond3A_290#1, %broadcast_in_dim3A_306, %broadcast_in_dim3A_307 : vector<16xi1>, vector<16xi32>
              %jit3A_309 = arith.constant 1 : i32
              %jit3A_310 = arith.constant 0 : i32
              %broadcast_in_dim3A_311 = vector.broadcast %jit3A_309 : i32 to vector<16xi32>
              %broadcast_in_dim3A_312 = vector.broadcast %jit3A_310 : i32 to vector<16xi32>
              %select_n3A_313 = arith.select %cond3A_290#2, %broadcast_in_dim3A_311, %broadcast_in_dim3A_312 : vector<16xi1>, vector<16xi32>
              %jit3A_314 = arith.constant 1 : i32
              %jit3A_315 = arith.constant 0 : i32
              %broadcast_in_dim3A_316 = vector.broadcast %jit3A_314 : i32 to vector<16xi32>
              %broadcast_in_dim3A_317 = vector.broadcast %jit3A_315 : i32 to vector<16xi32>
              %select_n3A_318 = arith.select %cond3A_290#3, %broadcast_in_dim3A_316, %broadcast_in_dim3A_317 : vector<16xi1>, vector<16xi32>
              %jit3A_319 = arith.constant 1 : i32
              %jit3A_320 = arith.constant 0 : i32
              %broadcast_in_dim3A_321 = vector.broadcast %jit3A_319 : i32 to vector<16xi32>
              %broadcast_in_dim3A_322 = vector.broadcast %jit3A_320 : i32 to vector<16xi32>
              %select_n3A_323 = arith.select %cond3A_290#4, %broadcast_in_dim3A_321, %broadcast_in_dim3A_322 : vector<16xi1>, vector<16xi32>
              %jit3A_324 = arith.constant 1 : i32
              %jit3A_325 = arith.constant 0 : i32
              %broadcast_in_dim3A_326 = vector.broadcast %jit3A_324 : i32 to vector<16xi32>
              %broadcast_in_dim3A_327 = vector.broadcast %jit3A_325 : i32 to vector<16xi32>
              %select_n3A_328 = arith.select %cond3A_290#5, %broadcast_in_dim3A_326, %broadcast_in_dim3A_327 : vector<16xi1>, vector<16xi32>
              %jit3A_329 = arith.constant 1 : i32
              %jit3A_330 = arith.constant 0 : i32
              %broadcast_in_dim3A_331 = vector.broadcast %jit3A_329 : i32 to vector<16xi32>
              %broadcast_in_dim3A_332 = vector.broadcast %jit3A_330 : i32 to vector<16xi32>
              %select_n3A_333 = arith.select %cond3A_290#6, %broadcast_in_dim3A_331, %broadcast_in_dim3A_332 : vector<16xi1>, vector<16xi32>
              %jit3A_334 = arith.constant 1 : i32
              %jit3A_335 = arith.constant 0 : i32
              %broadcast_in_dim3A_336 = vector.broadcast %jit3A_334 : i32 to vector<16xi32>
              %broadcast_in_dim3A_337 = vector.broadcast %jit3A_335 : i32 to vector<16xi32>
              %select_n3A_338 = arith.select %cond3A_290#7, %broadcast_in_dim3A_336, %broadcast_in_dim3A_337 : vector<16xi1>, vector<16xi32>
              %broadcast_in_dim3A_339 = arith.constant true
              %broadcast_in_dim3A_340 = vector.broadcast %broadcast_in_dim3A_339 : i1 to vector<16xi1>
              %masked_cumsum3A = tpu.scan <sum>, %select_n3A_303 masked %broadcast_in_dim3A_340 : vector<16xi32>, vector<16xi1> -> vector<16xi32>
              %broadcast_in_dim3A_341 = arith.constant true
              %broadcast_in_dim3A_342 = vector.broadcast %broadcast_in_dim3A_341 : i1 to vector<16xi1>
              %masked_cumsum3A_343 = tpu.scan <sum>, %select_n3A_308 masked %broadcast_in_dim3A_342 : vector<16xi32>, vector<16xi1> -> vector<16xi32>
              %broadcast_in_dim3A_344 = arith.constant true
              %broadcast_in_dim3A_345 = vector.broadcast %broadcast_in_dim3A_344 : i1 to vector<16xi1>
              %masked_cumsum3A_346 = tpu.scan <sum>, %select_n3A_313 masked %broadcast_in_dim3A_345 : vector<16xi32>, vector<16xi1> -> vector<16xi32>
              %broadcast_in_dim3A_347 = arith.constant true
              %broadcast_in_dim3A_348 = vector.broadcast %broadcast_in_dim3A_347 : i1 to vector<16xi1>
              %masked_cumsum3A_349 = tpu.scan <sum>, %select_n3A_318 masked %broadcast_in_dim3A_348 : vector<16xi32>, vector<16xi1> -> vector<16xi32>
              %broadcast_in_dim3A_350 = arith.constant true
              %broadcast_in_dim3A_351 = vector.broadcast %broadcast_in_dim3A_350 : i1 to vector<16xi1>
              %masked_cumsum3A_352 = tpu.scan <sum>, %select_n3A_323 masked %broadcast_in_dim3A_351 : vector<16xi32>, vector<16xi1> -> vector<16xi32>
              %broadcast_in_dim3A_353 = arith.constant true
              %broadcast_in_dim3A_354 = vector.broadcast %broadcast_in_dim3A_353 : i1 to vector<16xi1>
              %masked_cumsum3A_355 = tpu.scan <sum>, %select_n3A_328 masked %broadcast_in_dim3A_354 : vector<16xi32>, vector<16xi1> -> vector<16xi32>
              %broadcast_in_dim3A_356 = arith.constant true
              %broadcast_in_dim3A_357 = vector.broadcast %broadcast_in_dim3A_356 : i1 to vector<16xi1>
              %masked_cumsum3A_358 = tpu.scan <sum>, %select_n3A_333 masked %broadcast_in_dim3A_357 : vector<16xi32>, vector<16xi1> -> vector<16xi32>
              %broadcast_in_dim3A_359 = arith.constant true
              %broadcast_in_dim3A_360 = vector.broadcast %broadcast_in_dim3A_359 : i1 to vector<16xi1>
              %masked_cumsum3A_361 = tpu.scan <sum>, %select_n3A_338 masked %broadcast_in_dim3A_360 : vector<16xi32>, vector<16xi1> -> vector<16xi32>
              %slice3A_362 = vector.extract_strided_slice %masked_cumsum3A {offsets = [15], sizes = [1], strides = [1]} : vector<16xi32> to vector<1xi32>
              %squeeze3A_363 = vector.extract %slice3A_362[0] : i32 from vector<1xi32>
              %add3A_364 = arith.constant 0 : i32
              %add3A_365 = arith.addi %add3A_364, %squeeze3A_363 : i32
              %slice3A_366 = vector.extract_strided_slice %masked_cumsum3A_343 {offsets = [15], sizes = [1], strides = [1]} : vector<16xi32> to vector<1xi32>
              %squeeze3A_367 = vector.extract %slice3A_366[0] : i32 from vector<1xi32>
              %add3A_368 = arith.addi %add3A_365, %squeeze3A_367 : i32
              %slice3A_369 = vector.extract_strided_slice %masked_cumsum3A_346 {offsets = [15], sizes = [1], strides = [1]} : vector<16xi32> to vector<1xi32>
              %squeeze3A_370 = vector.extract %slice3A_369[0] : i32 from vector<1xi32>
              %add3A_371 = arith.addi %add3A_368, %squeeze3A_370 : i32
              %slice3A_372 = vector.extract_strided_slice %masked_cumsum3A_349 {offsets = [15], sizes = [1], strides = [1]} : vector<16xi32> to vector<1xi32>
              %squeeze3A_373 = vector.extract %slice3A_372[0] : i32 from vector<1xi32>
              %add3A_374 = arith.addi %add3A_371, %squeeze3A_373 : i32
              %slice3A_375 = vector.extract_strided_slice %masked_cumsum3A_352 {offsets = [15], sizes = [1], strides = [1]} : vector<16xi32> to vector<1xi32>
              %squeeze3A_376 = vector.extract %slice3A_375[0] : i32 from vector<1xi32>
              %add3A_377 = arith.addi %add3A_374, %squeeze3A_376 : i32
              %slice3A_378 = vector.extract_strided_slice %masked_cumsum3A_355 {offsets = [15], sizes = [1], strides = [1]} : vector<16xi32> to vector<1xi32>
              %squeeze3A_379 = vector.extract %slice3A_378[0] : i32 from vector<1xi32>
              %add3A_380 = arith.addi %add3A_377, %squeeze3A_379 : i32
              %slice3A_381 = vector.extract_strided_slice %masked_cumsum3A_358 {offsets = [15], sizes = [1], strides = [1]} : vector<16xi32> to vector<1xi32>
              %squeeze3A_382 = vector.extract %slice3A_381[0] : i32 from vector<1xi32>
              %add3A_383 = arith.addi %add3A_380, %squeeze3A_382 : i32
              %broadcast_in_dim3A_384 = arith.constant 0 : i32
              %broadcast_in_dim3A_385 = vector.broadcast %broadcast_in_dim3A_384 : i32 to vector<16xi32>
              %add3A_386 = arith.addi %masked_cumsum3A, %broadcast_in_dim3A_385 : vector<16xi32>
              %eq3A_387 = arith.cmpi eq, %add3A_386, %broadcast_in_dim3A_249 : vector<16xi32>
              %and3A_388 = arith.andi %cond3A_290#0, %eq3A_387 : vector<16xi1>
              %all_reduce_population_count3A = tpu.all_reduce %and3A_388 {dim = 0 : i64, kind = #tpu.reduction_kind<sum>} : vector<16xi1> -> vector<16xi32>
              %slice3A_389 = vector.extract_strided_slice %all_reduce_population_count3A {offsets = [0], sizes = [1], strides = [1]} : vector<16xi32> to vector<1xi32>
              %squeeze3A_390 = vector.extract %slice3A_389[0] : i32 from vector<1xi32>
              %all_reduce_ffs3A = tpu.all_reduce %and3A_388 {dim = 0 : i64, kind = #tpu.reduction_kind<find_first_set>} : vector<16xi1> -> vector<16xi32>
              %slice3A_391 = vector.extract_strided_slice %all_reduce_ffs3A {offsets = [0], sizes = [1], strides = [1]} : vector<16xi32> to vector<1xi32>
              %squeeze3A_392 = vector.extract %slice3A_391[0] : i32 from vector<1xi32>
              %add3A_393 = arith.constant 0 : i32
              %add3A_394 = arith.addi %add3A_393, %squeeze3A_392 : i32
              %add3A_395 = arith.constant 1 : i32
              %add3A_396 = arith.addi %add3A_394, %add3A_395 : i32
              %eq3A_397 = arith.constant 0 : i32
              %eq3A_398 = arith.constant 0 : i32
              %eq3A_399 = arith.cmpi eq, %eq3A_397, %eq3A_398 : i32
              %gt3A_400 = arith.constant 0 : i32
              %gt3A_401 = arith.cmpi sgt, %squeeze3A_390, %gt3A_400 : i32
              %and3A_402 = arith.andi %eq3A_399, %gt3A_401 : i1
              %jit3A_403 = arith.constant 0 : i32
              %select_n3A_404 = arith.select %and3A_402, %add3A_396, %jit3A_403 : i32
              %gt3A_405 = arith.constant 0 : i32
              %gt3A_406 = arith.cmpi sgt, %squeeze3A_390, %gt3A_405 : i32
              %jit3A_407 = arith.constant 1 : i32
              %jit3A_408 = arith.constant 0 : i32
              %select_n3A_409 = arith.select %gt3A_406, %jit3A_407, %jit3A_408 : i32
              %broadcast_in_dim3A_410 = vector.broadcast %add3A_365 : i32 to vector<16xi32>
              %add3A_411 = arith.addi %masked_cumsum3A_343, %broadcast_in_dim3A_410 : vector<16xi32>
              %eq3A_412 = arith.cmpi eq, %add3A_411, %broadcast_in_dim3A_249 : vector<16xi32>
              %and3A_413 = arith.andi %cond3A_290#1, %eq3A_412 : vector<16xi1>
              %all_reduce_population_count3A_414 = tpu.all_reduce %and3A_413 {dim = 0 : i64, kind = #tpu.reduction_kind<sum>} : vector<16xi1> -> vector<16xi32>
              %slice3A_415 = vector.extract_strided_slice %all_reduce_population_count3A_414 {offsets = [0], sizes = [1], strides = [1]} : vector<16xi32> to vector<1xi32>
              %squeeze3A_416 = vector.extract %slice3A_415[0] : i32 from vector<1xi32>
              %all_reduce_ffs3A_417 = tpu.all_reduce %and3A_413 {dim = 0 : i64, kind = #tpu.reduction_kind<find_first_set>} : vector<16xi1> -> vector<16xi32>
              %slice3A_418 = vector.extract_strided_slice %all_reduce_ffs3A_417 {offsets = [0], sizes = [1], strides = [1]} : vector<16xi32> to vector<1xi32>
              %squeeze3A_419 = vector.extract %slice3A_418[0] : i32 from vector<1xi32>
              %add3A_420 = arith.constant 16 : i32
              %add3A_421 = arith.addi %add3A_420, %squeeze3A_419 : i32
              %add3A_422 = arith.constant 1 : i32
              %add3A_423 = arith.addi %add3A_421, %add3A_422 : i32
              %eq3A_424 = arith.constant 0 : i32
              %eq3A_425 = arith.cmpi eq, %select_n3A_409, %eq3A_424 : i32
              %gt3A_426 = arith.constant 0 : i32
              %gt3A_427 = arith.cmpi sgt, %squeeze3A_416, %gt3A_426 : i32
              %and3A_428 = arith.andi %eq3A_425, %gt3A_427 : i1
              %select_n3A_429 = arith.select %and3A_428, %add3A_423, %select_n3A_404 : i32
              %gt3A_430 = arith.constant 0 : i32
              %gt3A_431 = arith.cmpi sgt, %squeeze3A_416, %gt3A_430 : i32
              %jit3A_432 = arith.constant 1 : i32
              %select_n3A_433 = arith.select %gt3A_431, %jit3A_432, %select_n3A_409 : i32
              %broadcast_in_dim3A_434 = vector.broadcast %add3A_368 : i32 to vector<16xi32>
              %add3A_435 = arith.addi %masked_cumsum3A_346, %broadcast_in_dim3A_434 : vector<16xi32>
              %eq3A_436 = arith.cmpi eq, %add3A_435, %broadcast_in_dim3A_249 : vector<16xi32>
              %and3A_437 = arith.andi %cond3A_290#2, %eq3A_436 : vector<16xi1>
              %all_reduce_population_count3A_438 = tpu.all_reduce %and3A_437 {dim = 0 : i64, kind = #tpu.reduction_kind<sum>} : vector<16xi1> -> vector<16xi32>
              %slice3A_439 = vector.extract_strided_slice %all_reduce_population_count3A_438 {offsets = [0], sizes = [1], strides = [1]} : vector<16xi32> to vector<1xi32>
              %squeeze3A_440 = vector.extract %slice3A_439[0] : i32 from vector<1xi32>
              %all_reduce_ffs3A_441 = tpu.all_reduce %and3A_437 {dim = 0 : i64, kind = #tpu.reduction_kind<find_first_set>} : vector<16xi1> -> vector<16xi32>
              %slice3A_442 = vector.extract_strided_slice %all_reduce_ffs3A_441 {offsets = [0], sizes = [1], strides = [1]} : vector<16xi32> to vector<1xi32>
              %squeeze3A_443 = vector.extract %slice3A_442[0] : i32 from vector<1xi32>
              %add3A_444 = arith.constant 32 : i32
              %add3A_445 = arith.addi %add3A_444, %squeeze3A_443 : i32
              %add3A_446 = arith.constant 1 : i32
              %add3A_447 = arith.addi %add3A_445, %add3A_446 : i32
              %eq3A_448 = arith.constant 0 : i32
              %eq3A_449 = arith.cmpi eq, %select_n3A_433, %eq3A_448 : i32
              %gt3A_450 = arith.constant 0 : i32
              %gt3A_451 = arith.cmpi sgt, %squeeze3A_440, %gt3A_450 : i32
              %and3A_452 = arith.andi %eq3A_449, %gt3A_451 : i1
              %select_n3A_453 = arith.select %and3A_452, %add3A_447, %select_n3A_429 : i32
              %gt3A_454 = arith.constant 0 : i32
              %gt3A_455 = arith.cmpi sgt, %squeeze3A_440, %gt3A_454 : i32
              %jit3A_456 = arith.constant 1 : i32
              %select_n3A_457 = arith.select %gt3A_455, %jit3A_456, %select_n3A_433 : i32
              %broadcast_in_dim3A_458 = vector.broadcast %add3A_371 : i32 to vector<16xi32>
              %add3A_459 = arith.addi %masked_cumsum3A_349, %broadcast_in_dim3A_458 : vector<16xi32>
              %eq3A_460 = arith.cmpi eq, %add3A_459, %broadcast_in_dim3A_249 : vector<16xi32>
              %and3A_461 = arith.andi %cond3A_290#3, %eq3A_460 : vector<16xi1>
              %all_reduce_population_count3A_462 = tpu.all_reduce %and3A_461 {dim = 0 : i64, kind = #tpu.reduction_kind<sum>} : vector<16xi1> -> vector<16xi32>
              %slice3A_463 = vector.extract_strided_slice %all_reduce_population_count3A_462 {offsets = [0], sizes = [1], strides = [1]} : vector<16xi32> to vector<1xi32>
              %squeeze3A_464 = vector.extract %slice3A_463[0] : i32 from vector<1xi32>
              %all_reduce_ffs3A_465 = tpu.all_reduce %and3A_461 {dim = 0 : i64, kind = #tpu.reduction_kind<find_first_set>} : vector<16xi1> -> vector<16xi32>
              %slice3A_466 = vector.extract_strided_slice %all_reduce_ffs3A_465 {offsets = [0], sizes = [1], strides = [1]} : vector<16xi32> to vector<1xi32>
              %squeeze3A_467 = vector.extract %slice3A_466[0] : i32 from vector<1xi32>
              %add3A_468 = arith.constant 48 : i32
              %add3A_469 = arith.addi %add3A_468, %squeeze3A_467 : i32
              %add3A_470 = arith.constant 1 : i32
              %add3A_471 = arith.addi %add3A_469, %add3A_470 : i32
              %eq3A_472 = arith.constant 0 : i32
              %eq3A_473 = arith.cmpi eq, %select_n3A_457, %eq3A_472 : i32
              %gt3A_474 = arith.constant 0 : i32
              %gt3A_475 = arith.cmpi sgt, %squeeze3A_464, %gt3A_474 : i32
              %and3A_476 = arith.andi %eq3A_473, %gt3A_475 : i1
              %select_n3A_477 = arith.select %and3A_476, %add3A_471, %select_n3A_453 : i32
              %gt3A_478 = arith.constant 0 : i32
              %gt3A_479 = arith.cmpi sgt, %squeeze3A_464, %gt3A_478 : i32
              %jit3A_480 = arith.constant 1 : i32
              %select_n3A_481 = arith.select %gt3A_479, %jit3A_480, %select_n3A_457 : i32
              %broadcast_in_dim3A_482 = vector.broadcast %add3A_374 : i32 to vector<16xi32>
              %add3A_483 = arith.addi %masked_cumsum3A_352, %broadcast_in_dim3A_482 : vector<16xi32>
              %eq3A_484 = arith.cmpi eq, %add3A_483, %broadcast_in_dim3A_249 : vector<16xi32>
              %and3A_485 = arith.andi %cond3A_290#4, %eq3A_484 : vector<16xi1>
              %all_reduce_population_count3A_486 = tpu.all_reduce %and3A_485 {dim = 0 : i64, kind = #tpu.reduction_kind<sum>} : vector<16xi1> -> vector<16xi32>
              %slice3A_487 = vector.extract_strided_slice %all_reduce_population_count3A_486 {offsets = [0], sizes = [1], strides = [1]} : vector<16xi32> to vector<1xi32>
              %squeeze3A_488 = vector.extract %slice3A_487[0] : i32 from vector<1xi32>
              %all_reduce_ffs3A_489 = tpu.all_reduce %and3A_485 {dim = 0 : i64, kind = #tpu.reduction_kind<find_first_set>} : vector<16xi1> -> vector<16xi32>
              %slice3A_490 = vector.extract_strided_slice %all_reduce_ffs3A_489 {offsets = [0], sizes = [1], strides = [1]} : vector<16xi32> to vector<1xi32>
              %squeeze3A_491 = vector.extract %slice3A_490[0] : i32 from vector<1xi32>
              %add3A_492 = arith.constant 64 : i32
              %add3A_493 = arith.addi %add3A_492, %squeeze3A_491 : i32
              %add3A_494 = arith.constant 1 : i32
              %add3A_495 = arith.addi %add3A_493, %add3A_494 : i32
              %eq3A_496 = arith.constant 0 : i32
              %eq3A_497 = arith.cmpi eq, %select_n3A_481, %eq3A_496 : i32
              %gt3A_498 = arith.constant 0 : i32
              %gt3A_499 = arith.cmpi sgt, %squeeze3A_488, %gt3A_498 : i32
              %and3A_500 = arith.andi %eq3A_497, %gt3A_499 : i1
              %select_n3A_501 = arith.select %and3A_500, %add3A_495, %select_n3A_477 : i32
              %gt3A_502 = arith.constant 0 : i32
              %gt3A_503 = arith.cmpi sgt, %squeeze3A_488, %gt3A_502 : i32
              %jit3A_504 = arith.constant 1 : i32
              %select_n3A_505 = arith.select %gt3A_503, %jit3A_504, %select_n3A_481 : i32
              %broadcast_in_dim3A_506 = vector.broadcast %add3A_377 : i32 to vector<16xi32>
              %add3A_507 = arith.addi %masked_cumsum3A_355, %broadcast_in_dim3A_506 : vector<16xi32>
              %eq3A_508 = arith.cmpi eq, %add3A_507, %broadcast_in_dim3A_249 : vector<16xi32>
              %and3A_509 = arith.andi %cond3A_290#5, %eq3A_508 : vector<16xi1>
              %all_reduce_population_count3A_510 = tpu.all_reduce %and3A_509 {dim = 0 : i64, kind = #tpu.reduction_kind<sum>} : vector<16xi1> -> vector<16xi32>
              %slice3A_511 = vector.extract_strided_slice %all_reduce_population_count3A_510 {offsets = [0], sizes = [1], strides = [1]} : vector<16xi32> to vector<1xi32>
              %squeeze3A_512 = vector.extract %slice3A_511[0] : i32 from vector<1xi32>
              %all_reduce_ffs3A_513 = tpu.all_reduce %and3A_509 {dim = 0 : i64, kind = #tpu.reduction_kind<find_first_set>} : vector<16xi1> -> vector<16xi32>
              %slice3A_514 = vector.extract_strided_slice %all_reduce_ffs3A_513 {offsets = [0], sizes = [1], strides = [1]} : vector<16xi32> to vector<1xi32>
              %squeeze3A_515 = vector.extract %slice3A_514[0] : i32 from vector<1xi32>
              %add3A_516 = arith.constant 80 : i32
              %add3A_517 = arith.addi %add3A_516, %squeeze3A_515 : i32
              %add3A_518 = arith.constant 1 : i32
              %add3A_519 = arith.addi %add3A_517, %add3A_518 : i32
              %eq3A_520 = arith.constant 0 : i32
              %eq3A_521 = arith.cmpi eq, %select_n3A_505, %eq3A_520 : i32
              %gt3A_522 = arith.constant 0 : i32
              %gt3A_523 = arith.cmpi sgt, %squeeze3A_512, %gt3A_522 : i32
              %and3A_524 = arith.andi %eq3A_521, %gt3A_523 : i1
              %select_n3A_525 = arith.select %and3A_524, %add3A_519, %select_n3A_501 : i32
              %gt3A_526 = arith.constant 0 : i32
              %gt3A_527 = arith.cmpi sgt, %squeeze3A_512, %gt3A_526 : i32
              %jit3A_528 = arith.constant 1 : i32
              %select_n3A_529 = arith.select %gt3A_527, %jit3A_528, %select_n3A_505 : i32
              %broadcast_in_dim3A_530 = vector.broadcast %add3A_380 : i32 to vector<16xi32>
              %add3A_531 = arith.addi %masked_cumsum3A_358, %broadcast_in_dim3A_530 : vector<16xi32>
              %eq3A_532 = arith.cmpi eq, %add3A_531, %broadcast_in_dim3A_249 : vector<16xi32>
              %and3A_533 = arith.andi %cond3A_290#6, %eq3A_532 : vector<16xi1>
              %all_reduce_population_count3A_534 = tpu.all_reduce %and3A_533 {dim = 0 : i64, kind = #tpu.reduction_kind<sum>} : vector<16xi1> -> vector<16xi32>
              %slice3A_535 = vector.extract_strided_slice %all_reduce_population_count3A_534 {offsets = [0], sizes = [1], strides = [1]} : vector<16xi32> to vector<1xi32>
              %squeeze3A_536 = vector.extract %slice3A_535[0] : i32 from vector<1xi32>
              %all_reduce_ffs3A_537 = tpu.all_reduce %and3A_533 {dim = 0 : i64, kind = #tpu.reduction_kind<find_first_set>} : vector<16xi1> -> vector<16xi32>
              %slice3A_538 = vector.extract_strided_slice %all_reduce_ffs3A_537 {offsets = [0], sizes = [1], strides = [1]} : vector<16xi32> to vector<1xi32>
              %squeeze3A_539 = vector.extract %slice3A_538[0] : i32 from vector<1xi32>
              %add3A_540 = arith.constant 96 : i32
              %add3A_541 = arith.addi %add3A_540, %squeeze3A_539 : i32
              %add3A_542 = arith.constant 1 : i32
              %add3A_543 = arith.addi %add3A_541, %add3A_542 : i32
              %eq3A_544 = arith.constant 0 : i32
              %eq3A_545 = arith.cmpi eq, %select_n3A_529, %eq3A_544 : i32
              %gt3A_546 = arith.constant 0 : i32
              %gt3A_547 = arith.cmpi sgt, %squeeze3A_536, %gt3A_546 : i32
              %and3A_548 = arith.andi %eq3A_545, %gt3A_547 : i1
              %select_n3A_549 = arith.select %and3A_548, %add3A_543, %select_n3A_525 : i32
              %gt3A_550 = arith.constant 0 : i32
              %gt3A_551 = arith.cmpi sgt, %squeeze3A_536, %gt3A_550 : i32
              %jit3A_552 = arith.constant 1 : i32
              %select_n3A_553 = arith.select %gt3A_551, %jit3A_552, %select_n3A_529 : i32
              %broadcast_in_dim3A_554 = vector.broadcast %add3A_383 : i32 to vector<16xi32>
              %add3A_555 = arith.addi %masked_cumsum3A_361, %broadcast_in_dim3A_554 : vector<16xi32>
              %eq3A_556 = arith.cmpi eq, %add3A_555, %broadcast_in_dim3A_249 : vector<16xi32>
              %and3A_557 = arith.andi %cond3A_290#7, %eq3A_556 : vector<16xi1>
              %all_reduce_population_count3A_558 = tpu.all_reduce %and3A_557 {dim = 0 : i64, kind = #tpu.reduction_kind<sum>} : vector<16xi1> -> vector<16xi32>
              %slice3A_559 = vector.extract_strided_slice %all_reduce_population_count3A_558 {offsets = [0], sizes = [1], strides = [1]} : vector<16xi32> to vector<1xi32>
              %squeeze3A_560 = vector.extract %slice3A_559[0] : i32 from vector<1xi32>
              %all_reduce_ffs3A_561 = tpu.all_reduce %and3A_557 {dim = 0 : i64, kind = #tpu.reduction_kind<find_first_set>} : vector<16xi1> -> vector<16xi32>
              %slice3A_562 = vector.extract_strided_slice %all_reduce_ffs3A_561 {offsets = [0], sizes = [1], strides = [1]} : vector<16xi32> to vector<1xi32>
              %squeeze3A_563 = vector.extract %slice3A_562[0] : i32 from vector<1xi32>
              %add3A_564 = arith.constant 112 : i32
              %add3A_565 = arith.addi %add3A_564, %squeeze3A_563 : i32
              %add3A_566 = arith.constant 1 : i32
              %add3A_567 = arith.addi %add3A_565, %add3A_566 : i32
              %eq3A_568 = arith.constant 0 : i32
              %eq3A_569 = arith.cmpi eq, %select_n3A_553, %eq3A_568 : i32
              %gt3A_570 = arith.constant 0 : i32
              %gt3A_571 = arith.cmpi sgt, %squeeze3A_560, %gt3A_570 : i32
              %and3A_572 = arith.andi %eq3A_569, %gt3A_571 : i1
              %select_n3A_573 = arith.select %and3A_572, %add3A_567, %select_n3A_549 : i32
              %gt3A_574 = arith.constant 0 : i32
              %gt3A_575 = arith.cmpi sgt, %squeeze3A_560, %gt3A_574 : i32
              %jit3A_576 = arith.constant 1 : i32
              %select_n3A_577 = arith.select %gt3A_575, %jit3A_576, %select_n3A_553 : i32
              %add3A_578 = arith.addi %while3A_190, %select_n3A_573 : i32
              scf.yield %add3A_578 : i32
            }
            scf.yield %sub3A_291, %cond3A_298, %cond3A_200 : i32, i32, i32
          }
          scf.yield %while3A_188#1, %while3A_188#2 : i32, i32
        } else {
          scf.yield %cond3A_73#0, %cond3A_73#1 : i32, i32
        }
        %jit3A = arith.constant 0 : i32
        %jit3A_86 = arith.constant 1 : i32
        %select_n3A = arith.select %gt3A_69, %jit3A, %jit3A_86 : i32
        %broadcast_in_dim3A = vector.broadcast %select_n3A : i32 to vector<16xi32>
        %ne3A = arith.constant 0 : i32
        %ne3A_87 = vector.broadcast %ne3A : i32 to vector<16xi32>
        %ne3A_88 = arith.cmpi ne, %broadcast_in_dim3A, %ne3A_87 : vector<16xi32>
        %jit3A_89 = arith.constant 0 : i32
        %jit3A_90 = arith.constant 1 : i32
        %select_n3A_91 = arith.select %gt3A_81, %jit3A_89, %jit3A_90 : i32
        %broadcast_in_dim3A_92 = vector.broadcast %select_n3A_91 : i32 to vector<16xi32>
        %ne3A_93 = arith.constant 0 : i32
        %ne3A_94 = vector.broadcast %ne3A_93 : i32 to vector<16xi32>
        %ne3A_95 = arith.cmpi ne, %broadcast_in_dim3A_92, %ne3A_94 : vector<16xi32>
        %scan3A_96 = arith.constant 0 : i32
        %scan3A_97 = arith.constant 0 : i32
        %scan3A_98 = arith.constant 312 : i32
        %scan3A_99 = arith.addi %scan3A_97, %scan3A_98 : i32
        %scan3A_100 = arith.constant 1 : i32
        %scan3A_101 = scf.for %scan3A_148 = %scan3A_97 to %scan3A_99 step %scan3A_100 iter_args(%scan3A_149 = %scan3A_96) -> (i32)  : i32 {
          %mul3A_150 = arith.constant 64 : i32
          %mul3A_151 = arith.muli %scan3A_148, %mul3A_150 : i32
          %add3A_152 = arith.constant 0 : i32
          %add3A_153 = arith.addi %mul3A_151, %add3A_152 : i32
          %multiple_of3A_154 = tpu.assume_multiple %add3A_153, 16 : i32
          %get3A_155 = arith.index_cast %multiple_of3A_154 : i32 to index
          %get3A_156 = tpu.vector_load %arg8[%get3A_155] {strides = array<i32>} : memref<20000xf32, #tpu.memory_space<vmem>>, vector<16xf32>,
          %get3A_157 = arith.index_cast %multiple_of3A_154 : i32 to index
          %get3A_158 = tpu.vector_load %arg9[%get3A_157] {strides = array<i32>} : memref<20000xf32, #tpu.memory_space<vmem>>, vector<16xf32>,
          %eq3A_159 = arith.constant 1.000000e+00 : f32
          %eq3A_160 = vector.broadcast %eq3A_159 : f32 to vector<16xf32>
          %eq3A_161 = arith.cmpf oeq, %get3A_156, %eq3A_160 : vector<16xf32>
          %and3A_162 = arith.andi %eq3A_161, %ne3A_88 : vector<16xi1>
          %eq3A_163 = arith.constant 0.000000e+00 : f32
          %eq3A_164 = vector.broadcast %eq3A_163 : f32 to vector<16xf32>
          %eq3A_165 = arith.cmpf oeq, %get3A_156, %eq3A_164 : vector<16xf32>
          %and3A_166 = arith.andi %eq3A_165, %ne3A_95 : vector<16xi1>
          %jit3A_167 = arith.constant 0.000000e+00 : f32
          %jit3A_168 = arith.constant -1.000000e+00 : f32
          %broadcast_in_dim3A_169 = vector.broadcast %jit3A_167 : f32 to vector<16xf32>
          %broadcast_in_dim3A_170 = vector.broadcast %jit3A_168 : f32 to vector<16xf32>
          %select_n3A_171 = arith.select %and3A_166, %broadcast_in_dim3A_169, %broadcast_in_dim3A_170 : vector<16xi1>, vector<16xf32>
          %select_n3A_172 = arith.select %and3A_162, %get3A_158, %select_n3A_171 : vector<16xi1>, vector<16xf32>
          %swap3A_173 = arith.index_cast %multiple_of3A_154 : i32 to index
          %swap3A_174 = tpu.vector_load %arg8[%swap3A_173] {strides = array<i32>} : memref<20000xf32, #tpu.memory_space<vmem>>, vector<16xf32>,
          tpu.vector_store %arg8[%swap3A_173], %select_n3A_172 {strides = array<i32>} : memref<20000xf32, #tpu.memory_space<vmem>>, vector<16xf32>,
          %mul3A_175 = arith.constant 64 : i32
          %mul3A_176 = arith.muli %scan3A_148, %mul3A_175 : i32
          %add3A_177 = arith.constant 16 : i32
          %add3A_178 = arith.addi %mul3A_176, %add3A_177 : i32
          %multiple_of3A_179 = tpu.assume_multiple %add3A_178, 16 : i32
          %get3A_180 = arith.index_cast %multiple_of3A_179 : i32 to index
          %get3A_181 = tpu.vector_load %arg8[%get3A_180] {strides = array<i32>} : memref<20000xf32, #tpu.memory_space<vmem>>, vector<16xf32>,
          %get3A_182 = arith.index_cast %multiple_of3A_179 : i32 to index
          %get3A_183 = tpu.vector_load %arg9[%get3A_182] {strides = array<i32>} : memref<20000xf32, #tpu.memory_space<vmem>>, vector<16xf32>,
          %eq3A_184 = arith.constant 1.000000e+00 : f32
          %eq3A_185 = vector.broadcast %eq3A_184 : f32 to vector<16xf32>
          %eq3A_186 = arith.cmpf oeq, %get3A_181, %eq3A_185 : vector<16xf32>
          %and3A_187 = arith.andi %eq3A_186, %ne3A_88 : vector<16xi1>
          %eq3A_188 = arith.constant 0.000000e+00 : f32
          %eq3A_189 = vector.broadcast %eq3A_188 : f32 to vector<16xf32>
          %eq3A_190 = arith.cmpf oeq, %get3A_181, %eq3A_189 : vector<16xf32>
          %and3A_191 = arith.andi %eq3A_190, %ne3A_95 : vector<16xi1>
          %jit3A_192 = arith.constant 0.000000e+00 : f32
          %jit3A_193 = arith.constant -1.000000e+00 : f32
          %broadcast_in_dim3A_194 = vector.broadcast %jit3A_192 : f32 to vector<16xf32>
          %broadcast_in_dim3A_195 = vector.broadcast %jit3A_193 : f32 to vector<16xf32>
          %select_n3A_196 = arith.select %and3A_191, %broadcast_in_dim3A_194, %broadcast_in_dim3A_195 : vector<16xi1>, vector<16xf32>
          %select_n3A_197 = arith.select %and3A_187, %get3A_183, %select_n3A_196 : vector<16xi1>, vector<16xf32>
          %swap3A_198 = arith.index_cast %multiple_of3A_179 : i32 to index
          %swap3A_199 = tpu.vector_load %arg8[%swap3A_198] {strides = array<i32>} : memref<20000xf32, #tpu.memory_space<vmem>>, vector<16xf32>,
          tpu.vector_store %arg8[%swap3A_198], %select_n3A_197 {strides = array<i32>} : memref<20000xf32, #tpu.memory_space<vmem>>, vector<16xf32>,
          %mul3A_200 = arith.constant 64 : i32
          %mul3A_201 = arith.muli %scan3A_148, %mul3A_200 : i32
          %add3A_202 = arith.constant 32 : i32
          %add3A_203 = arith.addi %mul3A_201, %add3A_202 : i32
          %multiple_of3A_204 = tpu.assume_multiple %add3A_203, 16 : i32
          %get3A_205 = arith.index_cast %multiple_of3A_204 : i32 to index
          %get3A_206 = tpu.vector_load %arg8[%get3A_205] {strides = array<i32>} : memref<20000xf32, #tpu.memory_space<vmem>>, vector<16xf32>,
          %get3A_207 = arith.index_cast %multiple_of3A_204 : i32 to index
          %get3A_208 = tpu.vector_load %arg9[%get3A_207] {strides = array<i32>} : memref<20000xf32, #tpu.memory_space<vmem>>, vector<16xf32>,
          %eq3A_209 = arith.constant 1.000000e+00 : f32
          %eq3A_210 = vector.broadcast %eq3A_209 : f32 to vector<16xf32>
          %eq3A_211 = arith.cmpf oeq, %get3A_206, %eq3A_210 : vector<16xf32>
          %and3A_212 = arith.andi %eq3A_211, %ne3A_88 : vector<16xi1>
          %eq3A_213 = arith.constant 0.000000e+00 : f32
          %eq3A_214 = vector.broadcast %eq3A_213 : f32 to vector<16xf32>
          %eq3A_215 = arith.cmpf oeq, %get3A_206, %eq3A_214 : vector<16xf32>
          %and3A_216 = arith.andi %eq3A_215, %ne3A_95 : vector<16xi1>
          %jit3A_217 = arith.constant 0.000000e+00 : f32
          %jit3A_218 = arith.constant -1.000000e+00 : f32
          %broadcast_in_dim3A_219 = vector.broadcast %jit3A_217 : f32 to vector<16xf32>
          %broadcast_in_dim3A_220 = vector.broadcast %jit3A_218 : f32 to vector<16xf32>
          %select_n3A_221 = arith.select %and3A_216, %broadcast_in_dim3A_219, %broadcast_in_dim3A_220 : vector<16xi1>, vector<16xf32>
          %select_n3A_222 = arith.select %and3A_212, %get3A_208, %select_n3A_221 : vector<16xi1>, vector<16xf32>
          %swap3A_223 = arith.index_cast %multiple_of3A_204 : i32 to index
          %swap3A_224 = tpu.vector_load %arg8[%swap3A_223] {strides = array<i32>} : memref<20000xf32, #tpu.memory_space<vmem>>, vector<16xf32>,
          tpu.vector_store %arg8[%swap3A_223], %select_n3A_222 {strides = array<i32>} : memref<20000xf32, #tpu.memory_space<vmem>>, vector<16xf32>,
          %mul3A_225 = arith.constant 64 : i32
          %mul3A_226 = arith.muli %scan3A_148, %mul3A_225 : i32
          %add3A_227 = arith.constant 48 : i32
          %add3A_228 = arith.addi %mul3A_226, %add3A_227 : i32
          %multiple_of3A_229 = tpu.assume_multiple %add3A_228, 16 : i32
          %get3A_230 = arith.index_cast %multiple_of3A_229 : i32 to index
          %get3A_231 = tpu.vector_load %arg8[%get3A_230] {strides = array<i32>} : memref<20000xf32, #tpu.memory_space<vmem>>, vector<16xf32>,
          %get3A_232 = arith.index_cast %multiple_of3A_229 : i32 to index
          %get3A_233 = tpu.vector_load %arg9[%get3A_232] {strides = array<i32>} : memref<20000xf32, #tpu.memory_space<vmem>>, vector<16xf32>,
          %eq3A_234 = arith.constant 1.000000e+00 : f32
          %eq3A_235 = vector.broadcast %eq3A_234 : f32 to vector<16xf32>
          %eq3A_236 = arith.cmpf oeq, %get3A_231, %eq3A_235 : vector<16xf32>
          %and3A_237 = arith.andi %eq3A_236, %ne3A_88 : vector<16xi1>
          %eq3A_238 = arith.constant 0.000000e+00 : f32
          %eq3A_239 = vector.broadcast %eq3A_238 : f32 to vector<16xf32>
          %eq3A_240 = arith.cmpf oeq, %get3A_231, %eq3A_239 : vector<16xf32>
          %and3A_241 = arith.andi %eq3A_240, %ne3A_95 : vector<16xi1>
          %jit3A_242 = arith.constant 0.000000e+00 : f32
          %jit3A_243 = arith.constant -1.000000e+00 : f32
          %broadcast_in_dim3A_244 = vector.broadcast %jit3A_242 : f32 to vector<16xf32>
          %broadcast_in_dim3A_245 = vector.broadcast %jit3A_243 : f32 to vector<16xf32>
          %select_n3A_246 = arith.select %and3A_241, %broadcast_in_dim3A_244, %broadcast_in_dim3A_245 : vector<16xi1>, vector<16xf32>
          %select_n3A_247 = arith.select %and3A_237, %get3A_233, %select_n3A_246 : vector<16xi1>, vector<16xf32>
          %swap3A_248 = arith.index_cast %multiple_of3A_229 : i32 to index
          %swap3A_249 = tpu.vector_load %arg8[%swap3A_248] {strides = array<i32>} : memref<20000xf32, #tpu.memory_space<vmem>>, vector<16xf32>,
          tpu.vector_store %arg8[%swap3A_248], %select_n3A_247 {strides = array<i32>} : memref<20000xf32, #tpu.memory_space<vmem>>, vector<16xf32>,
          %scan3A_250 = arith.constant 0 : i32
          scf.yield %scan3A_250 : i32
        }
        %scan3A_102 = arith.constant 312 : i32
        %get3A_103 = arith.constant 19968 : index
        %get3A_104 = tpu.vector_load %arg8[%get3A_103] {strides = array<i32>} : memref<20000xf32, #tpu.memory_space<vmem>>, vector<16xf32>,
        %get3A_105 = arith.constant 19968 : index
        %get3A_106 = tpu.vector_load %arg9[%get3A_105] {strides = array<i32>} : memref<20000xf32, #tpu.memory_space<vmem>>, vector<16xf32>,
        %eq3A_107 = arith.constant 1.000000e+00 : f32
        %eq3A_108 = vector.broadcast %eq3A_107 : f32 to vector<16xf32>
        %eq3A_109 = arith.cmpf oeq, %get3A_104, %eq3A_108 : vector<16xf32>
        %and3A_110 = arith.andi %eq3A_109, %ne3A_88 : vector<16xi1>
        %eq3A_111 = arith.constant 0.000000e+00 : f32
        %eq3A_112 = vector.broadcast %eq3A_111 : f32 to vector<16xf32>
        %eq3A_113 = arith.cmpf oeq, %get3A_104, %eq3A_112 : vector<16xf32>
        %and3A_114 = arith.andi %eq3A_113, %ne3A_95 : vector<16xi1>
        %jit3A_115 = arith.constant 0.000000e+00 : f32
        %jit3A_116 = arith.constant -1.000000e+00 : f32
        %broadcast_in_dim3A_117 = vector.broadcast %jit3A_115 : f32 to vector<16xf32>
        %broadcast_in_dim3A_118 = vector.broadcast %jit3A_116 : f32 to vector<16xf32>
        %select_n3A_119 = arith.select %and3A_114, %broadcast_in_dim3A_117, %broadcast_in_dim3A_118 : vector<16xi1>, vector<16xf32>
        %select_n3A_120 = arith.select %and3A_110, %get3A_106, %select_n3A_119 : vector<16xi1>, vector<16xf32>
        %swap3A = arith.constant 19968 : index
        %swap3A_121 = tpu.vector_load %arg8[%swap3A] {strides = array<i32>} : memref<20000xf32, #tpu.memory_space<vmem>>, vector<16xf32>,
        tpu.vector_store %arg8[%swap3A], %select_n3A_120 {strides = array<i32>} : memref<20000xf32, #tpu.memory_space<vmem>>, vector<16xf32>,
        %get3A_122 = arith.constant 19984 : index
        %get3A_123 = tpu.vector_load %arg8[%get3A_122] {strides = array<i32>} : memref<20000xf32, #tpu.memory_space<vmem>>, vector<16xf32>,
        %get3A_124 = arith.constant 19984 : index
        %get3A_125 = tpu.vector_load %arg9[%get3A_124] {strides = array<i32>} : memref<20000xf32, #tpu.memory_space<vmem>>, vector<16xf32>,
        %eq3A_126 = arith.constant 1.000000e+00 : f32
        %eq3A_127 = vector.broadcast %eq3A_126 : f32 to vector<16xf32>
        %eq3A_128 = arith.cmpf oeq, %get3A_123, %eq3A_127 : vector<16xf32>
        %and3A_129 = arith.andi %eq3A_128, %ne3A_88 : vector<16xi1>
        %eq3A_130 = arith.constant 0.000000e+00 : f32
        %eq3A_131 = vector.broadcast %eq3A_130 : f32 to vector<16xf32>
        %eq3A_132 = arith.cmpf oeq, %get3A_123, %eq3A_131 : vector<16xf32>
        %and3A_133 = arith.andi %eq3A_132, %ne3A_95 : vector<16xi1>
        %jit3A_134 = arith.constant 0.000000e+00 : f32
        %jit3A_135 = arith.constant -1.000000e+00 : f32
        %broadcast_in_dim3A_136 = vector.broadcast %jit3A_134 : f32 to vector<16xf32>
        %broadcast_in_dim3A_137 = vector.broadcast %jit3A_135 : f32 to vector<16xf32>
        %select_n3A_138 = arith.select %and3A_133, %broadcast_in_dim3A_136, %broadcast_in_dim3A_137 : vector<16xi1>, vector<16xf32>
        %select_n3A_139 = arith.select %and3A_129, %get3A_125, %select_n3A_138 : vector<16xi1>, vector<16xf32>
        %swap3A_140 = arith.constant 19984 : index
        %swap3A_141 = tpu.vector_load %arg8[%swap3A_140] {strides = array<i32>} : memref<20000xf32, #tpu.memory_space<vmem>>, vector<16xf32>,
        tpu.vector_store %arg8[%swap3A_140], %select_n3A_139 {strides = array<i32>} : memref<20000xf32, #tpu.memory_space<vmem>>, vector<16xf32>,
        %convert_element_type3A_142 = arith.extui %gt3A_69 : i1 to i32
        %cond3A_143 = arith.constant 0 : i32
        %cond3A_144 = arith.cmpi ne, %convert_element_type3A_142, %cond3A_143 : i32
        scf.if %cond3A_144 {
          %scan3A_148 = arith.constant 0 : i32
          %scan3A_149 = arith.constant 0 : i32
          %scan3A_150 = arith.constant 128 : i32
          %scan3A_151 = arith.addi %scan3A_149, %scan3A_150 : i32
          %scan3A_152 = arith.constant 1 : i32
          %scan3A_153 = scf.for %scan3A_155 = %scan3A_149 to %scan3A_151 step %scan3A_152 iter_args(%scan3A_156 = %scan3A_148) -> (i32)  : i32 {
            %broadcast_in_dim3A_157 = vector.broadcast %scan3A_155 : i32 to vector<16xi32>
            %gather3A = tpu.vector_load_idx %arg15[%broadcast_in_dim3A_157] : memref<128xi32, #tpu.memory_space<vmem>>[vector<16xi32>], vector<16xi32>,
            %slice3A_158 = vector.extract_strided_slice %gather3A {offsets = [0], sizes = [1], strides = [1]} : vector<16xi32> to vector<1xi32>
            %squeeze3A_159 = vector.extract %slice3A_158[0] : i32 from vector<1xi32>
            %broadcast_in_dim3A_160 = vector.broadcast %squeeze3A_159 : i32 to vector<16xi32>
            %gather3A_161 = tpu.vector_load_idx %arg11[%broadcast_in_dim3A_160] : memref<20000xi32, #tpu.memory_space<vmem>>[vector<16xi32>], vector<16xi32>,
            %slice3A_162 = vector.extract_strided_slice %gather3A_161 {offsets = [0], sizes = [1], strides = [1]} : vector<16xi32> to vector<1xi32>
            %squeeze3A_163 = vector.extract %slice3A_162[0] : i32 from vector<1xi32>
            %broadcast_in_dim3A_164 = vector.broadcast %squeeze3A_163 : i32 to vector<16xi32>
            %gather3A_165 = tpu.vector_load_idx %arg9[%broadcast_in_dim3A_164] : memref<20000xf32, #tpu.memory_space<vmem>>[vector<16xi32>], vector<16xf32>,
            %slice3A_166 = vector.extract_strided_slice %gather3A_165 {offsets = [0], sizes = [1], strides = [1]} : vector<16xf32> to vector<1xf32>
            %squeeze3A_167 = vector.extract %slice3A_166[0] : f32 from vector<1xf32>
            %broadcast_in_dim3A_168 = vector.broadcast %squeeze3A_163 : i32 to vector<16xi32>
            %broadcast_in_dim3A_169 = vector.broadcast %squeeze3A_167 : f32 to vector<16xf32>
            tpu.vector_store_idx %arg8[%broadcast_in_dim3A_168], %broadcast_in_dim3A_169 masked %eq3A_1 : memref<20000xf32, #tpu.memory_space<vmem>>[vector<16xi32>], vector<16xf32>, vector<16xi1>
            %scan3A_170 = arith.constant 0 : i32
            scf.yield %scan3A_170 : i32
          }
          %scan3A_154 = arith.constant 128 : i32
        } else {
        }
        %convert_element_type3A_145 = arith.extui %gt3A_81 : i1 to i32
        %cond3A_146 = arith.constant 0 : i32
        %cond3A_147 = arith.cmpi ne, %convert_element_type3A_145, %cond3A_146 : i32
        scf.if %cond3A_147 {
          %while3A = arith.constant 0 : i32
          %while3A_148 = arith.constant 0 : i32
          %while3A_149 = arith.subi %sub3A_80, %while3A : i32
          %while3A_150 = arith.addi %while3A, %while3A_149 : i32
          %while3A_151 = arith.constant 1 : i32
          %while3A_152 = arith.divsi %while3A_149, %while3A_151 : i32
          %while3A_153 = arith.muli %while3A_152, %while3A_151 : i32
          %while3A_154 = arith.addi %while3A, %while3A_153 : i32
          %while3A_155 = arith.constant 1 : i32
          %while3A_156 = scf.for %while3A_159 = %while3A to %while3A_154 step %while3A_155 iter_args(%while3A_160 = %while3A_148) -> (i32)  : i32 {
            %broadcast_in_dim3A_161 = vector.broadcast %while3A_159 : i32 to vector<16xi32>
            %gather3A = tpu.vector_load_idx %arg16[%broadcast_in_dim3A_161] : memref<256xi32, #tpu.memory_space<vmem>>[vector<16xi32>], vector<16xi32>,
            %slice3A_162 = vector.extract_strided_slice %gather3A {offsets = [0], sizes = [1], strides = [1]} : vector<16xi32> to vector<1xi32>
            %squeeze3A_163 = vector.extract %slice3A_162[0] : i32 from vector<1xi32>
            %broadcast_in_dim3A_164 = vector.broadcast %squeeze3A_163 : i32 to vector<16xi32>
            %gather3A_165 = tpu.vector_load_idx %arg12[%broadcast_in_dim3A_164] : memref<20000xi32, #tpu.memory_space<vmem>>[vector<16xi32>], vector<16xi32>,
            %slice3A_166 = vector.extract_strided_slice %gather3A_165 {offsets = [0], sizes = [1], strides = [1]} : vector<16xi32> to vector<1xi32>
            %squeeze3A_167 = vector.extract %slice3A_166[0] : i32 from vector<1xi32>
            %broadcast_in_dim3A_168 = vector.broadcast %squeeze3A_167 : i32 to vector<16xi32>
            %broadcast_in_dim3A_169 = arith.constant 0.000000e+00 : f32
            %broadcast_in_dim3A_170 = vector.broadcast %broadcast_in_dim3A_169 : f32 to vector<16xf32>
            tpu.vector_store_idx %arg8[%broadcast_in_dim3A_168], %broadcast_in_dim3A_170 masked %eq3A_1 : memref<20000xf32, #tpu.memory_space<vmem>>[vector<16xi32>], vector<16xf32>, vector<16xi1>
            %while3A_171 = arith.constant 0 : i32
            scf.yield %while3A_171 : i32
          }
          %while3A_157 = arith.constant 1 : i32
          %while3A_158 = scf.for %while3A_159 = %while3A_154 to %while3A_150 step %while3A_157 iter_args(%while3A_160 = %while3A_156) -> (i32)  : i32 {
            %broadcast_in_dim3A_161 = vector.broadcast %while3A_159 : i32 to vector<16xi32>
            %gather3A = tpu.vector_load_idx %arg16[%broadcast_in_dim3A_161] : memref<256xi32, #tpu.memory_space<vmem>>[vector<16xi32>], vector<16xi32>,
            %slice3A_162 = vector.extract_strided_slice %gather3A {offsets = [0], sizes = [1], strides = [1]} : vector<16xi32> to vector<1xi32>
            %squeeze3A_163 = vector.extract %slice3A_162[0] : i32 from vector<1xi32>
            %broadcast_in_dim3A_164 = vector.broadcast %squeeze3A_163 : i32 to vector<16xi32>
            %gather3A_165 = tpu.vector_load_idx %arg12[%broadcast_in_dim3A_164] : memref<20000xi32, #tpu.memory_space<vmem>>[vector<16xi32>], vector<16xi32>,
            %slice3A_166 = vector.extract_strided_slice %gather3A_165 {offsets = [0], sizes = [1], strides = [1]} : vector<16xi32> to vector<1xi32>
            %squeeze3A_167 = vector.extract %slice3A_166[0] : i32 from vector<1xi32>
            %broadcast_in_dim3A_168 = vector.broadcast %squeeze3A_167 : i32 to vector<16xi32>
            %broadcast_in_dim3A_169 = arith.constant 0.000000e+00 : f32
            %broadcast_in_dim3A_170 = vector.broadcast %broadcast_in_dim3A_169 : f32 to vector<16xf32>
            tpu.vector_store_idx %arg8[%broadcast_in_dim3A_168], %broadcast_in_dim3A_170 masked %eq3A_1 : memref<20000xf32, #tpu.memory_space<vmem>>[vector<16xi32>], vector<16xf32>, vector<16xi1>
            %while3A_171 = arith.constant 0 : i32
            scf.yield %while3A_171 : i32
          }
        } else {
        }
        "tpu.region"() ({
          %run_scoped3A = tpu.sem_alloc : memref<!tpu.dma_semaphore, #tpu.memory_space<semaphore_mem>>
          %dma_start3A = arith.constant 0 : i32
          %dma_start3A_148 = tpu.memref_slice %arg7[%scan3A_21, %dma_start3A] : memref<8x20000xf32, #tpu.memory_space<hbm>> -> memref<1x20000xf32, #tpu.memory_space<hbm>>
          %dma_start3A_149 = tpu.memref_squeeze %dma_start3A_148 : memref<1x20000xf32, #tpu.memory_space<hbm>> -> memref<20000xf32, #tpu.memory_space<hbm>>
          %dma_start3A_150 = arith.constant 0 : i32
          %dma_start3A_151 = tpu.memref_slice %arg7[%scan3A_21, %dma_start3A_150] : memref<8x20000xf32, #tpu.memory_space<hbm>> -> memref<1x20000xf32, #tpu.memory_space<hbm>>
          %dma_start3A_152 = tpu.memref_squeeze %dma_start3A_151 : memref<1x20000xf32, #tpu.memory_space<hbm>> -> memref<20000xf32, #tpu.memory_space<hbm>>
          tpu.enqueue_dma source(%arg8 : memref<20000xf32, #tpu.memory_space<vmem>>) target(%dma_start3A_152 : memref<20000xf32, #tpu.memory_space<hbm>>) target_semaphore(%run_scoped3A : memref<!tpu.dma_semaphore, #tpu.memory_space<semaphore_mem>>)
          %dma_wait3A = arith.constant 0 : i32
          %dma_wait3A_153 = tpu.memref_slice %arg7[%scan3A_21, %dma_wait3A] : memref<8x20000xf32, #tpu.memory_space<hbm>> -> memref<1x20000xf32, #tpu.memory_space<hbm>>
          %dma_wait3A_154 = tpu.memref_squeeze %dma_wait3A_153 : memref<1x20000xf32, #tpu.memory_space<hbm>> -> memref<20000xf32, #tpu.memory_space<hbm>>
          %dma_wait3A_155 = arith.constant 0 : i32
          %dma_wait3A_156 = tpu.memref_slice %arg7[%scan3A_21, %dma_wait3A_155] : memref<8x20000xf32, #tpu.memory_space<hbm>> -> memref<1x20000xf32, #tpu.memory_space<hbm>>
          %dma_wait3A_157 = tpu.memref_squeeze %dma_wait3A_156 : memref<1x20000xf32, #tpu.memory_space<hbm>> -> memref<20000xf32, #tpu.memory_space<hbm>>
          tpu.wait_dma2 semaphore(%run_scoped3A : memref<!tpu.dma_semaphore, #tpu.memory_space<semaphore_mem>>) src(%arg8 : memref<20000xf32, #tpu.memory_space<vmem>>) dst(%dma_wait3A_157 : memref<20000xf32, #tpu.memory_space<hbm>>)
          tpu.yield
        }) : () -> ()
        scf.yield %cond3A_85#0, %cond3A_85#1 : i32, i32
      }
      %scan3A_20 = arith.constant 8 : i32
    } else {
    }
    return
  }
}

module attributes {stable_mosaic.version = 14 : i64} {
  func.func @_k1_body(%arg0: memref<1x20000xf32, #tpu.memory_space<vmem>>, %arg1: memref<1x20000xf32, #tpu.memory_space<vmem>>, %arg2: memref<8x16xf32, #tpu.memory_space<vmem>>, %arg3: memref<8x16xf32, #tpu.memory_space<vmem>>, %arg4: memref<8x16xf32, #tpu.memory_space<vmem>>, %arg5: memref<8x128xf32, #tpu.memory_space<vmem>>, %arg6: memref<8x20000xf32, #tpu.memory_space<vmem>>, %arg7: memref<8x20000xf32, #tpu.memory_space<vmem>>, %arg8: memref<8x16xi32, #tpu.memory_space<vmem>>, %arg9: memref<8x20000xf32, #tpu.memory_space<vmem>>, %arg10: memref<8x20000xf32, #tpu.memory_space<vmem>>, %arg11: memref<8x20000xf32, #tpu.memory_space<vmem>>) attributes {dimension_semantics = [], scalar_prefetch = 0 : i64, scratch_operands = 0 : i64, tpu.core_type = #tpu.core_type<tc>} {
    %get3A = arith.constant 0 : index
    %get3A_0 = arith.constant 0 : index
    %get3A_1 = vector.load %arg0[%get3A, %get3A_0] : memref<1x20000xf32, #tpu.memory_space<vmem>>, vector<1x20000xf32>
    %get3A_2 = arith.constant 0 : index
    %get3A_3 = arith.constant 0 : index
    %get3A_4 = vector.load %arg1[%get3A_2, %get3A_3] : memref<1x20000xf32, #tpu.memory_space<vmem>>, vector<1x20000xf32>
    %sub3A = arith.subf %get3A_4, %get3A_1 : vector<1x20000xf32>
    %broadcast_in_dim3A = arith.constant -1.000000e+00 : f32
    %broadcast_in_dim3A_5 = vector.broadcast %broadcast_in_dim3A : f32 to vector<8x20000xf32>
    %broadcast_in_dim3A_6 = arith.constant 0.000000e+00 : f32
    %broadcast_in_dim3A_7 = vector.broadcast %broadcast_in_dim3A_6 : f32 to vector<8x20000xf32>
    %broadcast_in_dim3A_8 = arith.constant 0.000000e+00 : f32
    %broadcast_in_dim3A_9 = vector.broadcast %broadcast_in_dim3A_8 : f32 to vector<8x20000xf32>
    %broadcast_in_dim3A_10 = arith.constant 0.000000e+00 : f32
    %broadcast_in_dim3A_11 = vector.broadcast %broadcast_in_dim3A_10 : f32 to vector<8x20000xf32>
    %get3A_12 = arith.constant 0 : index
    %get3A_13 = arith.constant 0 : index
    %get3A_14 = vector.load %arg2[%get3A_12, %get3A_13] : memref<8x16xf32, #tpu.memory_space<vmem>>, vector<8x1xf32>
    %get3A_15 = arith.constant 0 : index
    %get3A_16 = arith.constant 0 : index
    %get3A_17 = vector.load %arg3[%get3A_15, %get3A_16] : memref<8x16xf32, #tpu.memory_space<vmem>>, vector<8x1xf32>
    %get3A_18 = arith.constant 0 : index
    %get3A_19 = arith.constant 0 : index
    %get3A_20 = vector.load %arg4[%get3A_18, %get3A_19] : memref<8x16xf32, #tpu.memory_space<vmem>>, vector<8x1xf32>
    %min3A = vector.broadcast %get3A_4 : vector<1x20000xf32> to vector<8x20000xf32>
    %min3A_21 = vector.broadcast %get3A_17 : vector<8x1xf32> to vector<8x20000xf32>
    %min3A_22 = arith.minimumf %min3A, %min3A_21 : vector<8x20000xf32>
    %max3A = vector.broadcast %get3A_1 : vector<1x20000xf32> to vector<8x20000xf32>
    %max3A_23 = vector.broadcast %get3A_14 : vector<8x1xf32> to vector<8x20000xf32>
    %max3A_24 = arith.maximumf %max3A, %max3A_23 : vector<8x20000xf32>
    %sub3A_25 = arith.subf %min3A_22, %max3A_24 : vector<8x20000xf32>
    %max3A_26 = arith.constant 0.000000e+00 : f32
    %max3A_27 = vector.broadcast %max3A_26 : f32 to vector<8x20000xf32>
    %max3A_28 = arith.maximumf %sub3A_25, %max3A_27 : vector<8x20000xf32>
    %sub3A_29 = arith.subf %get3A_17, %get3A_14 : vector<8x1xf32>
    %add3A = vector.broadcast %sub3A : vector<1x20000xf32> to vector<8x20000xf32>
    %add3A_30 = vector.broadcast %sub3A_29 : vector<8x1xf32> to vector<8x20000xf32>
    %add3A_31 = arith.addf %add3A, %add3A_30 : vector<8x20000xf32>
    %sub3A_32 = arith.subf %add3A_31, %max3A_28 : vector<8x20000xf32>
    %add3A_33 = arith.constant 9.99999993E-9 : f32
    %add3A_34 = vector.broadcast %add3A_33 : f32 to vector<8x20000xf32>
    %add3A_35 = arith.addf %sub3A_32, %add3A_34 : vector<8x20000xf32>
    %div3A = arith.divf %max3A_28, %add3A_35 : vector<8x20000xf32>
    %gt3A = arith.cmpf ogt, %div3A, %broadcast_in_dim3A_5 : vector<8x20000xf32>
    %select_n3A = arith.select %gt3A, %div3A, %broadcast_in_dim3A_5 : vector<8x20000xi1>, vector<8x20000xf32>
    %broadcast_in_dim3A_36 = vector.shape_cast %get3A_20 : vector<8x1xf32> to vector<8x1xf32>
    %broadcast_in_dim3A_37 = vector.broadcast %broadcast_in_dim3A_36 : vector<8x1xf32> to vector<8x20000xf32>
    %select_n3A_38 = arith.select %gt3A, %broadcast_in_dim3A_37, %broadcast_in_dim3A_7 : vector<8x20000xi1>, vector<8x20000xf32>
    %broadcast_in_dim3A_39 = vector.shape_cast %get3A_14 : vector<8x1xf32> to vector<8x1xf32>
    %broadcast_in_dim3A_40 = vector.broadcast %broadcast_in_dim3A_39 : vector<8x1xf32> to vector<8x20000xf32>
    %select_n3A_41 = arith.select %gt3A, %broadcast_in_dim3A_40, %broadcast_in_dim3A_9 : vector<8x20000xi1>, vector<8x20000xf32>
    %broadcast_in_dim3A_42 = vector.shape_cast %get3A_17 : vector<8x1xf32> to vector<8x1xf32>
    %broadcast_in_dim3A_43 = vector.broadcast %broadcast_in_dim3A_42 : vector<8x1xf32> to vector<8x20000xf32>
    %select_n3A_44 = arith.select %gt3A, %broadcast_in_dim3A_43, %broadcast_in_dim3A_11 : vector<8x20000xi1>, vector<8x20000xf32>
    %get3A_45 = arith.constant 0 : index
    %get3A_46 = arith.constant 1 : index
    %get3A_47 = vector.load %arg2[%get3A_45, %get3A_46] : memref<8x16xf32, #tpu.memory_space<vmem>>, vector<8x1xf32>
    %get3A_48 = arith.constant 0 : index
    %get3A_49 = arith.constant 1 : index
    %get3A_50 = vector.load %arg3[%get3A_48, %get3A_49] : memref<8x16xf32, #tpu.memory_space<vmem>>, vector<8x1xf32>
    %get3A_51 = arith.constant 0 : index
    %get3A_52 = arith.constant 1 : index
    %get3A_53 = vector.load %arg4[%get3A_51, %get3A_52] : memref<8x16xf32, #tpu.memory_space<vmem>>, vector<8x1xf32>
    %min3A_54 = vector.broadcast %get3A_4 : vector<1x20000xf32> to vector<8x20000xf32>
    %min3A_55 = vector.broadcast %get3A_50 : vector<8x1xf32> to vector<8x20000xf32>
    %min3A_56 = arith.minimumf %min3A_54, %min3A_55 : vector<8x20000xf32>
    %max3A_57 = vector.broadcast %get3A_1 : vector<1x20000xf32> to vector<8x20000xf32>
    %max3A_58 = vector.broadcast %get3A_47 : vector<8x1xf32> to vector<8x20000xf32>
    %max3A_59 = arith.maximumf %max3A_57, %max3A_58 : vector<8x20000xf32>
    %sub3A_60 = arith.subf %min3A_56, %max3A_59 : vector<8x20000xf32>
    %max3A_61 = arith.constant 0.000000e+00 : f32
    %max3A_62 = vector.broadcast %max3A_61 : f32 to vector<8x20000xf32>
    %max3A_63 = arith.maximumf %sub3A_60, %max3A_62 : vector<8x20000xf32>
    %sub3A_64 = arith.subf %get3A_50, %get3A_47 : vector<8x1xf32>
    %add3A_65 = vector.broadcast %sub3A : vector<1x20000xf32> to vector<8x20000xf32>
    %add3A_66 = vector.broadcast %sub3A_64 : vector<8x1xf32> to vector<8x20000xf32>
    %add3A_67 = arith.addf %add3A_65, %add3A_66 : vector<8x20000xf32>
    %sub3A_68 = arith.subf %add3A_67, %max3A_63 : vector<8x20000xf32>
    %add3A_69 = arith.constant 9.99999993E-9 : f32
    %add3A_70 = vector.broadcast %add3A_69 : f32 to vector<8x20000xf32>
    %add3A_71 = arith.addf %sub3A_68, %add3A_70 : vector<8x20000xf32>
    %div3A_72 = arith.divf %max3A_63, %add3A_71 : vector<8x20000xf32>
    %gt3A_73 = arith.cmpf ogt, %div3A_72, %select_n3A : vector<8x20000xf32>
    %select_n3A_74 = arith.select %gt3A_73, %div3A_72, %select_n3A : vector<8x20000xi1>, vector<8x20000xf32>
    %broadcast_in_dim3A_75 = vector.shape_cast %get3A_53 : vector<8x1xf32> to vector<8x1xf32>
    %broadcast_in_dim3A_76 = vector.broadcast %broadcast_in_dim3A_75 : vector<8x1xf32> to vector<8x20000xf32>
    %select_n3A_77 = arith.select %gt3A_73, %broadcast_in_dim3A_76, %select_n3A_38 : vector<8x20000xi1>, vector<8x20000xf32>
    %broadcast_in_dim3A_78 = vector.shape_cast %get3A_47 : vector<8x1xf32> to vector<8x1xf32>
    %broadcast_in_dim3A_79 = vector.broadcast %broadcast_in_dim3A_78 : vector<8x1xf32> to vector<8x20000xf32>
    %select_n3A_80 = arith.select %gt3A_73, %broadcast_in_dim3A_79, %select_n3A_41 : vector<8x20000xi1>, vector<8x20000xf32>
    %broadcast_in_dim3A_81 = vector.shape_cast %get3A_50 : vector<8x1xf32> to vector<8x1xf32>
    %broadcast_in_dim3A_82 = vector.broadcast %broadcast_in_dim3A_81 : vector<8x1xf32> to vector<8x20000xf32>
    %select_n3A_83 = arith.select %gt3A_73, %broadcast_in_dim3A_82, %select_n3A_44 : vector<8x20000xi1>, vector<8x20000xf32>
    %get3A_84 = arith.constant 0 : index
    %get3A_85 = arith.constant 2 : index
    %get3A_86 = vector.load %arg2[%get3A_84, %get3A_85] : memref<8x16xf32, #tpu.memory_space<vmem>>, vector<8x1xf32>
    %get3A_87 = arith.constant 0 : index
    %get3A_88 = arith.constant 2 : index
    %get3A_89 = vector.load %arg3[%get3A_87, %get3A_88] : memref<8x16xf32, #tpu.memory_space<vmem>>, vector<8x1xf32>
    %get3A_90 = arith.constant 0 : index
    %get3A_91 = arith.constant 2 : index
    %get3A_92 = vector.load %arg4[%get3A_90, %get3A_91] : memref<8x16xf32, #tpu.memory_space<vmem>>, vector<8x1xf32>
    %min3A_93 = vector.broadcast %get3A_4 : vector<1x20000xf32> to vector<8x20000xf32>
    %min3A_94 = vector.broadcast %get3A_89 : vector<8x1xf32> to vector<8x20000xf32>
    %min3A_95 = arith.minimumf %min3A_93, %min3A_94 : vector<8x20000xf32>
    %max3A_96 = vector.broadcast %get3A_1 : vector<1x20000xf32> to vector<8x20000xf32>
    %max3A_97 = vector.broadcast %get3A_86 : vector<8x1xf32> to vector<8x20000xf32>
    %max3A_98 = arith.maximumf %max3A_96, %max3A_97 : vector<8x20000xf32>
    %sub3A_99 = arith.subf %min3A_95, %max3A_98 : vector<8x20000xf32>
    %max3A_100 = arith.constant 0.000000e+00 : f32
    %max3A_101 = vector.broadcast %max3A_100 : f32 to vector<8x20000xf32>
    %max3A_102 = arith.maximumf %sub3A_99, %max3A_101 : vector<8x20000xf32>
    %sub3A_103 = arith.subf %get3A_89, %get3A_86 : vector<8x1xf32>
    %add3A_104 = vector.broadcast %sub3A : vector<1x20000xf32> to vector<8x20000xf32>
    %add3A_105 = vector.broadcast %sub3A_103 : vector<8x1xf32> to vector<8x20000xf32>
    %add3A_106 = arith.addf %add3A_104, %add3A_105 : vector<8x20000xf32>
    %sub3A_107 = arith.subf %add3A_106, %max3A_102 : vector<8x20000xf32>
    %add3A_108 = arith.constant 9.99999993E-9 : f32
    %add3A_109 = vector.broadcast %add3A_108 : f32 to vector<8x20000xf32>
    %add3A_110 = arith.addf %sub3A_107, %add3A_109 : vector<8x20000xf32>
    %div3A_111 = arith.divf %max3A_102, %add3A_110 : vector<8x20000xf32>
    %gt3A_112 = arith.cmpf ogt, %div3A_111, %select_n3A_74 : vector<8x20000xf32>
    %select_n3A_113 = arith.select %gt3A_112, %div3A_111, %select_n3A_74 : vector<8x20000xi1>, vector<8x20000xf32>
    %broadcast_in_dim3A_114 = vector.shape_cast %get3A_92 : vector<8x1xf32> to vector<8x1xf32>
    %broadcast_in_dim3A_115 = vector.broadcast %broadcast_in_dim3A_114 : vector<8x1xf32> to vector<8x20000xf32>
    %select_n3A_116 = arith.select %gt3A_112, %broadcast_in_dim3A_115, %select_n3A_77 : vector<8x20000xi1>, vector<8x20000xf32>
    %broadcast_in_dim3A_117 = vector.shape_cast %get3A_86 : vector<8x1xf32> to vector<8x1xf32>
    %broadcast_in_dim3A_118 = vector.broadcast %broadcast_in_dim3A_117 : vector<8x1xf32> to vector<8x20000xf32>
    %select_n3A_119 = arith.select %gt3A_112, %broadcast_in_dim3A_118, %select_n3A_80 : vector<8x20000xi1>, vector<8x20000xf32>
    %broadcast_in_dim3A_120 = vector.shape_cast %get3A_89 : vector<8x1xf32> to vector<8x1xf32>
    %broadcast_in_dim3A_121 = vector.broadcast %broadcast_in_dim3A_120 : vector<8x1xf32> to vector<8x20000xf32>
    %select_n3A_122 = arith.select %gt3A_112, %broadcast_in_dim3A_121, %select_n3A_83 : vector<8x20000xi1>, vector<8x20000xf32>
    %get3A_123 = arith.constant 0 : index
    %get3A_124 = arith.constant 3 : index
    %get3A_125 = vector.load %arg2[%get3A_123, %get3A_124] : memref<8x16xf32, #tpu.memory_space<vmem>>, vector<8x1xf32>
    %get3A_126 = arith.constant 0 : index
    %get3A_127 = arith.constant 3 : index
    %get3A_128 = vector.load %arg3[%get3A_126, %get3A_127] : memref<8x16xf32, #tpu.memory_space<vmem>>, vector<8x1xf32>
    %get3A_129 = arith.constant 0 : index
    %get3A_130 = arith.constant 3 : index
    %get3A_131 = vector.load %arg4[%get3A_129, %get3A_130] : memref<8x16xf32, #tpu.memory_space<vmem>>, vector<8x1xf32>
    %min3A_132 = vector.broadcast %get3A_4 : vector<1x20000xf32> to vector<8x20000xf32>
    %min3A_133 = vector.broadcast %get3A_128 : vector<8x1xf32> to vector<8x20000xf32>
    %min3A_134 = arith.minimumf %min3A_132, %min3A_133 : vector<8x20000xf32>
    %max3A_135 = vector.broadcast %get3A_1 : vector<1x20000xf32> to vector<8x20000xf32>
    %max3A_136 = vector.broadcast %get3A_125 : vector<8x1xf32> to vector<8x20000xf32>
    %max3A_137 = arith.maximumf %max3A_135, %max3A_136 : vector<8x20000xf32>
    %sub3A_138 = arith.subf %min3A_134, %max3A_137 : vector<8x20000xf32>
    %max3A_139 = arith.constant 0.000000e+00 : f32
    %max3A_140 = vector.broadcast %max3A_139 : f32 to vector<8x20000xf32>
    %max3A_141 = arith.maximumf %sub3A_138, %max3A_140 : vector<8x20000xf32>
    %sub3A_142 = arith.subf %get3A_128, %get3A_125 : vector<8x1xf32>
    %add3A_143 = vector.broadcast %sub3A : vector<1x20000xf32> to vector<8x20000xf32>
    %add3A_144 = vector.broadcast %sub3A_142 : vector<8x1xf32> to vector<8x20000xf32>
    %add3A_145 = arith.addf %add3A_143, %add3A_144 : vector<8x20000xf32>
    %sub3A_146 = arith.subf %add3A_145, %max3A_141 : vector<8x20000xf32>
    %add3A_147 = arith.constant 9.99999993E-9 : f32
    %add3A_148 = vector.broadcast %add3A_147 : f32 to vector<8x20000xf32>
    %add3A_149 = arith.addf %sub3A_146, %add3A_148 : vector<8x20000xf32>
    %div3A_150 = arith.divf %max3A_141, %add3A_149 : vector<8x20000xf32>
    %gt3A_151 = arith.cmpf ogt, %div3A_150, %select_n3A_113 : vector<8x20000xf32>
    %select_n3A_152 = arith.select %gt3A_151, %div3A_150, %select_n3A_113 : vector<8x20000xi1>, vector<8x20000xf32>
    %broadcast_in_dim3A_153 = vector.shape_cast %get3A_131 : vector<8x1xf32> to vector<8x1xf32>
    %broadcast_in_dim3A_154 = vector.broadcast %broadcast_in_dim3A_153 : vector<8x1xf32> to vector<8x20000xf32>
    %select_n3A_155 = arith.select %gt3A_151, %broadcast_in_dim3A_154, %select_n3A_116 : vector<8x20000xi1>, vector<8x20000xf32>
    %broadcast_in_dim3A_156 = vector.shape_cast %get3A_125 : vector<8x1xf32> to vector<8x1xf32>
    %broadcast_in_dim3A_157 = vector.broadcast %broadcast_in_dim3A_156 : vector<8x1xf32> to vector<8x20000xf32>
    %select_n3A_158 = arith.select %gt3A_151, %broadcast_in_dim3A_157, %select_n3A_119 : vector<8x20000xi1>, vector<8x20000xf32>
    %broadcast_in_dim3A_159 = vector.shape_cast %get3A_128 : vector<8x1xf32> to vector<8x1xf32>
    %broadcast_in_dim3A_160 = vector.broadcast %broadcast_in_dim3A_159 : vector<8x1xf32> to vector<8x20000xf32>
    %select_n3A_161 = arith.select %gt3A_151, %broadcast_in_dim3A_160, %select_n3A_122 : vector<8x20000xi1>, vector<8x20000xf32>
    %get3A_162 = arith.constant 0 : index
    %get3A_163 = arith.constant 4 : index
    %get3A_164 = vector.load %arg2[%get3A_162, %get3A_163] : memref<8x16xf32, #tpu.memory_space<vmem>>, vector<8x1xf32>
    %get3A_165 = arith.constant 0 : index
    %get3A_166 = arith.constant 4 : index
    %get3A_167 = vector.load %arg3[%get3A_165, %get3A_166] : memref<8x16xf32, #tpu.memory_space<vmem>>, vector<8x1xf32>
    %get3A_168 = arith.constant 0 : index
    %get3A_169 = arith.constant 4 : index
    %get3A_170 = vector.load %arg4[%get3A_168, %get3A_169] : memref<8x16xf32, #tpu.memory_space<vmem>>, vector<8x1xf32>
    %min3A_171 = vector.broadcast %get3A_4 : vector<1x20000xf32> to vector<8x20000xf32>
    %min3A_172 = vector.broadcast %get3A_167 : vector<8x1xf32> to vector<8x20000xf32>
    %min3A_173 = arith.minimumf %min3A_171, %min3A_172 : vector<8x20000xf32>
    %max3A_174 = vector.broadcast %get3A_1 : vector<1x20000xf32> to vector<8x20000xf32>
    %max3A_175 = vector.broadcast %get3A_164 : vector<8x1xf32> to vector<8x20000xf32>
    %max3A_176 = arith.maximumf %max3A_174, %max3A_175 : vector<8x20000xf32>
    %sub3A_177 = arith.subf %min3A_173, %max3A_176 : vector<8x20000xf32>
    %max3A_178 = arith.constant 0.000000e+00 : f32
    %max3A_179 = vector.broadcast %max3A_178 : f32 to vector<8x20000xf32>
    %max3A_180 = arith.maximumf %sub3A_177, %max3A_179 : vector<8x20000xf32>
    %sub3A_181 = arith.subf %get3A_167, %get3A_164 : vector<8x1xf32>
    %add3A_182 = vector.broadcast %sub3A : vector<1x20000xf32> to vector<8x20000xf32>
    %add3A_183 = vector.broadcast %sub3A_181 : vector<8x1xf32> to vector<8x20000xf32>
    %add3A_184 = arith.addf %add3A_182, %add3A_183 : vector<8x20000xf32>
    %sub3A_185 = arith.subf %add3A_184, %max3A_180 : vector<8x20000xf32>
    %add3A_186 = arith.constant 9.99999993E-9 : f32
    %add3A_187 = vector.broadcast %add3A_186 : f32 to vector<8x20000xf32>
    %add3A_188 = arith.addf %sub3A_185, %add3A_187 : vector<8x20000xf32>
    %div3A_189 = arith.divf %max3A_180, %add3A_188 : vector<8x20000xf32>
    %gt3A_190 = arith.cmpf ogt, %div3A_189, %select_n3A_152 : vector<8x20000xf32>
    %select_n3A_191 = arith.select %gt3A_190, %div3A_189, %select_n3A_152 : vector<8x20000xi1>, vector<8x20000xf32>
    %broadcast_in_dim3A_192 = vector.shape_cast %get3A_170 : vector<8x1xf32> to vector<8x1xf32>
    %broadcast_in_dim3A_193 = vector.broadcast %broadcast_in_dim3A_192 : vector<8x1xf32> to vector<8x20000xf32>
    %select_n3A_194 = arith.select %gt3A_190, %broadcast_in_dim3A_193, %select_n3A_155 : vector<8x20000xi1>, vector<8x20000xf32>
    %broadcast_in_dim3A_195 = vector.shape_cast %get3A_164 : vector<8x1xf32> to vector<8x1xf32>
    %broadcast_in_dim3A_196 = vector.broadcast %broadcast_in_dim3A_195 : vector<8x1xf32> to vector<8x20000xf32>
    %select_n3A_197 = arith.select %gt3A_190, %broadcast_in_dim3A_196, %select_n3A_158 : vector<8x20000xi1>, vector<8x20000xf32>
    %broadcast_in_dim3A_198 = vector.shape_cast %get3A_167 : vector<8x1xf32> to vector<8x1xf32>
    %broadcast_in_dim3A_199 = vector.broadcast %broadcast_in_dim3A_198 : vector<8x1xf32> to vector<8x20000xf32>
    %select_n3A_200 = arith.select %gt3A_190, %broadcast_in_dim3A_199, %select_n3A_161 : vector<8x20000xi1>, vector<8x20000xf32>
    %get3A_201 = arith.constant 0 : index
    %get3A_202 = arith.constant 5 : index
    %get3A_203 = vector.load %arg2[%get3A_201, %get3A_202] : memref<8x16xf32, #tpu.memory_space<vmem>>, vector<8x1xf32>
    %get3A_204 = arith.constant 0 : index
    %get3A_205 = arith.constant 5 : index
    %get3A_206 = vector.load %arg3[%get3A_204, %get3A_205] : memref<8x16xf32, #tpu.memory_space<vmem>>, vector<8x1xf32>
    %get3A_207 = arith.constant 0 : index
    %get3A_208 = arith.constant 5 : index
    %get3A_209 = vector.load %arg4[%get3A_207, %get3A_208] : memref<8x16xf32, #tpu.memory_space<vmem>>, vector<8x1xf32>
    %min3A_210 = vector.broadcast %get3A_4 : vector<1x20000xf32> to vector<8x20000xf32>
    %min3A_211 = vector.broadcast %get3A_206 : vector<8x1xf32> to vector<8x20000xf32>
    %min3A_212 = arith.minimumf %min3A_210, %min3A_211 : vector<8x20000xf32>
    %max3A_213 = vector.broadcast %get3A_1 : vector<1x20000xf32> to vector<8x20000xf32>
    %max3A_214 = vector.broadcast %get3A_203 : vector<8x1xf32> to vector<8x20000xf32>
    %max3A_215 = arith.maximumf %max3A_213, %max3A_214 : vector<8x20000xf32>
    %sub3A_216 = arith.subf %min3A_212, %max3A_215 : vector<8x20000xf32>
    %max3A_217 = arith.constant 0.000000e+00 : f32
    %max3A_218 = vector.broadcast %max3A_217 : f32 to vector<8x20000xf32>
    %max3A_219 = arith.maximumf %sub3A_216, %max3A_218 : vector<8x20000xf32>
    %sub3A_220 = arith.subf %get3A_206, %get3A_203 : vector<8x1xf32>
    %add3A_221 = vector.broadcast %sub3A : vector<1x20000xf32> to vector<8x20000xf32>
    %add3A_222 = vector.broadcast %sub3A_220 : vector<8x1xf32> to vector<8x20000xf32>
    %add3A_223 = arith.addf %add3A_221, %add3A_222 : vector<8x20000xf32>
    %sub3A_224 = arith.subf %add3A_223, %max3A_219 : vector<8x20000xf32>
    %add3A_225 = arith.constant 9.99999993E-9 : f32
    %add3A_226 = vector.broadcast %add3A_225 : f32 to vector<8x20000xf32>
    %add3A_227 = arith.addf %sub3A_224, %add3A_226 : vector<8x20000xf32>
    %div3A_228 = arith.divf %max3A_219, %add3A_227 : vector<8x20000xf32>
    %gt3A_229 = arith.cmpf ogt, %div3A_228, %select_n3A_191 : vector<8x20000xf32>
    %select_n3A_230 = arith.select %gt3A_229, %div3A_228, %select_n3A_191 : vector<8x20000xi1>, vector<8x20000xf32>
    %broadcast_in_dim3A_231 = vector.shape_cast %get3A_209 : vector<8x1xf32> to vector<8x1xf32>
    %broadcast_in_dim3A_232 = vector.broadcast %broadcast_in_dim3A_231 : vector<8x1xf32> to vector<8x20000xf32>
    %select_n3A_233 = arith.select %gt3A_229, %broadcast_in_dim3A_232, %select_n3A_194 : vector<8x20000xi1>, vector<8x20000xf32>
    %broadcast_in_dim3A_234 = vector.shape_cast %get3A_203 : vector<8x1xf32> to vector<8x1xf32>
    %broadcast_in_dim3A_235 = vector.broadcast %broadcast_in_dim3A_234 : vector<8x1xf32> to vector<8x20000xf32>
    %select_n3A_236 = arith.select %gt3A_229, %broadcast_in_dim3A_235, %select_n3A_197 : vector<8x20000xi1>, vector<8x20000xf32>
    %broadcast_in_dim3A_237 = vector.shape_cast %get3A_206 : vector<8x1xf32> to vector<8x1xf32>
    %broadcast_in_dim3A_238 = vector.broadcast %broadcast_in_dim3A_237 : vector<8x1xf32> to vector<8x20000xf32>
    %select_n3A_239 = arith.select %gt3A_229, %broadcast_in_dim3A_238, %select_n3A_200 : vector<8x20000xi1>, vector<8x20000xf32>
    %get3A_240 = arith.constant 0 : index
    %get3A_241 = arith.constant 6 : index
    %get3A_242 = vector.load %arg2[%get3A_240, %get3A_241] : memref<8x16xf32, #tpu.memory_space<vmem>>, vector<8x1xf32>
    %get3A_243 = arith.constant 0 : index
    %get3A_244 = arith.constant 6 : index
    %get3A_245 = vector.load %arg3[%get3A_243, %get3A_244] : memref<8x16xf32, #tpu.memory_space<vmem>>, vector<8x1xf32>
    %get3A_246 = arith.constant 0 : index
    %get3A_247 = arith.constant 6 : index
    %get3A_248 = vector.load %arg4[%get3A_246, %get3A_247] : memref<8x16xf32, #tpu.memory_space<vmem>>, vector<8x1xf32>
    %min3A_249 = vector.broadcast %get3A_4 : vector<1x20000xf32> to vector<8x20000xf32>
    %min3A_250 = vector.broadcast %get3A_245 : vector<8x1xf32> to vector<8x20000xf32>
    %min3A_251 = arith.minimumf %min3A_249, %min3A_250 : vector<8x20000xf32>
    %max3A_252 = vector.broadcast %get3A_1 : vector<1x20000xf32> to vector<8x20000xf32>
    %max3A_253 = vector.broadcast %get3A_242 : vector<8x1xf32> to vector<8x20000xf32>
    %max3A_254 = arith.maximumf %max3A_252, %max3A_253 : vector<8x20000xf32>
    %sub3A_255 = arith.subf %min3A_251, %max3A_254 : vector<8x20000xf32>
    %max3A_256 = arith.constant 0.000000e+00 : f32
    %max3A_257 = vector.broadcast %max3A_256 : f32 to vector<8x20000xf32>
    %max3A_258 = arith.maximumf %sub3A_255, %max3A_257 : vector<8x20000xf32>
    %sub3A_259 = arith.subf %get3A_245, %get3A_242 : vector<8x1xf32>
    %add3A_260 = vector.broadcast %sub3A : vector<1x20000xf32> to vector<8x20000xf32>
    %add3A_261 = vector.broadcast %sub3A_259 : vector<8x1xf32> to vector<8x20000xf32>
    %add3A_262 = arith.addf %add3A_260, %add3A_261 : vector<8x20000xf32>
    %sub3A_263 = arith.subf %add3A_262, %max3A_258 : vector<8x20000xf32>
    %add3A_264 = arith.constant 9.99999993E-9 : f32
    %add3A_265 = vector.broadcast %add3A_264 : f32 to vector<8x20000xf32>
    %add3A_266 = arith.addf %sub3A_263, %add3A_265 : vector<8x20000xf32>
    %div3A_267 = arith.divf %max3A_258, %add3A_266 : vector<8x20000xf32>
    %gt3A_268 = arith.cmpf ogt, %div3A_267, %select_n3A_230 : vector<8x20000xf32>
    %select_n3A_269 = arith.select %gt3A_268, %div3A_267, %select_n3A_230 : vector<8x20000xi1>, vector<8x20000xf32>
    %broadcast_in_dim3A_270 = vector.shape_cast %get3A_248 : vector<8x1xf32> to vector<8x1xf32>
    %broadcast_in_dim3A_271 = vector.broadcast %broadcast_in_dim3A_270 : vector<8x1xf32> to vector<8x20000xf32>
    %select_n3A_272 = arith.select %gt3A_268, %broadcast_in_dim3A_271, %select_n3A_233 : vector<8x20000xi1>, vector<8x20000xf32>
    %broadcast_in_dim3A_273 = vector.shape_cast %get3A_242 : vector<8x1xf32> to vector<8x1xf32>
    %broadcast_in_dim3A_274 = vector.broadcast %broadcast_in_dim3A_273 : vector<8x1xf32> to vector<8x20000xf32>
    %select_n3A_275 = arith.select %gt3A_268, %broadcast_in_dim3A_274, %select_n3A_236 : vector<8x20000xi1>, vector<8x20000xf32>
    %broadcast_in_dim3A_276 = vector.shape_cast %get3A_245 : vector<8x1xf32> to vector<8x1xf32>
    %broadcast_in_dim3A_277 = vector.broadcast %broadcast_in_dim3A_276 : vector<8x1xf32> to vector<8x20000xf32>
    %select_n3A_278 = arith.select %gt3A_268, %broadcast_in_dim3A_277, %select_n3A_239 : vector<8x20000xi1>, vector<8x20000xf32>
    %get3A_279 = arith.constant 0 : index
    %get3A_280 = arith.constant 7 : index
    %get3A_281 = vector.load %arg2[%get3A_279, %get3A_280] : memref<8x16xf32, #tpu.memory_space<vmem>>, vector<8x1xf32>
    %get3A_282 = arith.constant 0 : index
    %get3A_283 = arith.constant 7 : index
    %get3A_284 = vector.load %arg3[%get3A_282, %get3A_283] : memref<8x16xf32, #tpu.memory_space<vmem>>, vector<8x1xf32>
    %get3A_285 = arith.constant 0 : index
    %get3A_286 = arith.constant 7 : index
    %get3A_287 = vector.load %arg4[%get3A_285, %get3A_286] : memref<8x16xf32, #tpu.memory_space<vmem>>, vector<8x1xf32>
    %min3A_288 = vector.broadcast %get3A_4 : vector<1x20000xf32> to vector<8x20000xf32>
    %min3A_289 = vector.broadcast %get3A_284 : vector<8x1xf32> to vector<8x20000xf32>
    %min3A_290 = arith.minimumf %min3A_288, %min3A_289 : vector<8x20000xf32>
    %max3A_291 = vector.broadcast %get3A_1 : vector<1x20000xf32> to vector<8x20000xf32>
    %max3A_292 = vector.broadcast %get3A_281 : vector<8x1xf32> to vector<8x20000xf32>
    %max3A_293 = arith.maximumf %max3A_291, %max3A_292 : vector<8x20000xf32>
    %sub3A_294 = arith.subf %min3A_290, %max3A_293 : vector<8x20000xf32>
    %max3A_295 = arith.constant 0.000000e+00 : f32
    %max3A_296 = vector.broadcast %max3A_295 : f32 to vector<8x20000xf32>
    %max3A_297 = arith.maximumf %sub3A_294, %max3A_296 : vector<8x20000xf32>
    %sub3A_298 = arith.subf %get3A_284, %get3A_281 : vector<8x1xf32>
    %add3A_299 = vector.broadcast %sub3A : vector<1x20000xf32> to vector<8x20000xf32>
    %add3A_300 = vector.broadcast %sub3A_298 : vector<8x1xf32> to vector<8x20000xf32>
    %add3A_301 = arith.addf %add3A_299, %add3A_300 : vector<8x20000xf32>
    %sub3A_302 = arith.subf %add3A_301, %max3A_297 : vector<8x20000xf32>
    %add3A_303 = arith.constant 9.99999993E-9 : f32
    %add3A_304 = vector.broadcast %add3A_303 : f32 to vector<8x20000xf32>
    %add3A_305 = arith.addf %sub3A_302, %add3A_304 : vector<8x20000xf32>
    %div3A_306 = arith.divf %max3A_297, %add3A_305 : vector<8x20000xf32>
    %gt3A_307 = arith.cmpf ogt, %div3A_306, %select_n3A_269 : vector<8x20000xf32>
    %select_n3A_308 = arith.select %gt3A_307, %div3A_306, %select_n3A_269 : vector<8x20000xi1>, vector<8x20000xf32>
    %broadcast_in_dim3A_309 = vector.shape_cast %get3A_287 : vector<8x1xf32> to vector<8x1xf32>
    %broadcast_in_dim3A_310 = vector.broadcast %broadcast_in_dim3A_309 : vector<8x1xf32> to vector<8x20000xf32>
    %select_n3A_311 = arith.select %gt3A_307, %broadcast_in_dim3A_310, %select_n3A_272 : vector<8x20000xi1>, vector<8x20000xf32>
    %broadcast_in_dim3A_312 = vector.shape_cast %get3A_281 : vector<8x1xf32> to vector<8x1xf32>
    %broadcast_in_dim3A_313 = vector.broadcast %broadcast_in_dim3A_312 : vector<8x1xf32> to vector<8x20000xf32>
    %select_n3A_314 = arith.select %gt3A_307, %broadcast_in_dim3A_313, %select_n3A_275 : vector<8x20000xi1>, vector<8x20000xf32>
    %broadcast_in_dim3A_315 = vector.shape_cast %get3A_284 : vector<8x1xf32> to vector<8x1xf32>
    %broadcast_in_dim3A_316 = vector.broadcast %broadcast_in_dim3A_315 : vector<8x1xf32> to vector<8x20000xf32>
    %select_n3A_317 = arith.select %gt3A_307, %broadcast_in_dim3A_316, %select_n3A_278 : vector<8x20000xi1>, vector<8x20000xf32>
    %get3A_318 = arith.constant 0 : index
    %get3A_319 = arith.constant 8 : index
    %get3A_320 = vector.load %arg2[%get3A_318, %get3A_319] : memref<8x16xf32, #tpu.memory_space<vmem>>, vector<8x1xf32>
    %get3A_321 = arith.constant 0 : index
    %get3A_322 = arith.constant 8 : index
    %get3A_323 = vector.load %arg3[%get3A_321, %get3A_322] : memref<8x16xf32, #tpu.memory_space<vmem>>, vector<8x1xf32>
    %get3A_324 = arith.constant 0 : index
    %get3A_325 = arith.constant 8 : index
    %get3A_326 = vector.load %arg4[%get3A_324, %get3A_325] : memref<8x16xf32, #tpu.memory_space<vmem>>, vector<8x1xf32>
    %min3A_327 = vector.broadcast %get3A_4 : vector<1x20000xf32> to vector<8x20000xf32>
    %min3A_328 = vector.broadcast %get3A_323 : vector<8x1xf32> to vector<8x20000xf32>
    %min3A_329 = arith.minimumf %min3A_327, %min3A_328 : vector<8x20000xf32>
    %max3A_330 = vector.broadcast %get3A_1 : vector<1x20000xf32> to vector<8x20000xf32>
    %max3A_331 = vector.broadcast %get3A_320 : vector<8x1xf32> to vector<8x20000xf32>
    %max3A_332 = arith.maximumf %max3A_330, %max3A_331 : vector<8x20000xf32>
    %sub3A_333 = arith.subf %min3A_329, %max3A_332 : vector<8x20000xf32>
    %max3A_334 = arith.constant 0.000000e+00 : f32
    %max3A_335 = vector.broadcast %max3A_334 : f32 to vector<8x20000xf32>
    %max3A_336 = arith.maximumf %sub3A_333, %max3A_335 : vector<8x20000xf32>
    %sub3A_337 = arith.subf %get3A_323, %get3A_320 : vector<8x1xf32>
    %add3A_338 = vector.broadcast %sub3A : vector<1x20000xf32> to vector<8x20000xf32>
    %add3A_339 = vector.broadcast %sub3A_337 : vector<8x1xf32> to vector<8x20000xf32>
    %add3A_340 = arith.addf %add3A_338, %add3A_339 : vector<8x20000xf32>
    %sub3A_341 = arith.subf %add3A_340, %max3A_336 : vector<8x20000xf32>
    %add3A_342 = arith.constant 9.99999993E-9 : f32
    %add3A_343 = vector.broadcast %add3A_342 : f32 to vector<8x20000xf32>
    %add3A_344 = arith.addf %sub3A_341, %add3A_343 : vector<8x20000xf32>
    %div3A_345 = arith.divf %max3A_336, %add3A_344 : vector<8x20000xf32>
    %gt3A_346 = arith.cmpf ogt, %div3A_345, %select_n3A_308 : vector<8x20000xf32>
    %select_n3A_347 = arith.select %gt3A_346, %div3A_345, %select_n3A_308 : vector<8x20000xi1>, vector<8x20000xf32>
    %broadcast_in_dim3A_348 = vector.shape_cast %get3A_326 : vector<8x1xf32> to vector<8x1xf32>
    %broadcast_in_dim3A_349 = vector.broadcast %broadcast_in_dim3A_348 : vector<8x1xf32> to vector<8x20000xf32>
    %select_n3A_350 = arith.select %gt3A_346, %broadcast_in_dim3A_349, %select_n3A_311 : vector<8x20000xi1>, vector<8x20000xf32>
    %broadcast_in_dim3A_351 = vector.shape_cast %get3A_320 : vector<8x1xf32> to vector<8x1xf32>
    %broadcast_in_dim3A_352 = vector.broadcast %broadcast_in_dim3A_351 : vector<8x1xf32> to vector<8x20000xf32>
    %select_n3A_353 = arith.select %gt3A_346, %broadcast_in_dim3A_352, %select_n3A_314 : vector<8x20000xi1>, vector<8x20000xf32>
    %broadcast_in_dim3A_354 = vector.shape_cast %get3A_323 : vector<8x1xf32> to vector<8x1xf32>
    %broadcast_in_dim3A_355 = vector.broadcast %broadcast_in_dim3A_354 : vector<8x1xf32> to vector<8x20000xf32>
    %select_n3A_356 = arith.select %gt3A_346, %broadcast_in_dim3A_355, %select_n3A_317 : vector<8x20000xi1>, vector<8x20000xf32>
    %get3A_357 = arith.constant 0 : index
    %get3A_358 = arith.constant 9 : index
    %get3A_359 = vector.load %arg2[%get3A_357, %get3A_358] : memref<8x16xf32, #tpu.memory_space<vmem>>, vector<8x1xf32>
    %get3A_360 = arith.constant 0 : index
    %get3A_361 = arith.constant 9 : index
    %get3A_362 = vector.load %arg3[%get3A_360, %get3A_361] : memref<8x16xf32, #tpu.memory_space<vmem>>, vector<8x1xf32>
    %get3A_363 = arith.constant 0 : index
    %get3A_364 = arith.constant 9 : index
    %get3A_365 = vector.load %arg4[%get3A_363, %get3A_364] : memref<8x16xf32, #tpu.memory_space<vmem>>, vector<8x1xf32>
    %min3A_366 = vector.broadcast %get3A_4 : vector<1x20000xf32> to vector<8x20000xf32>
    %min3A_367 = vector.broadcast %get3A_362 : vector<8x1xf32> to vector<8x20000xf32>
    %min3A_368 = arith.minimumf %min3A_366, %min3A_367 : vector<8x20000xf32>
    %max3A_369 = vector.broadcast %get3A_1 : vector<1x20000xf32> to vector<8x20000xf32>
    %max3A_370 = vector.broadcast %get3A_359 : vector<8x1xf32> to vector<8x20000xf32>
    %max3A_371 = arith.maximumf %max3A_369, %max3A_370 : vector<8x20000xf32>
    %sub3A_372 = arith.subf %min3A_368, %max3A_371 : vector<8x20000xf32>
    %max3A_373 = arith.constant 0.000000e+00 : f32
    %max3A_374 = vector.broadcast %max3A_373 : f32 to vector<8x20000xf32>
    %max3A_375 = arith.maximumf %sub3A_372, %max3A_374 : vector<8x20000xf32>
    %sub3A_376 = arith.subf %get3A_362, %get3A_359 : vector<8x1xf32>
    %add3A_377 = vector.broadcast %sub3A : vector<1x20000xf32> to vector<8x20000xf32>
    %add3A_378 = vector.broadcast %sub3A_376 : vector<8x1xf32> to vector<8x20000xf32>
    %add3A_379 = arith.addf %add3A_377, %add3A_378 : vector<8x20000xf32>
    %sub3A_380 = arith.subf %add3A_379, %max3A_375 : vector<8x20000xf32>
    %add3A_381 = arith.constant 9.99999993E-9 : f32
    %add3A_382 = vector.broadcast %add3A_381 : f32 to vector<8x20000xf32>
    %add3A_383 = arith.addf %sub3A_380, %add3A_382 : vector<8x20000xf32>
    %div3A_384 = arith.divf %max3A_375, %add3A_383 : vector<8x20000xf32>
    %gt3A_385 = arith.cmpf ogt, %div3A_384, %select_n3A_347 : vector<8x20000xf32>
    %select_n3A_386 = arith.select %gt3A_385, %div3A_384, %select_n3A_347 : vector<8x20000xi1>, vector<8x20000xf32>
    %broadcast_in_dim3A_387 = vector.shape_cast %get3A_365 : vector<8x1xf32> to vector<8x1xf32>
    %broadcast_in_dim3A_388 = vector.broadcast %broadcast_in_dim3A_387 : vector<8x1xf32> to vector<8x20000xf32>
    %select_n3A_389 = arith.select %gt3A_385, %broadcast_in_dim3A_388, %select_n3A_350 : vector<8x20000xi1>, vector<8x20000xf32>
    %broadcast_in_dim3A_390 = vector.shape_cast %get3A_359 : vector<8x1xf32> to vector<8x1xf32>
    %broadcast_in_dim3A_391 = vector.broadcast %broadcast_in_dim3A_390 : vector<8x1xf32> to vector<8x20000xf32>
    %select_n3A_392 = arith.select %gt3A_385, %broadcast_in_dim3A_391, %select_n3A_353 : vector<8x20000xi1>, vector<8x20000xf32>
    %broadcast_in_dim3A_393 = vector.shape_cast %get3A_362 : vector<8x1xf32> to vector<8x1xf32>
    %broadcast_in_dim3A_394 = vector.broadcast %broadcast_in_dim3A_393 : vector<8x1xf32> to vector<8x20000xf32>
    %select_n3A_395 = arith.select %gt3A_385, %broadcast_in_dim3A_394, %select_n3A_356 : vector<8x20000xi1>, vector<8x20000xf32>
    %get3A_396 = arith.constant 0 : index
    %get3A_397 = arith.constant 10 : index
    %get3A_398 = vector.load %arg2[%get3A_396, %get3A_397] : memref<8x16xf32, #tpu.memory_space<vmem>>, vector<8x1xf32>
    %get3A_399 = arith.constant 0 : index
    %get3A_400 = arith.constant 10 : index
    %get3A_401 = vector.load %arg3[%get3A_399, %get3A_400] : memref<8x16xf32, #tpu.memory_space<vmem>>, vector<8x1xf32>
    %get3A_402 = arith.constant 0 : index
    %get3A_403 = arith.constant 10 : index
    %get3A_404 = vector.load %arg4[%get3A_402, %get3A_403] : memref<8x16xf32, #tpu.memory_space<vmem>>, vector<8x1xf32>
    %min3A_405 = vector.broadcast %get3A_4 : vector<1x20000xf32> to vector<8x20000xf32>
    %min3A_406 = vector.broadcast %get3A_401 : vector<8x1xf32> to vector<8x20000xf32>
    %min3A_407 = arith.minimumf %min3A_405, %min3A_406 : vector<8x20000xf32>
    %max3A_408 = vector.broadcast %get3A_1 : vector<1x20000xf32> to vector<8x20000xf32>
    %max3A_409 = vector.broadcast %get3A_398 : vector<8x1xf32> to vector<8x20000xf32>
    %max3A_410 = arith.maximumf %max3A_408, %max3A_409 : vector<8x20000xf32>
    %sub3A_411 = arith.subf %min3A_407, %max3A_410 : vector<8x20000xf32>
    %max3A_412 = arith.constant 0.000000e+00 : f32
    %max3A_413 = vector.broadcast %max3A_412 : f32 to vector<8x20000xf32>
    %max3A_414 = arith.maximumf %sub3A_411, %max3A_413 : vector<8x20000xf32>
    %sub3A_415 = arith.subf %get3A_401, %get3A_398 : vector<8x1xf32>
    %add3A_416 = vector.broadcast %sub3A : vector<1x20000xf32> to vector<8x20000xf32>
    %add3A_417 = vector.broadcast %sub3A_415 : vector<8x1xf32> to vector<8x20000xf32>
    %add3A_418 = arith.addf %add3A_416, %add3A_417 : vector<8x20000xf32>
    %sub3A_419 = arith.subf %add3A_418, %max3A_414 : vector<8x20000xf32>
    %add3A_420 = arith.constant 9.99999993E-9 : f32
    %add3A_421 = vector.broadcast %add3A_420 : f32 to vector<8x20000xf32>
    %add3A_422 = arith.addf %sub3A_419, %add3A_421 : vector<8x20000xf32>
    %div3A_423 = arith.divf %max3A_414, %add3A_422 : vector<8x20000xf32>
    %gt3A_424 = arith.cmpf ogt, %div3A_423, %select_n3A_386 : vector<8x20000xf32>
    %select_n3A_425 = arith.select %gt3A_424, %div3A_423, %select_n3A_386 : vector<8x20000xi1>, vector<8x20000xf32>
    %broadcast_in_dim3A_426 = vector.shape_cast %get3A_404 : vector<8x1xf32> to vector<8x1xf32>
    %broadcast_in_dim3A_427 = vector.broadcast %broadcast_in_dim3A_426 : vector<8x1xf32> to vector<8x20000xf32>
    %select_n3A_428 = arith.select %gt3A_424, %broadcast_in_dim3A_427, %select_n3A_389 : vector<8x20000xi1>, vector<8x20000xf32>
    %broadcast_in_dim3A_429 = vector.shape_cast %get3A_398 : vector<8x1xf32> to vector<8x1xf32>
    %broadcast_in_dim3A_430 = vector.broadcast %broadcast_in_dim3A_429 : vector<8x1xf32> to vector<8x20000xf32>
    %select_n3A_431 = arith.select %gt3A_424, %broadcast_in_dim3A_430, %select_n3A_392 : vector<8x20000xi1>, vector<8x20000xf32>
    %broadcast_in_dim3A_432 = vector.shape_cast %get3A_401 : vector<8x1xf32> to vector<8x1xf32>
    %broadcast_in_dim3A_433 = vector.broadcast %broadcast_in_dim3A_432 : vector<8x1xf32> to vector<8x20000xf32>
    %select_n3A_434 = arith.select %gt3A_424, %broadcast_in_dim3A_433, %select_n3A_395 : vector<8x20000xi1>, vector<8x20000xf32>
    %get3A_435 = arith.constant 0 : index
    %get3A_436 = arith.constant 11 : index
    %get3A_437 = vector.load %arg2[%get3A_435, %get3A_436] : memref<8x16xf32, #tpu.memory_space<vmem>>, vector<8x1xf32>
    %get3A_438 = arith.constant 0 : index
    %get3A_439 = arith.constant 11 : index
    %get3A_440 = vector.load %arg3[%get3A_438, %get3A_439] : memref<8x16xf32, #tpu.memory_space<vmem>>, vector<8x1xf32>
    %get3A_441 = arith.constant 0 : index
    %get3A_442 = arith.constant 11 : index
    %get3A_443 = vector.load %arg4[%get3A_441, %get3A_442] : memref<8x16xf32, #tpu.memory_space<vmem>>, vector<8x1xf32>
    %min3A_444 = vector.broadcast %get3A_4 : vector<1x20000xf32> to vector<8x20000xf32>
    %min3A_445 = vector.broadcast %get3A_440 : vector<8x1xf32> to vector<8x20000xf32>
    %min3A_446 = arith.minimumf %min3A_444, %min3A_445 : vector<8x20000xf32>
    %max3A_447 = vector.broadcast %get3A_1 : vector<1x20000xf32> to vector<8x20000xf32>
    %max3A_448 = vector.broadcast %get3A_437 : vector<8x1xf32> to vector<8x20000xf32>
    %max3A_449 = arith.maximumf %max3A_447, %max3A_448 : vector<8x20000xf32>
    %sub3A_450 = arith.subf %min3A_446, %max3A_449 : vector<8x20000xf32>
    %max3A_451 = arith.constant 0.000000e+00 : f32
    %max3A_452 = vector.broadcast %max3A_451 : f32 to vector<8x20000xf32>
    %max3A_453 = arith.maximumf %sub3A_450, %max3A_452 : vector<8x20000xf32>
    %sub3A_454 = arith.subf %get3A_440, %get3A_437 : vector<8x1xf32>
    %add3A_455 = vector.broadcast %sub3A : vector<1x20000xf32> to vector<8x20000xf32>
    %add3A_456 = vector.broadcast %sub3A_454 : vector<8x1xf32> to vector<8x20000xf32>
    %add3A_457 = arith.addf %add3A_455, %add3A_456 : vector<8x20000xf32>
    %sub3A_458 = arith.subf %add3A_457, %max3A_453 : vector<8x20000xf32>
    %add3A_459 = arith.constant 9.99999993E-9 : f32
    %add3A_460 = vector.broadcast %add3A_459 : f32 to vector<8x20000xf32>
    %add3A_461 = arith.addf %sub3A_458, %add3A_460 : vector<8x20000xf32>
    %div3A_462 = arith.divf %max3A_453, %add3A_461 : vector<8x20000xf32>
    %gt3A_463 = arith.cmpf ogt, %div3A_462, %select_n3A_425 : vector<8x20000xf32>
    %select_n3A_464 = arith.select %gt3A_463, %div3A_462, %select_n3A_425 : vector<8x20000xi1>, vector<8x20000xf32>
    %broadcast_in_dim3A_465 = vector.shape_cast %get3A_443 : vector<8x1xf32> to vector<8x1xf32>
    %broadcast_in_dim3A_466 = vector.broadcast %broadcast_in_dim3A_465 : vector<8x1xf32> to vector<8x20000xf32>
    %select_n3A_467 = arith.select %gt3A_463, %broadcast_in_dim3A_466, %select_n3A_428 : vector<8x20000xi1>, vector<8x20000xf32>
    %broadcast_in_dim3A_468 = vector.shape_cast %get3A_437 : vector<8x1xf32> to vector<8x1xf32>
    %broadcast_in_dim3A_469 = vector.broadcast %broadcast_in_dim3A_468 : vector<8x1xf32> to vector<8x20000xf32>
    %select_n3A_470 = arith.select %gt3A_463, %broadcast_in_dim3A_469, %select_n3A_431 : vector<8x20000xi1>, vector<8x20000xf32>
    %broadcast_in_dim3A_471 = vector.shape_cast %get3A_440 : vector<8x1xf32> to vector<8x1xf32>
    %broadcast_in_dim3A_472 = vector.broadcast %broadcast_in_dim3A_471 : vector<8x1xf32> to vector<8x20000xf32>
    %select_n3A_473 = arith.select %gt3A_463, %broadcast_in_dim3A_472, %select_n3A_434 : vector<8x20000xi1>, vector<8x20000xf32>
    %get3A_474 = arith.constant 0 : index
    %get3A_475 = arith.constant 12 : index
    %get3A_476 = vector.load %arg2[%get3A_474, %get3A_475] : memref<8x16xf32, #tpu.memory_space<vmem>>, vector<8x1xf32>
    %get3A_477 = arith.constant 0 : index
    %get3A_478 = arith.constant 12 : index
    %get3A_479 = vector.load %arg3[%get3A_477, %get3A_478] : memref<8x16xf32, #tpu.memory_space<vmem>>, vector<8x1xf32>
    %get3A_480 = arith.constant 0 : index
    %get3A_481 = arith.constant 12 : index
    %get3A_482 = vector.load %arg4[%get3A_480, %get3A_481] : memref<8x16xf32, #tpu.memory_space<vmem>>, vector<8x1xf32>
    %min3A_483 = vector.broadcast %get3A_4 : vector<1x20000xf32> to vector<8x20000xf32>
    %min3A_484 = vector.broadcast %get3A_479 : vector<8x1xf32> to vector<8x20000xf32>
    %min3A_485 = arith.minimumf %min3A_483, %min3A_484 : vector<8x20000xf32>
    %max3A_486 = vector.broadcast %get3A_1 : vector<1x20000xf32> to vector<8x20000xf32>
    %max3A_487 = vector.broadcast %get3A_476 : vector<8x1xf32> to vector<8x20000xf32>
    %max3A_488 = arith.maximumf %max3A_486, %max3A_487 : vector<8x20000xf32>
    %sub3A_489 = arith.subf %min3A_485, %max3A_488 : vector<8x20000xf32>
    %max3A_490 = arith.constant 0.000000e+00 : f32
    %max3A_491 = vector.broadcast %max3A_490 : f32 to vector<8x20000xf32>
    %max3A_492 = arith.maximumf %sub3A_489, %max3A_491 : vector<8x20000xf32>
    %sub3A_493 = arith.subf %get3A_479, %get3A_476 : vector<8x1xf32>
    %add3A_494 = vector.broadcast %sub3A : vector<1x20000xf32> to vector<8x20000xf32>
    %add3A_495 = vector.broadcast %sub3A_493 : vector<8x1xf32> to vector<8x20000xf32>
    %add3A_496 = arith.addf %add3A_494, %add3A_495 : vector<8x20000xf32>
    %sub3A_497 = arith.subf %add3A_496, %max3A_492 : vector<8x20000xf32>
    %add3A_498 = arith.constant 9.99999993E-9 : f32
    %add3A_499 = vector.broadcast %add3A_498 : f32 to vector<8x20000xf32>
    %add3A_500 = arith.addf %sub3A_497, %add3A_499 : vector<8x20000xf32>
    %div3A_501 = arith.divf %max3A_492, %add3A_500 : vector<8x20000xf32>
    %gt3A_502 = arith.cmpf ogt, %div3A_501, %select_n3A_464 : vector<8x20000xf32>
    %select_n3A_503 = arith.select %gt3A_502, %div3A_501, %select_n3A_464 : vector<8x20000xi1>, vector<8x20000xf32>
    %broadcast_in_dim3A_504 = vector.shape_cast %get3A_482 : vector<8x1xf32> to vector<8x1xf32>
    %broadcast_in_dim3A_505 = vector.broadcast %broadcast_in_dim3A_504 : vector<8x1xf32> to vector<8x20000xf32>
    %select_n3A_506 = arith.select %gt3A_502, %broadcast_in_dim3A_505, %select_n3A_467 : vector<8x20000xi1>, vector<8x20000xf32>
    %broadcast_in_dim3A_507 = vector.shape_cast %get3A_476 : vector<8x1xf32> to vector<8x1xf32>
    %broadcast_in_dim3A_508 = vector.broadcast %broadcast_in_dim3A_507 : vector<8x1xf32> to vector<8x20000xf32>
    %select_n3A_509 = arith.select %gt3A_502, %broadcast_in_dim3A_508, %select_n3A_470 : vector<8x20000xi1>, vector<8x20000xf32>
    %broadcast_in_dim3A_510 = vector.shape_cast %get3A_479 : vector<8x1xf32> to vector<8x1xf32>
    %broadcast_in_dim3A_511 = vector.broadcast %broadcast_in_dim3A_510 : vector<8x1xf32> to vector<8x20000xf32>
    %select_n3A_512 = arith.select %gt3A_502, %broadcast_in_dim3A_511, %select_n3A_473 : vector<8x20000xi1>, vector<8x20000xf32>
    %get3A_513 = arith.constant 0 : index
    %get3A_514 = arith.constant 13 : index
    %get3A_515 = vector.load %arg2[%get3A_513, %get3A_514] : memref<8x16xf32, #tpu.memory_space<vmem>>, vector<8x1xf32>
    %get3A_516 = arith.constant 0 : index
    %get3A_517 = arith.constant 13 : index
    %get3A_518 = vector.load %arg3[%get3A_516, %get3A_517] : memref<8x16xf32, #tpu.memory_space<vmem>>, vector<8x1xf32>
    %get3A_519 = arith.constant 0 : index
    %get3A_520 = arith.constant 13 : index
    %get3A_521 = vector.load %arg4[%get3A_519, %get3A_520] : memref<8x16xf32, #tpu.memory_space<vmem>>, vector<8x1xf32>
    %min3A_522 = vector.broadcast %get3A_4 : vector<1x20000xf32> to vector<8x20000xf32>
    %min3A_523 = vector.broadcast %get3A_518 : vector<8x1xf32> to vector<8x20000xf32>
    %min3A_524 = arith.minimumf %min3A_522, %min3A_523 : vector<8x20000xf32>
    %max3A_525 = vector.broadcast %get3A_1 : vector<1x20000xf32> to vector<8x20000xf32>
    %max3A_526 = vector.broadcast %get3A_515 : vector<8x1xf32> to vector<8x20000xf32>
    %max3A_527 = arith.maximumf %max3A_525, %max3A_526 : vector<8x20000xf32>
    %sub3A_528 = arith.subf %min3A_524, %max3A_527 : vector<8x20000xf32>
    %max3A_529 = arith.constant 0.000000e+00 : f32
    %max3A_530 = vector.broadcast %max3A_529 : f32 to vector<8x20000xf32>
    %max3A_531 = arith.maximumf %sub3A_528, %max3A_530 : vector<8x20000xf32>
    %sub3A_532 = arith.subf %get3A_518, %get3A_515 : vector<8x1xf32>
    %add3A_533 = vector.broadcast %sub3A : vector<1x20000xf32> to vector<8x20000xf32>
    %add3A_534 = vector.broadcast %sub3A_532 : vector<8x1xf32> to vector<8x20000xf32>
    %add3A_535 = arith.addf %add3A_533, %add3A_534 : vector<8x20000xf32>
    %sub3A_536 = arith.subf %add3A_535, %max3A_531 : vector<8x20000xf32>
    %add3A_537 = arith.constant 9.99999993E-9 : f32
    %add3A_538 = vector.broadcast %add3A_537 : f32 to vector<8x20000xf32>
    %add3A_539 = arith.addf %sub3A_536, %add3A_538 : vector<8x20000xf32>
    %div3A_540 = arith.divf %max3A_531, %add3A_539 : vector<8x20000xf32>
    %gt3A_541 = arith.cmpf ogt, %div3A_540, %select_n3A_503 : vector<8x20000xf32>
    %select_n3A_542 = arith.select %gt3A_541, %div3A_540, %select_n3A_503 : vector<8x20000xi1>, vector<8x20000xf32>
    %broadcast_in_dim3A_543 = vector.shape_cast %get3A_521 : vector<8x1xf32> to vector<8x1xf32>
    %broadcast_in_dim3A_544 = vector.broadcast %broadcast_in_dim3A_543 : vector<8x1xf32> to vector<8x20000xf32>
    %select_n3A_545 = arith.select %gt3A_541, %broadcast_in_dim3A_544, %select_n3A_506 : vector<8x20000xi1>, vector<8x20000xf32>
    %broadcast_in_dim3A_546 = vector.shape_cast %get3A_515 : vector<8x1xf32> to vector<8x1xf32>
    %broadcast_in_dim3A_547 = vector.broadcast %broadcast_in_dim3A_546 : vector<8x1xf32> to vector<8x20000xf32>
    %select_n3A_548 = arith.select %gt3A_541, %broadcast_in_dim3A_547, %select_n3A_509 : vector<8x20000xi1>, vector<8x20000xf32>
    %broadcast_in_dim3A_549 = vector.shape_cast %get3A_518 : vector<8x1xf32> to vector<8x1xf32>
    %broadcast_in_dim3A_550 = vector.broadcast %broadcast_in_dim3A_549 : vector<8x1xf32> to vector<8x20000xf32>
    %select_n3A_551 = arith.select %gt3A_541, %broadcast_in_dim3A_550, %select_n3A_512 : vector<8x20000xi1>, vector<8x20000xf32>
    %get3A_552 = arith.constant 0 : index
    %get3A_553 = arith.constant 14 : index
    %get3A_554 = vector.load %arg2[%get3A_552, %get3A_553] : memref<8x16xf32, #tpu.memory_space<vmem>>, vector<8x1xf32>
    %get3A_555 = arith.constant 0 : index
    %get3A_556 = arith.constant 14 : index
    %get3A_557 = vector.load %arg3[%get3A_555, %get3A_556] : memref<8x16xf32, #tpu.memory_space<vmem>>, vector<8x1xf32>
    %get3A_558 = arith.constant 0 : index
    %get3A_559 = arith.constant 14 : index
    %get3A_560 = vector.load %arg4[%get3A_558, %get3A_559] : memref<8x16xf32, #tpu.memory_space<vmem>>, vector<8x1xf32>
    %min3A_561 = vector.broadcast %get3A_4 : vector<1x20000xf32> to vector<8x20000xf32>
    %min3A_562 = vector.broadcast %get3A_557 : vector<8x1xf32> to vector<8x20000xf32>
    %min3A_563 = arith.minimumf %min3A_561, %min3A_562 : vector<8x20000xf32>
    %max3A_564 = vector.broadcast %get3A_1 : vector<1x20000xf32> to vector<8x20000xf32>
    %max3A_565 = vector.broadcast %get3A_554 : vector<8x1xf32> to vector<8x20000xf32>
    %max3A_566 = arith.maximumf %max3A_564, %max3A_565 : vector<8x20000xf32>
    %sub3A_567 = arith.subf %min3A_563, %max3A_566 : vector<8x20000xf32>
    %max3A_568 = arith.constant 0.000000e+00 : f32
    %max3A_569 = vector.broadcast %max3A_568 : f32 to vector<8x20000xf32>
    %max3A_570 = arith.maximumf %sub3A_567, %max3A_569 : vector<8x20000xf32>
    %sub3A_571 = arith.subf %get3A_557, %get3A_554 : vector<8x1xf32>
    %add3A_572 = vector.broadcast %sub3A : vector<1x20000xf32> to vector<8x20000xf32>
    %add3A_573 = vector.broadcast %sub3A_571 : vector<8x1xf32> to vector<8x20000xf32>
    %add3A_574 = arith.addf %add3A_572, %add3A_573 : vector<8x20000xf32>
    %sub3A_575 = arith.subf %add3A_574, %max3A_570 : vector<8x20000xf32>
    %add3A_576 = arith.constant 9.99999993E-9 : f32
    %add3A_577 = vector.broadcast %add3A_576 : f32 to vector<8x20000xf32>
    %add3A_578 = arith.addf %sub3A_575, %add3A_577 : vector<8x20000xf32>
    %div3A_579 = arith.divf %max3A_570, %add3A_578 : vector<8x20000xf32>
    %gt3A_580 = arith.cmpf ogt, %div3A_579, %select_n3A_542 : vector<8x20000xf32>
    %select_n3A_581 = arith.select %gt3A_580, %div3A_579, %select_n3A_542 : vector<8x20000xi1>, vector<8x20000xf32>
    %broadcast_in_dim3A_582 = vector.shape_cast %get3A_560 : vector<8x1xf32> to vector<8x1xf32>
    %broadcast_in_dim3A_583 = vector.broadcast %broadcast_in_dim3A_582 : vector<8x1xf32> to vector<8x20000xf32>
    %select_n3A_584 = arith.select %gt3A_580, %broadcast_in_dim3A_583, %select_n3A_545 : vector<8x20000xi1>, vector<8x20000xf32>
    %broadcast_in_dim3A_585 = vector.shape_cast %get3A_554 : vector<8x1xf32> to vector<8x1xf32>
    %broadcast_in_dim3A_586 = vector.broadcast %broadcast_in_dim3A_585 : vector<8x1xf32> to vector<8x20000xf32>
    %select_n3A_587 = arith.select %gt3A_580, %broadcast_in_dim3A_586, %select_n3A_548 : vector<8x20000xi1>, vector<8x20000xf32>
    %broadcast_in_dim3A_588 = vector.shape_cast %get3A_557 : vector<8x1xf32> to vector<8x1xf32>
    %broadcast_in_dim3A_589 = vector.broadcast %broadcast_in_dim3A_588 : vector<8x1xf32> to vector<8x20000xf32>
    %select_n3A_590 = arith.select %gt3A_580, %broadcast_in_dim3A_589, %select_n3A_551 : vector<8x20000xi1>, vector<8x20000xf32>
    %get3A_591 = arith.constant 0 : index
    %get3A_592 = arith.constant 15 : index
    %get3A_593 = vector.load %arg2[%get3A_591, %get3A_592] : memref<8x16xf32, #tpu.memory_space<vmem>>, vector<8x1xf32>
    %get3A_594 = arith.constant 0 : index
    %get3A_595 = arith.constant 15 : index
    %get3A_596 = vector.load %arg3[%get3A_594, %get3A_595] : memref<8x16xf32, #tpu.memory_space<vmem>>, vector<8x1xf32>
    %get3A_597 = arith.constant 0 : index
    %get3A_598 = arith.constant 15 : index
    %get3A_599 = vector.load %arg4[%get3A_597, %get3A_598] : memref<8x16xf32, #tpu.memory_space<vmem>>, vector<8x1xf32>
    %min3A_600 = vector.broadcast %get3A_4 : vector<1x20000xf32> to vector<8x20000xf32>
    %min3A_601 = vector.broadcast %get3A_596 : vector<8x1xf32> to vector<8x20000xf32>
    %min3A_602 = arith.minimumf %min3A_600, %min3A_601 : vector<8x20000xf32>
    %max3A_603 = vector.broadcast %get3A_1 : vector<1x20000xf32> to vector<8x20000xf32>
    %max3A_604 = vector.broadcast %get3A_593 : vector<8x1xf32> to vector<8x20000xf32>
    %max3A_605 = arith.maximumf %max3A_603, %max3A_604 : vector<8x20000xf32>
    %sub3A_606 = arith.subf %min3A_602, %max3A_605 : vector<8x20000xf32>
    %max3A_607 = arith.constant 0.000000e+00 : f32
    %max3A_608 = vector.broadcast %max3A_607 : f32 to vector<8x20000xf32>
    %max3A_609 = arith.maximumf %sub3A_606, %max3A_608 : vector<8x20000xf32>
    %sub3A_610 = arith.subf %get3A_596, %get3A_593 : vector<8x1xf32>
    %add3A_611 = vector.broadcast %sub3A : vector<1x20000xf32> to vector<8x20000xf32>
    %add3A_612 = vector.broadcast %sub3A_610 : vector<8x1xf32> to vector<8x20000xf32>
    %add3A_613 = arith.addf %add3A_611, %add3A_612 : vector<8x20000xf32>
    %sub3A_614 = arith.subf %add3A_613, %max3A_609 : vector<8x20000xf32>
    %add3A_615 = arith.constant 9.99999993E-9 : f32
    %add3A_616 = vector.broadcast %add3A_615 : f32 to vector<8x20000xf32>
    %add3A_617 = arith.addf %sub3A_614, %add3A_616 : vector<8x20000xf32>
    %div3A_618 = arith.divf %max3A_609, %add3A_617 : vector<8x20000xf32>
    %gt3A_619 = arith.cmpf ogt, %div3A_618, %select_n3A_581 : vector<8x20000xf32>
    %select_n3A_620 = arith.select %gt3A_619, %div3A_618, %select_n3A_581 : vector<8x20000xi1>, vector<8x20000xf32>
    %broadcast_in_dim3A_621 = vector.shape_cast %get3A_599 : vector<8x1xf32> to vector<8x1xf32>
    %broadcast_in_dim3A_622 = vector.broadcast %broadcast_in_dim3A_621 : vector<8x1xf32> to vector<8x20000xf32>
    %select_n3A_623 = arith.select %gt3A_619, %broadcast_in_dim3A_622, %select_n3A_584 : vector<8x20000xi1>, vector<8x20000xf32>
    %broadcast_in_dim3A_624 = vector.shape_cast %get3A_593 : vector<8x1xf32> to vector<8x1xf32>
    %broadcast_in_dim3A_625 = vector.broadcast %broadcast_in_dim3A_624 : vector<8x1xf32> to vector<8x20000xf32>
    %select_n3A_626 = arith.select %gt3A_619, %broadcast_in_dim3A_625, %select_n3A_587 : vector<8x20000xi1>, vector<8x20000xf32>
    %broadcast_in_dim3A_627 = vector.shape_cast %get3A_596 : vector<8x1xf32> to vector<8x1xf32>
    %broadcast_in_dim3A_628 = vector.broadcast %broadcast_in_dim3A_627 : vector<8x1xf32> to vector<8x20000xf32>
    %select_n3A_629 = arith.select %gt3A_619, %broadcast_in_dim3A_628, %select_n3A_590 : vector<8x20000xi1>, vector<8x20000xf32>
    %ge3A = arith.constant 0.699999988 : f32
    %ge3A_630 = vector.broadcast %ge3A : f32 to vector<8x20000xf32>
    %ge3A_631 = arith.cmpf oge, %select_n3A_620, %ge3A_630 : vector<8x20000xf32>
    %jit3A = arith.constant 1.000000e+00 : f32
    %jit3A_632 = arith.constant -1.000000e+00 : f32
    %broadcast_in_dim3A_633 = vector.broadcast %jit3A : f32 to vector<8x20000xf32>
    %broadcast_in_dim3A_634 = vector.broadcast %jit3A_632 : f32 to vector<8x20000xf32>
    %select_n3A_635 = arith.select %ge3A_631, %broadcast_in_dim3A_633, %broadcast_in_dim3A_634 : vector<8x20000xi1>, vector<8x20000xf32>
    %lt3A = arith.constant 3.000000e-01 : f32
    %lt3A_636 = vector.broadcast %lt3A : f32 to vector<8x20000xf32>
    %lt3A_637 = arith.cmpf olt, %select_n3A_620, %lt3A_636 : vector<8x20000xf32>
    %jit3A_638 = arith.constant 0.000000e+00 : f32
    %broadcast_in_dim3A_639 = vector.broadcast %jit3A_638 : f32 to vector<8x20000xf32>
    %select_n3A_640 = arith.select %lt3A_637, %broadcast_in_dim3A_639, %select_n3A_635 : vector<8x20000xi1>, vector<8x20000xf32>
    %get3A_641 = arith.constant 0 : index
    %get3A_642 = arith.constant 0 : index
    %get3A_643 = vector.load %arg5[%get3A_641, %get3A_642] : memref<8x128xf32, #tpu.memory_space<vmem>>, vector<8x1xf32>
    %gt3A_644 = vector.broadcast %get3A_4 : vector<1x20000xf32> to vector<8x20000xf32>
    %gt3A_645 = vector.broadcast %get3A_643 : vector<8x1xf32> to vector<8x20000xf32>
    %gt3A_646 = arith.cmpf ogt, %gt3A_644, %gt3A_645 : vector<8x20000xf32>
    %jit3A_647 = arith.constant -1.000000e+00 : f32
    %broadcast_in_dim3A_648 = vector.broadcast %jit3A_647 : f32 to vector<8x20000xf32>
    %select_n3A_649 = arith.select %gt3A_646, %broadcast_in_dim3A_648, %select_n3A_640 : vector<8x20000xi1>, vector<8x20000xf32>
    %swap3A = arith.constant 0 : index
    %swap3A_650 = arith.constant 0 : index
    %swap3A_651 = vector.load %arg6[%swap3A, %swap3A_650] : memref<8x20000xf32, #tpu.memory_space<vmem>>, vector<8x20000xf32>
    tpu.vector_store %arg6[%swap3A, %swap3A_650], %select_n3A_649 {strides = array<i32>} : memref<8x20000xf32, #tpu.memory_space<vmem>>, vector<8x20000xf32>,
    %swap3A_652 = arith.constant 0 : index
    %swap3A_653 = arith.constant 0 : index
    %swap3A_654 = vector.load %arg7[%swap3A_652, %swap3A_653] : memref<8x20000xf32, #tpu.memory_space<vmem>>, vector<8x20000xf32>
    tpu.vector_store %arg7[%swap3A_652, %swap3A_653], %select_n3A_623 {strides = array<i32>} : memref<8x20000xf32, #tpu.memory_space<vmem>>, vector<8x20000xf32>,
    %mul3A = arith.constant 5.000000e-01 : f32
    %mul3A_655 = vector.broadcast %mul3A : f32 to vector<1x20000xf32>
    %mul3A_656 = arith.mulf %mul3A_655, %sub3A : vector<1x20000xf32>
    %add3A_657 = arith.addf %get3A_1, %mul3A_656 : vector<1x20000xf32>
    %sub3A_658 = arith.subf %select_n3A_629, %select_n3A_626 : vector<8x20000xf32>
    %mul3A_659 = arith.constant 5.000000e-01 : f32
    %mul3A_660 = vector.broadcast %mul3A_659 : f32 to vector<8x20000xf32>
    %mul3A_661 = arith.mulf %mul3A_660, %sub3A_658 : vector<8x20000xf32>
    %add3A_662 = arith.addf %select_n3A_626, %mul3A_661 : vector<8x20000xf32>
    %sub3A_663 = vector.broadcast %add3A_657 : vector<1x20000xf32> to vector<8x20000xf32>
    %sub3A_664 = arith.subf %add3A_662, %sub3A_663 : vector<8x20000xf32>
    %div3A_665 = vector.broadcast %sub3A : vector<1x20000xf32> to vector<8x20000xf32>
    %div3A_666 = arith.divf %sub3A_664, %div3A_665 : vector<8x20000xf32>
    %swap3A_667 = arith.constant 0 : index
    %swap3A_668 = arith.constant 0 : index
    %swap3A_669 = vector.load %arg10[%swap3A_667, %swap3A_668] : memref<8x20000xf32, #tpu.memory_space<vmem>>, vector<8x20000xf32>
    tpu.vector_store %arg10[%swap3A_667, %swap3A_668], %div3A_666 {strides = array<i32>} : memref<8x20000xf32, #tpu.memory_space<vmem>>, vector<8x20000xf32>,
    %max3A_670 = arith.constant 9.99999997E-7 : f32
    %max3A_671 = vector.broadcast %max3A_670 : f32 to vector<8x20000xf32>
    %max3A_672 = arith.maximumf %sub3A_658, %max3A_671 : vector<8x20000xf32>
    %div3A_673 = vector.broadcast %sub3A : vector<1x20000xf32> to vector<8x20000xf32>
    %div3A_674 = arith.divf %max3A_672, %div3A_673 : vector<8x20000xf32>
    %log3A = math.log %div3A_674 : vector<8x20000xf32>
    %swap3A_675 = arith.constant 0 : index
    %swap3A_676 = arith.constant 0 : index
    %swap3A_677 = vector.load %arg11[%swap3A_675, %swap3A_676] : memref<8x20000xf32, #tpu.memory_space<vmem>>, vector<8x20000xf32>
    tpu.vector_store %arg11[%swap3A_675, %swap3A_676], %log3A {strides = array<i32>} : memref<8x20000xf32, #tpu.memory_space<vmem>>, vector<8x20000xf32>,
    %eq3A = arith.constant 1.000000e+00 : f32
    %eq3A_678 = vector.broadcast %eq3A : f32 to vector<8x20000xf32>
    %eq3A_679 = arith.cmpf oeq, %select_n3A_649, %eq3A_678 : vector<8x20000xf32>
    %eq3A_680 = arith.constant 0.000000e+00 : f32
    %eq3A_681 = vector.broadcast %eq3A_680 : f32 to vector<8x20000xf32>
    %eq3A_682 = arith.cmpf oeq, %select_n3A_649, %eq3A_681 : vector<8x20000xf32>
    %convert_element_type3A = arith.extui %eq3A_679 : vector<8x20000xi1> to vector<8x20000xi32>
    %convert_element_type3A_683 = arith.extui %eq3A_682 : vector<8x20000xi1> to vector<8x20000xi32>
    %jit3A_684 = arith.constant 0 : i32
    %pad3A = vector.broadcast %jit3A_684 : i32 to vector<8x1xi32>
    %pad3A_685 = tpu.concatenate %pad3A, %convert_element_type3A in 1 : vector<8x1xi32>, vector<8x20000xi32> -> vector<8x20001xi32>
    %slice3A = vector.extract_strided_slice %pad3A_685 {offsets = [0, 0], sizes = [8, 20000], strides = [1, 1]} : vector<8x20001xi32> to vector<8x20000xi32>
    %add3A_686 = arith.addi %convert_element_type3A, %slice3A : vector<8x20000xi32>
    %jit3A_687 = arith.constant 0 : i32
    %pad3A_688 = vector.broadcast %jit3A_687 : i32 to vector<8x2xi32>
    %pad3A_689 = tpu.concatenate %pad3A_688, %add3A_686 in 1 : vector<8x2xi32>, vector<8x20000xi32> -> vector<8x20002xi32>
    %slice3A_690 = vector.extract_strided_slice %pad3A_689 {offsets = [0, 0], sizes = [8, 20000], strides = [1, 1]} : vector<8x20002xi32> to vector<8x20000xi32>
    %add3A_691 = arith.addi %add3A_686, %slice3A_690 : vector<8x20000xi32>
    %jit3A_692 = arith.constant 0 : i32
    %pad3A_693 = vector.broadcast %jit3A_692 : i32 to vector<8x4xi32>
    %pad3A_694 = tpu.concatenate %pad3A_693, %add3A_691 in 1 : vector<8x4xi32>, vector<8x20000xi32> -> vector<8x20004xi32>
    %slice3A_695 = vector.extract_strided_slice %pad3A_694 {offsets = [0, 0], sizes = [8, 20000], strides = [1, 1]} : vector<8x20004xi32> to vector<8x20000xi32>
    %add3A_696 = arith.addi %add3A_691, %slice3A_695 : vector<8x20000xi32>
    %jit3A_697 = arith.constant 0 : i32
    %pad3A_698 = vector.broadcast %jit3A_697 : i32 to vector<8x8xi32>
    %pad3A_699 = tpu.concatenate %pad3A_698, %add3A_696 in 1 : vector<8x8xi32>, vector<8x20000xi32> -> vector<8x20008xi32>
    %slice3A_700 = vector.extract_strided_slice %pad3A_699 {offsets = [0, 0], sizes = [8, 20000], strides = [1, 1]} : vector<8x20008xi32> to vector<8x20000xi32>
    %add3A_701 = arith.addi %add3A_696, %slice3A_700 : vector<8x20000xi32>
    %jit3A_702 = arith.constant 0 : i32
    %pad3A_703 = vector.broadcast %jit3A_702 : i32 to vector<8x16xi32>
    %pad3A_704 = tpu.concatenate %pad3A_703, %add3A_701 in 1 : vector<8x16xi32>, vector<8x20000xi32> -> vector<8x20016xi32>
    %slice3A_705 = vector.extract_strided_slice %pad3A_704 {offsets = [0, 0], sizes = [8, 20000], strides = [1, 1]} : vector<8x20016xi32> to vector<8x20000xi32>
    %add3A_706 = arith.addi %add3A_701, %slice3A_705 : vector<8x20000xi32>
    %jit3A_707 = arith.constant 0 : i32
    %pad3A_708 = vector.broadcast %jit3A_707 : i32 to vector<8x32xi32>
    %pad3A_709 = tpu.concatenate %pad3A_708, %add3A_706 in 1 : vector<8x32xi32>, vector<8x20000xi32> -> vector<8x20032xi32>
    %slice3A_710 = vector.extract_strided_slice %pad3A_709 {offsets = [0, 0], sizes = [8, 20000], strides = [1, 1]} : vector<8x20032xi32> to vector<8x20000xi32>
    %add3A_711 = arith.addi %add3A_706, %slice3A_710 : vector<8x20000xi32>
    %jit3A_712 = arith.constant 0 : i32
    %pad3A_713 = vector.broadcast %jit3A_712 : i32 to vector<8x64xi32>
    %pad3A_714 = tpu.concatenate %pad3A_713, %add3A_711 in 1 : vector<8x64xi32>, vector<8x20000xi32> -> vector<8x20064xi32>
    %slice3A_715 = vector.extract_strided_slice %pad3A_714 {offsets = [0, 0], sizes = [8, 20000], strides = [1, 1]} : vector<8x20064xi32> to vector<8x20000xi32>
    %add3A_716 = arith.addi %add3A_711, %slice3A_715 : vector<8x20000xi32>
    %jit3A_717 = arith.constant 0 : i32
    %pad3A_718 = vector.broadcast %jit3A_717 : i32 to vector<8x128xi32>
    %pad3A_719 = tpu.concatenate %pad3A_718, %add3A_716 in 1 : vector<8x128xi32>, vector<8x20000xi32> -> vector<8x20128xi32>
    %slice3A_720 = vector.extract_strided_slice %pad3A_719 {offsets = [0, 0], sizes = [8, 20000], strides = [1, 1]} : vector<8x20128xi32> to vector<8x20000xi32>
    %add3A_721 = arith.addi %add3A_716, %slice3A_720 : vector<8x20000xi32>
    %jit3A_722 = arith.constant 0 : i32
    %pad3A_723 = vector.broadcast %jit3A_722 : i32 to vector<8x256xi32>
    %pad3A_724 = tpu.concatenate %pad3A_723, %add3A_721 in 1 : vector<8x256xi32>, vector<8x20000xi32> -> vector<8x20256xi32>
    %slice3A_725 = vector.extract_strided_slice %pad3A_724 {offsets = [0, 0], sizes = [8, 20000], strides = [1, 1]} : vector<8x20256xi32> to vector<8x20000xi32>
    %add3A_726 = arith.addi %add3A_721, %slice3A_725 : vector<8x20000xi32>
    %jit3A_727 = arith.constant 0 : i32
    %pad3A_728 = vector.broadcast %jit3A_727 : i32 to vector<8x512xi32>
    %pad3A_729 = tpu.concatenate %pad3A_728, %add3A_726 in 1 : vector<8x512xi32>, vector<8x20000xi32> -> vector<8x20512xi32>
    %slice3A_730 = vector.extract_strided_slice %pad3A_729 {offsets = [0, 0], sizes = [8, 20000], strides = [1, 1]} : vector<8x20512xi32> to vector<8x20000xi32>
    %add3A_731 = arith.addi %add3A_726, %slice3A_730 : vector<8x20000xi32>
    %jit3A_732 = arith.constant 0 : i32
    %pad3A_733 = vector.broadcast %jit3A_732 : i32 to vector<8x1024xi32>
    %pad3A_734 = tpu.concatenate %pad3A_733, %add3A_731 in 1 : vector<8x1024xi32>, vector<8x20000xi32> -> vector<8x21024xi32>
    %slice3A_735 = vector.extract_strided_slice %pad3A_734 {offsets = [0, 0], sizes = [8, 20000], strides = [1, 1]} : vector<8x21024xi32> to vector<8x20000xi32>
    %add3A_736 = arith.addi %add3A_731, %slice3A_735 : vector<8x20000xi32>
    %jit3A_737 = arith.constant 0 : i32
    %pad3A_738 = vector.broadcast %jit3A_737 : i32 to vector<8x2048xi32>
    %pad3A_739 = tpu.concatenate %pad3A_738, %add3A_736 in 1 : vector<8x2048xi32>, vector<8x20000xi32> -> vector<8x22048xi32>
    %slice3A_740 = vector.extract_strided_slice %pad3A_739 {offsets = [0, 0], sizes = [8, 20000], strides = [1, 1]} : vector<8x22048xi32> to vector<8x20000xi32>
    %add3A_741 = arith.addi %add3A_736, %slice3A_740 : vector<8x20000xi32>
    %jit3A_742 = arith.constant 0 : i32
    %pad3A_743 = vector.broadcast %jit3A_742 : i32 to vector<8x4096xi32>
    %pad3A_744 = tpu.concatenate %pad3A_743, %add3A_741 in 1 : vector<8x4096xi32>, vector<8x20000xi32> -> vector<8x24096xi32>
    %slice3A_745 = vector.extract_strided_slice %pad3A_744 {offsets = [0, 0], sizes = [8, 20000], strides = [1, 1]} : vector<8x24096xi32> to vector<8x20000xi32>
    %add3A_746 = arith.addi %add3A_741, %slice3A_745 : vector<8x20000xi32>
    %jit3A_747 = arith.constant 0 : i32
    %pad3A_748 = vector.broadcast %jit3A_747 : i32 to vector<8x8192xi32>
    %pad3A_749 = tpu.concatenate %pad3A_748, %add3A_746 in 1 : vector<8x8192xi32>, vector<8x20000xi32> -> vector<8x28192xi32>
    %slice3A_750 = vector.extract_strided_slice %pad3A_749 {offsets = [0, 0], sizes = [8, 20000], strides = [1, 1]} : vector<8x28192xi32> to vector<8x20000xi32>
    %add3A_751 = arith.addi %add3A_746, %slice3A_750 : vector<8x20000xi32>
    %jit3A_752 = arith.constant 0 : i32
    %pad3A_753 = vector.broadcast %jit3A_752 : i32 to vector<8x16384xi32>
    %pad3A_754 = tpu.concatenate %pad3A_753, %add3A_751 in 1 : vector<8x16384xi32>, vector<8x20000xi32> -> vector<8x36384xi32>
    %slice3A_755 = vector.extract_strided_slice %pad3A_754 {offsets = [0, 0], sizes = [8, 20000], strides = [1, 1]} : vector<8x36384xi32> to vector<8x20000xi32>
    %add3A_756 = arith.addi %add3A_751, %slice3A_755 : vector<8x20000xi32>
    %jit3A_757 = arith.constant 0 : i32
    %pad3A_758 = vector.broadcast %jit3A_757 : i32 to vector<8x1xi32>
    %pad3A_759 = tpu.concatenate %pad3A_758, %convert_element_type3A_683 in 1 : vector<8x1xi32>, vector<8x20000xi32> -> vector<8x20001xi32>
    %slice3A_760 = vector.extract_strided_slice %pad3A_759 {offsets = [0, 0], sizes = [8, 20000], strides = [1, 1]} : vector<8x20001xi32> to vector<8x20000xi32>
    %add3A_761 = arith.addi %convert_element_type3A_683, %slice3A_760 : vector<8x20000xi32>
    %jit3A_762 = arith.constant 0 : i32
    %pad3A_763 = vector.broadcast %jit3A_762 : i32 to vector<8x2xi32>
    %pad3A_764 = tpu.concatenate %pad3A_763, %add3A_761 in 1 : vector<8x2xi32>, vector<8x20000xi32> -> vector<8x20002xi32>
    %slice3A_765 = vector.extract_strided_slice %pad3A_764 {offsets = [0, 0], sizes = [8, 20000], strides = [1, 1]} : vector<8x20002xi32> to vector<8x20000xi32>
    %add3A_766 = arith.addi %add3A_761, %slice3A_765 : vector<8x20000xi32>
    %jit3A_767 = arith.constant 0 : i32
    %pad3A_768 = vector.broadcast %jit3A_767 : i32 to vector<8x4xi32>
    %pad3A_769 = tpu.concatenate %pad3A_768, %add3A_766 in 1 : vector<8x4xi32>, vector<8x20000xi32> -> vector<8x20004xi32>
    %slice3A_770 = vector.extract_strided_slice %pad3A_769 {offsets = [0, 0], sizes = [8, 20000], strides = [1, 1]} : vector<8x20004xi32> to vector<8x20000xi32>
    %add3A_771 = arith.addi %add3A_766, %slice3A_770 : vector<8x20000xi32>
    %jit3A_772 = arith.constant 0 : i32
    %pad3A_773 = vector.broadcast %jit3A_772 : i32 to vector<8x8xi32>
    %pad3A_774 = tpu.concatenate %pad3A_773, %add3A_771 in 1 : vector<8x8xi32>, vector<8x20000xi32> -> vector<8x20008xi32>
    %slice3A_775 = vector.extract_strided_slice %pad3A_774 {offsets = [0, 0], sizes = [8, 20000], strides = [1, 1]} : vector<8x20008xi32> to vector<8x20000xi32>
    %add3A_776 = arith.addi %add3A_771, %slice3A_775 : vector<8x20000xi32>
    %jit3A_777 = arith.constant 0 : i32
    %pad3A_778 = vector.broadcast %jit3A_777 : i32 to vector<8x16xi32>
    %pad3A_779 = tpu.concatenate %pad3A_778, %add3A_776 in 1 : vector<8x16xi32>, vector<8x20000xi32> -> vector<8x20016xi32>
    %slice3A_780 = vector.extract_strided_slice %pad3A_779 {offsets = [0, 0], sizes = [8, 20000], strides = [1, 1]} : vector<8x20016xi32> to vector<8x20000xi32>
    %add3A_781 = arith.addi %add3A_776, %slice3A_780 : vector<8x20000xi32>
    %jit3A_782 = arith.constant 0 : i32
    %pad3A_783 = vector.broadcast %jit3A_782 : i32 to vector<8x32xi32>
    %pad3A_784 = tpu.concatenate %pad3A_783, %add3A_781 in 1 : vector<8x32xi32>, vector<8x20000xi32> -> vector<8x20032xi32>
    %slice3A_785 = vector.extract_strided_slice %pad3A_784 {offsets = [0, 0], sizes = [8, 20000], strides = [1, 1]} : vector<8x20032xi32> to vector<8x20000xi32>
    %add3A_786 = arith.addi %add3A_781, %slice3A_785 : vector<8x20000xi32>
    %jit3A_787 = arith.constant 0 : i32
    %pad3A_788 = vector.broadcast %jit3A_787 : i32 to vector<8x64xi32>
    %pad3A_789 = tpu.concatenate %pad3A_788, %add3A_786 in 1 : vector<8x64xi32>, vector<8x20000xi32> -> vector<8x20064xi32>
    %slice3A_790 = vector.extract_strided_slice %pad3A_789 {offsets = [0, 0], sizes = [8, 20000], strides = [1, 1]} : vector<8x20064xi32> to vector<8x20000xi32>
    %add3A_791 = arith.addi %add3A_786, %slice3A_790 : vector<8x20000xi32>
    %jit3A_792 = arith.constant 0 : i32
    %pad3A_793 = vector.broadcast %jit3A_792 : i32 to vector<8x128xi32>
    %pad3A_794 = tpu.concatenate %pad3A_793, %add3A_791 in 1 : vector<8x128xi32>, vector<8x20000xi32> -> vector<8x20128xi32>
    %slice3A_795 = vector.extract_strided_slice %pad3A_794 {offsets = [0, 0], sizes = [8, 20000], strides = [1, 1]} : vector<8x20128xi32> to vector<8x20000xi32>
    %add3A_796 = arith.addi %add3A_791, %slice3A_795 : vector<8x20000xi32>
    %jit3A_797 = arith.constant 0 : i32
    %pad3A_798 = vector.broadcast %jit3A_797 : i32 to vector<8x256xi32>
    %pad3A_799 = tpu.concatenate %pad3A_798, %add3A_796 in 1 : vector<8x256xi32>, vector<8x20000xi32> -> vector<8x20256xi32>
    %slice3A_800 = vector.extract_strided_slice %pad3A_799 {offsets = [0, 0], sizes = [8, 20000], strides = [1, 1]} : vector<8x20256xi32> to vector<8x20000xi32>
    %add3A_801 = arith.addi %add3A_796, %slice3A_800 : vector<8x20000xi32>
    %jit3A_802 = arith.constant 0 : i32
    %pad3A_803 = vector.broadcast %jit3A_802 : i32 to vector<8x512xi32>
    %pad3A_804 = tpu.concatenate %pad3A_803, %add3A_801 in 1 : vector<8x512xi32>, vector<8x20000xi32> -> vector<8x20512xi32>
    %slice3A_805 = vector.extract_strided_slice %pad3A_804 {offsets = [0, 0], sizes = [8, 20000], strides = [1, 1]} : vector<8x20512xi32> to vector<8x20000xi32>
    %add3A_806 = arith.addi %add3A_801, %slice3A_805 : vector<8x20000xi32>
    %jit3A_807 = arith.constant 0 : i32
    %pad3A_808 = vector.broadcast %jit3A_807 : i32 to vector<8x1024xi32>
    %pad3A_809 = tpu.concatenate %pad3A_808, %add3A_806 in 1 : vector<8x1024xi32>, vector<8x20000xi32> -> vector<8x21024xi32>
    %slice3A_810 = vector.extract_strided_slice %pad3A_809 {offsets = [0, 0], sizes = [8, 20000], strides = [1, 1]} : vector<8x21024xi32> to vector<8x20000xi32>
    %add3A_811 = arith.addi %add3A_806, %slice3A_810 : vector<8x20000xi32>
    %jit3A_812 = arith.constant 0 : i32
    %pad3A_813 = vector.broadcast %jit3A_812 : i32 to vector<8x2048xi32>
    %pad3A_814 = tpu.concatenate %pad3A_813, %add3A_811 in 1 : vector<8x2048xi32>, vector<8x20000xi32> -> vector<8x22048xi32>
    %slice3A_815 = vector.extract_strided_slice %pad3A_814 {offsets = [0, 0], sizes = [8, 20000], strides = [1, 1]} : vector<8x22048xi32> to vector<8x20000xi32>
    %add3A_816 = arith.addi %add3A_811, %slice3A_815 : vector<8x20000xi32>
    %jit3A_817 = arith.constant 0 : i32
    %pad3A_818 = vector.broadcast %jit3A_817 : i32 to vector<8x4096xi32>
    %pad3A_819 = tpu.concatenate %pad3A_818, %add3A_816 in 1 : vector<8x4096xi32>, vector<8x20000xi32> -> vector<8x24096xi32>
    %slice3A_820 = vector.extract_strided_slice %pad3A_819 {offsets = [0, 0], sizes = [8, 20000], strides = [1, 1]} : vector<8x24096xi32> to vector<8x20000xi32>
    %add3A_821 = arith.addi %add3A_816, %slice3A_820 : vector<8x20000xi32>
    %jit3A_822 = arith.constant 0 : i32
    %pad3A_823 = vector.broadcast %jit3A_822 : i32 to vector<8x8192xi32>
    %pad3A_824 = tpu.concatenate %pad3A_823, %add3A_821 in 1 : vector<8x8192xi32>, vector<8x20000xi32> -> vector<8x28192xi32>
    %slice3A_825 = vector.extract_strided_slice %pad3A_824 {offsets = [0, 0], sizes = [8, 20000], strides = [1, 1]} : vector<8x28192xi32> to vector<8x20000xi32>
    %add3A_826 = arith.addi %add3A_821, %slice3A_825 : vector<8x20000xi32>
    %jit3A_827 = arith.constant 0 : i32
    %pad3A_828 = vector.broadcast %jit3A_827 : i32 to vector<8x16384xi32>
    %pad3A_829 = tpu.concatenate %pad3A_828, %add3A_826 in 1 : vector<8x16384xi32>, vector<8x20000xi32> -> vector<8x36384xi32>
    %slice3A_830 = vector.extract_strided_slice %pad3A_829 {offsets = [0, 0], sizes = [8, 20000], strides = [1, 1]} : vector<8x36384xi32> to vector<8x20000xi32>
    %add3A_831 = arith.addi %add3A_826, %slice3A_830 : vector<8x20000xi32>
    %select_n3A_832 = arith.select %eq3A_679, %add3A_756, %add3A_831 : vector<8x20000xi1>, vector<8x20000xi32>
    %convert_element_type3A_833 = arith.sitofp %select_n3A_832 : vector<8x20000xi32> to vector<8x20000xf32>
    %swap3A_834 = arith.constant 0 : index
    %swap3A_835 = arith.constant 0 : index
    %swap3A_836 = vector.load %arg9[%swap3A_834, %swap3A_835] : memref<8x20000xf32, #tpu.memory_space<vmem>>, vector<8x20000xf32>
    tpu.vector_store %arg9[%swap3A_834, %swap3A_835], %convert_element_type3A_833 {strides = array<i32>} : memref<8x20000xf32, #tpu.memory_space<vmem>>, vector<8x20000xf32>,
    %reduce_sum3A = arith.constant dense<0> : vector<8xi32>
    %reduce_sum3A_837 = vector.multi_reduction <add>, %convert_element_type3A, %reduce_sum3A [1] : vector<8x20000xi32> to vector<8xi32>
    %broadcast_in_dim3A_838 = vector.shape_cast %reduce_sum3A_837 : vector<8xi32> to vector<8x1xi32>
    %reduce_sum3A_839 = arith.constant dense<0> : vector<8xi32>
    %reduce_sum3A_840 = vector.multi_reduction <add>, %convert_element_type3A_683, %reduce_sum3A_839 [1] : vector<8x20000xi32> to vector<8xi32>
    %broadcast_in_dim3A_841 = vector.shape_cast %reduce_sum3A_840 : vector<8xi32> to vector<8x1xi32>
    %eq3A_842 = arith.constant 1.000000e+00 : f32
    %eq3A_843 = vector.broadcast %eq3A_842 : f32 to vector<8x20000xf32>
    %eq3A_844 = arith.cmpf oeq, %select_n3A_623, %eq3A_843 : vector<8x20000xf32>
    %and3A = arith.andi %eq3A_679, %eq3A_844 : vector<8x20000xi1>
    %jit3A_845 = arith.constant 1 : i32
    %jit3A_846 = arith.constant 0 : i32
    %broadcast_in_dim3A_847 = vector.broadcast %jit3A_845 : i32 to vector<8x20000xi32>
    %broadcast_in_dim3A_848 = vector.broadcast %jit3A_846 : i32 to vector<8x20000xi32>
    %select_n3A_849 = arith.select %and3A, %broadcast_in_dim3A_847, %broadcast_in_dim3A_848 : vector<8x20000xi1>, vector<8x20000xi32>
    %reduce_sum3A_850 = arith.constant dense<0> : vector<8xi32>
    %reduce_sum3A_851 = vector.multi_reduction <add>, %select_n3A_849, %reduce_sum3A_850 [1] : vector<8x20000xi32> to vector<8xi32>
    %broadcast_in_dim3A_852 = vector.shape_cast %reduce_sum3A_851 : vector<8xi32> to vector<8x1xi32>
    %broadcast_in_dim3A_853 = arith.constant 0 : i32
    %broadcast_in_dim3A_854 = vector.broadcast %broadcast_in_dim3A_853 : i32 to vector<8x13xi32>
    %concatenate3A = tpu.concatenate %broadcast_in_dim3A_838, %broadcast_in_dim3A_841, %broadcast_in_dim3A_852, %broadcast_in_dim3A_854 in 1 : vector<8x1xi32>, vector<8x1xi32>, vector<8x1xi32>, vector<8x13xi32> -> vector<8x16xi32>
    %swap3A_855 = arith.constant 0 : index
    %swap3A_856 = arith.constant 0 : index
    %swap3A_857 = vector.load %arg8[%swap3A_855, %swap3A_856] : memref<8x16xi32, #tpu.memory_space<vmem>>, vector<8x16xi32>
    tpu.vector_store %arg8[%swap3A_855, %swap3A_856], %concatenate3A {strides = array<i32>} : memref<8x16xi32, #tpu.memory_space<vmem>>, vector<8x16xi32>,
    return
  }
}

module attributes {stable_mosaic.version = 14 : i64} {
  func.func @_k3_body(%arg0: memref<8x20000xf32, #tpu.memory_space<vmem>>, %arg1: memref<8x20000xf32, #tpu.memory_space<vmem>>, %arg2: memref<8x20000xf32, #tpu.memory_space<vmem>>) attributes {dimension_semantics = [], scalar_prefetch = 0 : i64, scratch_operands = 0 : i64, tpu.core_type = #tpu.core_type<tc>} {
    %get3A = arith.constant 0 : index
    %get3A_0 = arith.constant 0 : index
    %get3A_1 = vector.load %arg0[%get3A, %get3A_0] : memref<8x20000xf32, #tpu.memory_space<vmem>>, vector<8x20000xf32>
    %gt3A = arith.constant 0.000000e+00 : f32
    %gt3A_2 = vector.broadcast %gt3A : f32 to vector<8x20000xf32>
    %gt3A_3 = arith.cmpf ogt, %get3A_1, %gt3A_2 : vector<8x20000xf32>
    %convert_element_type3A = arith.extui %gt3A_3 : vector<8x20000xi1> to vector<8x20000xi32>
    %reduce_sum3A = vector.shape_cast %convert_element_type3A : vector<8x20000xi32> to vector<1x8x20000xi32>
    %reduce_sum3A_4 = arith.constant dense<0> : vector<1xi32>
    %reduce_sum3A_5 = vector.multi_reduction <add>, %reduce_sum3A, %reduce_sum3A_4 [1, 2] : vector<1x8x20000xi32> to vector<1xi32>
    %reduce_sum3A_6 = vector.shape_cast %reduce_sum3A_5 : vector<1xi32> to vector<1x1x1xi32>
    %reduce_sum3A_7 = vector.extract %reduce_sum3A_6[0, 0, 0] : i32 from vector<1x1x1xi32>
    %max3A = arith.constant 1 : i32
    %max3A_8 = arith.maxsi %reduce_sum3A_7, %max3A : i32
    %convert_element_type3A_9 = arith.sitofp %max3A_8 : i32 to f32
    %div3A = arith.constant 1.000000e+00 : f32
    %div3A_10 = arith.divf %div3A, %convert_element_type3A_9 : f32
    %jit3A = arith.constant 1.000000e+00 : f32
    %jit3A_11 = arith.constant 0.000000e+00 : f32
    %broadcast_in_dim3A = vector.broadcast %jit3A : f32 to vector<8x20000xf32>
    %broadcast_in_dim3A_12 = vector.broadcast %jit3A_11 : f32 to vector<8x20000xf32>
    %select_n3A = arith.select %gt3A_3, %broadcast_in_dim3A, %broadcast_in_dim3A_12 : vector<8x20000xi1>, vector<8x20000xf32>
    %swap3A = arith.constant 0 : index
    %swap3A_13 = arith.constant 0 : index
    %swap3A_14 = vector.load %arg1[%swap3A, %swap3A_13] : memref<8x20000xf32, #tpu.memory_space<vmem>>, vector<8x20000xf32>
    tpu.vector_store %arg1[%swap3A, %swap3A_13], %select_n3A {strides = array<i32>} : memref<8x20000xf32, #tpu.memory_space<vmem>>, vector<8x20000xf32>,
    %eq3A = arith.constant 0.000000e+00 : f32
    %eq3A_15 = vector.broadcast %eq3A : f32 to vector<8x20000xf32>
    %eq3A_16 = arith.cmpf oeq, %get3A_1, %eq3A_15 : vector<8x20000xf32>
    %or3A = arith.ori %gt3A_3, %eq3A_16 : vector<8x20000xi1>
    %jit3A_17 = arith.constant 0.000000e+00 : f32
    %broadcast_in_dim3A_18 = vector.broadcast %div3A_10 : f32 to vector<8x20000xf32>
    %broadcast_in_dim3A_19 = vector.broadcast %jit3A_17 : f32 to vector<8x20000xf32>
    %select_n3A_20 = arith.select %or3A, %broadcast_in_dim3A_18, %broadcast_in_dim3A_19 : vector<8x20000xi1>, vector<8x20000xf32>
    %swap3A_21 = arith.constant 0 : index
    %swap3A_22 = arith.constant 0 : index
    %swap3A_23 = vector.load %arg2[%swap3A_21, %swap3A_22] : memref<8x20000xf32, #tpu.memory_space<vmem>>, vector<8x20000xf32>
    tpu.vector_store %arg2[%swap3A_21, %swap3A_22], %select_n3A_20 {strides = array<i32>} : memref<8x20000xf32, #tpu.memory_space<vmem>>, vector<8x20000xf32>,
    return
  }
}

</mosaic_0001>

<sc_bundles>
// kernel: kernel.5.cloned.1.call-start
scs
__scs_entry_jumppad:
0x0: {  	(pc) =	sbr.rel $0x88, $3  }
0x1: {  	(tag) =	ssettag $0x0;
	lr =	simm.s32 $0x1  }
0x2: {  	[smem:$0x3F9E] =	sst lr;
	_ =	strace $0xD0000000  }
0x3: {  	_ = 	snop  }
0x4: {  	_ = 	snop  }
0x5: {  	_ = 	snop  }
0x6: {  	_ = 	snop  }
0x7: {  	_ = 	snop  }
__scs_overlays_trampoline_lowered:
0x8: {  	[smem:$0x3FAD] =	sst s0  }
0x9: {  	[smem:$0x3FAE] =	sst s1  }
0xa: {  	[smem:$0x3FAF] =	sst s2  }
0xb: {  	[smem:$0x3FB0] =	sst s3  }
0xc: {  	[smem:$0x3FB1] =	sst s4  }
0xd: {  	[smem:$0x3FB2] =	sst s5  }
0xe: {  	[smem:$0x3FB3] =	sst s6  }
0xf: {  	[smem:$0x3FB4] =	sst s7  }
0x10: {  	[smem:$0x3FB5] =	sst s8  }
0x11: {  	[smem:$0x3FB6] =	sst s9;
	s0 =	simm.s32 @!p0 $0x0  }
0x12: {  	s1 =	sld [smem:$0x3F9C];
	s0 =	simm.s32 @p0 $0x1  }
0x13: {  	[smem:$0x3FB7] =	sst s0;
	s0 =	simm.s32 @!p1 $0x0  }
0x14: {  	s2 =	sld [smem:$0x3F9B];
	s0 =	simm.s32 @p1 $0x1  }
0x15: {  	[smem:$0x3FB8] =	sst s0;
	s0 =	simm.s32 @!p2 $0x0  }
0x16: {  	s3 =	sld [smem:$0x3FDB];
	s0 =	simm.s32 @p2 $0x1  }
0x17: {  	s4 =	simm.s32 $0x1BF5;
	[smem:$0x3FBA] =	sst s0  }
0x18: {  	s0 =	sld [smem:$0x3F9D];
	_ =	swait.ge [sflag:s4], $0x0  }
0x19: {  	s7 =	sld [smem:$0x3F9E]  }
0x1a: {  	s8 =	sadd.s32 $0xFFFFE003, lr  }
0x1b: {  	s9 =	sadd.s32 $0xFFFFFEF7, lr;
	s5 =	simm.s32 $0xFFFFFFFF;
	p2 =	slt.u32 s8, $0xFFFFF086  }
0x1c: {  	p1 =	slt.u32 s9, $0xF7A;
	s5 =	simm.s32 @!p2 $0x0  }
0x1d: {  	s5 =	simm.s32 @p1 $0x1;
	p0 =	seq.s32 s7, s2  }
0x1e: {  	s7 =	smul.u32 @!p0 $0xF7A, s2;
	p2 =	seq.s32 @!p0 s5, $0x0  }
0x1f: {  	s9 =	smul.u32 $0xF7A, s1;
	s8 =	simm.s32 @!p0 $0x1BF5;
	p2 =	por !p2, p0  }
0x20: {  	[sflag:s8] =	ssyncset.s32 @!p0 $0xFFFFF086;
	s6 =	sadd.s32 @!p0 s3, s7;
	s7 =	simm.s32 @!p0 $0x108  }
0x21: {  	s3 =	sadd.s32 s3, s9;
	s6 =	sadd.s32 @!p0 $0x88, s6;
	s7 =	simm.s32 @p2 $0x1082  }
0x22: {  	[simem:s7], [sflag:s8] =	dma.local @!p0 [hbm:s6], $0xF7A  }
0x23: {  	s9 =	sor.u32 $0xD0000000, s2;
	s6 =	simm.s32 $0x108;
	_ =	swait.ge @!p0 [sflag:s8], $0x0  }
0x24: {  	s3 =	sadd.s32 $0x88, s3;
	s6 =	simm.s32 @!p1 $0x1082;
	[sflag:s4] =	ssyncset.s32 $0xFFFFF086  }
0x25: {  	[simem:s6], [sflag:s4] =	dma.local [hbm:s3], $0xF7A  }
0x26: {  	[smem:$0x3F9E] =	sst s1;
	(tag) =	ssettag s2;
	_ =	strace s9  }
0x27: {  	s1 =	sld [smem:$0x3FAE]  }
0x28: {  	s2 =	sld [smem:$0x3FAF]  }
0x29: {  	s4 =	sld [smem:$0x3FB1]  }
0x2a: {  	p0 =	seq.s32 s5, $0x0;
	s5 =	sld [smem:$0x3FB2]  }
0x2b: {  	s6 =	sld [smem:$0x3FB3]  }
0x2c: {  	s7 =	sld [smem:$0x3FB4]  }
0x2d: {  	s3 =	simm.s32 $0x108;
	s8 =	sld [smem:$0x3FB5]  }
0x2e: {  	s3 =	simm.s32 @!p0 $0x1082;
	s9 =	sld [smem:$0x3FB6]  }
0x2f: {  	lr =	sadd.s32 s0, s3;
	s0 =	sld [smem:$0x3FAD]  }
0x30: {  	s3 =	sld [smem:$0x3FB0]  }
0x31: {  	[smem:$0x3FB9] =	sst s10  }
0x32: {  	s10 =	sld [smem:$0x3FB7];
	_ =	sdelay $0x3  }
0x33: {  	p0 =	seq.s32 s10, $0x1;
	s10 =	sld [smem:$0x3FB9];
	_ =	sdelay $0x3  }
0x34: {  	[smem:$0x3FB9] =	sst s10  }
0x35: {  	s10 =	sld [smem:$0x3FB8];
	_ =	sdelay $0x3  }
0x36: {  	p1 =	seq.s32 s10, $0x1;
	s10 =	sld [smem:$0x3FB9];
	_ =	sdelay $0x3  }
0x37: {  	[smem:$0x3FB9] =	sst s10  }
0x38: {  	s10 =	sld [smem:$0x3FBA]  }
0x39: {  	_ = 	snop;
	(pc) =	sbr.ind lr, $3  }
0x3a: {  	_ = 	snop  }
0x3b: {  	_ = 	snop  }
0x3c: {  	p2 =	seq.s32 s10, $0x1;
	s10 =	sld [smem:$0x3FB9]  }
0x3d: {  	_ =	shalt  }
0x3e: {  	_ =	shalt  }
0x3f: {  	_ =	shalt  }
0x40: {  	_ =	shalt  }
0x41: {  	_ =	shalt  }
0x42: {  	_ =	shalt  }
0x43: {  	_ =	shalt  }
0x44: {  	_ =	shalt  }
0x45: {  	_ =	shalt  }
0x46: {  	_ =	shalt  }
0x47: {  	_ =	shalt  }
0x48: {  	_ =	shalt  }
0x49: {  	_ =	shalt  }
0x4a: {  	_ =	shalt  }
0x4b: {  	_ =	shalt  }
0x4c: {  	_ =	shalt  }
0x4d: {  	_ =	shalt  }
0x4e: {  	_ =	shalt  }
0x4f: {  	_ =	shalt  }
0x50: {  	_ =	shalt  }
0x51: {  	_ =	shalt  }
0x52: {  	_ =	shalt  }
0x53: {  	_ =	shalt  }
0x54: {  	_ =	shalt  }
0x55: {  	_ =	shalt  }
0x56: {  	_ =	shalt  }
0x57: {  	_ =	shalt  }
0x58: {  	_ =	shalt  }
0x59: {  	_ =	shalt  }
0x5a: {  	_ =	shalt  }
0x5b: {  	_ =	shalt  }
0x5c: {  	_ =	shalt  }
0x5d: {  	_ =	shalt  }
0x5e: {  	_ =	shalt  }
0x5f: {  	_ =	shalt  }
0x60: {  	_ =	shalt  }
0x61: {  	_ =	shalt  }
0x62: {  	_ =	shalt  }
0x63: {  	_ =	shalt  }
0x64: {  	_ =	shalt  }
0x65: {  	_ =	shalt  }
0x66: {  	_ =	shalt  }
0x67: {  	_ =	shalt  }
0x68: {  	_ =	shalt  }
0x69: {  	_ =	shalt  }
0x6a: {  	_ =	shalt  }
0x6b: {  	_ =	shalt  }
0x6c: {  	_ =	shalt  }
0x6d: {  	_ =	shalt  }
0x6e: {  	_ =	shalt  }
0x6f: {  	_ =	shalt  }
0x70: {  	_ =	shalt  }
0x71: {  	_ =	shalt  }
0x72: {  	_ =	shalt  }
0x73: {  	_ =	shalt  }
0x74: {  	_ =	shalt  }
0x75: {  	_ =	shalt  }
0x76: {  	_ =	shalt  }
0x77: {  	_ =	shalt  }
0x78: {  	_ =	shalt  }
0x79: {  	_ =	shalt  }
0x7a: {  	_ =	shalt  }
0x7b: {  	_ =	shalt  }
0x7c: {  	_ =	shalt  }
0x7d: {  	_ =	shalt  }
0x7e: {  	_ =	shalt  }
0x7f: {  	_ =	shalt  }
0x80: {  	_ =	shalt  }
0x81: {  	_ =	shalt  }
0x82: {  	_ =	shalt  }
0x83: {  	_ =	shalt  }
0x84: {  	_ =	shalt  }
0x85: {  	_ =	shalt  }
0x86: {  	_ =	shalt  }
0x87: {  	_ =	shalt  }
.Lfunc_end0:
.L_simem_size_0:
called_computation_lowered:
.L_overlay_start_0:
0x88: {  	s2 =	sld [smem:$0x3FD9]  }
0x89: {  	s3 =	sld [smem:$0x3FFE];
	_ =	sdelay $0x1  }
0x8a: {  	s1 =	srdreg.scid  }
0x8b: {  	s0 =	sand.u32 $0x1, s1  }
0x8c: {  	s14 =	sshll.u32 s0, $0xA;
	s2 =	sadd.s32 s3, s2  }
0x8d: {  	s2 =	sadd.s32 s2, s14  }
0x8e: {  	[smem:$0x3FC5] =	sst s2  }
0x8f: {  	_ = 	snop  }
0x90: {  	s2 =	sld [smem:$0x3FD0];
	_ =	sdelay $0x2  }
0x91: {  	s15 =	simm.s32 $0xA;
	s4 =	simm.s32 $0x10  }
0x92: {  	[smem:s4], [sflag:s15] =	dma.local [hbm:s2], $0x1  }
0x93: {  	_ =	swait.eq [sflag:s15], $0x1  }
0x94: {  	s16 =	sld [smem:$0x10];
	[sflag:s15] =	ssyncset.done $0x0  }
0x95: {  	s17 =	sld [smem:$0x12];
	[sflag:s15] =	ssyncadd.s32 $0xFFFFFFFF  }
0x96: {  	s18 =	sld [smem:$0x13];
	(tm) =	ssettm $0x1  }
0x97: {  	s5 =	sld [smem:$0x3FFB];
	_ =	sdelay $0x3  }
0x98: {  	_ =	strace s5  }
0x99: {  	s5 =	sld [smem:$0x3FFC];
	_ =	sdelay $0x3  }
0x9a: {  	_ =	strace s5  }
0x9b: {  	s5 =	sld [smem:$0x3FFD];
	_ =	sdelay $0x3  }
0x9c: {  	_ =	strace s5  }
0x9d: {  	_ =	strace $0x8FFFFFFF  }
0x9e: {  	s19 =	sld [smem:$0x3FDB];
	_ =	sdelay $0x1  }
0x9f: {  	s6 =	simm.s32 $_scs_section_size  }
0xa0: {  	s7 =	simm.s32 $_size__tile_overlayer_lowered;
	s8 =	simm.s32 $_tile_overlayer_lowered  }
0xa1: {  	s22 =	simm.s32 $0x1BFF;
	s21 =	sshll.u32 s8, $0x1;
	s5 =	sadd.s32 s6, s19  }
0xa2: {  	s9 =	simm.s32 $0x0;
	s20 =	sshll.u32 s7, $0x1;
	s7 =	sadd.s32 s21, s5  }
0xa3: {  	[timem:s9], [sflag:s22] =	dma.local [hbm:s7], s20  }
0xa4: {  	_ =	swait.ge [sflag:s22], s20  }
0xa5: {  	s6 =	ssub.s32 $0x0, s20;
	[sflag:s22] =	ssyncset.done $0x0  }
0xa6: {  	[sflag:s22] =	ssyncadd.s32 s6;
	_ =	sdelay $0x1  }
0xa7: {  	s23 =	simm.s32 $0x1B8B  }
0xa8: {  	_ =	swait.ge [sflag:s23], $0x1  }
0xa9: {  	[sflag:s23] =	ssyncset.done $0x0  }
0xaa: {  	s25 =	simm.s32 $0x1B8E;
	s24 =	sld [smem:$0x3FFE];
	[sflag:s23] =	ssyncadd.s32 $0xFFFFFFFF  }
0xab: {  	s26 =	simm.s32 $execute0_lowered;
	[smem:$0x3FD2] =	sst s25  }
0xac: {  	s7 =	sshll.u32 s26, $0x1;
	_ =	strace $0x80000046;
	[dreg:$0x1] =	wrdreg $0xFFFFFFFF  }
0xad: {  	s28 =	simm.s32 $_size_execute0_lowered;
	s5 =	sadd.s32 s5, s7;
	[dreg:$0x0] =	wrdreg $0x0  }
0xae: {  	s7 =	sshll.u32 s28, $0x1;
	[dreg:$0x2] =	wrdreg s5  }
0xaf: {  	[dreg:$0x3] =	wrdreg s7  }
0xb0: {  	[dreg:$0x4] =	wrdreg $0xC0  }
0xb1: {  	_ =	task [dreg:s9], $0x5FFFF  }
0xb2: {  	[dreg:$0x1] =	wrdreg $0xFFFFFFFF  }
0xb3: {  	[dreg:$0x0] =	wrdreg $0x60  }
0xb4: {  	[dreg:$0x2] =	wrdreg s24  }
0xb5: {  	[dreg:$0x3] =	wrdreg s18  }
0xb6: {  	[dreg:$0x4] =	wrdreg s17  }
0xb7: {  	[dreg:$0x5] =	wrdreg s16  }
0xb8: {  	[dreg:$0x6] =	wrdreg $0x9  }
0xb9: {  	_ =	task.clear_ibuf [dreg:s9], $0x7FFFF;
	_ =	strace $0x90000046  }
0xba: {  	s29 =	simm.s32 $0x9;
	_ =	strace $0x80000048  }
0xbb: {  	_ =	swait.ge [sflag:s29], $0x1  }
0xbc: {  	[sflag:s29] =	ssyncadd.s32 $0xFFFFFFFF  }
0xbd: {  	_ =	strace $0x90000048  }
0xbe: {  	_ =	sfence  }
0xbf: {  	s30 =	sld [smem:$0x0];
	_ =	sdelay $0x2  }
0xc0: {  	s31 =	sshll.u32 s1, $0xD;
	s1 =	sshrl.u32 s1, $0x2  }
0xc1: {  	s3 =	sand.u32 $0x4000, s31;
	s1 =	sadd.s32 s1, s30  }
0xc2: {  	s0 =	sor.u32 s3, s0;
	s1 =	sshll.u32 s1, $0x11  }
0xc3: {  	s0 =	sor.u32 s1, s0  }
0xc4: {  	s0 =	sadd.s32 $0x8F2B, s0  }
0xc5: {  	[sflag:s0] =	ssyncadd.remote.s32 $0x1  }
0xc6: {  	_ =	sfence.sel $0xFFFF  }
0xc7: {  	[dreg:$0x0] =	wrdreg $0xFFFFFFFF;
	(pc) =	sbr.abs _section_cstart, $3  }
0xc8: {  	[dreg:$0x1] =	wrdreg $0xFFFFFFFF  }
0xc9: {  	_ =	task.clear_ibuf [dreg:s9], $0x2FFFF;
	_ =	strace $0x9FFFFFFF  }
0xca: {  	(tm) =	ssettm $0x7FFFFFFF  }
0xcb: {  	_ =	shalt  }
tec
execute0_lowered:
.L_overlay_start_1:
0x0: {  	(tag) =	ssettag $0x1  }
0x1: {  	s2 =	srdreg.scid  }
0x2: {  	s1 =	stileid.u32;
	s2 =	sand.u32 $0x1, s2  }
0x3: {  	s6 =	sor.u32 s1, s2  }
0x4: {  	p0 =	sne.s32 s6, $0x0  }
.Ltmp0:
0x5: {  	_ = 	snop;
	(pc) =	sbr.rel @!p0 .LBB2_1-.Ltmp0, $4  }
0x6: {  	s0 =	rddreg [dreg:$0x0]  }
0x7: {  	s3 =	rddreg [dreg:$0x2];
	s5 =	simm.s32 $0x0  }
0x8: {  	[smem:$0x7FF] =	sst s5  }
0x9: {  	s4 =	rddreg [dreg:$0x3];
	_ =	strace $0x80000047  }
.LBB2_50:
0xa: {  	_ =	sfence.sel $0x180000  }
0xb: {  	[bflag:$0x0] =	sbarrier.arrive $0xFFFF  }
0xc: {  	_ =	strace $0x90000047  }
0xd: {  	s0 =	stileid.u32;
	[bflag:$0x2] =	sbarrier.arrive $0xFFFF  }
0xe: {  	p0 =	sne.s32 s0, $0x0;
	s0 =	rddreg [dreg:$0x4]  }
0xf: {  	s0 =	sadd.s32 @!p0 $0x100000, s0  }
0x10: {  	[sflag:s0] =	ssyncadd.tile.s32 @!p0 $0x1;
	_ =	shalt  }
.LBB2_1:
0x11: {  	s2 =	ssub.s32 $0x2, s2;
	s6 =	sadd.s32 $0x6600, s0;
	s7 =	sadd.s32 $0x1400, s0  }
0x12: {  	s30 =	sadd.s32 $0x6400, s0;
	s11 =	simm.s32 $0x1;
	s12 =	simm.s32 $0x80  }
.Ltmp1:
0x13: {  	s13 =	simm.s32 $0x400;
	s14 =	simm.s32 $0x4E80;
	(pc) =	sbr.rel .LBB2_2-.Ltmp1, $4  }
0x14: {  	v0 =	vlaneseq.u32;
	s15 =	simm.s32 $0xEB80;
	s16 =	simm.s32 $0x13A00;
	s17 =	simm.s32 $0x9D00;
	vm0 =	vmmov $0xffff;
	v3 =	vimm.s32 $0x0  }
0x15: {  	vm2 =	vmmov $0x1;
	s18 =	simm.s32 $0x1CA80;
	s19 =	simm.s32 $0x1C900;
	v6 =	vimm.s32 $0x0;
	s9 =	sshrl.u32 s2, $0x1;
	v3 =	vsel vm0, $0xFFFFFFFF, v3  }
0x16: {  	s20 =	simm.s32 $0x18880;
	v4 =	vimm.f32 $-1.000000000e+00;
	v5 =	vimm.f32 $0.0e+00;
	[dreg:$0x5] =	wrdreg s30;
	v6 =	vsel vm2, $0xFFFFFFFF, v6;
	s31 =	ssub.s32 s2, s9;
	[tilespmem:$0x1FFE0] =	vst v3  }
0x17: {  	s21 =	simm.s32 $0x1C980;
	s1 =	simm.s32 $0x0;
	v1 =	vor.u32 $0x4E00, v0;
	v2 =	vor.u32 $0x4E10, v0;
	v3 =	vimm.s32 $0x0;
	[tilespmem:$0x1FFF0] =	vst v6;
	[dreg:$0x6] =	wrdreg s31  }
.LBB2_49:
0x18: {  	s1 =	rddreg [dreg:$0x7]  }
0x19: {  	s0 =	rddreg [dreg:$0x6];
	s1 =	sadd.s32 $0x1, s1  }
0x1a: {  	p0 =	sne.s32 s1, s0  }
.Ltmp2:
0x1b: {  	_ = 	snop;
	(pc) =	sbr.rel @!p0 .LBB2_50-.Ltmp2, $1  }
0x1c: {  	_ =	sdelay $0x3  }
.LBB2_2:
0x1d: {  	[dreg:$0x7] =	wrdreg s1  }
0x1e: {  	s26 =	simm.s32 $0x0;
	s0 =	rddreg [dreg:$0x5];
	s31 =	simm.s32 $0x1C880  }
0x1f: {  	[tilespmem:s31], [sflag:$0x1] =	stream.linear.gather [hbm4b:s0+s26], $0x80, $0x38;
	[tilespmem:$0x1CB80] =	vst v63  }
0x20: {  	_ =	swait.ge [sflag:s11], $0x80  }
0x21: {  	[sflag:s11] =	ssyncset.done $0x0  }
0x22: {  	s2 =	simm.s32 $0x0;
	s0 =	simm.s32 $0x9D00;
	[sflag:s11] =	ssyncadd.s32 $0xFFFFFF80  }
.LBB2_3:
0x23: {  	p0 =	sne.s32 s2, $0x4E10  }
.Ltmp3:
0x24: {  	_ = 	snop;
	(pc) =	sbr.rel @p0 .LBB2_3-.Ltmp3, $3  }
0x25: {  	_ =	sdelay $0x1  }
0x26: {  	v6 =	vor.u32 s2, v0  }
0x27: {  	s2 =	sadd.s32 $0x10, s2;
	[tilespmem:s0+$0x0] =	vst v6;
	s0 =	sadd.s32 $0x10, s0  }
.Ltmp4:
0x28: {  	(pc) =	sbr.rel .LBB2_5-.Ltmp4, $2  }
0x29: {  	_ =	sdelay $0x2  }
0x2a: {  	s8 =	simm.s32 $0xFFFF0000;
	s23 =	simm.s32 $0x0  }
.LBB2_48:
0x2b: {  	s23 =	sadd.s32 $0x1, s23  }
0x2c: {  	p0 =	sne.s32 s23, $0x8  }
.Ltmp5:
0x2d: {  	s0 =	sadd.s32 s4, s24;
	(pc) =	sbr.rel @!p0 .LBB2_49-.Ltmp5, $4  }
0x2e: {  	[hbm4b:s0+s12] =	stream.strided.scatter [tilespmem:s5], [sflag:$0x1], $0x4E80, s13, s12, $0x38;
	[tilespmem:$0x1CB80] =	vst v63  }
0x2f: {  	_ =	swait.ge [sflag:s11], $0x4E80  }
0x30: {  	[sflag:s11] =	ssyncset.done $0x0  }
0x31: {  	[sflag:s11] =	ssyncadd.s32 $0xFFFFB180  }
.LBB2_5:
0x32: {  	s24 =	sshll.u32 s23, $0x4;
	s0 =	rddreg [dreg:$0x1]  }
0x33: {  	s0 =	sadd.s32 s0, s24  }
0x34: {  	[tilespmem:s5], [sflag:$0x1] =	stream.strided.gather [hbm4b:s0+s12], $0x4E80, s13, s12, $0x38;
	[tilespmem:$0x1CB80] =	vst v63  }
0x35: {  	_ =	swait.ge [sflag:s11], $0x4E80  }
0x36: {  	[sflag:s11] =	ssyncset.done $0x0  }
0x37: {  	s25 =	sadd.s32 s7, s24;
	[sflag:s11] =	ssyncadd.s32 $0xFFFFB180  }
0x38: {  	[tilespmem:s14], [sflag:$0x1] =	stream.strided.gather [hbm4b:s25+s12], $0x4E80, s13, s12, $0x38;
	[tilespmem:$0x1CB80] =	vst v63  }
0x39: {  	_ =	swait.ge [sflag:s11], $0x4E80  }
0x3a: {  	[sflag:s11] =	ssyncset.done $0x0  }
0x3b: {  	s31 =	sand.u32 $0x3FFFFFF0, s24;
	[sflag:s11] =	ssyncadd.s32 $0xFFFFB180  }
0x3c: {  	s28 =	simm.s32 $0x30;
	s29 =	simm.s32 $0x20;
	s30 =	simm.s32 $0x4EA0;
	v6 =	vld [tilespmem:s31+$0x1C880]  }
.LBB2_6:
0x3d: {  	v7 =	vld [tilespmem:s30+$0xFFFFFFE0];
	_ =	sdelay $0x1  }
0x3e: {  	v8 =	vld [tilespmem:s29+$0xFFFFFFE0];
	_ =	sdelay $0x2  }
0x3f: {  	v7 =	vtrunc.f32 v7  }
0x40: {  	v7 =	vcvt.f32.s32 v7  }
0x41: {  	vm0 =	veq.f32 v8, $1.000000000e+00  }
0x42: {  	vm1 =	veq.f32 v8, $0.0e+00;
	v7 =	vadd.s32 $0xFFFFFFFF, v7;
	_ =	sdelay $0x2  }
0x43: {  	s0 =	sadd.s32 $0xFFFFFFD0, s28  }
0x44: {  	v8 =	vor.u32 s0, v0  }
0x45: {  	[tilespmem:v7+s15+$0x0] =	vst.idx.msk vm0, v8  }
0x46: {  	[tilespmem:v7+s16+$0x0] =	vst.idx.msk vm1, v8  }
0x47: {  	v7 =	vld [tilespmem:s30+$0xFFFFFFF0];
	_ =	sdelay $0x1  }
0x48: {  	v8 =	vld [tilespmem:s29+$0xFFFFFFF0];
	_ =	sdelay $0x2  }
0x49: {  	v7 =	vtrunc.f32 v7  }
0x4a: {  	v7 =	vcvt.f32.s32 v7  }
0x4b: {  	vm0 =	veq.f32 v8, $1.000000000e+00  }
0x4c: {  	vm1 =	veq.f32 v8, $0.0e+00;
	v7 =	vadd.s32 $0xFFFFFFFF, v7;
	_ =	sdelay $0x2  }
0x4d: {  	s25 =	sadd.s32 $0xFFFFFFE0, s28  }
0x4e: {  	v8 =	vor.u32 s25, v0  }
0x4f: {  	[tilespmem:v7+s15+$0x0] =	vst.idx.msk vm0, v8  }
0x50: {  	[tilespmem:v7+s16+$0x0] =	vst.idx.msk vm1, v8  }
0x51: {  	v7 =	vld [tilespmem:s30+$0x0];
	_ =	sdelay $0x1  }
0x52: {  	v8 =	vld [tilespmem:s29+$0x0];
	_ =	sdelay $0x2  }
0x53: {  	v7 =	vtrunc.f32 v7  }
0x54: {  	v7 =	vcvt.f32.s32 v7  }
0x55: {  	vm0 =	veq.f32 v8, $1.000000000e+00  }
0x56: {  	vm1 =	veq.f32 v8, $0.0e+00;
	v7 =	vadd.s32 $0xFFFFFFFF, v7;
	_ =	sdelay $0x2  }
0x57: {  	s31 =	sadd.s32 $0xFFFFFFF0, s28  }
0x58: {  	v8 =	vor.u32 s31, v0  }
0x59: {  	[tilespmem:v7+s15+$0x0] =	vst.idx.msk vm0, v8  }
0x5a: {  	[tilespmem:v7+s16+$0x0] =	vst.idx.msk vm1, v8  }
0x5b: {  	v7 =	vld [tilespmem:s30+$0x10];
	_ =	sdelay $0x1  }
0x5c: {  	v8 =	vld [tilespmem:s29+$0x10];
	_ =	sdelay $0x2  }
0x5d: {  	v7 =	vtrunc.f32 v7  }
0x5e: {  	v7 =	vcvt.f32.s32 v7  }
0x5f: {  	vm0 =	veq.f32 v8, $1.000000000e+00  }
0x60: {  	vm1 =	veq.f32 v8, $0.0e+00;
	v7 =	vadd.s32 $0xFFFFFFFF, v7  }
0x61: {  	p0 =	sne.s32 s28, $0x4DF0  }
.Ltmp6:
0x62: {  	_ = 	snop;
	(pc) =	sbr.rel @p0 .LBB2_6-.Ltmp6, $4  }
0x63: {  	_ = 	snop  }
0x64: {  	v8 =	vor.u32 s28, v0  }
0x65: {  	[tilespmem:v7+s15+$0x0] =	vst.idx.msk vm0, v8  }
0x66: {  	s29 =	sadd.s32 $0x40, s29;
	s30 =	sadd.s32 $0x40, s30;
	s28 =	sadd.s32 $0x40, s28;
	[tilespmem:v7+s16+$0x0] =	vst.idx.msk vm1, v8  }
0x67: {  	v7 =	vld [tilespmem:$0x9C80];
	_ =	sdelay $0x1  }
0x68: {  	v8 =	vld [tilespmem:$0x4E00];
	_ =	sdelay $0x2  }
0x69: {  	v7 =	vtrunc.f32 v7  }
0x6a: {  	v7 =	vcvt.f32.s32 v7  }
0x6b: {  	vm0 =	veq.f32 v8, $1.000000000e+00  }
0x6c: {  	vm1 =	veq.f32 v8, $0.0e+00;
	v7 =	vadd.s32 $0xFFFFFFFF, v7;
	_ =	sdelay $0x3  }
0x6d: {  	(v2sf) =	vpush v6, $0x0  }
0x6e: {  	(v2sf) =	vpush v6, $0x1;
	[tilespmem:v7+s15+$0x0] =	vst.idx.msk vm0, v1  }
0x6f: {  	(v2sf) =	vpush v6, $0x2;
	[tilespmem:v7+s16+$0x0] =	vst.idx.msk vm1, v1  }
0x70: {  	v6 =	vld [tilespmem:$0x9C90];
	_ =	sdelay $0x1  }
0x71: {  	v7 =	vld [tilespmem:$0x4E10];
	_ =	sdelay $0x2  }
0x72: {  	v6 =	vtrunc.f32 v6  }
0x73: {  	v6 =	vcvt.f32.s32 v6  }
0x74: {  	vm0 =	veq.f32 v7, $1.000000000e+00  }
0x75: {  	vm1 =	veq.f32 v7, $0.0e+00;
	v6 =	vadd.s32 $0xFFFFFFFF, v6;
	_ =	sdelay $0x3  }
0x76: {  	s28 =	spop (v2sf)  }
0x77: {  	s29 =	spop (v2sf);
	p0 =	slt.s32 s28, $0x81;
	[tilespmem:v6+s15+$0x0] =	vst.idx.msk vm0, v2  }
.Ltmp7:
0x78: {  	s2 =	sadd.s32 s3, s24;
	s0 =	spop (v2sf);
	[tilespmem:v6+s16+$0x0] =	vst.idx.msk vm1, v2;
	(pc) =	sbr.rel @p0 .LBB2_25-.Ltmp7, $4  }
0x79: {  	[tilespmem:s14], [sflag:$0x1] =	stream.strided.gather [hbm4b:s2+s12], $0x4E80, s13, s12, $0x38;
	[tilespmem:$0x1CB80] =	vst v63  }
0x7a: {  	_ =	swait.ge [sflag:s11], $0x4E80  }
0x7b: {  	[sflag:s11] =	ssyncset.done $0x0  }
0x7c: {  	[sflag:s11] =	ssyncadd.s32 $0xFFFFB180  }
0x7d: {  	s30 =	sadd.s32 $0xFFFFFFFF, s28  }
0x7e: {  	s0 =	sshrl.u32 s30, $0x1  }
0x7f: {  	s0 =	sor.u32 s30, s0  }
0x80: {  	s2 =	sshrl.u32 s0, $0x2  }
0x81: {  	s0 =	sor.u32 s0, s2  }
0x82: {  	s2 =	sshrl.u32 s0, $0x4  }
.Ltmp8:
0x83: {  	s0 =	sor.u32 s0, s2;
	(pc) =	sbr.rel .LBB2_9-.Ltmp8, $4  }
0x84: {  	s2 =	sshrl.u32 s0, $0x8  }
0x85: {  	s0 =	sor.u32 s0, s2  }
0x86: {  	s2 =	sshrl.u32 s0, $0x10  }
0x87: {  	s31 =	sor.u32 s0, s2;
	s0 =	simm.s32 $0x0  }
.LBB2_11:
0x88: {  	v6 =	vmov s2  }
0x89: {  	v6 =	vsel vm2, s10, v6;
	_ =	sdelay $0x4  }
0x8a: {  	v6 =	vld.idx.msk [tilespmem:v6+s17+$0x0], $0xffff;
	_ =	sdelay $0x1  }
0x8b: {  	v7 =	vmov s10  }
0x8c: {  	v8 =	vmov s0;
	s0 =	sadd.s32 $0x1, s0  }
0x8d: {  	p2 =	sne.s32 s0, $0x80  }
.Ltmp9:
0x8e: {  	v9 =	vbroadcast v6, $0x1;
	(pc) =	sbr.rel @!p2 .LBB2_12-.Ltmp9, $4  }
0x8f: {  	_ = 	snop  }
0x90: {  	s1 =	sadd.s32 $0xFFFFFFFF, s2;
	s2 =	sshra.s32 s31, $0x1;
	v6 =	vbroadcast v6, $0x0;
	[tilespmem:v7+s17+$0x0] =	vst.idx.msk $0x1, v9  }
0x91: {  	p1 =	seq.s32 s1, s2;
	[tilespmem:v8+s18+$0x0] =	vst.idx.msk $0x1, v7  }
0x92: {  	s31 =	smov.u32 @p1 s2;
	[tilespmem:v8+s19+$0x0] =	vst.idx.msk $0x1, v6  }
.LBB2_9:
0x93: {  	s2 =	ssub.s32 s30, s0  }
0x94: {  	p1 =	seq.s32 s2, $0x7FFFFFFF  }
.Ltmp10:
0x95: {  	_ = 	snop;
	(pc) =	sbr.rel @p1 .LBB2_11-.Ltmp10, $2  }
0x96: {  	_ =	sdelay $0x2  }
0x97: {  	s10 =	simm.s32 $0x80000000  }
.LBB2_10:
0x98: {  	s25 =	smov.u32 s8;
	s8 =	ssub.s32 s26, s8  }
0x99: {  	p1 =	slt.s32 s8, $0x4000  }
0x9a: {  	s10 =	sshrl.u32 @!p1 s26, $0x3;
	s9 =	sand.u32 @!p1 $0x7, s26;
	s22 =	simm.s32 @!p1 $0x0  }
0x9b: {  	s1 =	simm.s32 @!p1 $0x18880;
	s10 =	sadd.s32 @!p1 s6, s10;
	s9 =	smov.u32 @p1 s8  }
0x9c: {  	[tilespmem:s1], [sflag:$0x1] =	stream.linear.gather @!p1 [hbm4b:s10+s22], $0x4000, $0x38;
	v6 =	vmov s9;
	[tilespmem:$0x1CB80] =	vst v63  }
0x9d: {  	s1 =	simm.s32 @!p1 $0x1  }
0x9e: {  	_ =	swait.ge @!p1 [sflag:s1], $0x4000  }
0x9f: {  	[sflag:s1] =	ssyncset.done @!p1 $0x0  }
0xa0: {  	[sflag:s1] =	ssyncadd.s32 @!p1 $0xFFFFC000  }
0xa1: {  	v6 =	vld.idx.msk [tilespmem:v6+s20+$0x0], $0xffff;
	_ =	sdelay $0x4  }
0xa2: {  	(v2sf) =	vpush v6, $0x0;
	_ =	sdelay $0xe  }
0xa3: {  	s22 =	spop (v2sf)  }
0xa4: {  	s10 =	sand.u32 s31, s22  }
0xa5: {  	p2 =	sgt.s32 s10, s2  }
.Ltmp11:
0xa6: {  	_ = 	snop;
	(pc) =	sbr.rel @p2 .LBB2_10-.Ltmp11, $3  }
0xa7: {  	_ =	sdelay $0x1  }
0xa8: {  	s8 =	sand.u32 @!p1 $0xFFFFFFF8, s26  }
0xa9: {  	s26 =	sadd.s32 $0x1, s26;
	s8 =	smov.u32 @p1 s25  }
.Ltmp12:
0xaa: {  	_ = 	snop;
	(pc) =	sbr.rel .LBB2_11-.Ltmp12, $1  }
0xab: {  	_ =	sdelay $0x3  }
.LBB2_12:
0xac: {  	s0 =	simm.s32 $0x0  }
0xad: {  	v6 =	vmov s0;
	_ =	sdelay $0x4  }
0xae: {  	v6 =	vld.idx.msk [tilespmem:v6+s18+$0x0], $0xffff;
	_ =	sdelay $0x4  }
0xaf: {  	v6 =	vbroadcast v6, $0x0  }
0xb0: {  	s31 =	simm.s32 $0x1  }
0xb1: {  	v7 =	vmov s31;
	s0 =	simm.s32 $0x2  }
.LBB2_13:
0xb2: {  	p1 =	sne.s32 s0, $0x7F;
	_ =	sdelay $0x2  }
0xb3: {  	[tilespmem:v6+s17+$0x0] =	vst.idx.msk $0x1, v6  }
0xb4: {  	v6 =	vld.idx.msk [tilespmem:v7+s18+$0x0], $0xffff;
	_ =	sdelay $0x3  }
.Ltmp13:
0xb5: {  	(pc) =	sbr.rel @p1 .LBB2_13-.Ltmp13, $3  }
0xb6: {  	_ = 	snop  }
0xb7: {  	v6 =	vbroadcast v6, $0x0;
	_ =	sdelay $0x1  }
0xb8: {  	v7 =	vmov s0;
	s0 =	sadd.s32 $0x1, s0  }
0xb9: {  	_ =	sdelay $0x3  }
0xba: {  	[tilespmem:v6+s17+$0x0] =	vst.idx.msk $0x1, v6  }
0xbb: {  	v6 =	vld.idx.msk [tilespmem:v7+s18+$0x0], $0xffff;
	_ =	sdelay $0x4  }
0xbc: {  	v6 =	vbroadcast v6, $0x0  }
0xbd: {  	p1 =	seq.s32 s28, $0x81  }
.Ltmp14:
0xbe: {  	_ = 	snop;
	(pc) =	sbr.rel @p1 .LBB2_22-.Ltmp14, $2  }
0xbf: {  	_ =	sdelay $0x2  }
0xc0: {  	[tilespmem:v6+s17+$0x0] =	vst.idx.msk $0x1, v6  }
.Ltmp15:
0xc1: {  	(pc) =	sbr.rel .LBB2_16-.Ltmp15, $2  }
0xc2: {  	_ =	sdelay $0x2  }
0xc3: {  	s30 =	sadd.s32 $0xFFFFFF7F, s28  }
.LBB2_20:
0xc4: {  	(v2sf) =	vpush v15, $0xF;
	_ =	sdelay $0xe  }
0xc5: {  	s0 =	spop (v2sf)  }
0xc6: {  	s0 =	sadd.s32 s0, s31  }
0xc7: {  	s30 =	ssub.s32 s30, s0  }
0xc8: {  	p1 =	sgt.s32 s30, $0x0  }
.Ltmp16:
0xc9: {  	_ = 	snop;
	(pc) =	sbr.rel @!p1 .LBB2_21-.Ltmp16, $1  }
0xca: {  	_ =	sdelay $0x3  }
.LBB2_16:
0xcb: {  	s28 =	smov.u32 s26;
	s26 =	sadd.s32 $0x80, s26  }
0xcc: {  	s1 =	ssub.s32 s26, s8  }
0xcd: {  	s0 =	smov.u32 s8;
	s9 =	sshrl.u32 s30, $0x1;
	p1 =	slt.s32 s1, $0x4001  }
0xce: {  	s22 =	smax.u32 s30, $0x80;
	s9 =	sor.u32 s30, s9;
	s1 =	sshrl.u32 @!p1 s28, $0x3  }
0xcf: {  	s2 =	simm.s32 @!p1 $0x0;
	s8 =	simm.s32 @!p1 $0x18880;
	s1 =	sadd.s32 @!p1 s6, s1  }
0xd0: {  	[tilespmem:s8], [sflag:$0x1] =	stream.linear.gather @!p1 [hbm4b:s1+s2], $0x4000, $0x38;
	[tilespmem:$0x1CB80] =	vst v63  }
0xd1: {  	s8 =	sand.u32 @!p1 $0xFFFFFFF8, s28;
	s1 =	simm.s32 @!p1 $0x1;
	s2 =	sadd.s32 $0xFFFFFF81, s22  }
0xd2: {  	_ =	swait.ge @!p1 [sflag:s1], $0x4000;
	s8 =	smov.u32 @p1 s0;
	s10 =	sshrl.u32 s2, $0x1  }
0xd3: {  	[sflag:s1] =	ssyncset.done @!p1 $0x0;
	s0 =	ssub.s32 s28, s8;
	s2 =	sor.u32 s2, s10  }
0xd4: {  	[sflag:s1] =	ssyncadd.s32 @!p1 $0xFFFFC000;
	s31 =	sadd.s32 $0x20, s0;
	s22 =	sadd.s32 $0x30, s0  }
0xd5: {  	v6 =	vadd.s32 s0, v0;
	s25 =	sadd.s32 $0x10, s0;
	v9 =	vadd.s32 s31, v0;
	v10 =	vadd.s32 s22, v0;
	s31 =	sshrl.u32 s9, $0x2;
	s22 =	sshrl.u32 s2, $0x2  }
0xd6: {  	v8 =	vadd.s32 s25, v0;
	s25 =	sadd.s32 $0x40, s0;
	s9 =	sor.u32 s9, s31;
	s2 =	sor.u32 s2, s22  }
0xd7: {  	v11 =	vadd.s32 s25, v0;
	s25 =	sadd.s32 $0x50, s0;
	s10 =	sshrl.u32 s9, $0x4;
	s22 =	sshrl.u32 s2, $0x4  }
0xd8: {  	s31 =	sadd.s32 $0x60, s0;
	s9 =	sor.u32 s9, s10;
	s2 =	sor.u32 s2, s22  }
0xd9: {  	v15 =	vld [tilespmem:$0x1FFE0];
	s0 =	sadd.s32 $0x70, s0;
	s10 =	sshrl.u32 s9, $0x8;
	s22 =	sshrl.u32 s2, $0x8  }
0xda: {  	v14 =	vadd.s32 s0, v0;
	v7 =	vld.idx.msk [tilespmem:v6+s20+$0x0], $0xffff;
	v6 =	vadd.s32 s25, v0;
	s0 =	sor.u32 s9, s10;
	s25 =	sor.u32 s2, s22  }
0xdb: {  	v13 =	vadd.s32 s31, v0;
	s31 =	sshrl.u32 s0, $0x10;
	s9 =	sshrl.u32 s25, $0x10  }
0xdc: {  	v8 =	vld.idx.msk [tilespmem:v8+s20+$0x0], $0xffff;
	s0 =	sor.u32 s0, s31;
	s1 =	sor.u32 s25, s9  }
0xdd: {  	v9 =	vld.idx.msk [tilespmem:v9+s20+$0x0], $0xffff;
	p1 =	sne.s32 s0, s1  }
.Ltmp17:
0xde: {  	v10 =	vld.idx.msk [tilespmem:v10+s20+$0x0], $0xffff;
	(pc) =	sbr.rel @p1 .LBB2_19-.Ltmp17, $4  }
0xdf: {  	vm11 =	vnez.u8 v15;
	v11 =	vld.idx.msk [tilespmem:v11+s20+$0x0], $0xffff  }
0xe0: {  	vm8 =	vmmov vm11;
	vm9 =	vmmov vm11;
	v13 =	vld.idx.msk [tilespmem:v13+s20+$0x0], $0xffff  }
0xe1: {  	vm14 =	vmmov vm11;
	vm7 =	vmmov vm11;
	vm5 =	vmmov vm11;
	v14 =	vld.idx.msk [tilespmem:v14+s20+$0x0], $0xffff  }
0xe2: {  	vm6 =	vmmov vm11;
	vm4 =	vmmov vm11;
	v12 =	vld.idx.msk [tilespmem:v6+s20+$0x0], $0xffff;
	v6 =	vmov s30  }
0xe3: {  	v15 =	vld [tilespmem:$0x1FFE0];
	_ =	sdelay $0x2  }
0xe4: {  	v7 =	vand.u32 s0, v7  }
0xe5: {  	v8 =	vand.u32 s0, v8;
	v9 =	vand.u32 s0, v9;
	v10 =	vand.u32 s0, v10  }
0xe6: {  	v11 =	vand.u32 s0, v11;
	v13 =	vand.u32 s0, v13;
	vm11 =	vnez.u8 v15  }
0xe7: {  	v14 =	vand.u32 s0, v14;
	v12 =	vand.u32 s0, v12;
	vm8 =	vmmov vm11  }
0xe8: {  	vm9 =	vmmov vm11;
	vm14 =	vmmov vm11;
	vm7 =	vmmov vm11  }
0xe9: {  	vm5 =	vmmov vm11;
	vm6 =	vmmov vm11;
	vm4 =	vmmov vm11  }
.LBB2_18:
0xea: {  	v15 =	vimm.s32 $0x0  }
0xeb: {  	v15 =	vsel vm11, $0xFFFFFFFF, v15  }
0xec: {  	[tilespmem:$0x1FFC0] =	vst v15;
	v15 =	vimm.s32 $0x0  }
0xed: {  	v15 =	vsel vm4, $0xFFFFFFFF, v15  }
0xee: {  	[tilespmem:$0x1FFD0] =	vst v15;
	v15 =	vsel vm11, $0x1, v3  }
0xef: {  	v16 =	vsel vm4, $0x1, v3;
	(xrf0) =	vadd.scan.msk.s32 $0xffff, v15  }
0xf0: {  	(xrf0) =	vadd.scan.msk.s32 $0xffff, v16;
	_ =	sdelay $0x2  }
0xf1: {  	v17 =	vsel vm6, $0x1, v3  }
0xf2: {  	(xrf0) =	vadd.scan.msk.s32 $0xffff, v17  }
0xf3: {  	v19 =	vsel vm5, $0x1, v3;
	v18, _, _ =	vpop (xrf0)  }
0xf4: {  	(xrf0) =	vadd.scan.msk.s32 $0xffff, v19;
	v20, _, _ =	vpop (xrf0);
	(v2sf) =	vpush v18, $0xF  }
0xf5: {  	(v2sf) =	vpush v20, $0xF;
	_ =	sdelay $0x2  }
0xf6: {  	v21 =	vsel vm7, $0x1, v3;
	v22, _, _ =	vpop (xrf0)  }
0xf7: {  	v23 =	vsel vm14, $0x1, v3;
	(xrf0) =	vadd.scan.msk.s32 $0xffff, v21;
	(v2sf) =	vpush v22, $0xF  }
0xf8: {  	v24, _, _ =	vpop (xrf0);
	(xrf0) =	vadd.scan.msk.s32 $0xffff, v23  }
0xf9: {  	(v2sf) =	vpush v24, $0xF;
	_ =	sdelay $0x2  }
0xfa: {  	v25 =	vsel vm9, $0x1, v3  }
0xfb: {  	v26, _, _ =	vpop (xrf0);
	(xrf0) =	vadd.scan.msk.s32 $0xffff, v25  }
0xfc: {  	(v2sf) =	vpush v26, $0xF;
	v27, _, _ =	vpop (xrf0)  }
0xfd: {  	(v2sf) =	vpush v27, $0xF  }
0xfe: {  	vm10 =	vmmov vm6;
	vm2 =	vmmov vm5  }
0xff: {  	vm12 =	vmmov vm7;
	vm1 =	vmmov vm14;
	vm13 =	vmmov vm9;
	s0 =	spop (v2sf)  }
0x100: {  	vm15 =	vmmov vm8;
	v15 =	vsub.s32 v15, v18;
	v18 =	vsub.s32 $0x0, v18;
	s1 =	spop (v2sf)  }
0x101: {  	v16 =	vadd.s32 v16, v6;
	v15 =	vadd.s32 v6, v15;
	v18 =	vbroadcast v18, $0xF;
	v29, _, _ =	vpop (xrf0);
	s0 =	sadd.s32 s0, s1  }
0x102: {  	vm3 =	vle.s32 v7, v15;
	(v2sf) =	vpush v29, $0xF;
	v30 =	vmov s0  }
0x103: {  	vm4 =	vgt.s32 v15, $0x0;
	v15 =	vsub.s32 v16, v20;
	v16 =	vsub.s32 $0x0, v30  }
0x104: {  	v17 =	vadd.s32 v17, v6;
	v15 =	vadd.s32 v18, v15;
	s25 =	spop (v2sf);
	v16 =	vbroadcast v16, $0x0  }
0x105: {  	v17 =	vsub.s32 v17, v22;
	vm11 =	vmand vm4, vm3;
	vm4 =	vle.s32 v8, v15;
	s0 =	sadd.s32 s25, s0  }
0x106: {  	vm5 =	vgt.s32 v15, $0x0;
	s2 =	spop (v2sf);
	v15 =	vadd.s32 v16, v17;
	v16 =	vmov s0  }
0x107: {  	vm4 =	vmand vm5, vm4;
	s0 =	sadd.s32 s2, s0;
	v17 =	vadd.s32 v19, v6;
	v16 =	vsub.s32 $0x0, v16  }
0x108: {  	vm5 =	vle.s32 v9, v15;
	v60 =	vmov s0;
	v16 =	vbroadcast v16, $0x0  }
0x109: {  	vm6 =	vgt.s32 v15, $0x0;
	v15 =	vsub.s32 v17, v24;
	v17 =	vsub.s32 $0x0, v60  }
0x10a: {  	v15 =	vadd.s32 v16, v15;
	v16 =	vbroadcast v17, $0x0;
	v17 =	vadd.s32 v21, v6  }
0x10b: {  	v28 =	vsel vm8, $0x1, v3;
	s9 =	spop (v2sf);
	vm6 =	vmand vm6, vm5;
	v17 =	vsub.s32 v17, v26  }
0x10c: {  	s0 =	sadd.s32 s9, s0;
	vm5 =	vle.s32 v10, v15;
	s10 =	spop (v2sf);
	vm7 =	vgt.s32 v15, $0x0;
	v15 =	vadd.s32 v16, v17  }
0x10d: {  	v16 =	vmov s0;
	s0 =	sadd.s32 s10, s0;
	vm5 =	vmand vm7, vm5;
	v17 =	vadd.s32 v23, v6  }
0x10e: {  	vm7 =	vle.s32 v11, v15;
	v16 =	vsub.s32 $0x0, v16;
	v61 =	vmov s0  }
0x10f: {  	v62 =	vld [tilespmem:$0x1FFC0];
	vm8 =	vgt.s32 v15, $0x0;
	v15 =	vsub.s32 v17, v27;
	v16 =	vbroadcast v16, $0x0  }
0x110: {  	v63 =	vld [tilespmem:$0x1FFD0];
	vm2 =	vmxor vm2, vm5;
	v17 =	vsub.s32 $0x0, v61;
	vm7 =	vmand vm8, vm7  }
0x111: {  	(xrf0) =	vadd.scan.msk.s32 $0xffff, v28;
	s22 =	spop (v2sf);
	v15 =	vadd.s32 v16, v15;
	v16 =	vbroadcast v17, $0x0;
	v17 =	vadd.s32 v25, v6  }
0x112: {  	s31 =	sadd.s32 s22, s0;
	vm8 =	vle.s32 v12, v15;
	v17 =	vsub.s32 v17, v29;
	vm9 =	vgt.s32 v15, $0x0  }
0x113: {  	v15 =	vadd.s32 v16, v17;
	v16 =	vmov s31;
	vm14 =	vmand vm9, vm8  }
0x114: {  	v17 =	vadd.s32 v28, v6;
	vm0 =	vle.s32 v13, v15;
	vm3 =	vgt.s32 v15, $0x0  }
0x115: {  	vm9 =	vmand vm3, vm0;
	vm0 =	vnez.u8 v62;
	vm3 =	vnez.u8 v63  }
0x116: {  	v16 =	vsub.s32 $0x0, v16;
	vm0 =	vmxor vm0, vm11;
	vm3 =	vmxor vm3, vm4  }
0x117: {  	v16 =	vbroadcast v16, $0x0;
	v15, _, _ =	vpop (xrf0);
	vm0 =	vmor vm0, vm3;
	vm3 =	vmxor vm10, vm6  }
0x118: {  	v17 =	vsub.s32 v17, v15;
	vm10 =	vmxor vm1, vm14;
	vm0 =	vmor vm0, vm3  }
0x119: {  	v16 =	vadd.s32 v16, v17;
	vm3 =	vmxor vm12, vm7;
	vm0 =	vmor vm0, vm2  }
0x11a: {  	vm2 =	vle.s32 v14, v16;
	vm0 =	vmor vm0, vm3;
	vm3 =	vgt.s32 v16, $0x0  }
0x11b: {  	vm8 =	vmand vm3, vm2;
	vm0 =	vmor vm0, vm10;
	vm2 =	vmxor vm13, vm9  }
0x11c: {  	vm0 =	vmor vm0, vm2;
	vm2 =	vmxor vm15, vm8  }
0x11d: {  	vm0 =	vmor vm0, vm2  }
0x11e: {  	v16 =	vmpcnt.ones.xlane vm0;
	_ =	sdelay $0x1  }
0x11f: {  	(v2sf) =	vpush v16, $0x0;
	_ =	sdelay $0xe  }
0x120: {  	s25 =	spop (v2sf)  }
0x121: {  	p1 =	seq.s32 s25, $0x0  }
.Ltmp18:
0x122: {  	_ = 	snop;
	(pc) =	sbr.rel @!p1 .LBB2_18-.Ltmp18, $1  }
0x123: {  	_ =	sdelay $0x3  }
.Ltmp19:
0x124: {  	_ = 	snop;
	(pc) =	sbr.rel .LBB2_20-.Ltmp19, $1  }
0x125: {  	_ =	sdelay $0x3  }
.LBB2_19:
0x126: {  	v15 =	vimm.s32 $0x0  }
0x127: {  	v15 =	vsel vm11, $0xFFFFFFFF, v15  }
0x128: {  	[tilespmem:$0x1FFA0] =	vst v15;
	v15 =	vimm.s32 $0x0  }
0x129: {  	v15 =	vsel vm4, $0xFFFFFFFF, v15  }
0x12a: {  	[tilespmem:$0x1FFB0] =	vst v15;
	v15 =	vsel vm11, $0x1, v3  }
0x12b: {  	v16 =	vsel vm4, $0x1, v3;
	(xrf0) =	vadd.scan.msk.s32 $0xffff, v15  }
0x12c: {  	(xrf0) =	vadd.scan.msk.s32 $0xffff, v16;
	_ =	sdelay $0x1  }
0x12d: {  	v17 =	vsel vm6, $0x1, v3  }
0x12e: {  	(xrf0) =	vadd.scan.msk.s32 $0xffff, v17;
	_ =	sdelay $0x1  }
0x12f: {  	v18, _, _ =	vpop (xrf0)  }
0x130: {  	v19, _, _ =	vpop (xrf0);
	(v2sf) =	vpush v18, $0xF  }
0x131: {  	v20 =	vsel vm5, $0x1, v3;
	(v2sf) =	vpush v19, $0xF  }
0x132: {  	(xrf0) =	vadd.scan.msk.s32 $0xffff, v20  }
0x133: {  	v21, _, _ =	vpop (xrf0)  }
0x134: {  	(v2sf) =	vpush v21, $0xF  }
0x135: {  	vm12 =	vmmov vm6;
	vm13 =	vmmov vm5;
	v15 =	vsub.s32 v15, v18  }
0x136: {  	vm2 =	vmmov vm7;
	vm10 =	vmmov vm14;
	v15 =	vadd.s32 v6, v15  }
0x137: {  	vm15 =	vmmov vm9;
	v18 =	vsub.s32 $0x0, v18;
	v24 =	vshra.s32 v15, $0x1  }
0x138: {  	v16 =	vadd.s32 v16, v6;
	v18 =	vbroadcast v18, $0xF;
	v24 =	vor.u32 v15, v24;
	v26, _, _ =	vpop (xrf0)  }
0x139: {  	v16 =	vsub.s32 v16, v19;
	v27 =	vshra.s32 v24, $0x2;
	(v2sf) =	vpush v26, $0xF  }
0x13a: {  	v22 =	vsel vm7, $0x1, v3;
	v16 =	vadd.s32 v18, v16;
	v24 =	vor.u32 v24, v27  }
0x13b: {  	v23 =	vsel vm14, $0x1, v3;
	v60 =	vshra.s32 v16, $0x1;
	v58 =	vshra.s32 v24, $0x4  }
0x13c: {  	v25 =	vsel vm9, $0x1, v3;
	v19 =	vor.u32 v16, v60;
	v59 =	vor.u32 v24, v58  }
0x13d: {  	vm3 =	vmmov vm8;
	(xrf0) =	vadd.scan.msk.s32 $0xffff, v22;
	v61 =	vshra.s32 v19, $0x2;
	v24 =	vshra.s32 v59, $0x8  }
0x13e: {  	v37 =	vadd.s32 v20, v6;
	v19 =	vor.u32 v19, v61;
	v18 =	vor.u32 v59, v24  }
0x13f: {  	v17 =	vadd.s32 v17, v6;
	v33 =	vshra.s32 v19, $0x4;
	v29 =	vshra.s32 v18, $0x10;
	s0 =	spop (v2sf)  }
0x140: {  	v22 =	vadd.s32 v22, v6;
	v19 =	vor.u32 v19, v33;
	v18 =	vor.u32 v18, v29;
	s1 =	spop (v2sf)  }
0x141: {  	vm4 =	vgt.s32 v15, $0x0;
	(xrf0) =	vadd.scan.msk.s32 $0xffff, v23;
	v34 =	vshra.s32 v19, $0x8;
	v18 =	vand.u32 v7, v18;
	s0 =	sadd.s32 s0, s1  }
0x142: {  	(xrf0) =	vadd.scan.msk.s32 $0xffff, v25;
	vm1 =	vle.s32 v18, v15;
	v15 =	vor.u32 v19, v34;
	v35 =	vmov s0  }
0x143: {  	v17 =	vsub.s32 v17, v21;
	v62, _, _ =	vpop (xrf0);
	v19 =	vshra.s32 v15, $0x10;
	s25 =	spop (v2sf);
	v18 =	vsub.s32 $0x0, v35  }
0x144: {  	(v2sf) =	vpush v62, $0xF;
	v15 =	vor.u32 v15, v19;
	s0 =	sadd.s32 s25, s0;
	v18 =	vbroadcast v18, $0x0  }
0x145: {  	vm11 =	vmand vm4, vm1;
	v15 =	vand.u32 v8, v15;
	v36 =	vmov s0  }
0x146: {  	vm4 =	vle.s32 v15, v16;
	v15 =	vadd.s32 v18, v17;
	v17 =	vsub.s32 $0x0, v36  }
0x147: {  	vm5 =	vgt.s32 v16, $0x0;
	v38 =	vsub.s32 v37, v26;
	v63, _, _ =	vpop (xrf0);
	v17 =	vbroadcast v17, $0x0  }
0x148: {  	v43 =	vsub.s32 v22, v62;
	v30, _, _ =	vpop (xrf0);
	(v2sf) =	vpush v63, $0xF;
	s2 =	spop (v2sf);
	v18 =	vshra.s32 v15, $0x1  }
0x149: {  	(v2sf) =	vpush v30, $0xF;
	s0 =	sadd.s32 s2, s0;
	v16 =	vor.u32 v15, v18;
	v17 =	vadd.s32 v17, v38  }
0x14a: {  	v40 =	vmov s0;
	v39 =	vshra.s32 v16, $0x2;
	v18 =	vshra.s32 v17, $0x1  }
0x14b: {  	v19 =	vsub.s32 $0x0, v40;
	v16 =	vor.u32 v16, v39;
	v18 =	vor.u32 v17, v18  }
0x14c: {  	v19 =	vbroadcast v19, $0x0;
	v41 =	vshra.s32 v16, $0x4;
	v42 =	vshra.s32 v18, $0x2  }
0x14d: {  	vm4 =	vmand vm5, vm4;
	v16 =	vor.u32 v16, v41;
	v18 =	vor.u32 v18, v42  }
0x14e: {  	v19 =	vadd.s32 v19, v43;
	v44 =	vshra.s32 v16, $0x8;
	v45 =	vshra.s32 v18, $0x4  }
0x14f: {  	v20 =	vshra.s32 v19, $0x1;
	v16 =	vor.u32 v16, v44;
	v18 =	vor.u32 v18, v45  }
0x150: {  	v20 =	vor.u32 v19, v20;
	v21 =	vshra.s32 v16, $0x10;
	v22 =	vshra.s32 v18, $0x8  }
0x151: {  	v46 =	vshra.s32 v20, $0x2;
	v16 =	vor.u32 v16, v21;
	v18 =	vor.u32 v18, v22  }
0x152: {  	v20 =	vor.u32 v20, v46;
	v16 =	vand.u32 v9, v16;
	v22 =	vshra.s32 v18, $0x10  }
0x153: {  	v47 =	vshra.s32 v20, $0x4;
	vm5 =	vle.s32 v16, v15;
	v16 =	vor.u32 v18, v22  }
0x154: {  	vm6 =	vgt.s32 v15, $0x0;
	v15 =	vand.u32 v10, v16;
	v16 =	vor.u32 v20, v47  }
0x155: {  	s9 =	spop (v2sf);
	vm6 =	vmand vm6, vm5;
	vm5 =	vle.s32 v15, v17;
	v15 =	vshra.s32 v16, $0x8  }
0x156: {  	v28 =	vsel vm8, $0x1, v3;
	v49 =	vadd.s32 v25, v6;
	s0 =	sadd.s32 s9, s0;
	v15 =	vor.u32 v16, v15  }
0x157: {  	vm7 =	vgt.s32 v17, $0x0;
	s10 =	spop (v2sf);
	v16 =	vmov s0;
	v17 =	vshra.s32 v15, $0x10  }
0x158: {  	vm5 =	vmand vm7, vm5;
	s0 =	sadd.s32 s10, s0;
	v16 =	vsub.s32 $0x0, v16;
	v15 =	vor.u32 v15, v17  }
0x159: {  	v48 =	vmov s0;
	v16 =	vbroadcast v16, $0x0;
	v15 =	vand.u32 v11, v15  }
0x15a: {  	v17 =	vadd.s32 v23, v6;
	vm7 =	vle.s32 v15, v19;
	v15 =	vsub.s32 $0x0, v48  }
0x15b: {  	v55 =	vadd.s32 v28, v6;
	(xrf0) =	vadd.scan.msk.s32 $0xffff, v28;
	s22 =	spop (v2sf);
	v17 =	vsub.s32 v17, v63;
	v15 =	vbroadcast v15, $0x0  }
0x15c: {  	vm8 =	vgt.s32 v19, $0x0;
	v18 =	vsub.s32 v49, v30;
	s31 =	sadd.s32 s22, s0;
	v16 =	vadd.s32 v16, v17  }
0x15d: {  	v51 =	vmov s31;
	v17 =	vshra.s32 v16, $0x1;
	v18 =	vadd.s32 v15, v18  }
0x15e: {  	v19 =	vsub.s32 $0x0, v51;
	v17 =	vor.u32 v16, v17;
	v15 =	vshra.s32 v18, $0x1  }
0x15f: {  	vm7 =	vmand vm8, vm7;
	v19 =	vbroadcast v19, $0x0;
	v50 =	vshra.s32 v17, $0x2  }
0x160: {  	vm9 =	vgt.s32 v16, $0x0;
	v17 =	vor.u32 v17, v50;
	v53 =	vor.u32 v18, v15  }
0x161: {  	vm2 =	vmxor vm2, vm7;
	v52 =	vshra.s32 v17, $0x4;
	v54 =	vshra.s32 v53, $0x2;
	v15, _, _ =	vpop (xrf0)  }
0x162: {  	v17 =	vor.u32 v17, v52;
	v56 =	vor.u32 v53, v54;
	v57 =	vsub.s32 v55, v15  }
0x163: {  	v58 =	vshra.s32 v17, $0x8;
	v59 =	vshra.s32 v56, $0x4;
	v19 =	vadd.s32 v19, v57  }
0x164: {  	v17 =	vor.u32 v17, v58;
	v20 =	vor.u32 v56, v59;
	v21 =	vshra.s32 v19, $0x1  }
0x165: {  	v62 =	vld [tilespmem:$0x1FFA0];
	v22 =	vshra.s32 v17, $0x10;
	v23 =	vshra.s32 v20, $0x8;
	v21 =	vor.u32 v19, v21  }
0x166: {  	v63 =	vld [tilespmem:$0x1FFB0];
	v17 =	vor.u32 v17, v22;
	v20 =	vor.u32 v20, v23;
	v60 =	vshra.s32 v21, $0x2  }
0x167: {  	v17 =	vand.u32 v12, v17;
	v23 =	vshra.s32 v20, $0x10;
	v21 =	vor.u32 v21, v60  }
0x168: {  	vm8 =	vle.s32 v17, v16;
	v17 =	vor.u32 v20, v23;
	v61 =	vshra.s32 v21, $0x4  }
0x169: {  	vm1 =	vgt.s32 v18, $0x0;
	v16 =	vand.u32 v13, v17;
	v17 =	vor.u32 v21, v61  }
0x16a: {  	vm14 =	vmand vm9, vm8;
	vm0 =	vle.s32 v16, v18;
	v16 =	vshra.s32 v17, $0x8  }
0x16b: {  	vm9 =	vmand vm1, vm0;
	vm0 =	vnez.u8 v62;
	vm1 =	vnez.u8 v63  }
0x16c: {  	v16 =	vor.u32 v17, v16;
	vm0 =	vmxor vm0, vm11;
	vm1 =	vmxor vm1, vm4  }
0x16d: {  	v17 =	vshra.s32 v16, $0x10;
	vm0 =	vmor vm0, vm1;
	vm1 =	vmxor vm12, vm6  }
0x16e: {  	v16 =	vor.u32 v16, v17;
	vm0 =	vmor vm0, vm1;
	vm1 =	vmxor vm13, vm5  }
0x16f: {  	vm10 =	vmxor vm10, vm14;
	v16 =	vand.u32 v14, v16;
	vm0 =	vmor vm0, vm1  }
0x170: {  	vm1 =	vle.s32 v16, v19;
	vm0 =	vmor vm0, vm2;
	vm2 =	vgt.s32 v19, $0x0  }
0x171: {  	vm8 =	vmand vm2, vm1;
	vm0 =	vmor vm0, vm10;
	vm1 =	vmxor vm15, vm9  }
0x172: {  	vm0 =	vmor vm0, vm1;
	vm1 =	vmxor vm3, vm8  }
0x173: {  	vm0 =	vmor vm0, vm1  }
0x174: {  	v16 =	vmpcnt.ones.xlane vm0;
	_ =	sdelay $0x1  }
0x175: {  	(v2sf) =	vpush v16, $0x0;
	_ =	sdelay $0xe  }
0x176: {  	s25 =	spop (v2sf)  }
0x177: {  	p1 =	sne.s32 s25, $0x0  }
.Ltmp20:
0x178: {  	_ = 	snop;
	(pc) =	sbr.rel @p1 .LBB2_19-.Ltmp20, $1  }
0x179: {  	_ =	sdelay $0x3  }
.Ltmp21:
0x17a: {  	_ = 	snop;
	(pc) =	sbr.rel .LBB2_20-.Ltmp21, $1  }
0x17b: {  	_ =	sdelay $0x3  }
.LBB2_21:
0x17c: {  	v7 =	vsel vm11, $0x1, v3  }
0x17d: {  	v8 =	vsel vm4, $0x1, v3;
	(xrf0) =	vadd.scan.msk.s32 $0xffff, v7  }
0x17e: {  	(xrf0) =	vadd.scan.msk.s32 $0xffff, v8;
	_ =	sdelay $0x1  }
0x17f: {  	v7 =	vsel vm6, $0x1, v3  }
0x180: {  	(xrf0) =	vadd.scan.msk.s32 $0xffff, v7  }
0x181: {  	v7 =	vsel vm5, $0x1, v3  }
0x182: {  	v49, _, _ =	vpop (xrf0);
	(xrf0) =	vadd.scan.msk.s32 $0xffff, v7  }
0x183: {  	v7 =	vsel vm7, $0x1, v3;
	v9, _, _ =	vpop (xrf0);
	(v2sf) =	vpush v49, $0xF  }
0x184: {  	(xrf0) =	vadd.scan.msk.s32 $0xffff, v7;
	(v2sf) =	vpush v9, $0xF  }
0x185: {  	v7 =	vsel vm14, $0x1, v3  }
0x186: {  	v10, _, _ =	vpop (xrf0)  }
0x187: {  	(xrf0) =	vadd.scan.msk.s32 $0xffff, v7;
	(v2sf) =	vpush v10, $0xF  }
0x188: {  	v7, _, _ =	vpop (xrf0)  }
0x189: {  	(v2sf) =	vpush v7, $0xF  }
0x18a: {  	v11, _, _ =	vpop (xrf0)  }
0x18b: {  	(v2sf) =	vpush v11, $0xF;
	_ =	sdelay $0x1  }
0x18c: {  	v12 =	vsel vm9, $0x1, v3;
	v13, _, _ =	vpop (xrf0)  }
0x18d: {  	(xrf0) =	vadd.scan.msk.s32 $0xffff, v12;
	(v2sf) =	vpush v13, $0xF;
	_ =	sdelay $0x2  }
0x18e: {  	v50 =	vbroadcast v49, $0xF  }
0x18f: {  	vm0 =	veq.s32 v49, v6;
	s0 =	spop (v2sf)  }
0x190: {  	v51 =	vsel vm8, $0x1, v3;
	vm0 =	vmand vm11, vm0;
	v9 =	vadd.s32 v50, v9;
	s1 =	spop (v2sf)  }
0x191: {  	v52 =	vmpcnt.ones.xlane vm0;
	v53 =	vmctz.xlane vm0;
	vm1 =	veq.s32 v9, v6;
	v14, _, _ =	vpop (xrf0);
	s0 =	sadd.s32 s0, s1  }
0x192: {  	vm0 =	vmand vm4, vm1;
	(v2sf) =	vpush v14, $0xF;
	v10 =	vadd.s32 s0, v10  }
0x193: {  	v54 =	vmpcnt.ones.xlane vm0;
	(v2sf) =	vpush v52, $0x0;
	s10 =	spop (v2sf);
	vm1 =	veq.s32 v10, v6  }
0x194: {  	v55 =	vmctz.xlane vm0;
	(v2sf) =	vpush v53, $0x0;
	s0 =	sadd.s32 s10, s0;
	vm0 =	vmand vm6, vm1  }
0x195: {  	v7 =	vadd.s32 s0, v7;
	s22 =	spop (v2sf);
	(v2sf) =	vpush v54, $0x0;
	v56 =	vmpcnt.ones.xlane vm0  }
0x196: {  	v57 =	vmctz.xlane vm0;
	vm0 =	veq.s32 v7, v6;
	s0 =	sadd.s32 s22, s0;
	(v2sf) =	vpush v55, $0x0  }
0x197: {  	s25 =	spop (v2sf);
	vm0 =	vmand vm5, vm0;
	(v2sf) =	vpush v56, $0x0;
	v7 =	vadd.s32 s0, v11  }
0x198: {  	s0 =	sadd.s32 s25, s0;
	v58 =	vmpcnt.ones.xlane vm0;
	(v2sf) =	vpush v57, $0x0;
	vm1 =	veq.s32 v7, v6  }
0x199: {  	v7 =	vmctz.xlane vm0;
	v59 =	vadd.s32 s0, v13;
	vm0 =	vmand vm7, vm1  }
0x19a: {  	s26 =	spop (v2sf);
	(v2sf) =	vpush v58, $0x0;
	vm1 =	veq.s32 v59, v6;
	v60 =	vmpcnt.ones.xlane vm0  }
0x19b: {  	s0 =	sadd.s32 s26, s0;
	(v2sf) =	vpush v7, $0x0;
	v7 =	vmctz.xlane vm0;
	vm0 =	vmand vm14, vm1  }
0x19c: {  	v62 =	vadd.s32 s0, v14;
	v61 =	vmpcnt.ones.xlane vm0;
	(v2sf) =	vpush v60, $0x0  }
0x19d: {  	(xrf0) =	vadd.scan.msk.s32 $0xffff, v51;
	vm1 =	veq.s32 v62, v6;
	(v2sf) =	vpush v7, $0x0;
	v7 =	vmctz.xlane vm0  }
0x19e: {  	vm0 =	vmand vm9, vm1;
	(v2sf) =	vpush v61, $0x0  }
0x19f: {  	(v2sf) =	vpush v7, $0x0;
	v7 =	vmctz.xlane vm0  }
0x1a0: {  	v63 =	vmpcnt.ones.xlane vm0;
	_ =	sdelay $0x1  }
0x1a1: {  	s30 =	spop (v2sf);
	(v2sf) =	vpush v63, $0x0  }
0x1a2: {  	s0 =	sadd.s32 s30, s0;
	(v2sf) =	vpush v7, $0x0;
	v7, _, _ =	vpop (xrf0)  }
0x1a3: {  	v7 =	vadd.s32 s0, v7  }
0x1a4: {  	vm0 =	veq.s32 v7, v6  }
0x1a5: {  	s2 =	spop (v2sf);
	vm0 =	vmand vm8, vm0  }
0x1a6: {  	s1 =	spop (v2sf);
	v6 =	vmpcnt.ones.xlane vm0  }
0x1a7: {  	s31 =	spop (v2sf);
	v7 =	vmctz.xlane vm0  }
0x1a8: {  	s9 =	spop (v2sf);
	(v2sf) =	vpush v6, $0x0  }
0x1a9: {  	p1 =	sgt.s32 s2, $0x0;
	s1 =	sadd.s32 $0x1, s1;
	s10 =	spop (v2sf);
	(v2sf) =	vpush v7, $0x0  }
0x1aa: {  	p2 =	sgt.s32 s31, $0x0;
	s9 =	sadd.s32 $0x11, s9;
	s22 =	spop (v2sf)  }
0x1ab: {  	s9 =	simm.s32 @!p2 $0x0;
	p3 =	slt.s32 s10, $0x1;
	p6 =	sgt.s32 s10, $0x0  }
0x1ac: {  	s25 =	spop (v2sf);
	s9 =	smov.u32 @p1 s1;
	s1 =	sadd.s32 $0x21, s22  }
0x1ad: {  	p1 =	por p2, p1;
	s26 =	spop (v2sf);
	s1 =	smov.u32 @p3 s9  }
0x1ae: {  	p3 =	slt.s32 s25, $0x1;
	s1 =	smov.u32 @p1 s9;
	s26 =	sadd.s32 $0x31, s26  }
0x1af: {  	p1 =	por p6, p1;
	s30 =	spop (v2sf);
	s26 =	smov.u32 @p3 s1  }
0x1b0: {  	p4 =	sgt.s32 s25, $0x0;
	s2 =	spop (v2sf);
	s26 =	smov.u32 @p1 s1  }
0x1b1: {  	p3 =	slt.s32 s30, $0x1;
	p1 =	por p4, p1;
	s0 =	spop (v2sf)  }
0x1b2: {  	p5 =	sgt.s32 s30, $0x0;
	s1 =	sadd.s32 $0x41, s2;
	s22 =	spop (v2sf)  }
0x1b3: {  	s1 =	smov.u32 @p3 s26;
	p3 =	slt.s32 s0, $0x1;
	p6 =	sgt.s32 s0, $0x0  }
0x1b4: {  	s10 =	spop (v2sf);
	s1 =	smov.u32 @p1 s26;
	s2 =	sadd.s32 $0x51, s22  }
0x1b5: {  	p1 =	por p5, p1;
	s31 =	spop (v2sf);
	s2 =	smov.u32 @p3 s1  }
0x1b6: {  	p3 =	slt.s32 s10, $0x1;
	s2 =	smov.u32 @p1 s1;
	s0 =	sadd.s32 $0x61, s31  }
0x1b7: {  	p1 =	por p6, p1;
	s0 =	smov.u32 @p3 s2;
	s30 =	spop (v2sf)  }
0x1b8: {  	v6 =	vld [tilespmem:$0x1FFF0];
	s0 =	smov.u32 @p1 s2;
	s31 =	spop (v2sf)  }
0x1b9: {  	s1 =	smov.u32 s0;
	p2 =	sgt.s32 s30, $0x0;
	s2 =	sadd.s32 $0x71, s31  }
0x1ba: {  	s1 =	smov.u32 @p2 s2  }
0x1bb: {  	s1 =	smov.u32 @p1 s0  }
0x1bc: {  	s0 =	smov.u32 @p3 s1  }
0x1bd: {  	vm2 =	vnez.u8 v6;
	s26 =	sadd.s32 s28, s0  }
.LBB2_22:
0x1be: {  	s28 =	simm.s32 $0x0  }
0x1bf: {  	v6 =	vmov s28;
	_ =	sdelay $0x4  }
0x1c0: {  	v6 =	vld.idx.msk [tilespmem:v6+s19+$0x0], $0xffff;
	_ =	sdelay $0x4  }
0x1c1: {  	v6 =	vbroadcast v6, $0x0;
	_ =	sdelay $0x2  }
0x1c2: {  	s0 =	simm.s32 $0x1  }
0x1c3: {  	s2 =	simm.s32 $0x2;
	v7 =	vmov s0  }
0x1c4: {  	v8 =	vmov s2  }
0x1c5: {  	v6 =	vld.idx.msk [tilespmem:v6+s15+$0x0], $0xffff;
	_ =	sdelay $0x2  }
0x1c6: {  	v7 =	vld.idx.msk [tilespmem:v7+s19+$0x0], $0xffff  }
0x1c7: {  	v8 =	vld.idx.msk [tilespmem:v8+s19+$0x0], $0xffff  }
0x1c8: {  	v6 =	vbroadcast v6, $0x0  }
0x1c9: {  	s9 =	simm.s32 $0x3  }
0x1ca: {  	v9 =	vmov s9  }
0x1cb: {  	v7 =	vbroadcast v7, $0x0  }
0x1cc: {  	v8 =	vbroadcast v8, $0x0;
	_ =	sdelay $0x1  }
0x1cd: {  	v6 =	vld.idx.msk [tilespmem:v6+s14+$0x0], $0xffff  }
0x1ce: {  	v9 =	vld.idx.msk [tilespmem:v9+s19+$0x0], $0xffff;
	_ =	sdelay $0x1  }
0x1cf: {  	s10 =	simm.s32 $0x4;
	v7 =	vld.idx.msk [tilespmem:v7+s15+$0x0], $0xffff  }
0x1d0: {  	v10 =	vmov s10;
	v8 =	vld.idx.msk [tilespmem:v8+s15+$0x0], $0xffff  }
0x1d1: {  	(v2sf) =	vpush v6, $0x0  }
0x1d2: {  	v9 =	vbroadcast v9, $0x0  }
0x1d3: {  	s22 =	simm.s32 $0x5  }
0x1d4: {  	v11 =	vmov s22;
	v6 =	vbroadcast v7, $0x0  }
0x1d5: {  	v10 =	vld.idx.msk [tilespmem:v10+s19+$0x0], $0xffff;
	v8 =	vbroadcast v8, $0x0;
	_ =	sdelay $0x2  }
0x1d6: {  	v9 =	vld.idx.msk [tilespmem:v9+s15+$0x0], $0xffff  }
0x1d7: {  	s25 =	simm.s32 $0x6;
	v7 =	vld.idx.msk [tilespmem:v11+s19+$0x0], $0xffff  }
0x1d8: {  	v10 =	vbroadcast v10, $0x0;
	v11 =	vmov s25;
	v6 =	vld.idx.msk [tilespmem:v6+s14+$0x0], $0xffff  }
0x1d9: {  	v14 =	vld.idx.msk [tilespmem:v8+s14+$0x0], $0xffff;
	_ =	sdelay $0x1  }
0x1da: {  	s30 =	simm.s32 $0x7  }
0x1db: {  	v12 =	vmov s30;
	v9 =	vbroadcast v9, $0x0  }
0x1dc: {  	v7 =	vbroadcast v7, $0x0;
	v13 =	vld.idx.msk [tilespmem:v11+s19+$0x0], $0xffff;
	(v2sf) =	vpush v6, $0x0  }
0x1dd: {  	v10 =	vld.idx.msk [tilespmem:v10+s15+$0x0], $0xffff;
	s1 =	spop (v2sf);
	(v2sf) =	vpush v14, $0x0;
	_ =	sdelay $0x2  }
0x1de: {  	s31 =	simm.s32 $0x8;
	v11 =	vld.idx.msk [tilespmem:v12+s19+$0x0], $0xffff  }
0x1df: {  	v15 =	vmov s31;
	v6 =	vld.idx.msk [tilespmem:v9+s14+$0x0], $0xffff;
	v9 =	vbroadcast v13, $0x0  }
0x1e0: {  	v8 =	vbroadcast v10, $0x0;
	v7 =	vld.idx.msk [tilespmem:v7+s15+$0x0], $0xffff;
	_ =	sdelay $0x3  }
0x1e1: {  	s0 =	simm.s32 $0x9;
	v10 =	vld.idx.msk [tilespmem:v15+s19+$0x0], $0xffff;
	p1 =	seq.f32 s1, $1.000000000e+00  }
.LBB2_23:
0x1e2: {  	v12 =	vmov s0;
	v13 =	vmov v7;
	v7 =	vld.idx.msk [tilespmem:v9+s15+$0x0], $0xffff;
	v9 =	vbroadcast v11, $0x0;
	s1 =	simm.s32 $0x1;
	p2 =	sne.s32 s0, $0x7F  }
.Ltmp22:
0x1e3: {  	(v2sf) =	vpush v6, $0x0;
	v6 =	vld.idx.msk [tilespmem:v8+s14+$0x0], $0xffff;
	v8 =	vbroadcast v13, $0x0;
	s1 =	simm.s32 @!p1 $0x0;
	(pc) =	sbr.rel @p2 .LBB2_23-.Ltmp22, $3  }
0x1e4: {  	s0 =	sadd.s32 $0x1, s0;
	s28 =	sadd.s32 s1, s28;
	_ =	sdelay $0x1  }
0x1e5: {  	s1 =	spop (v2sf)  }
0x1e6: {  	v11 =	vmov v10;
	p1 =	seq.f32 s1, $1.000000000e+00;
	v10 =	vld.idx.msk [tilespmem:v12+s19+$0x0], $0xffff  }
0x1e7: {  	_ =	sdelay $0x2  }
0x1e8: {  	v11 =	vbroadcast v11, $0x0  }
0x1e9: {  	v10 =	vbroadcast v10, $0x0;
	_ =	sdelay $0x3  }
0x1ea: {  	v9 =	vld.idx.msk [tilespmem:v9+s15+$0x0], $0xffff  }
0x1eb: {  	v11 =	vld.idx.msk [tilespmem:v11+s15+$0x0], $0xffff  }
0x1ec: {  	v7 =	vbroadcast v7, $0x0;
	v10 =	vld.idx.msk [tilespmem:v10+s15+$0x0], $0xffff;
	_ =	sdelay $0x2  }
0x1ed: {  	v9 =	vbroadcast v9, $0x0  }
0x1ee: {  	v11 =	vbroadcast v11, $0x0  }
0x1ef: {  	v8 =	vld.idx.msk [tilespmem:v8+s14+$0x0], $0xffff;
	v10 =	vbroadcast v10, $0x0  }
0x1f0: {  	v7 =	vld.idx.msk [tilespmem:v7+s14+$0x0], $0xffff;
	_ =	sdelay $0x2  }
0x1f1: {  	(v2sf) =	vpush v6, $0x0;
	v6 =	vld.idx.msk [tilespmem:v9+s14+$0x0], $0xffff  }
0x1f2: {  	(v2sf) =	vpush v8, $0x0;
	v63 =	vld.idx.msk [tilespmem:v11+s14+$0x0], $0xffff  }
0x1f3: {  	(v2sf) =	vpush v7, $0x0;
	v7 =	vld.idx.msk [tilespmem:v10+s14+$0x0], $0xffff;
	_ =	sdelay $0x2  }
0x1f4: {  	(v2sf) =	vpush v6, $0x0  }
0x1f5: {  	(v2sf) =	vpush v63, $0x0  }
0x1f6: {  	(v2sf) =	vpush v7, $0x0;
	_ =	sdelay $0x3  }
0x1f7: {  	s0 =	spop (v2sf)  }
0x1f8: {  	p2 =	seq.f32 s0, $1.000000000e+00;
	s0 =	simm.s32 $0x1;
	s1 =	spop (v2sf)  }
0x1f9: {  	s0 =	simm.s32 @!p1 $0x0;
	p1 =	seq.f32 s1, $1.000000000e+00;
	s1 =	simm.s32 $0x1  }
0x1fa: {  	s2 =	simm.s32 $0x1;
	s0 =	sadd.s32 s0, s28;
	s1 =	simm.s32 @!p2 $0x0  }
0x1fb: {  	s0 =	sadd.s32 s1, s0;
	s2 =	simm.s32 @!p1 $0x0;
	s10 =	spop (v2sf)  }
0x1fc: {  	s0 =	sadd.s32 s2, s0;
	p1 =	seq.f32 s10, $1.000000000e+00;
	s22 =	spop (v2sf)  }
0x1fd: {  	s2 =	simm.s32 $0x1;
	p2 =	seq.f32 s22, $1.000000000e+00;
	s25 =	spop (v2sf)  }
0x1fe: {  	s1 =	simm.s32 $0x1;
	s2 =	simm.s32 @!p1 $0x0;
	p1 =	seq.f32 s25, $1.000000000e+00  }
0x1ff: {  	s0 =	sadd.s32 s2, s0;
	s2 =	simm.s32 $0x1;
	s1 =	simm.s32 @!p2 $0x0  }
0x200: {  	s0 =	sadd.s32 s1, s0;
	s2 =	simm.s32 @!p1 $0x0;
	s28 =	spop (v2sf)  }
0x201: {  	s0 =	sadd.s32 s2, s0;
	p1 =	seq.f32 s28, $1.000000000e+00;
	s30 =	spop (v2sf)  }
0x202: {  	s2 =	simm.s32 $0x1;
	p2 =	seq.f32 s30, $1.000000000e+00;
	s31 =	spop (v2sf)  }
0x203: {  	s1 =	simm.s32 $0x1;
	s2 =	simm.s32 @!p1 $0x0;
	p1 =	seq.f32 s31, $1.000000000e+00  }
0x204: {  	s0 =	sadd.s32 s2, s0;
	s2 =	simm.s32 $0x1;
	s1 =	simm.s32 @!p2 $0x0  }
0x205: {  	s0 =	sadd.s32 s1, s0;
	s2 =	simm.s32 @!p1 $0x0  }
0x206: {  	s0 =	sadd.s32 s2, s0  }
.LBB2_25:
0x207: {  	s28 =	ssub.s32 $0x100, s0  }
0x208: {  	p1 =	sle.s32 s29, s28  }
.Ltmp23:
0x209: {  	_ = 	snop;
	(pc) =	sbr.rel @p1 .LBB2_42-.Ltmp23, $1  }
0x20a: {  	_ =	sdelay $0x3  }
0x20b: {  	p2 =	slt.s32 s28, $0x1  }
.Ltmp24:
0x20c: {  	_ = 	snop;
	(pc) =	sbr.rel @p2 .LBB2_34-.Ltmp24, $2  }
0x20d: {  	_ =	sdelay $0x2  }
0x20e: {  	s29 =	sadd.s32 $0xFFFFFFFF, s29  }
0x20f: {  	s0 =	sshra.s32 s29, $0x1  }
0x210: {  	s0 =	sor.u32 s29, s0  }
0x211: {  	s1 =	sshra.s32 s0, $0x2  }
0x212: {  	s0 =	sor.u32 s0, s1  }
0x213: {  	s1 =	sshra.s32 s0, $0x4  }
.Ltmp25:
0x214: {  	s0 =	sor.u32 s0, s1;
	(pc) =	sbr.rel .LBB2_28-.Ltmp25, $4  }
0x215: {  	s1 =	sshra.s32 s0, $0x8  }
0x216: {  	s0 =	sor.u32 s0, s1  }
0x217: {  	s1 =	sshra.s32 s0, $0x10  }
0x218: {  	s30 =	sor.u32 s0, s1;
	s0 =	simm.s32 $0x0  }
.LBB2_30:
0x219: {  	v6 =	vmov s2  }
0x21a: {  	v6 =	vsel vm2, s10, v6;
	_ =	sdelay $0x4  }
0x21b: {  	v6 =	vld.idx.msk [tilespmem:v6+s17+$0x0], $0xffff;
	_ =	sdelay $0x1  }
0x21c: {  	v7 =	vmov s10  }
0x21d: {  	v8 =	vmov s0;
	s0 =	sadd.s32 $0x1, s0  }
0x21e: {  	p3 =	sne.s32 s0, s28  }
.Ltmp26:
0x21f: {  	v9 =	vbroadcast v6, $0x1;
	(pc) =	sbr.rel @!p3 .LBB2_31-.Ltmp26, $4  }
0x220: {  	_ = 	snop  }
0x221: {  	s1 =	sadd.s32 $0xFFFFFFFF, s2;
	s2 =	sshra.s32 s30, $0x1;
	v6 =	vbroadcast v6, $0x0;
	[tilespmem:v7+s17+$0x0] =	vst.idx.msk $0x1, v9  }
0x222: {  	p2 =	seq.s32 s1, s2;
	[tilespmem:v8+s18+$0x0] =	vst.idx.msk $0x1, v7  }
0x223: {  	s30 =	smov.u32 @p2 s2;
	[tilespmem:v8+s21+$0x0] =	vst.idx.msk $0x1, v6  }
.LBB2_28:
0x224: {  	s2 =	ssub.s32 s29, s0  }
0x225: {  	p2 =	seq.s32 s2, $0x7FFFFFFF  }
.Ltmp27:
0x226: {  	_ = 	snop;
	(pc) =	sbr.rel @p2 .LBB2_30-.Ltmp27, $2  }
0x227: {  	_ =	sdelay $0x2  }
0x228: {  	s10 =	simm.s32 $0x80000000  }
.LBB2_29:
0x229: {  	s1 =	smov.u32 s8;
	s8 =	ssub.s32 s26, s8  }
0x22a: {  	p2 =	slt.s32 s8, $0x4000  }
0x22b: {  	s10 =	sand.u32 @!p2 $0x7, s26  }
0x22c: {  	s9 =	sshrl.u32 @!p2 s26, $0x3;
	s22 =	simm.s32 @!p2 $0x0;
	s10 =	smov.u32 @p2 s8  }
0x22d: {  	s25 =	simm.s32 @!p2 $0x18880;
	s9 =	sadd.s32 @!p2 s6, s9;
	s8 =	simm.s32 @!p2 $0x1;
	v6 =	vmov s10  }
0x22e: {  	[tilespmem:s25], [sflag:$0x1] =	stream.linear.gather @!p2 [hbm4b:s9+s22], $0x4000, $0x38;
	[tilespmem:$0x1CB80] =	vst v63  }
0x22f: {  	_ =	swait.ge @!p2 [sflag:s8], $0x4000  }
0x230: {  	[sflag:s8] =	ssyncset.done @!p2 $0x0  }
0x231: {  	[sflag:s8] =	ssyncadd.s32 @!p2 $0xFFFFC000  }
0x232: {  	v6 =	vld.idx.msk [tilespmem:v6+s20+$0x0], $0xffff;
	_ =	sdelay $0x4  }
0x233: {  	(v2sf) =	vpush v6, $0x0;
	_ =	sdelay $0xe  }
0x234: {  	s31 =	spop (v2sf)  }
0x235: {  	s10 =	sand.u32 s30, s31  }
0x236: {  	p3 =	sgt.s32 s10, s2  }
.Ltmp28:
0x237: {  	_ = 	snop;
	(pc) =	sbr.rel @p3 .LBB2_29-.Ltmp28, $3  }
0x238: {  	_ =	sdelay $0x1  }
0x239: {  	s8 =	sand.u32 @!p2 $0xFFFFFFF8, s26  }
0x23a: {  	s26 =	sadd.s32 $0x1, s26;
	s8 =	smov.u32 @p2 s1  }
.Ltmp29:
0x23b: {  	_ = 	snop;
	(pc) =	sbr.rel .LBB2_30-.Ltmp29, $1  }
0x23c: {  	_ =	sdelay $0x3  }
.LBB2_31:
0x23d: {  	s0 =	simm.s32 $0x0  }
0x23e: {  	v6 =	vmov s0;
	_ =	sdelay $0x4  }
0x23f: {  	p2 =	sne.s32 s28, $0x1;
	v6 =	vld.idx.msk [tilespmem:v6+s18+$0x0], $0xffff  }
.Ltmp30:
0x240: {  	_ = 	snop;
	(pc) =	sbr.rel @!p2 .LBB2_33-.Ltmp30, $2  }
0x241: {  	_ =	sdelay $0x2  }
0x242: {  	s0 =	simm.s32 $0x1;
	v6 =	vbroadcast v6, $0x0  }
.LBB2_32:
0x243: {  	_ = 	snop  }
0x244: {  	v7 =	vmov s0;
	s0 =	sadd.s32 $0x1, s0  }
0x245: {  	p2 =	sne.s32 s28, s0;
	_ =	sdelay $0x2  }
0x246: {  	[tilespmem:v6+s17+$0x0] =	vst.idx.msk $0x1, v6  }
0x247: {  	v6 =	vld.idx.msk [tilespmem:v7+s18+$0x0], $0xffff;
	_ =	sdelay $0x1  }
.Ltmp31:
0x248: {  	(pc) =	sbr.rel @p2 .LBB2_32-.Ltmp31, $2  }
0x249: {  	_ =	sdelay $0x2  }
0x24a: {  	v6 =	vbroadcast v6, $0x0  }
.LBB2_33:
0x24b: {  	_ =	sdelay $0x4  }
0x24c: {  	[tilespmem:v6+s17+$0x0] =	vst.idx.msk $0x1, v6  }
.LBB2_34:
0x24d: {  	s30 =	ssub.s32 s29, s28  }
0x24e: {  	p2 =	slt.s32 s30, $0x1  }
.Ltmp32:
0x24f: {  	_ = 	snop;
	(pc) =	sbr.rel @!p2 .LBB2_35-.Ltmp32, $4  }
.Ltmp33:
0x250: {  	_ = 	snop;
	(pc) =	sbr.rel @p2 .LBB2_42-.Ltmp33, $4  }
0x251: {  	_ = 	snop  }
0x252: {  	_ = 	snop  }
0x253: {  	_ = 	snop  }
0x254: {  	_ = 	snop  }
.LBB2_40:
0x255: {  	(v2sf) =	vpush v15, $0xF;
	_ =	sdelay $0xe  }
0x256: {  	s0 =	spop (v2sf)  }
0x257: {  	s0 =	sadd.s32 s0, s31  }
0x258: {  	s30 =	ssub.s32 s30, s0  }
0x259: {  	p2 =	sgt.s32 s30, $0x0  }
.Ltmp34:
0x25a: {  	_ = 	snop;
	(pc) =	sbr.rel @!p2 .LBB2_41-.Ltmp34, $1  }
0x25b: {  	_ =	sdelay $0x3  }
.LBB2_35:
0x25c: {  	s29 =	smov.u32 s26;
	s26 =	sadd.s32 $0x80, s26  }
0x25d: {  	s1 =	ssub.s32 s26, s8  }
0x25e: {  	s0 =	smov.u32 s8;
	s9 =	sshrl.u32 s30, $0x1;
	p2 =	slt.s32 s1, $0x4001  }
0x25f: {  	s22 =	smax.u32 s30, $0x80;
	s9 =	sor.u32 s30, s9;
	s1 =	sshrl.u32 @!p2 s29, $0x3  }
0x260: {  	s2 =	simm.s32 @!p2 $0x0;
	s8 =	simm.s32 @!p2 $0x18880;
	s1 =	sadd.s32 @!p2 s6, s1  }
0x261: {  	[tilespmem:s8], [sflag:$0x1] =	stream.linear.gather @!p2 [hbm4b:s1+s2], $0x4000, $0x38;
	[tilespmem:$0x1CB80] =	vst v63  }
0x262: {  	s8 =	sand.u32 @!p2 $0xFFFFFFF8, s29;
	s1 =	simm.s32 @!p2 $0x1;
	s2 =	sadd.s32 $0xFFFFFF81, s22  }
0x263: {  	_ =	swait.ge @!p2 [sflag:s1], $0x4000;
	s8 =	smov.u32 @p2 s0;
	s10 =	sshrl.u32 s2, $0x1  }
0x264: {  	[sflag:s1] =	ssyncset.done @!p2 $0x0;
	s0 =	ssub.s32 s29, s8;
	s2 =	sor.u32 s2, s10  }
0x265: {  	[sflag:s1] =	ssyncadd.s32 @!p2 $0xFFFFC000;
	s31 =	sadd.s32 $0x20, s0;
	s22 =	sadd.s32 $0x30, s0  }
0x266: {  	v6 =	vadd.s32 s0, v0;
	s25 =	sadd.s32 $0x10, s0;
	v9 =	vadd.s32 s31, v0;
	v10 =	vadd.s32 s22, v0;
	s31 =	sshrl.u32 s9, $0x2;
	s22 =	sshrl.u32 s2, $0x2  }
0x267: {  	v8 =	vadd.s32 s25, v0;
	s25 =	sadd.s32 $0x40, s0;
	s9 =	sor.u32 s9, s31;
	s2 =	sor.u32 s2, s22  }
0x268: {  	v11 =	vadd.s32 s25, v0;
	s25 =	sadd.s32 $0x50, s0;
	s10 =	sshrl.u32 s9, $0x4;
	s22 =	sshrl.u32 s2, $0x4  }
0x269: {  	s31 =	sadd.s32 $0x60, s0;
	s9 =	sor.u32 s9, s10;
	s2 =	sor.u32 s2, s22  }
0x26a: {  	s0 =	sadd.s32 $0x70, s0;
	s10 =	sshrl.u32 s9, $0x8;
	s22 =	sshrl.u32 s2, $0x8  }
0x26b: {  	v14 =	vadd.s32 s0, v0;
	v7 =	vld.idx.msk [tilespmem:v6+s20+$0x0], $0xffff;
	v6 =	vadd.s32 s25, v0;
	s0 =	sor.u32 s9, s10;
	s25 =	sor.u32 s2, s22  }
0x26c: {  	v13 =	vadd.s32 s31, v0;
	s31 =	sshrl.u32 s0, $0x10;
	s9 =	sshrl.u32 s25, $0x10  }
0x26d: {  	v8 =	vld.idx.msk [tilespmem:v8+s20+$0x0], $0xffff;
	s0 =	sor.u32 s0, s31;
	s1 =	sor.u32 s25, s9  }
0x26e: {  	v9 =	vld.idx.msk [tilespmem:v9+s20+$0x0], $0xffff;
	p2 =	sne.s32 s0, s1  }
.Ltmp35:
0x26f: {  	v10 =	vld.idx.msk [tilespmem:v10+s20+$0x0], $0xffff;
	(pc) =	sbr.rel @p2 .LBB2_36-.Ltmp35, $4  }
0x270: {  	v11 =	vld.idx.msk [tilespmem:v11+s20+$0x0], $0xffff  }
0x271: {  	v13 =	vld.idx.msk [tilespmem:v13+s20+$0x0], $0xffff  }
0x272: {  	v14 =	vld.idx.msk [tilespmem:v14+s20+$0x0], $0xffff  }
0x273: {  	v12 =	vld.idx.msk [tilespmem:v6+s20+$0x0], $0xffff;
	v6 =	vmov s30  }
0x274: {  	v7 =	vand.u32 s0, v7  }
0x275: {  	v8 =	vand.u32 s0, v8;
	v9 =	vand.u32 s0, v9;
	vm8 =	vmmov $0xffff  }
0x276: {  	v10 =	vand.u32 s0, v10;
	v11 =	vand.u32 s0, v11;
	vm9 =	vmmov vm8  }
0x277: {  	vm14 =	vmmov vm8;
	vm7 =	vmmov vm8;
	vm5 =	vmmov vm8  }
0x278: {  	vm6 =	vmmov vm8;
	vm4 =	vmmov vm8;
	vm11 =	vmmov vm8  }
0x279: {  	v13 =	vand.u32 s0, v13;
	v14 =	vand.u32 s0, v14;
	v12 =	vand.u32 s0, v12  }
.LBB2_39:
0x27a: {  	v15 =	vimm.s32 $0x0  }
0x27b: {  	v15 =	vsel vm11, $0xFFFFFFFF, v15  }
0x27c: {  	[tilespmem:$0x1FF80] =	vst v15;
	v15 =	vimm.s32 $0x0  }
0x27d: {  	v15 =	vsel vm4, $0xFFFFFFFF, v15  }
0x27e: {  	[tilespmem:$0x1FF90] =	vst v15;
	v15 =	vsel vm11, $0x1, v3  }
0x27f: {  	v16 =	vsel vm4, $0x1, v3;
	(xrf0) =	vadd.scan.msk.s32 $0xffff, v15  }
0x280: {  	(xrf0) =	vadd.scan.msk.s32 $0xffff, v16;
	_ =	sdelay $0x2  }
0x281: {  	v17 =	vsel vm6, $0x1, v3  }
0x282: {  	(xrf0) =	vadd.scan.msk.s32 $0xffff, v17  }
0x283: {  	v19 =	vsel vm5, $0x1, v3;
	v18, _, _ =	vpop (xrf0)  }
0x284: {  	(xrf0) =	vadd.scan.msk.s32 $0xffff, v19;
	v20, _, _ =	vpop (xrf0);
	(v2sf) =	vpush v18, $0xF  }
0x285: {  	(v2sf) =	vpush v20, $0xF;
	_ =	sdelay $0x2  }
0x286: {  	v21 =	vsel vm7, $0x1, v3;
	v22, _, _ =	vpop (xrf0)  }
0x287: {  	v23 =	vsel vm14, $0x1, v3;
	(xrf0) =	vadd.scan.msk.s32 $0xffff, v21;
	(v2sf) =	vpush v22, $0xF  }
0x288: {  	v24, _, _ =	vpop (xrf0);
	(xrf0) =	vadd.scan.msk.s32 $0xffff, v23  }
0x289: {  	(v2sf) =	vpush v24, $0xF;
	_ =	sdelay $0x2  }
0x28a: {  	v25 =	vsel vm9, $0x1, v3  }
0x28b: {  	v26, _, _ =	vpop (xrf0);
	(xrf0) =	vadd.scan.msk.s32 $0xffff, v25  }
0x28c: {  	(v2sf) =	vpush v26, $0xF;
	v27, _, _ =	vpop (xrf0)  }
0x28d: {  	(v2sf) =	vpush v27, $0xF  }
0x28e: {  	vm10 =	vmmov vm6;
	vm2 =	vmmov vm5  }
0x28f: {  	vm12 =	vmmov vm7;
	vm1 =	vmmov vm14;
	vm13 =	vmmov vm9;
	s0 =	spop (v2sf)  }
0x290: {  	vm15 =	vmmov vm8;
	v15 =	vsub.s32 v15, v18;
	v18 =	vsub.s32 $0x0, v18;
	s1 =	spop (v2sf)  }
0x291: {  	v16 =	vadd.s32 v16, v6;
	v15 =	vadd.s32 v6, v15;
	v18 =	vbroadcast v18, $0xF;
	v29, _, _ =	vpop (xrf0);
	s0 =	sadd.s32 s0, s1  }
0x292: {  	vm3 =	vle.s32 v7, v15;
	(v2sf) =	vpush v29, $0xF;
	v30 =	vmov s0  }
0x293: {  	vm4 =	vgt.s32 v15, $0x0;
	v15 =	vsub.s32 v16, v20;
	v16 =	vsub.s32 $0x0, v30  }
0x294: {  	v17 =	vadd.s32 v17, v6;
	v15 =	vadd.s32 v18, v15;
	s25 =	spop (v2sf);
	v16 =	vbroadcast v16, $0x0  }
0x295: {  	v17 =	vsub.s32 v17, v22;
	vm11 =	vmand vm4, vm3;
	vm4 =	vle.s32 v8, v15;
	s0 =	sadd.s32 s25, s0  }
0x296: {  	vm5 =	vgt.s32 v15, $0x0;
	s2 =	spop (v2sf);
	v15 =	vadd.s32 v16, v17;
	v16 =	vmov s0  }
0x297: {  	vm4 =	vmand vm5, vm4;
	s0 =	sadd.s32 s2, s0;
	v17 =	vadd.s32 v19, v6;
	v16 =	vsub.s32 $0x0, v16  }
0x298: {  	vm5 =	vle.s32 v9, v15;
	v60 =	vmov s0;
	v16 =	vbroadcast v16, $0x0  }
0x299: {  	vm6 =	vgt.s32 v15, $0x0;
	v15 =	vsub.s32 v17, v24;
	v17 =	vsub.s32 $0x0, v60  }
0x29a: {  	v15 =	vadd.s32 v16, v15;
	v16 =	vbroadcast v17, $0x0;
	v17 =	vadd.s32 v21, v6  }
0x29b: {  	v28 =	vsel vm8, $0x1, v3;
	s9 =	spop (v2sf);
	vm6 =	vmand vm6, vm5;
	v17 =	vsub.s32 v17, v26  }
0x29c: {  	s0 =	sadd.s32 s9, s0;
	vm5 =	vle.s32 v10, v15;
	s10 =	spop (v2sf);
	vm7 =	vgt.s32 v15, $0x0;
	v15 =	vadd.s32 v16, v17  }
0x29d: {  	v16 =	vmov s0;
	s0 =	sadd.s32 s10, s0;
	vm5 =	vmand vm7, vm5;
	v17 =	vadd.s32 v23, v6  }
0x29e: {  	vm7 =	vle.s32 v11, v15;
	v16 =	vsub.s32 $0x0, v16;
	v61 =	vmov s0  }
0x29f: {  	v62 =	vld [tilespmem:$0x1FF80];
	vm8 =	vgt.s32 v15, $0x0;
	v15 =	vsub.s32 v17, v27;
	v16 =	vbroadcast v16, $0x0  }
0x2a0: {  	v63 =	vld [tilespmem:$0x1FF90];
	vm2 =	vmxor vm2, vm5;
	v17 =	vsub.s32 $0x0, v61;
	vm7 =	vmand vm8, vm7  }
0x2a1: {  	(xrf0) =	vadd.scan.msk.s32 $0xffff, v28;
	s22 =	spop (v2sf);
	v15 =	vadd.s32 v16, v15;
	v16 =	vbroadcast v17, $0x0;
	v17 =	vadd.s32 v25, v6  }
0x2a2: {  	s31 =	sadd.s32 s22, s0;
	vm8 =	vle.s32 v12, v15;
	v17 =	vsub.s32 v17, v29;
	vm9 =	vgt.s32 v15, $0x0  }
0x2a3: {  	v15 =	vadd.s32 v16, v17;
	v16 =	vmov s31;
	vm14 =	vmand vm9, vm8  }
0x2a4: {  	v17 =	vadd.s32 v28, v6;
	vm0 =	vle.s32 v13, v15;
	vm3 =	vgt.s32 v15, $0x0  }
0x2a5: {  	vm9 =	vmand vm3, vm0;
	vm0 =	vnez.u8 v62;
	vm3 =	vnez.u8 v63  }
0x2a6: {  	v16 =	vsub.s32 $0x0, v16;
	vm0 =	vmxor vm0, vm11;
	vm3 =	vmxor vm3, vm4  }
0x2a7: {  	v16 =	vbroadcast v16, $0x0;
	v15, _, _ =	vpop (xrf0);
	vm0 =	vmor vm0, vm3;
	vm3 =	vmxor vm10, vm6  }
0x2a8: {  	v17 =	vsub.s32 v17, v15;
	vm10 =	vmxor vm1, vm14;
	vm0 =	vmor vm0, vm3  }
0x2a9: {  	v16 =	vadd.s32 v16, v17;
	vm3 =	vmxor vm12, vm7;
	vm0 =	vmor vm0, vm2  }
0x2aa: {  	vm2 =	vle.s32 v14, v16;
	vm0 =	vmor vm0, vm3;
	vm3 =	vgt.s32 v16, $0x0  }
0x2ab: {  	vm8 =	vmand vm3, vm2;
	vm0 =	vmor vm0, vm10;
	vm2 =	vmxor vm13, vm9  }
0x2ac: {  	vm0 =	vmor vm0, vm2;
	vm2 =	vmxor vm15, vm8  }
0x2ad: {  	vm0 =	vmor vm0, vm2  }
0x2ae: {  	v16 =	vmpcnt.ones.xlane vm0;
	_ =	sdelay $0x1  }
0x2af: {  	(v2sf) =	vpush v16, $0x0;
	_ =	sdelay $0xe  }
0x2b0: {  	s25 =	spop (v2sf)  }
0x2b1: {  	p2 =	seq.s32 s25, $0x0  }
.Ltmp36:
0x2b2: {  	_ = 	snop;
	(pc) =	sbr.rel @!p2 .LBB2_39-.Ltmp36, $1  }
0x2b3: {  	_ =	sdelay $0x3  }
.Ltmp37:
0x2b4: {  	_ = 	snop;
	(pc) =	sbr.rel .LBB2_40-.Ltmp37, $1  }
0x2b5: {  	_ =	sdelay $0x3  }
.LBB2_36:
0x2b6: {  	vm8 =	vmmov $0xffff  }
0x2b7: {  	vm9 =	vmmov vm8  }
0x2b8: {  	vm14 =	vmmov vm8;
	vm7 =	vmmov vm8;
	vm5 =	vmmov vm8  }
0x2b9: {  	vm6 =	vmmov vm8;
	vm4 =	vmmov vm8;
	vm11 =	vmmov vm8  }
.LBB2_37:
0x2ba: {  	v15 =	vimm.s32 $0x0  }
0x2bb: {  	v15 =	vsel vm11, $0xFFFFFFFF, v15  }
0x2bc: {  	[tilespmem:$0x1FF60] =	vst v15;
	v15 =	vimm.s32 $0x0  }
0x2bd: {  	v15 =	vsel vm4, $0xFFFFFFFF, v15  }
0x2be: {  	[tilespmem:$0x1FF70] =	vst v15;
	v15 =	vsel vm11, $0x1, v3  }
0x2bf: {  	v16 =	vsel vm4, $0x1, v3;
	(xrf0) =	vadd.scan.msk.s32 $0xffff, v15  }
0x2c0: {  	(xrf0) =	vadd.scan.msk.s32 $0xffff, v16;
	_ =	sdelay $0x1  }
0x2c1: {  	v17 =	vsel vm6, $0x1, v3  }
0x2c2: {  	(xrf0) =	vadd.scan.msk.s32 $0xffff, v17;
	_ =	sdelay $0x1  }
0x2c3: {  	v18, _, _ =	vpop (xrf0)  }
0x2c4: {  	v19, _, _ =	vpop (xrf0);
	(v2sf) =	vpush v18, $0xF  }
0x2c5: {  	v20 =	vsel vm5, $0x1, v3;
	(v2sf) =	vpush v19, $0xF  }
0x2c6: {  	(xrf0) =	vadd.scan.msk.s32 $0xffff, v20  }
0x2c7: {  	v21, _, _ =	vpop (xrf0)  }
0x2c8: {  	(v2sf) =	vpush v21, $0xF  }
0x2c9: {  	vm12 =	vmmov vm6;
	vm13 =	vmmov vm5;
	v15 =	vsub.s32 v15, v18  }
0x2ca: {  	vm2 =	vmmov vm7;
	vm10 =	vmmov vm14;
	v15 =	vadd.s32 v6, v15  }
0x2cb: {  	vm15 =	vmmov vm9;
	v18 =	vsub.s32 $0x0, v18;
	v24 =	vshra.s32 v15, $0x1  }
0x2cc: {  	v16 =	vadd.s32 v16, v6;
	v18 =	vbroadcast v18, $0xF;
	v24 =	vor.u32 v15, v24;
	v26, _, _ =	vpop (xrf0)  }
0x2cd: {  	v16 =	vsub.s32 v16, v19;
	v27 =	vshra.s32 v24, $0x2;
	(v2sf) =	vpush v26, $0xF  }
0x2ce: {  	v22 =	vsel vm7, $0x1, v3;
	v16 =	vadd.s32 v18, v16;
	v24 =	vor.u32 v24, v27  }
0x2cf: {  	v23 =	vsel vm14, $0x1, v3;
	v60 =	vshra.s32 v16, $0x1;
	v58 =	vshra.s32 v24, $0x4  }
0x2d0: {  	v25 =	vsel vm9, $0x1, v3;
	v19 =	vor.u32 v16, v60;
	v59 =	vor.u32 v24, v58  }
0x2d1: {  	vm3 =	vmmov vm8;
	(xrf0) =	vadd.scan.msk.s32 $0xffff, v22;
	v61 =	vshra.s32 v19, $0x2;
	v24 =	vshra.s32 v59, $0x8  }
0x2d2: {  	v37 =	vadd.s32 v20, v6;
	v19 =	vor.u32 v19, v61;
	v18 =	vor.u32 v59, v24  }
0x2d3: {  	v17 =	vadd.s32 v17, v6;
	v33 =	vshra.s32 v19, $0x4;
	v29 =	vshra.s32 v18, $0x10;
	s0 =	spop (v2sf)  }
0x2d4: {  	v22 =	vadd.s32 v22, v6;
	v19 =	vor.u32 v19, v33;
	v18 =	vor.u32 v18, v29;
	s1 =	spop (v2sf)  }
0x2d5: {  	vm4 =	vgt.s32 v15, $0x0;
	(xrf0) =	vadd.scan.msk.s32 $0xffff, v23;
	v34 =	vshra.s32 v19, $0x8;
	v18 =	vand.u32 v7, v18;
	s0 =	sadd.s32 s0, s1  }
0x2d6: {  	(xrf0) =	vadd.scan.msk.s32 $0xffff, v25;
	vm1 =	vle.s32 v18, v15;
	v15 =	vor.u32 v19, v34;
	v35 =	vmov s0  }
0x2d7: {  	v17 =	vsub.s32 v17, v21;
	v62, _, _ =	vpop (xrf0);
	v19 =	vshra.s32 v15, $0x10;
	s25 =	spop (v2sf);
	v18 =	vsub.s32 $0x0, v35  }
0x2d8: {  	(v2sf) =	vpush v62, $0xF;
	v15 =	vor.u32 v15, v19;
	s0 =	sadd.s32 s25, s0;
	v18 =	vbroadcast v18, $0x0  }
0x2d9: {  	vm11 =	vmand vm4, vm1;
	v15 =	vand.u32 v8, v15;
	v36 =	vmov s0  }
0x2da: {  	vm4 =	vle.s32 v15, v16;
	v15 =	vadd.s32 v18, v17;
	v17 =	vsub.s32 $0x0, v36  }
0x2db: {  	vm5 =	vgt.s32 v16, $0x0;
	v38 =	vsub.s32 v37, v26;
	v63, _, _ =	vpop (xrf0);
	v17 =	vbroadcast v17, $0x0  }
0x2dc: {  	v43 =	vsub.s32 v22, v62;
	v30, _, _ =	vpop (xrf0);
	(v2sf) =	vpush v63, $0xF;
	s2 =	spop (v2sf);
	v18 =	vshra.s32 v15, $0x1  }
0x2dd: {  	(v2sf) =	vpush v30, $0xF;
	s0 =	sadd.s32 s2, s0;
	v16 =	vor.u32 v15, v18;
	v17 =	vadd.s32 v17, v38  }
0x2de: {  	v40 =	vmov s0;
	v39 =	vshra.s32 v16, $0x2;
	v18 =	vshra.s32 v17, $0x1  }
0x2df: {  	v19 =	vsub.s32 $0x0, v40;
	v16 =	vor.u32 v16, v39;
	v18 =	vor.u32 v17, v18  }
0x2e0: {  	v19 =	vbroadcast v19, $0x0;
	v41 =	vshra.s32 v16, $0x4;
	v42 =	vshra.s32 v18, $0x2  }
0x2e1: {  	vm4 =	vmand vm5, vm4;
	v16 =	vor.u32 v16, v41;
	v18 =	vor.u32 v18, v42  }
0x2e2: {  	v19 =	vadd.s32 v19, v43;
	v44 =	vshra.s32 v16, $0x8;
	v45 =	vshra.s32 v18, $0x4  }
0x2e3: {  	v20 =	vshra.s32 v19, $0x1;
	v16 =	vor.u32 v16, v44;
	v18 =	vor.u32 v18, v45  }
0x2e4: {  	v20 =	vor.u32 v19, v20;
	v21 =	vshra.s32 v16, $0x10;
	v22 =	vshra.s32 v18, $0x8  }
0x2e5: {  	v46 =	vshra.s32 v20, $0x2;
	v16 =	vor.u32 v16, v21;
	v18 =	vor.u32 v18, v22  }
0x2e6: {  	v20 =	vor.u32 v20, v46;
	v16 =	vand.u32 v9, v16;
	v22 =	vshra.s32 v18, $0x10  }
0x2e7: {  	v47 =	vshra.s32 v20, $0x4;
	vm5 =	vle.s32 v16, v15;
	v16 =	vor.u32 v18, v22  }
0x2e8: {  	vm6 =	vgt.s32 v15, $0x0;
	v15 =	vand.u32 v10, v16;
	v16 =	vor.u32 v20, v47  }
0x2e9: {  	s9 =	spop (v2sf);
	vm6 =	vmand vm6, vm5;
	vm5 =	vle.s32 v15, v17;
	v15 =	vshra.s32 v16, $0x8  }
0x2ea: {  	v28 =	vsel vm8, $0x1, v3;
	v49 =	vadd.s32 v25, v6;
	s0 =	sadd.s32 s9, s0;
	v15 =	vor.u32 v16, v15  }
0x2eb: {  	vm7 =	vgt.s32 v17, $0x0;
	s10 =	spop (v2sf);
	v16 =	vmov s0;
	v17 =	vshra.s32 v15, $0x10  }
0x2ec: {  	vm5 =	vmand vm7, vm5;
	s0 =	sadd.s32 s10, s0;
	v16 =	vsub.s32 $0x0, v16;
	v15 =	vor.u32 v15, v17  }
0x2ed: {  	v48 =	vmov s0;
	v16 =	vbroadcast v16, $0x0;
	v15 =	vand.u32 v11, v15  }
0x2ee: {  	v17 =	vadd.s32 v23, v6;
	vm7 =	vle.s32 v15, v19;
	v15 =	vsub.s32 $0x0, v48  }
0x2ef: {  	v55 =	vadd.s32 v28, v6;
	(xrf0) =	vadd.scan.msk.s32 $0xffff, v28;
	s22 =	spop (v2sf);
	v17 =	vsub.s32 v17, v63;
	v15 =	vbroadcast v15, $0x0  }
0x2f0: {  	vm8 =	vgt.s32 v19, $0x0;
	v18 =	vsub.s32 v49, v30;
	s31 =	sadd.s32 s22, s0;
	v16 =	vadd.s32 v16, v17  }
0x2f1: {  	v51 =	vmov s31;
	v17 =	vshra.s32 v16, $0x1;
	v18 =	vadd.s32 v15, v18  }
0x2f2: {  	v19 =	vsub.s32 $0x0, v51;
	v17 =	vor.u32 v16, v17;
	v15 =	vshra.s32 v18, $0x1  }
0x2f3: {  	vm7 =	vmand vm8, vm7;
	v19 =	vbroadcast v19, $0x0;
	v50 =	vshra.s32 v17, $0x2  }
0x2f4: {  	vm9 =	vgt.s32 v16, $0x0;
	v17 =	vor.u32 v17, v50;
	v53 =	vor.u32 v18, v15  }
0x2f5: {  	vm2 =	vmxor vm2, vm7;
	v52 =	vshra.s32 v17, $0x4;
	v54 =	vshra.s32 v53, $0x2;
	v15, _, _ =	vpop (xrf0)  }
0x2f6: {  	v17 =	vor.u32 v17, v52;
	v56 =	vor.u32 v53, v54;
	v57 =	vsub.s32 v55, v15  }
0x2f7: {  	v58 =	vshra.s32 v17, $0x8;
	v59 =	vshra.s32 v56, $0x4;
	v19 =	vadd.s32 v19, v57  }
0x2f8: {  	v17 =	vor.u32 v17, v58;
	v20 =	vor.u32 v56, v59;
	v21 =	vshra.s32 v19, $0x1  }
0x2f9: {  	v62 =	vld [tilespmem:$0x1FF60];
	v22 =	vshra.s32 v17, $0x10;
	v23 =	vshra.s32 v20, $0x8;
	v21 =	vor.u32 v19, v21  }
0x2fa: {  	v63 =	vld [tilespmem:$0x1FF70];
	v17 =	vor.u32 v17, v22;
	v20 =	vor.u32 v20, v23;
	v60 =	vshra.s32 v21, $0x2  }
0x2fb: {  	v17 =	vand.u32 v12, v17;
	v23 =	vshra.s32 v20, $0x10;
	v21 =	vor.u32 v21, v60  }
0x2fc: {  	vm8 =	vle.s32 v17, v16;
	v17 =	vor.u32 v20, v23;
	v61 =	vshra.s32 v21, $0x4  }
0x2fd: {  	vm1 =	vgt.s32 v18, $0x0;
	v16 =	vand.u32 v13, v17;
	v17 =	vor.u32 v21, v61  }
0x2fe: {  	vm14 =	vmand vm9, vm8;
	vm0 =	vle.s32 v16, v18;
	v16 =	vshra.s32 v17, $0x8  }
0x2ff: {  	vm9 =	vmand vm1, vm0;
	vm0 =	vnez.u8 v62;
	vm1 =	vnez.u8 v63  }
0x300: {  	v16 =	vor.u32 v17, v16;
	vm0 =	vmxor vm0, vm11;
	vm1 =	vmxor vm1, vm4  }
0x301: {  	v17 =	vshra.s32 v16, $0x10;
	vm0 =	vmor vm0, vm1;
	vm1 =	vmxor vm12, vm6  }
0x302: {  	v16 =	vor.u32 v16, v17;
	vm0 =	vmor vm0, vm1;
	vm1 =	vmxor vm13, vm5  }
0x303: {  	vm10 =	vmxor vm10, vm14;
	v16 =	vand.u32 v14, v16;
	vm0 =	vmor vm0, vm1  }
0x304: {  	vm1 =	vle.s32 v16, v19;
	vm0 =	vmor vm0, vm2;
	vm2 =	vgt.s32 v19, $0x0  }
0x305: {  	vm8 =	vmand vm2, vm1;
	vm0 =	vmor vm0, vm10;
	vm1 =	vmxor vm15, vm9  }
0x306: {  	vm0 =	vmor vm0, vm1;
	vm1 =	vmxor vm3, vm8  }
0x307: {  	vm0 =	vmor vm0, vm1  }
0x308: {  	v16 =	vmpcnt.ones.xlane vm0;
	_ =	sdelay $0x1  }
0x309: {  	(v2sf) =	vpush v16, $0x0;
	_ =	sdelay $0xe  }
0x30a: {  	s25 =	spop (v2sf)  }
0x30b: {  	p2 =	sne.s32 s25, $0x0  }
.Ltmp38:
0x30c: {  	_ = 	snop;
	(pc) =	sbr.rel @p2 .LBB2_37-.Ltmp38, $1  }
0x30d: {  	_ =	sdelay $0x3  }
.Ltmp39:
0x30e: {  	_ = 	snop;
	(pc) =	sbr.rel .LBB2_40-.Ltmp39, $1  }
0x30f: {  	_ =	sdelay $0x3  }
.LBB2_41:
0x310: {  	v7 =	vsel vm11, $0x1, v3  }
0x311: {  	v8 =	vsel vm4, $0x1, v3;
	(xrf0) =	vadd.scan.msk.s32 $0xffff, v7  }
0x312: {  	(xrf0) =	vadd.scan.msk.s32 $0xffff, v8;
	_ =	sdelay $0x1  }
0x313: {  	v7 =	vsel vm6, $0x1, v3  }
0x314: {  	(xrf0) =	vadd.scan.msk.s32 $0xffff, v7  }
0x315: {  	v7 =	vsel vm5, $0x1, v3  }
0x316: {  	v49, _, _ =	vpop (xrf0);
	(xrf0) =	vadd.scan.msk.s32 $0xffff, v7  }
0x317: {  	v7 =	vsel vm7, $0x1, v3;
	v9, _, _ =	vpop (xrf0);
	(v2sf) =	vpush v49, $0xF  }
0x318: {  	(xrf0) =	vadd.scan.msk.s32 $0xffff, v7;
	(v2sf) =	vpush v9, $0xF  }
0x319: {  	v7 =	vsel vm14, $0x1, v3  }
0x31a: {  	v10, _, _ =	vpop (xrf0)  }
0x31b: {  	(xrf0) =	vadd.scan.msk.s32 $0xffff, v7;
	(v2sf) =	vpush v10, $0xF  }
0x31c: {  	v7, _, _ =	vpop (xrf0)  }
0x31d: {  	(v2sf) =	vpush v7, $0xF  }
0x31e: {  	v11, _, _ =	vpop (xrf0)  }
0x31f: {  	(v2sf) =	vpush v11, $0xF;
	_ =	sdelay $0x1  }
0x320: {  	v12 =	vsel vm9, $0x1, v3;
	v13, _, _ =	vpop (xrf0)  }
0x321: {  	(xrf0) =	vadd.scan.msk.s32 $0xffff, v12;
	(v2sf) =	vpush v13, $0xF;
	_ =	sdelay $0x2  }
0x322: {  	v50 =	vbroadcast v49, $0xF  }
0x323: {  	vm0 =	veq.s32 v49, v6;
	s0 =	spop (v2sf)  }
0x324: {  	v51 =	vsel vm8, $0x1, v3;
	vm0 =	vmand vm11, vm0;
	v9 =	vadd.s32 v50, v9;
	s1 =	spop (v2sf)  }
0x325: {  	v52 =	vmpcnt.ones.xlane vm0;
	v53 =	vmctz.xlane vm0;
	vm1 =	veq.s32 v9, v6;
	v14, _, _ =	vpop (xrf0);
	s0 =	sadd.s32 s0, s1  }
0x326: {  	vm12 =	vmand vm4, vm1;
	(v2sf) =	vpush v14, $0xF;
	v10 =	vadd.s32 s0, v10  }
0x327: {  	v54 =	vmpcnt.ones.xlane vm12;
	(v2sf) =	vpush v52, $0x0;
	s10 =	spop (v2sf);
	vm13 =	veq.s32 v10, v6  }
0x328: {  	v55 =	vmctz.xlane vm12;
	(v2sf) =	vpush v53, $0x0;
	s0 =	sadd.s32 s10, s0;
	vm15 =	vmand vm6, vm13  }
0x329: {  	v7 =	vadd.s32 s0, v7;
	s22 =	spop (v2sf);
	(v2sf) =	vpush v54, $0x0;
	v56 =	vmpcnt.ones.xlane vm15  }
0x32a: {  	vm4 =	veq.s32 v7, v6;
	v57 =	vmctz.xlane vm15;
	s0 =	sadd.s32 s22, s0;
	(v2sf) =	vpush v55, $0x0  }
0x32b: {  	vm0 =	vmand vm5, vm4;
	s25 =	spop (v2sf);
	(v2sf) =	vpush v56, $0x0;
	v7 =	vadd.s32 s0, v11  }
0x32c: {  	v58 =	vmpcnt.ones.xlane vm0;
	s0 =	sadd.s32 s25, s0;
	(v2sf) =	vpush v57, $0x0;
	vm6 =	veq.s32 v7, v6  }
0x32d: {  	v7 =	vmctz.xlane vm0;
	v59 =	vadd.s32 s0, v13;
	vm10 =	vmand vm7, vm6  }
0x32e: {  	s26 =	spop (v2sf);
	(v2sf) =	vpush v58, $0x0;
	vm11 =	veq.s32 v59, v6;
	v60 =	vmpcnt.ones.xlane vm10  }
0x32f: {  	s0 =	sadd.s32 s26, s0;
	(v2sf) =	vpush v7, $0x0;
	v7 =	vmctz.xlane vm10;
	vm12 =	vmand vm14, vm11  }
0x330: {  	v62 =	vadd.s32 s0, v14;
	v61 =	vmpcnt.ones.xlane vm12;
	(v2sf) =	vpush v60, $0x0  }
0x331: {  	(xrf0) =	vadd.scan.msk.s32 $0xffff, v51;
	vm13 =	veq.s32 v62, v6;
	(v2sf) =	vpush v7, $0x0;
	v7 =	vmctz.xlane vm12  }
0x332: {  	vm14 =	vmand vm9, vm13;
	(v2sf) =	vpush v61, $0x0  }
0x333: {  	(v2sf) =	vpush v7, $0x0;
	v7 =	vmctz.xlane vm14  }
0x334: {  	v63 =	vmpcnt.ones.xlane vm14;
	_ =	sdelay $0x1  }
0x335: {  	s30 =	spop (v2sf);
	(v2sf) =	vpush v63, $0x0  }
0x336: {  	s0 =	sadd.s32 s30, s0;
	(v2sf) =	vpush v7, $0x0;
	v7, _, _ =	vpop (xrf0)  }
0x337: {  	v7 =	vadd.s32 s0, v7  }
0x338: {  	vm15 =	veq.s32 v7, v6  }
0x339: {  	s2 =	spop (v2sf);
	vm0 =	vmand vm8, vm15  }
0x33a: {  	s1 =	spop (v2sf);
	v6 =	vmpcnt.ones.xlane vm0  }
0x33b: {  	s31 =	spop (v2sf);
	v7 =	vmctz.xlane vm0  }
0x33c: {  	s9 =	spop (v2sf);
	(v2sf) =	vpush v6, $0x0  }
0x33d: {  	p2 =	sgt.s32 s2, $0x0;
	s1 =	sadd.s32 $0x1, s1;
	s10 =	spop (v2sf);
	(v2sf) =	vpush v7, $0x0  }
0x33e: {  	p3 =	sgt.s32 s31, $0x0;
	s9 =	sadd.s32 $0x11, s9;
	s22 =	spop (v2sf)  }
0x33f: {  	s9 =	simm.s32 @!p3 $0x0;
	p4 =	slt.s32 s10, $0x1;
	p5 =	sgt.s32 s10, $0x0  }
0x340: {  	s25 =	spop (v2sf);
	s9 =	smov.u32 @p2 s1;
	s1 =	sadd.s32 $0x21, s22  }
0x341: {  	p2 =	por p3, p2;
	s26 =	spop (v2sf);
	s1 =	smov.u32 @p4 s9  }
0x342: {  	p4 =	slt.s32 s25, $0x1;
	s1 =	smov.u32 @p2 s9;
	s26 =	sadd.s32 $0x31, s26  }
0x343: {  	p2 =	por p5, p2;
	s30 =	spop (v2sf);
	s26 =	smov.u32 @p4 s1  }
0x344: {  	p6 =	sgt.s32 s25, $0x0;
	s2 =	spop (v2sf);
	s26 =	smov.u32 @p2 s1  }
0x345: {  	p4 =	slt.s32 s30, $0x1;
	p2 =	por p6, p2;
	s0 =	spop (v2sf)  }
0x346: {  	p5 =	sgt.s32 s30, $0x0;
	s1 =	sadd.s32 $0x41, s2;
	s22 =	spop (v2sf)  }
0x347: {  	s1 =	smov.u32 @p4 s26;
	p4 =	slt.s32 s0, $0x1;
	p6 =	sgt.s32 s0, $0x0  }
0x348: {  	s10 =	spop (v2sf);
	s1 =	smov.u32 @p2 s26;
	s2 =	sadd.s32 $0x51, s22  }
0x349: {  	p2 =	por p5, p2;
	s31 =	spop (v2sf);
	s2 =	smov.u32 @p4 s1  }
0x34a: {  	p4 =	slt.s32 s10, $0x1;
	s2 =	smov.u32 @p2 s1;
	s0 =	sadd.s32 $0x61, s31  }
0x34b: {  	p2 =	por p6, p2;
	s0 =	smov.u32 @p4 s2;
	s30 =	spop (v2sf)  }
0x34c: {  	s0 =	smov.u32 @p2 s2;
	s31 =	spop (v2sf)  }
0x34d: {  	s1 =	smov.u32 s0;
	p3 =	sgt.s32 s30, $0x0;
	s2 =	sadd.s32 $0x71, s31  }
0x34e: {  	s1 =	smov.u32 @p3 s2  }
0x34f: {  	s1 =	smov.u32 @p2 s0  }
0x350: {  	s0 =	smov.u32 @p4 s1  }
0x351: {  	s26 =	sadd.s32 s29, s0  }
.LBB2_42:
0x352: {  	s29 =	simm.s32 $0x0  }
0x353: {  	v8 =	vld [tilespmem:s29+$0x0]  }
0x354: {  	v13 =	vld [tilespmem:s29+$0x30]  }
0x355: {  	v6 =	vld [tilespmem:s29+$0x4E90]  }
0x356: {  	vm1 =	vmxor vm1, vm1;
	v7 =	vld [tilespmem:s29+$0x4EB0]  }
0x357: {  	vm0 =	vmmov vm1;
	v11 =	vld [tilespmem:s29+$0x4E80]  }
0x358: {  	vm1 =	vmneg @p1 vm1;
	v9 =	vld [tilespmem:s29+$0x20];
	vm0 =	vmneg @p0 vm0;
	vm3 =	veq.f32 v8, $0.0e+00  }
0x359: {  	v10 =	vld [tilespmem:s29+$0x10];
	vm2 =	veq.f32 v8, $1.000000000e+00;
	vm4 =	veq.f32 v13, $0.0e+00;
	vm3 =	vmand vm1, vm3  }
0x35a: {  	s31 =	simm.s32 $0x100;
	s30 =	simm.s32 $0x200;
	v8 =	vld [tilespmem:s29+$0x4EA0];
	vm2 =	vmand vm0, vm2;
	v12 =	vsel vm3, $0x0, v4;
	vm3 =	veq.f32 v13, $1.000000000e+00  }
.LBB2_43:
0x35b: {  	p2 =	sne.s32 s30, $0x13700  }
0x35c: {  	s0 =	sshra.s32 s31, $0x2;
	v11 =	vsel vm2, v11, v12;
	vm2 =	vmand vm0, vm3;
	vm3 =	vmand vm1, vm4;
	s31 =	smov.u32 s30;
	s30 =	sadd.s32 $0x100, s30  }
0x35d: {  	v12 =	vld [tilespmem:s0+$0x4E90];
	[tilespmem:s29+$0x0] =	vst v11;
	vm4 =	veq.f32 v9, $1.000000000e+00;
	vm5 =	veq.f32 v9, $0.0e+00;
	v9 =	vsel vm3, $0x0, v4  }
0x35e: {  	v13 =	vld [tilespmem:s0+$0x0];
	vm3 =	vmand vm0, vm4;
	vm4 =	vmand vm1, vm5;
	v9 =	vsel vm2, v7, v9  }
0x35f: {  	v7 =	vld [tilespmem:s0+$0x4EB0];
	vm2 =	veq.f32 v10, $1.000000000e+00;
	vm5 =	veq.f32 v10, $0.0e+00;
	v10 =	vsel vm4, $0x0, v4;
	[tilespmem:s29+$0x30] =	vst v9  }
0x360: {  	v14 =	vld [tilespmem:s0+$0x30];
	vm2 =	vmand vm0, vm2;
	vm4 =	vmand vm1, vm5;
	v8 =	vsel vm3, v8, v10  }
.Ltmp40:
0x361: {  	v11 =	vld [tilespmem:s0+$0x4E80];
	v10 =	vsel vm4, $0x0, v4;
	[tilespmem:s29+$0x20] =	vst v8;
	(pc) =	sbr.rel @p2 .LBB2_43-.Ltmp40, $4  }
0x362: {  	v9 =	vld [tilespmem:s0+$0x20];
	v10 =	vsel vm2, v6, v10;
	v6 =	vmov v12  }
0x363: {  	vm2 =	veq.f32 v13, $1.000000000e+00;
	vm3 =	veq.f32 v13, $0.0e+00;
	v8 =	vld [tilespmem:s0+$0x4EA0];
	[tilespmem:s29+$0x10] =	vst v10;
	s29 =	smov.u32 s0  }
0x364: {  	vm2 =	vmand vm0, vm2;
	vm3 =	vmand vm1, vm3;
	v10 =	vld [tilespmem:s29+$0x10]  }
0x365: {  	v12 =	vsel vm3, $0x0, v4;
	vm3 =	veq.f32 v14, $1.000000000e+00;
	vm4 =	veq.f32 v14, $0.0e+00  }
0x366: {  	s0 =	sshra.s32 s31, $0x2;
	v11 =	vsel vm2, v11, v12;
	vm12 =	vmand vm1, vm4  }
0x367: {  	vm3 =	vmand vm0, vm3;
	v56 =	vld [tilespmem:s0+$0x4E90];
	[tilespmem:s29+$0x0] =	vst v11;
	v57 =	vsel vm12, $0x0, v4;
	vm13 =	veq.f32 v9, $0.0e+00  }
0x368: {  	vm14 =	veq.f32 v9, $1.000000000e+00;
	v13 =	vld [tilespmem:s0+$0x0];
	v7 =	vsel vm3, v7, v57;
	vm2 =	vmand vm1, vm13  }
0x369: {  	v58 =	vld [tilespmem:s0+$0x4EB0];
	vm3 =	vmand vm0, vm14;
	[tilespmem:s29+$0x30] =	vst v7;
	v7 =	vsel vm2, $0x0, v4;
	vm15 =	veq.f32 v10, $0.0e+00  }
0x36a: {  	vm6 =	veq.f32 v10, $1.000000000e+00;
	v59 =	vld [tilespmem:s0+$0x30];
	v7 =	vsel vm3, v8, v7;
	vm2 =	vmand vm1, vm15  }
0x36b: {  	v60 =	vld [tilespmem:s0+$0x4E80];
	vm3 =	vmand vm0, vm6;
	[tilespmem:s29+$0x20] =	vst v7;
	v7 =	vsel vm2, $0x0, v4  }
0x36c: {  	v61 =	vld [tilespmem:s0+$0x20];
	v6 =	vsel vm3, v6, v7  }
0x36d: {  	v7 =	vld [tilespmem:s0+$0x4EA0];
	vm7 =	veq.f32 v13, $0.0e+00;
	[tilespmem:s29+$0x10] =	vst v6  }
0x36e: {  	vm8 =	veq.f32 v13, $1.000000000e+00;
	vm2 =	vmand vm1, vm7;
	v6 =	vld [tilespmem:s0+$0x10]  }
0x36f: {  	vm3 =	vmand vm0, vm8;
	v62 =	vsel vm2, $0x0, v4  }
0x370: {  	vm9 =	veq.f32 v59, $1.000000000e+00;
	vm10 =	veq.f32 v59, $0.0e+00;
	v8 =	vsel vm3, v60, v62  }
0x371: {  	vm2 =	vmand vm0, vm9;
	vm11 =	vmand vm1, vm10;
	vm12 =	veq.f32 v61, $1.000000000e+00  }
0x372: {  	vm5 =	veq.f32 v61, $0.0e+00;
	v63 =	vsel vm11, $0x0, v4;
	vm13 =	vmand vm0, vm12  }
0x373: {  	vm14 =	vmand vm1, vm5;
	v9 =	vsel vm2, v58, v63;
	vm15 =	veq.f32 v6, $0.0e+00  }
0x374: {  	[tilespmem:s0+$0x0] =	vst v8;
	vm8 =	veq.f32 v6, $1.000000000e+00;
	v6 =	vsel vm14, $0x0, v4;
	vm2 =	vmand vm1, vm15  }
0x375: {  	[tilespmem:s0+$0x30] =	vst v9;
	vm9 =	vmand vm0, vm8;
	v6 =	vsel vm13, v7, v6;
	v7 =	vsel vm2, $0x0, v4  }
0x376: {  	[tilespmem:s0+$0x20] =	vst v6;
	v6 =	vsel vm9, v56, v7  }
0x377: {  	[tilespmem:s0+$0x10] =	vst v6  }
0x378: {  	v6 =	vld [tilespmem:$0x4E00]  }
0x379: {  	v7 =	vld [tilespmem:$0x4E10];
	_ =	sdelay $0x1  }
0x37a: {  	v8 =	vld [tilespmem:$0x9C80]  }
0x37b: {  	v9 =	vld [tilespmem:$0x9C90]  }
0x37c: {  	vm10 =	veq.f32 v6, $1.000000000e+00;
	vm11 =	veq.f32 v6, $0.0e+00  }
.Ltmp41:
0x37d: {  	vm12 =	veq.f32 v7, $0.0e+00;
	vm13 =	veq.f32 v7, $1.000000000e+00;
	vm3 =	vmand vm1, vm11;
	(pc) =	sbr.rel @p0 .LBB2_46-.Ltmp41, $4  }
0x37e: {  	vm2 =	vmand vm0, vm10;
	vm14 =	vmand vm1, vm12;
	v6 =	vsel vm3, $0x0, v4  }
0x37f: {  	vm15 =	vmand vm0, vm13;
	v7 =	vsel vm14, $0x0, v4;
	v6 =	vsel vm2, v8, v6  }
0x380: {  	[tilespmem:$0x4E00] =	vst v6;
	v6 =	vsel vm15, v9, v7  }
0x381: {  	s0 =	simm.s32 $0x0;
	[tilespmem:$0x4E10] =	vst v6  }
.LBB2_45:
0x382: {  	v6 =	vmov s0;
	_ =	sdelay $0x4  }
0x383: {  	v6 =	vld.idx.msk [tilespmem:v6+s19+$0x0], $0xffff;
	_ =	sdelay $0x4  }
0x384: {  	v6 =	vbroadcast v6, $0x0;
	_ =	sdelay $0x5  }
0x385: {  	v6 =	vld.idx.msk [tilespmem:v6+s15+$0x0], $0xffff;
	_ =	sdelay $0x4  }
0x386: {  	v6 =	vbroadcast v6, $0x0;
	_ =	sdelay $0x5  }
0x387: {  	v7 =	vld.idx.msk [tilespmem:v6+s14+$0x0], $0xffff;
	_ =	sdelay $0x1  }
0x388: {  	p0 =	sne.s32 s0, $0x7F  }
.Ltmp42:
0x389: {  	_ = 	snop;
	(pc) =	sbr.rel @p0 .LBB2_45-.Ltmp42, $3  }
0x38a: {  	_ = 	snop  }
0x38b: {  	v7 =	vbroadcast v7, $0x0;
	_ =	sdelay $0x1  }
0x38c: {  	s0 =	sadd.s32 $0x1, s0;
	[tilespmem:v6+s5+$0x0] =	vst.idx.msk $0x1, v7  }
.LBB2_46:
0x38d: {  	p0 =	slt.s32 @!p1 s28, $0x1  }
0x38e: {  	v6 =	vld [tilespmem:$0x1FFF0];
	p0 =	por p1, p0  }
.Ltmp43:
0x38f: {  	_ = 	snop;
	(pc) =	sbr.rel @p0 .LBB2_48-.Ltmp43, $2  }
0x390: {  	_ =	sdelay $0x2  }
0x391: {  	s0 =	simm.s32 $0x0;
	vm2 =	vnez.u8 v6  }
.LBB2_47:
0x392: {  	v6 =	vmov s0;
	_ =	sdelay $0x4  }
0x393: {  	v6 =	vld.idx.msk [tilespmem:v6+s21+$0x0], $0xffff;
	_ =	sdelay $0x4  }
0x394: {  	v6 =	vbroadcast v6, $0x0;
	_ =	sdelay $0x5  }
0x395: {  	v6 =	vld.idx.msk [tilespmem:v6+s16+$0x0], $0xffff;
	_ =	sdelay $0x4  }
0x396: {  	s0 =	sadd.s32 $0x1, s0;
	v6 =	vbroadcast v6, $0x0  }
0x397: {  	p0 =	sne.s32 s28, s0  }
.Ltmp44:
0x398: {  	_ = 	snop;
	(pc) =	sbr.rel @p0 .LBB2_47-.Ltmp44, $2  }
0x399: {  	_ =	sdelay $0x2  }
0x39a: {  	[tilespmem:v6+s5+$0x0] =	vst.idx.msk $0x1, v5  }
.Ltmp45:
0x39b: {  	_ = 	snop;
	(pc) =	sbr.rel .LBB2_48-.Ltmp45, $1  }
0x39c: {  	_ =	sdelay $0x3  }
.Lfunc_end2:
_tile_overlayer_lowered:
.L_overlay_start_2:
0x39d: {  	(tag) =	ssettag $0x2  }
0x39e: {  	s0 =	rddreg [dreg:$0x0];
	s2 =	stileid.u32  }
0x39f: {  	s1 =	rddreg [dreg:$0x1];
	p0 =	sne.s32 s2, $0x0  }
0x3a0: {  	s3 =	rddreg [dreg:$0x2];
	[bflag:$0x3] =	sbarrier.arrive $0xFFFF;
	s2 =	simm.s32 @!p0 $0x1C01  }
0x3a1: {  	[timem:s3], [sflag:s2] =	dma.local @!p0 [hbm:s0], s1  }
0x3a2: {  	s0 =	simm.s32 @!p0 $0x1  }
0x3a3: {  	_ =	swait.ge @!p0 [sflag:s0], s1  }
0x3a4: {  	s1 =	ssub.s32 @!p0 $0x0, s1;
	[sflag:s0] =	ssyncset.done @!p0 $0x0  }
0x3a5: {  	[sflag:s0] =	ssyncadd.s32 @!p0 s1  }
0x3a6: {  	[bflag:$0x3] =	sbarrier.arrive $0xFFFF  }
0x3a7: {  	_ =	shalt  }

</sc_bundles>
